<compile_context>
chip_gen: v7x
topology: tpu7x:2x2x1
jax: 0.10.2.dev20260603
libtpu: 0.0.44.dev20260713+nightly
codegen_flags: <defaults>
</compile_context>

<pallas_src>
import functools

import jax
import jax.numpy as jnp
import numpy as np
from jax import lax
from jax.experimental import pallas as pl
from jax.experimental.pallas import tpu as pltpu
from jax.experimental.pallas import tpu_sc as plsc

_C, _F = 3, 9
_H = _W = 224
_P, _TP = 16, 2
_D = 512
_HEADS, _DH = 8, 64
_HD = _HEADS * _DH
_HG = _WG = 14
_N = _HG * _WG
_T = 5
_NT = _T * _N
_TR = 4
_CB = 8192
_CBB = 1024
_SCALE = _DH ** -0.5
_FF_IN = int(_D * 4 * 2 / 3)
_FI = 1408
_SC_B = 1024

_ALIBI = np.asarray([0.5 ** (i + 1) for i in range(_HEADS)], dtype=np.float32)

_HSUM = np.zeros((_D, _HEADS), np.float32)
_HEXP = np.zeros((_HEADS, _D), np.float32)
for _h in range(_HEADS):
    _HSUM[_h * _DH:(_h + 1) * _DH, _h] = 1.0
    _HEXP[_h, _h * _DH:(_h + 1) * _DH] = 1.0

_pos = np.stack(np.meshgrid(np.arange(_HG), np.arange(_WG), indexing="ij"), 0)
_grid = _pos.reshape(2, -1).T.astype(np.float32)
_REL = (_grid[:, None, :] - _grid[None, :, :]).reshape(-1, 2)
_RELP = np.zeros((_REL.shape[0], 8), np.float32)
_RELP[:, :2] = _REL


def _ln(x, g, b):
    m = jnp.mean(x, axis=-1, keepdims=True)
    v = jnp.mean((x - m) ** 2, axis=-1, keepdims=True)
    return (x - m) / jnp.sqrt(v + 1e-5) * g + b


def _dot(a, b):
    return jnp.dot(a, b, preferred_element_type=jnp.float32)


def _dot_t(a, b):
    return lax.dot_general(a, b, (((1,), (1,)), ((), ())),
                           preferred_element_type=jnp.float32)


def _dot_hi(a, b):
    return jnp.dot(a, b, preferred_element_type=jnp.float32,
                   precision=lax.Precision.HIGHEST)



def _embed_body(x_ref, lg, lb, w_ref, b_ref, l2g, l2b, o_ref):
    xn = _ln(x_ref[...], lg[...], lb[...])
    y = _dot(xn, w_ref[...]) + b_ref[...]
    o_ref[...] = _ln(y, l2g[...], l2b[...])


def _embed(x, pe):
    n, pd = x.shape
    return pl.pallas_call(
        _embed_body,
        out_shape=jax.ShapeDtypeStruct((n, _D), jnp.float32),
    )(x, pe["ln_g"].reshape(1, pd), pe["ln_b"].reshape(1, pd), pe["w"],
      pe["b"].reshape(1, _D), pe["ln2_g"].reshape(1, _D),
      pe["ln2_b"].reshape(1, _D))



def _cpb_body(r_ref, w0, b0, w1, b1, w2, b2, o_ref):
    r = r_ref[...]
    r = jnp.sign(r) * jnp.log(jnp.abs(r) + 1.0)
    h = _dot(r, w0[...]) + b0[...]
    h = jnp.where(h >= 0, h, 0.1 * h)
    h = _dot(h, w1[...]) + b1[...]
    h = jnp.where(h >= 0, h, 0.1 * h)
    o_ref[...] = _dot(h, w2[...]) + b2[...]


def _cpb(p):
    rows = _REL.shape[0]
    blk = 784
    w0 = jnp.zeros((8, _D), jnp.float32).at[:2].set(p["w0"])
    out = pl.pallas_call(
        _cpb_body,
        grid=(rows // blk,),
        in_specs=[
            pl.BlockSpec((blk, 8), lambda i: (i, 0)),
            pl.BlockSpec((8, _D), lambda i: (0, 0)),
            pl.BlockSpec((1, _D), lambda i: (0, 0)),
            pl.BlockSpec((_D, _D), lambda i: (0, 0)),
            pl.BlockSpec((1, _D), lambda i: (0, 0)),
            pl.BlockSpec((_D, _HEADS), lambda i: (0, 0)),
            pl.BlockSpec((1, _HEADS), lambda i: (0, 0)),
        ],
        out_specs=pl.BlockSpec((blk, _HEADS), lambda i: (i, 0)),
        out_shape=jax.ShapeDtypeStruct((rows, _HEADS), jnp.float32),
    )(jnp.asarray(_RELP), w0, p["b0"].reshape(1, _D), p["w1"],
      p["b1"].reshape(1, _D), p["w2"], p["b2"].reshape(1, _HEADS))
    return out.reshape(_N, _N, _HEADS).transpose(2, 0, 1)



def _pad_ff(p):
    w1a = jnp.zeros((_D, _FI), jnp.float32).at[:, :_FF_IN].set(p["w1"][:, :_FF_IN])
    w1g = jnp.zeros((_D, _FI), jnp.float32).at[:, :_FF_IN].set(p["w1"][:, _FF_IN:])
    w2 = jnp.zeros((_FI, _D), jnp.float32).at[:_FF_IN].set(p["w2"])
    return w1a, w1g, w2


def _stack_spatial(p):
    Ls = p["layers"]
    st = lambda f: jnp.stack([f(lp).reshape(1, _D) for lp in Ls])
    stm = lambda f: jnp.stack([f(lp) for lp in Ls])
    wq = stm(lambda lp: lp["attn"]["wq"])
    wk = stm(lambda lp: lp["attn"]["wkv"][:, :_HD])
    wv = stm(lambda lp: lp["attn"]["wkv"][:, _HD:])
    wo = stm(lambda lp: lp["attn"]["wo"])
    ffs = [_pad_ff(lp["ff"]) for lp in Ls]
    return dict(
        l1g=st(lambda lp: lp["attn"]["ng"]), l1b=st(lambda lp: lp["attn"]["nb"]),
        wq=wq, wk=wk, wv=wv, wo=wo,
        l2g=st(lambda lp: lp["ff"]["ng"]), l2b=st(lambda lp: lp["ff"]["nb"]),
        w1a=jnp.stack([f[0] for f in ffs]), w1g=jnp.stack([f[1] for f in ffs]),
        w2=jnp.stack([f[2] for f in ffs]),
        fg=p["ng"].reshape(1, _D), fb=p["nb"].reshape(1, _D),
    )


def _stack_temporal(p):
    Ls = p["layers"]
    st = lambda f: jnp.stack([f(lp).reshape(1, _D) for lp in Ls])
    stm = lambda f: jnp.stack([f(lp) for lp in Ls])
    ffs = [_pad_ff(lp["ff"]) for lp in Ls]
    return dict(
        l1g=st(lambda lp: lp["attn"]["ng"]), l1b=st(lambda lp: lp["attn"]["nb"]),
        wq=stm(lambda lp: lp["attn"]["wq"]),
        wk=stm(lambda lp: lp["attn"]["wkv"][:, :_HD]),
        wv=stm(lambda lp: lp["attn"]["wkv"][:, _HD:]),
        wo=stm(lambda lp: lp["attn"]["wo"]),
        l2g=st(lambda lp: lp["ff"]["ng"]), l2b=st(lambda lp: lp["ff"]["nb"]),
        w1a=jnp.stack([f[0] for f in ffs]), w1g=jnp.stack([f[1] for f in ffs]),
        w2=jnp.stack([f[2] for f in ffs]),
        fg=p["ng"].reshape(1, _D), fb=p["nb"].reshape(1, _D),
    )



def _make_spatial_body(nlayers):
    def body(x_ref, bias_ref, l1g, l1b, wq_ref, wk_ref, wv_ref, wo_ref,
             l2g, l2b, w1a, w1g, w2, fg, fb, o_ref, xs, acc):
        l = pl.program_id(0)

        @pl.when(l == 0)
        def _():
            xs[...] = x_ref[...]

        for b in range(_T):
            xb = xs[b]
            xn = _ln(xb, l1g[0], l1b[0])
            q = _dot(xn, wq_ref[0])
            k = _dot(xn, wk_ref[0])
            v = _dot(xn, wv_ref[0])

            for h in range(_HEADS):
                sl = slice(h * _DH, (h + 1) * _DH)
                s = _dot_t(q[:, sl], k[:, sl]) * _SCALE + bias_ref[h]
                m = jnp.max(s, axis=-1, keepdims=True)
                e = jnp.exp(s - m)
                a = e / jnp.sum(e, axis=-1, keepdims=True)
                acc[:, sl] = _dot(a, v[:, sl])

            xb = xb + _dot(acc[...], wo_ref[0])
            xn2 = _ln(xb, l2g[0], l2b[0])
            a2 = _dot(xn2, w1a[0])
            g2 = _dot(xn2, w1g[0])
            xs[b] = xb + _dot(a2 * jax.nn.gelu(g2), w2[0])

            @pl.when(l == nlayers - 1)
            def _():
                o_ref[b] = _ln(xs[b], fg[...], fb[...])

    return body


def _spatial(x, bias, sp):
    L = sp["wq"].shape[0]
    c0 = lambda l: (0, 0, 0)
    cl = lambda l: (l, 0, 0)
    return pl.pallas_call(
        _make_spatial_body(L),
        grid=(L,),
        in_specs=[
            pl.BlockSpec((_T, _N, _D), c0),
            pl.BlockSpec((_HEADS, _N, _N), c0),
            pl.BlockSpec((1, 1, _D), cl), pl.BlockSpec((1, 1, _D), cl),
            pl.BlockSpec((1, _D, _D), lambda l: (l, 0, 0)),
            pl.BlockSpec((1, _D, _D), lambda l: (l, 0, 0)),
            pl.BlockSpec((1, _D, _D), lambda l: (l, 0, 0)),
            pl.BlockSpec((1, _D, _D), lambda l: (l, 0, 0)),
            pl.BlockSpec((1, 1, _D), cl), pl.BlockSpec((1, 1, _D), cl),
            pl.BlockSpec((1, _D, _FI), lambda l: (l, 0, 0)),
            pl.BlockSpec((1, _D, _FI), lambda l: (l, 0, 0)),
            pl.BlockSpec((1, _FI, _D), lambda l: (l, 0, 0)),
            pl.BlockSpec((1, _D), lambda l: (0, 0)),
            pl.BlockSpec((1, _D), lambda l: (0, 0)),
        ],
        out_specs=pl.BlockSpec((_T, _N, _D), c0),
        out_shape=jax.ShapeDtypeStruct((_T, _N, _D), jnp.float32),
        scratch_shapes=[pltpu.VMEM((_T, _N, _D), jnp.float32),
                        pltpu.VMEM((_N, _D), jnp.float32)],
        compiler_params=pltpu.CompilerParams(
            dimension_semantics=("arbitrary",)),
    )(x, bias, sp["l1g"], sp["l1b"], sp["wq"], sp["wk"], sp["wv"], sp["wo"],
      sp["l2g"], sp["l2b"], sp["w1a"], sp["w1g"], sp["w2"], sp["fg"], sp["fb"])



def _make_temporal_body(nlayers):
    def body(x_ref, l1g, l1b, wq_ref, wk_ref, wv_ref, wo_ref,
             l2g, l2b, w1a, w1g, w2, hsum_ref, hexp_ref, slp_ref, fg, fb,
             o_ref, xs, qs, ks, vs, os_):
        l = pl.program_id(0)

        @pl.when(l == 0)
        def _():
            xs[...] = x_ref[...]

        for i in range(_T):
            xn = _ln(xs[i], l1g[0], l1b[0])
            qs[i] = _dot(xn, wq_ref[0])
            ks[i] = _dot(xn, wk_ref[0])
            vs[i] = _dot(xn, wv_ref[0])

        slopes = slp_ref[...]
        for i in range(_T):
            sij = []
            for j in range(i + 1):
                s = _dot_hi(qs[i] * ks[j], hsum_ref[...]) * _SCALE
                sij.append(s - float(abs(i - j)) * slopes)
            m = sij[0]
            for s in sij[1:]:
                m = jnp.maximum(m, s)
            es = [jnp.exp(s - m) for s in sij]
            den = es[0]
            for e in es[1:]:
                den = den + e
            ob = jnp.zeros((_N, _D), jnp.float32)
            for j in range(i + 1):
                w = _dot_hi(es[j] / den, hexp_ref[...])
                ob = ob + w * vs[j]
            os_[i] = ob

        for i in range(_T):
            xb = xs[i] + _dot(os_[i], wo_ref[0])
            xn2 = _ln(xb, l2g[0], l2b[0])
            a2 = _dot(xn2, w1a[0])
            g2 = _dot(xn2, w1g[0])
            xs[i] = xb + _dot(a2 * jax.nn.gelu(g2), w2[0])

            @pl.when(l == nlayers - 1)
            def _():
                o_ref[i] = _ln(xs[i], fg[...], fb[...])

    return body


def _temporal(x, tp):
    L = tp["wq"].shape[0]
    c0 = lambda l: (0, 0, 0)
    cl = lambda l: (l, 0, 0)
    cl3 = lambda l: (l, 0, 0)
    return pl.pallas_call(
        _make_temporal_body(L),
        grid=(L,),
        in_specs=[
            pl.BlockSpec((_T, _N, _D), c0),
            pl.BlockSpec((1, 1, _D), cl), pl.BlockSpec((1, 1, _D), cl),
            pl.BlockSpec((1, _D, _D), cl3),
            pl.BlockSpec((1, _D, _D), cl3),
            pl.BlockSpec((1, _D, _D), cl3),
            pl.BlockSpec((1, _D, _D), cl3),
            pl.BlockSpec((1, 1, _D), cl), pl.BlockSpec((1, 1, _D), cl),
            pl.BlockSpec((1, _D, _FI), cl3),
            pl.BlockSpec((1, _D, _FI), cl3),
            pl.BlockSpec((1, _FI, _D), cl3),
            pl.BlockSpec((_D, _HEADS), lambda l: (0, 0)),
            pl.BlockSpec((_HEADS, _D), lambda l: (0, 0)),
            pl.BlockSpec((1, _HEADS), lambda l: (0, 0)),
            pl.BlockSpec((1, _D), lambda l: (0, 0)),
            pl.BlockSpec((1, _D), lambda l: (0, 0)),
        ],
        out_specs=pl.BlockSpec((_T, _N, _D), c0),
        out_shape=jax.ShapeDtypeStruct((_T, _N, _D), jnp.float32),
        scratch_shapes=[pltpu.VMEM((_T, _N, _D), jnp.float32)
                        for _ in range(5)],
        compiler_params=pltpu.CompilerParams(
            dimension_semantics=("arbitrary",)),
    )(x, tp["l1g"], tp["l1b"], tp["wq"], tp["wk"], tp["wv"], tp["wo"],
      tp["l2g"], tp["l2b"], tp["w1a"], tp["w1g"], tp["w2"],
      jnp.asarray(_HSUM), jnp.asarray(_HEXP),
      jnp.asarray(_ALIBI).reshape(1, _HEADS), tp["fg"], tp["fb"])



def _vq_body(f_ref, cb_ref, csq_ref, o_ref, bestv, besti):
    blk = pl.program_id(0)

    @pl.when(blk == 0)
    def _():
        bestv[...] = jnp.full((_NT, 128), 1e30, jnp.float32)
        besti[...] = jnp.zeros((_NT, 128), jnp.int32)

    d = csq_ref[0] - 2.0 * _dot_t(f_ref[...], cb_ref[...])
    mv = jnp.min(d, axis=-1, keepdims=True)
    iota = lax.broadcasted_iota(jnp.int32, (_NT, _CBB), 1) + blk * _CBB
    mi = jnp.min(jnp.where(d <= mv, iota, jnp.int32(2 ** 30)),
                 axis=-1, keepdims=True)
    upd = mv < bestv[:, :1]
    bestv[:, :1] = jnp.where(upd, mv, bestv[:, :1])
    besti[:, :1] = jnp.where(upd, mi, besti[:, :1])

    @pl.when(blk == _CB // _CBB - 1)
    def _():
        o_ref[...] = besti[...]


def _vq_argmin(flat, cb):
    csq = jnp.sum(cb * cb, axis=1).reshape(_CB // _CBB, 1, _CBB)
    out = pl.pallas_call(
        _vq_body,
        grid=(_CB // _CBB,),
        in_specs=[
            pl.BlockSpec((_NT, _D), lambda i: (0, 0)),
            pl.BlockSpec((_CBB, _D), lambda i: (i, 0)),
            pl.BlockSpec((1, 1, _CBB), lambda i: (i, 0, 0)),
        ],
        out_specs=pl.BlockSpec((_NT, 128), lambda i: (0, 0)),
        out_shape=jax.ShapeDtypeStruct((_NT, 128), jnp.int32),
        scratch_shapes=[pltpu.VMEM((_NT, 128), jnp.float32),
                        pltpu.VMEM((_NT, 128), jnp.int32)],
        compiler_params=pltpu.CompilerParams(
            dimension_semantics=("arbitrary",)),
    )(flat, cb, csq)
    return out[:, 0]



def _sc_gather(cb, idx_pad):
    info = plsc.get_sparse_core_info()
    nw = info.num_cores * info.num_subcores
    bpw = _SC_B // nw
    mesh = plsc.VectorSubcoreMesh(core_axis_name="c", subcore_axis_name="s")

    @functools.partial(
        pl.kernel, mesh=mesh,
        out_type=jax.ShapeDtypeStruct((_SC_B, _D), jnp.float32),
        scratch_types=[
            pltpu.VMEM((bpw,), jnp.int32),
            pltpu.VMEM((bpw, _D), jnp.float32),
            pltpu.SemaphoreType.DMA,
        ],
    )
    def k(table_hbm, idx_hbm, out_hbm, idx_v, rows_v, sem):
        wid = lax.axis_index("s") * info.num_cores + lax.axis_index("c")
        base = wid * bpw
        pltpu.sync_copy(idx_hbm.at[pl.ds(base, bpw)], idx_v)
        pltpu.async_copy(table_hbm.at[idx_v], rows_v, sem).wait()
        pltpu.sync_copy(rows_v, out_hbm.at[pl.ds(base, bpw)])

    return k(cb, idx_pad)



def _linear_body(x_ref, w_ref, b_ref, o_ref):
    o_ref[...] = _dot(x_ref[...], w_ref[...]) + b_ref[...]


def _linear(x, w, b):
    n = x.shape[0]
    o = w.shape[1]
    return pl.pallas_call(
        _linear_body,
        out_shape=jax.ShapeDtypeStruct((n, o), jnp.float32),
    )(x, w, b.reshape(1, o))



def kernel(video, params):
    b = video.shape[0]
    first = video[:, :, 0]
    x1 = (first.reshape(b, _C, _HG, _P, _WG, _P)
          .transpose(0, 2, 4, 1, 3, 5).reshape(_N, _C * _P * _P))
    rest = video[:, :, 1:]
    xr = (rest.reshape(b, _C, _TR, _TP, _HG, _P, _WG, _P)
          .transpose(0, 2, 4, 6, 1, 3, 5, 7)
          .reshape(_TR * _N, _C * _TP * _P * _P))

    e1 = _embed(x1, params["pe1"])
    er = _embed(xr, params["pe"])
    tokens = jnp.concatenate([e1[None], er.reshape(_TR, _N, _D)], axis=0)

    bias = _cpb(params["cpb"])

    enc_sp = _stack_spatial(params["enc_spatial"])
    enc_tp = _stack_temporal(params["enc_temporal"])
    dec_sp = _stack_spatial(params["dec_spatial"])
    dec_tp = _stack_temporal(params["dec_temporal"])

    x = _spatial(tokens, bias, enc_sp)
    x = _temporal(x, enc_tp)

    flat = x.reshape(_NT, _D)
    cb = params["codebook"]
    idx = _vq_argmin(flat, cb)
    idx_pad = jnp.concatenate([idx, jnp.zeros((_SC_B - _NT,), jnp.int32)])
    quant = _sc_gather(cb, idx_pad)[:_NT]

    y = quant.reshape(_T, _N, _D)
    y = _temporal(y, dec_tp)
    y = _spatial(y, bias, dec_sp)

    y1 = _linear(y[0], params["to_pix1"]["w"], params["to_pix1"]["b"])
    yr = _linear(y[1:].reshape(_TR * _N, _D),
                 params["to_pix"]["w"], params["to_pix"]["b"])
    rec1 = (y1.reshape(b, _HG, _WG, _C, _P, _P)
            .transpose(0, 3, 1, 4, 2, 5).reshape(b, _C, 1, _H, _W))
    recr = (yr.reshape(b, _TR, _HG, _WG, _C, _TP, _P, _P)
            .transpose(0, 4, 1, 5, 2, 6, 3, 7).reshape(b, _C, _F - 1, _H, _W))
    return jnp.concatenate([rec1, recr], axis=2)

# --- scband reference (transcript-rebuilt; emitter-appended) ---
"""Pipeline reference for scband-cvi-vi-t-74096775791296 (READ-ONLY COPY).

The authoritative reference and input builder live on the scoring server;
editing this copy changes nothing except your own understanding.
"""

import jax, jax.numpy as jnp
import numpy as np

B, C, F = 1, 3, 9
H = W = 224
P, TP = 16, 2
D = 512
HEADS, DH = 8, 64
HD = HEADS * DH
SPATIAL_DEPTH = 4
TEMPORAL_DEPTH = 4
CODEBOOK = 8192
SCALE = DH ** -0.5
HG, WG = H // P, W // P
T_REST = (F - 1) // TP

ALIBI_SLOPES = jnp.asarray([0.5 ** (i + 1) for i in range(HEADS)], dtype=jnp.float32)

def _make_params():
    rng = np.random.RandomState(0)
    def lin(i, o):
        return jnp.asarray((rng.randn(i, o) * 0.02).astype(np.float32))
    def vec0(n):
        return jnp.zeros((n,), jnp.float32)
    def vec1(n):
        return jnp.ones((n,), jnp.float32)
    def attn_p():
        return {'ng': vec1(D), 'nb': vec0(D), 'wq': lin(D, HD), 'wkv': lin(D, 2 * HD), 'wo': lin(HD, D)}
    def ff_p():
        inner = int(D * 4 * 2 / 3)
        return {'ng': vec1(D), 'nb': vec0(D), 'w1': lin(D, inner * 2), 'w2': lin(inner, D)}
    def tf_p(depth):
        return {'layers': [{'attn': attn_p(), 'ff': ff_p()} for _ in range(depth)], 'ng': vec1(D), 'nb': vec0(D)}
    pd1 = C * P * P
    pd = C * TP * P * P
    return {
        'pe1': {'ln_g': vec1(pd1), 'ln_b': vec0(pd1), 'w': lin(pd1, D), 'b': vec0(D), 'ln2_g': vec1(D), 'ln2_b': vec0(D)},
        'pe': {'ln_g': vec1(pd), 'ln_b': vec0(pd), 'w': lin(pd, D), 'b': vec0(D), 'ln2_g': vec1(D), 'ln2_b': vec0(D)},
        'cpb': {'w0': lin(2, D), 'b0': vec0(D), 'w1': lin(D, D), 'b1': vec0(D), 'w2': lin(D, HEADS), 'b2': vec0(HEADS)},
        'enc_spatial': tf_p(SPATIAL_DEPTH),
        'enc_temporal': tf_p(TEMPORAL_DEPTH),
        'dec_spatial': tf_p(SPATIAL_DEPTH),
        'dec_temporal': tf_p(TEMPORAL_DEPTH),
        'codebook': jnp.asarray(rng.randn(CODEBOOK, D).astype(np.float32)),
        'to_pix1': {'w': lin(D, pd1), 'b': vec0(pd1)},
        'to_pix': {'w': lin(D, pd), 'b': vec0(pd)},
    }

def setup_inputs(seed: int = 0):
    key = jax.random.key(seed)
    video = jax.random.normal(key, (B, C, F, H, W), dtype=jnp.float32)
    return {'video': video, 'params': _make_params()}

def _ln(x, g, b, eps=1e-5):
    m = jnp.mean(x, axis=-1, keepdims=True)
    v = jnp.var(x, axis=-1, keepdims=True)
    return (x - m) / jnp.sqrt(v + eps) * g + b

def _attention(x, p, attn_bias=None, causal=False):
    bsz, n, _ = x.shape
    xn = _ln(x, p['ng'], p['nb'])
    q = xn @ p['wq']
    k, v = jnp.split(xn @ p['wkv'], 2, axis=-1)
    def sh(t):
        return t.reshape(bsz, n, HEADS, DH).transpose(0, 2, 1, 3)
    q, k, v = sh(q), sh(k), sh(v)
    sim = jnp.einsum('bhid,bhjd->bhij', q, k) * SCALE
    if attn_bias is not None:
        sim = sim + attn_bias[None]
    if causal:
        ar = jnp.arange(n)
        alibi = -jnp.abs(ar[None, :] - ar[:, None]).astype(jnp.float32)
        sim = sim + (alibi[None] * ALIBI_SLOPES[:, None, None])[None]
        mask = ar[None, :] > ar[:, None]
        sim = jnp.where(mask[None, None], -1e9, sim)
    attn = jax.nn.softmax(sim, axis=-1)
    out = jnp.einsum('bhij,bhjd->bhid', attn, v)
    out = out.transpose(0, 2, 1, 3).reshape(bsz, n, HD)
    return out @ p['wo']

def _ff(x, p):
    xn = _ln(x, p['ng'], p['nb'])
    y = xn @ p['w1']
    a, gate = jnp.split(y, 2, axis=-1)
    return (a * jax.nn.gelu(gate)) @ p['w2']

def _transformer(x, p, attn_bias=None, causal=False):
    for lp in p['layers']:
        x = _attention(x, lp['attn'], attn_bias, causal) + x
        x = _ff(x, lp['ff']) + x
    return _ln(x, p['ng'], p['nb'])

def _cpb(p):
    pos = jnp.stack(jnp.meshgrid(jnp.arange(HG), jnp.arange(WG), indexing='ij'), axis=0)
    grid = pos.reshape(2, -1).T.astype(jnp.float32)
    rel = grid[:, None, :] - grid[None, :, :]
    rel = jnp.sign(rel) * jnp.log(jnp.abs(rel) + 1.0)
    h1 = jax.nn.leaky_relu(rel @ p['w0'] + p['b0'], 0.1)
    h2 = jax.nn.leaky_relu(h1 @ p['w1'] + p['b1'], 0.1)
    out = h2 @ p['w2'] + p['b2']
    return out.transpose(2, 0, 1)

def _forward(video, params):
    b = video.shape[0]
    first = video[:, :, 0]
    rest = video[:, :, 1:]
    x1 = first.reshape(b, C, HG, P, WG, P).transpose(0, 2, 4, 1, 3, 5).reshape(b, 1, HG, WG, C * P * P)
    pe1 = params['pe1']
    x1 = _ln(x1, pe1['ln_g'], pe1['ln_b']) @ pe1['w'] + pe1['b']
    x1 = _ln(x1, pe1['ln2_g'], pe1['ln2_b'])
    xr = rest.reshape(b, C, T_REST, TP, HG, P, WG, P).transpose(0, 2, 4, 6, 1, 3, 5, 7).reshape(b, T_REST, HG, WG, C * TP * P * P)
    pe = params['pe']
    xr = _ln(xr, pe['ln_g'], pe['ln_b']) @ pe['w'] + pe['b']
    xr = _ln(xr, pe['ln2_g'], pe['ln2_b'])
    tokens = jnp.concatenate([x1, xr], axis=1)
    T = tokens.shape[1]
    sp_bias = _cpb(params['cpb'])
    x = tokens.reshape(b * T, HG * WG, D)
    x = _transformer(x, params['enc_spatial'], attn_bias=sp_bias)
    x = x.reshape(b, T, HG, WG, D).transpose(0, 2, 3, 1, 4).reshape(b * HG * WG, T, D)
    x = _transformer(x, params['enc_temporal'], causal=True)
    x = x.reshape(b, HG, WG, T, D).transpose(0, 3, 1, 2, 4)
    flat = x.reshape(-1, D)
    cb = params['codebook']
    d = jnp.sum(flat ** 2, axis=-1, keepdims=True) - 2.0 * (flat @ cb.T) + jnp.sum(cb ** 2, axis=-1)[None]
    idx = jnp.argmin(d, axis=-1)
    quant = jnp.take(cb, idx, axis=0)
    quant = flat + jax.lax.stop_gradient(quant - flat)
    tokens_q = quant.reshape(b, T, HG, WG, D)
    y = tokens_q.transpose(0, 2, 3, 1, 4).reshape(b * HG * WG, T, D)
    y = _transformer(y, params['dec_temporal'], causal=True)
    y = y.reshape(b, HG, WG, T, D).transpose(0, 3, 1, 2, 4).reshape(b * T, HG * WG, D)
    y = _transformer(y, params['dec_spatial'], attn_bias=sp_bias)
    y = y.reshape(b, T, HG, WG, D)
    y1 = y[:, 0] @ params['to_pix1']['w'] + params['to_pix1']['b']
    rec1 = y1.reshape(b, HG, WG, C, P, P).transpose(0, 3, 1, 4, 2, 5).reshape(b, C, 1, H, W)
    yr = y[:, 1:] @ params['to_pix']['w'] + params['to_pix']['b']
    recr = yr.reshape(b, T_REST, HG, WG, C, TP, P, P).transpose(0, 4, 1, 5, 2, 6, 3, 7).reshape(b, C, F - 1, H, W)
    return jnp.concatenate([rec1, recr], axis=2)

def reference(video, params):
    return _forward(video, params)

if __name__ == "__main__":
    import jax
    _d = setup_inputs()
    print(jax.jit(kernel)(*tuple(_d.values())))

</pallas_src>

<mosaic_0001>
#map = affine_map<(d0, d1) -> (0, 0)>
#map1 = affine_map<(d0, d1) -> (0)>
module attributes {stable_mosaic.version = 14 : i64} {
  func.func @k(%arg0: i32, %arg1: i32, %arg2: memref<8192x512xf32, #tpu.memory_space<hbm>>, %arg3: memref<1024xi32, #tpu.memory_space<hbm>>, %arg4: memref<1024x512xf32, #tpu.memory_space<hbm>>, %arg5: memref<32xi32, #tpu.memory_space<vmem>>, %arg6: memref<32x512xf32, #tpu.memory_space<vmem>>, %arg7: memref<!tpu.dma_semaphore, #tpu.memory_space<semaphore_mem>>) attributes {dimension_semantics = [#tpu.dimension_semantics<core_parallel>, #tpu.dimension_semantics<subcore_parallel>], iteration_bounds = array<i64: 2, 16>, scalar_prefetch = 0 : i64, scratch_operands = 3 : i64, tpu.core_type = #tpu.core_type<sc_vector_subcore>, window_params = [{transform_indices = #map}, {transform_indices = #map1}, {transform_indices = #map}]} {
    %mul3A = arith.constant 2 : i32
    %mul3A_0 = arith.muli %arg1, %mul3A : i32
    %add3A = arith.addi %mul3A_0, %arg0 : i32
    %mul3A_1 = arith.constant 32 : i32
    %mul3A_2 = arith.muli %add3A, %mul3A_1 : i32
    "tpu.region"() ({
      %run_scoped3A = tpu.sem_alloc : memref<!tpu.dma_semaphore, #tpu.memory_space<semaphore_mem>>
      %dma_start3A_7 = tpu.memref_slice %arg3[%mul3A_2] : memref<1024xi32, #tpu.memory_space<hbm>> -> memref<32xi32, #tpu.memory_space<hbm>>
      %dma_start3A_8 = tpu.memref_slice %arg3[%mul3A_2] : memref<1024xi32, #tpu.memory_space<hbm>> -> memref<32xi32, #tpu.memory_space<hbm>>
      tpu.enqueue_dma source(%dma_start3A_8 : memref<32xi32, #tpu.memory_space<hbm>>) target(%arg5 : memref<32xi32, #tpu.memory_space<vmem>>) target_semaphore(%run_scoped3A : memref<!tpu.dma_semaphore, #tpu.memory_space<semaphore_mem>>)
      %dma_wait3A_9 = tpu.memref_slice %arg3[%mul3A_2] : memref<1024xi32, #tpu.memory_space<hbm>> -> memref<32xi32, #tpu.memory_space<hbm>>
      %dma_wait3A_10 = tpu.memref_slice %arg3[%mul3A_2] : memref<1024xi32, #tpu.memory_space<hbm>> -> memref<32xi32, #tpu.memory_space<hbm>>
      tpu.wait_dma2 semaphore(%run_scoped3A : memref<!tpu.dma_semaphore, #tpu.memory_space<semaphore_mem>>) src(%dma_wait3A_10 : memref<32xi32, #tpu.memory_space<hbm>>) dst(%arg5 : memref<32xi32, #tpu.memory_space<vmem>>)
      tpu.yield
    }) : () -> ()
    %dma_start3A = arith.constant 0 : i32
    %dma_start3A_3 = arith.constant 0 : i32
    %dma_start3A_4 = tpu.memref_slice %arg2[%dma_start3A, %dma_start3A_3] : memref<8192x512xf32, #tpu.memory_space<hbm>> -> memref<8192x512xf32, #tpu.memory_space<hbm>>
    tpu.enqueue_indirect_dma source(%dma_start3A_4 : memref<8192x512xf32, #tpu.memory_space<hbm>>) target(%arg6 : memref<32x512xf32, #tpu.memory_space<vmem>>) offsets(%arg5 : memref<32xi32, #tpu.memory_space<vmem>>) semaphore(%arg7 : memref<!tpu.dma_semaphore, #tpu.memory_space<semaphore_mem>>)
    %dma_wait3A = arith.constant 0 : i32
    %dma_wait3A_5 = arith.constant 0 : i32
    %dma_wait3A_6 = tpu.memref_slice %arg2[%dma_wait3A, %dma_wait3A_5] : memref<8192x512xf32, #tpu.memory_space<hbm>> -> memref<8192x512xf32, #tpu.memory_space<hbm>>
    tpu.wait_indirect_dma semaphore(%arg7 : memref<!tpu.dma_semaphore, #tpu.memory_space<semaphore_mem>>) src(%dma_wait3A_6 : memref<8192x512xf32, #tpu.memory_space<hbm>>) dst(%arg6 : memref<32x512xf32, #tpu.memory_space<vmem>>)
    "tpu.region"() ({
      %run_scoped3A = tpu.sem_alloc : memref<!tpu.dma_semaphore, #tpu.memory_space<semaphore_mem>>
      %dma_start3A_7 = arith.constant 0 : i32
      %dma_start3A_8 = tpu.memref_slice %arg4[%mul3A_2, %dma_start3A_7] : memref<1024x512xf32, #tpu.memory_space<hbm>> -> memref<32x512xf32, #tpu.memory_space<hbm>>
      %dma_start3A_9 = arith.constant 0 : i32
      %dma_start3A_10 = tpu.memref_slice %arg4[%mul3A_2, %dma_start3A_9] : memref<1024x512xf32, #tpu.memory_space<hbm>> -> memref<32x512xf32, #tpu.memory_space<hbm>>
      tpu.enqueue_dma source(%arg6 : memref<32x512xf32, #tpu.memory_space<vmem>>) target(%dma_start3A_10 : memref<32x512xf32, #tpu.memory_space<hbm>>) target_semaphore(%run_scoped3A : memref<!tpu.dma_semaphore, #tpu.memory_space<semaphore_mem>>)
      %dma_wait3A_11 = arith.constant 0 : i32
      %dma_wait3A_12 = tpu.memref_slice %arg4[%mul3A_2, %dma_wait3A_11] : memref<1024x512xf32, #tpu.memory_space<hbm>> -> memref<32x512xf32, #tpu.memory_space<hbm>>
      %dma_wait3A_13 = arith.constant 0 : i32
      %dma_wait3A_14 = tpu.memref_slice %arg4[%mul3A_2, %dma_wait3A_13] : memref<1024x512xf32, #tpu.memory_space<hbm>> -> memref<32x512xf32, #tpu.memory_space<hbm>>
      tpu.wait_dma2 semaphore(%run_scoped3A : memref<!tpu.dma_semaphore, #tpu.memory_space<semaphore_mem>>) src(%arg6 : memref<32x512xf32, #tpu.memory_space<vmem>>) dst(%dma_wait3A_14 : memref<32x512xf32, #tpu.memory_space<hbm>>)
      tpu.yield
    }) : () -> ()
    return
  }
}

module attributes {stable_mosaic.version = 14 : i64} {
  func.func @_embed_body(%arg0: memref<784x1536xf32, #tpu.memory_space<vmem>>, %arg1: memref<1x1536xf32, #tpu.memory_space<vmem>>, %arg2: memref<1x1536xf32, #tpu.memory_space<vmem>>, %arg3: memref<1536x512xf32, #tpu.memory_space<vmem>>, %arg4: memref<1x512xf32, #tpu.memory_space<vmem>>, %arg5: memref<1x512xf32, #tpu.memory_space<vmem>>, %arg6: memref<1x512xf32, #tpu.memory_space<vmem>>, %arg7: memref<784x512xf32, #tpu.memory_space<vmem>>) attributes {dimension_semantics = [], scalar_prefetch = 0 : i64, scratch_operands = 0 : i64, tpu.core_type = #tpu.core_type<tc>} {
    %get3A = arith.constant 0 : index
    %get3A_0 = arith.constant 0 : index
    %get3A_1 = vector.load %arg0[%get3A, %get3A_0] : memref<784x1536xf32, #tpu.memory_space<vmem>>, vector<784x1536xf32>
    %get3A_2 = arith.constant 0 : index
    %get3A_3 = arith.constant 0 : index
    %get3A_4 = vector.load %arg1[%get3A_2, %get3A_3] : memref<1x1536xf32, #tpu.memory_space<vmem>>, vector<1x1536xf32>
    %get3A_5 = arith.constant 0 : index
    %get3A_6 = arith.constant 0 : index
    %get3A_7 = vector.load %arg2[%get3A_5, %get3A_6] : memref<1x1536xf32, #tpu.memory_space<vmem>>, vector<1x1536xf32>
    %reduce_sum3A = arith.constant dense<0.000000e+00> : vector<784xf32>
    %reduce_sum3A_8 = vector.multi_reduction <add>, %get3A_1, %reduce_sum3A [1] : vector<784x1536xf32> to vector<784xf32>
    %broadcast_in_dim3A = vector.shape_cast %reduce_sum3A_8 : vector<784xf32> to vector<784x1xf32>
    %div3A = arith.constant 1.536000e+03 : f32
    %div3A_9 = vector.broadcast %div3A : f32 to vector<784x1xf32>
    %div3A_10 = arith.divf %broadcast_in_dim3A, %div3A_9 : vector<784x1xf32>
    %jit3A = arith.constant 0 : i32
    %reduce_sum3A_11 = arith.constant dense<0.000000e+00> : vector<784xf32>
    %reduce_sum3A_12 = vector.multi_reduction <add>, %get3A_1, %reduce_sum3A_11 [1] : vector<784x1536xf32> to vector<784xf32>
    %broadcast_in_dim3A_13 = vector.shape_cast %reduce_sum3A_12 : vector<784xf32> to vector<784x1xf32>
    %div3A_14 = arith.constant 1.536000e+03 : f32
    %div3A_15 = vector.broadcast %div3A_14 : f32 to vector<784x1xf32>
    %div3A_16 = arith.divf %broadcast_in_dim3A_13, %div3A_15 : vector<784x1xf32>
    %sub3A = vector.broadcast %div3A_16 : vector<784x1xf32> to vector<784x1536xf32>
    %sub3A_17 = arith.subf %get3A_1, %sub3A : vector<784x1536xf32>
    %square3A = arith.mulf %sub3A_17, %sub3A_17 : vector<784x1536xf32>
    %convert_element_type3A = arith.sitofp %jit3A : i32 to f32
    %sub3A_18 = arith.constant 1.536000e+03 : f32
    %sub3A_19 = arith.subf %sub3A_18, %convert_element_type3A : f32
    %reduce_sum3A_20 = arith.constant dense<0.000000e+00> : vector<784xf32>
    %reduce_sum3A_21 = vector.multi_reduction <add>, %square3A, %reduce_sum3A_20 [1] : vector<784x1536xf32> to vector<784xf32>
    %broadcast_in_dim3A_22 = vector.shape_cast %reduce_sum3A_21 : vector<784xf32> to vector<784x1xf32>
    %div3A_23 = vector.broadcast %sub3A_19 : f32 to vector<784x1xf32>
    %div3A_24 = arith.divf %broadcast_in_dim3A_22, %div3A_23 : vector<784x1xf32>
    %gt3A = arith.constant 0.000000e+00 : f32
    %gt3A_25 = arith.cmpf ogt, %sub3A_19, %gt3A : f32
    %jit3A_26 = arith.constant 0x7FC00000 : f32
    %broadcast_in_dim3A_27 = vector.broadcast %jit3A_26 : f32 to vector<784x1xf32>
    %select_n3A = arith.select %gt3A_25, %div3A_24, %broadcast_in_dim3A_27 : vector<784x1xf32>
    %sub3A_28 = vector.broadcast %div3A_10 : vector<784x1xf32> to vector<784x1536xf32>
    %sub3A_29 = arith.subf %get3A_1, %sub3A_28 : vector<784x1536xf32>
    %add3A = arith.constant 9.99999974E-6 : f32
    %add3A_30 = vector.broadcast %add3A : f32 to vector<784x1xf32>
    %add3A_31 = arith.addf %select_n3A, %add3A_30 : vector<784x1xf32>
    %sqrt3A = math.sqrt %add3A_31 : vector<784x1xf32>
    %div3A_32 = vector.broadcast %sqrt3A : vector<784x1xf32> to vector<784x1536xf32>
    %div3A_33 = arith.divf %sub3A_29, %div3A_32 : vector<784x1536xf32>
    %mul3A = vector.broadcast %get3A_4 : vector<1x1536xf32> to vector<784x1536xf32>
    %mul3A_34 = arith.mulf %div3A_33, %mul3A : vector<784x1536xf32>
    %add3A_35 = vector.broadcast %get3A_7 : vector<1x1536xf32> to vector<784x1536xf32>
    %add3A_36 = arith.addf %mul3A_34, %add3A_35 : vector<784x1536xf32>
    %get3A_37 = arith.constant 0 : index
    %get3A_38 = arith.constant 0 : index
    %get3A_39 = vector.load %arg3[%get3A_37, %get3A_38] : memref<1536x512xf32, #tpu.memory_space<vmem>>, vector<1536x512xf32>
    %dot_general3A = arith.constant dense<0.000000e+00> : vector<784x512xf32>
    %dot_general3A_40 = tpu.matmul %add3A_36, %get3A_39, %dot_general3A {dimension_numbers = #tpu.dot_dimension_numbers<[1], [0], [0], [1], [0, 0, 1, 1], [], []>, transpose_lhs_hint = false} : vector<784x1536xf32>, vector<1536x512xf32>, vector<784x512xf32> -> vector<784x512xf32>
    %get3A_41 = arith.constant 0 : index
    %get3A_42 = arith.constant 0 : index
    %get3A_43 = vector.load %arg4[%get3A_41, %get3A_42] : memref<1x512xf32, #tpu.memory_space<vmem>>, vector<1x512xf32>
    %add3A_44 = vector.broadcast %get3A_43 : vector<1x512xf32> to vector<784x512xf32>
    %add3A_45 = arith.addf %dot_general3A_40, %add3A_44 : vector<784x512xf32>
    %get3A_46 = arith.constant 0 : index
    %get3A_47 = arith.constant 0 : index
    %get3A_48 = vector.load %arg5[%get3A_46, %get3A_47] : memref<1x512xf32, #tpu.memory_space<vmem>>, vector<1x512xf32>
    %get3A_49 = arith.constant 0 : index
    %get3A_50 = arith.constant 0 : index
    %get3A_51 = vector.load %arg6[%get3A_49, %get3A_50] : memref<1x512xf32, #tpu.memory_space<vmem>>, vector<1x512xf32>
    %reduce_sum3A_52 = arith.constant dense<0.000000e+00> : vector<784xf32>
    %reduce_sum3A_53 = vector.multi_reduction <add>, %add3A_45, %reduce_sum3A_52 [1] : vector<784x512xf32> to vector<784xf32>
    %broadcast_in_dim3A_54 = vector.shape_cast %reduce_sum3A_53 : vector<784xf32> to vector<784x1xf32>
    %div3A_55 = arith.constant 5.120000e+02 : f32
    %div3A_56 = vector.broadcast %div3A_55 : f32 to vector<784x1xf32>
    %div3A_57 = arith.divf %broadcast_in_dim3A_54, %div3A_56 : vector<784x1xf32>
    %jit3A_58 = arith.constant 0 : i32
    %reduce_sum3A_59 = arith.constant dense<0.000000e+00> : vector<784xf32>
    %reduce_sum3A_60 = vector.multi_reduction <add>, %add3A_45, %reduce_sum3A_59 [1] : vector<784x512xf32> to vector<784xf32>
    %broadcast_in_dim3A_61 = vector.shape_cast %reduce_sum3A_60 : vector<784xf32> to vector<784x1xf32>
    %div3A_62 = arith.constant 5.120000e+02 : f32
    %div3A_63 = vector.broadcast %div3A_62 : f32 to vector<784x1xf32>
    %div3A_64 = arith.divf %broadcast_in_dim3A_61, %div3A_63 : vector<784x1xf32>
    %sub3A_65 = vector.broadcast %div3A_64 : vector<784x1xf32> to vector<784x512xf32>
    %sub3A_66 = arith.subf %add3A_45, %sub3A_65 : vector<784x512xf32>
    %square3A_67 = arith.mulf %sub3A_66, %sub3A_66 : vector<784x512xf32>
    %convert_element_type3A_68 = arith.sitofp %jit3A_58 : i32 to f32
    %sub3A_69 = arith.constant 5.120000e+02 : f32
    %sub3A_70 = arith.subf %sub3A_69, %convert_element_type3A_68 : f32
    %reduce_sum3A_71 = arith.constant dense<0.000000e+00> : vector<784xf32>
    %reduce_sum3A_72 = vector.multi_reduction <add>, %square3A_67, %reduce_sum3A_71 [1] : vector<784x512xf32> to vector<784xf32>
    %broadcast_in_dim3A_73 = vector.shape_cast %reduce_sum3A_72 : vector<784xf32> to vector<784x1xf32>
    %div3A_74 = vector.broadcast %sub3A_70 : f32 to vector<784x1xf32>
    %div3A_75 = arith.divf %broadcast_in_dim3A_73, %div3A_74 : vector<784x1xf32>
    %gt3A_76 = arith.constant 0.000000e+00 : f32
    %gt3A_77 = arith.cmpf ogt, %sub3A_70, %gt3A_76 : f32
    %jit3A_78 = arith.constant 0x7FC00000 : f32
    %broadcast_in_dim3A_79 = vector.broadcast %jit3A_78 : f32 to vector<784x1xf32>
    %select_n3A_80 = arith.select %gt3A_77, %div3A_75, %broadcast_in_dim3A_79 : vector<784x1xf32>
    %sub3A_81 = vector.broadcast %div3A_57 : vector<784x1xf32> to vector<784x512xf32>
    %sub3A_82 = arith.subf %add3A_45, %sub3A_81 : vector<784x512xf32>
    %add3A_83 = arith.constant 9.99999974E-6 : f32
    %add3A_84 = vector.broadcast %add3A_83 : f32 to vector<784x1xf32>
    %add3A_85 = arith.addf %select_n3A_80, %add3A_84 : vector<784x1xf32>
    %sqrt3A_86 = math.sqrt %add3A_85 : vector<784x1xf32>
    %div3A_87 = vector.broadcast %sqrt3A_86 : vector<784x1xf32> to vector<784x512xf32>
    %div3A_88 = arith.divf %sub3A_82, %div3A_87 : vector<784x512xf32>
    %mul3A_89 = vector.broadcast %get3A_48 : vector<1x512xf32> to vector<784x512xf32>
    %mul3A_90 = arith.mulf %div3A_88, %mul3A_89 : vector<784x512xf32>
    %add3A_91 = vector.broadcast %get3A_51 : vector<1x512xf32> to vector<784x512xf32>
    %add3A_92 = arith.addf %mul3A_90, %add3A_91 : vector<784x512xf32>
    %swap3A = arith.constant 0 : index
    %swap3A_93 = arith.constant 0 : index
    %swap3A_94 = vector.load %arg7[%swap3A, %swap3A_93] : memref<784x512xf32, #tpu.memory_space<vmem>>, vector<784x512xf32>
    tpu.vector_store %arg7[%swap3A, %swap3A_93], %add3A_92 {strides = array<i32>} : memref<784x512xf32, #tpu.memory_space<vmem>>, vector<784x512xf32>,
    return
  }
}

module attributes {stable_mosaic.version = 14 : i64} {
  func.func @_embed_body(%arg0: memref<196x768xf32, #tpu.memory_space<vmem>>, %arg1: memref<1x768xf32, #tpu.memory_space<vmem>>, %arg2: memref<1x768xf32, #tpu.memory_space<vmem>>, %arg3: memref<768x512xf32, #tpu.memory_space<vmem>>, %arg4: memref<1x512xf32, #tpu.memory_space<vmem>>, %arg5: memref<1x512xf32, #tpu.memory_space<vmem>>, %arg6: memref<1x512xf32, #tpu.memory_space<vmem>>, %arg7: memref<196x512xf32, #tpu.memory_space<vmem>>) attributes {dimension_semantics = [], scalar_prefetch = 0 : i64, scratch_operands = 0 : i64, tpu.core_type = #tpu.core_type<tc>} {
    %get3A = arith.constant 0 : index
    %get3A_0 = arith.constant 0 : index
    %get3A_1 = vector.load %arg0[%get3A, %get3A_0] : memref<196x768xf32, #tpu.memory_space<vmem>>, vector<196x768xf32>
    %get3A_2 = arith.constant 0 : index
    %get3A_3 = arith.constant 0 : index
    %get3A_4 = vector.load %arg1[%get3A_2, %get3A_3] : memref<1x768xf32, #tpu.memory_space<vmem>>, vector<1x768xf32>
    %get3A_5 = arith.constant 0 : index
    %get3A_6 = arith.constant 0 : index
    %get3A_7 = vector.load %arg2[%get3A_5, %get3A_6] : memref<1x768xf32, #tpu.memory_space<vmem>>, vector<1x768xf32>
    %reduce_sum3A = arith.constant dense<0.000000e+00> : vector<196xf32>
    %reduce_sum3A_8 = vector.multi_reduction <add>, %get3A_1, %reduce_sum3A [1] : vector<196x768xf32> to vector<196xf32>
    %broadcast_in_dim3A = vector.shape_cast %reduce_sum3A_8 : vector<196xf32> to vector<196x1xf32>
    %div3A = arith.constant 7.680000e+02 : f32
    %div3A_9 = vector.broadcast %div3A : f32 to vector<196x1xf32>
    %div3A_10 = arith.divf %broadcast_in_dim3A, %div3A_9 : vector<196x1xf32>
    %jit3A = arith.constant 0 : i32
    %reduce_sum3A_11 = arith.constant dense<0.000000e+00> : vector<196xf32>
    %reduce_sum3A_12 = vector.multi_reduction <add>, %get3A_1, %reduce_sum3A_11 [1] : vector<196x768xf32> to vector<196xf32>
    %broadcast_in_dim3A_13 = vector.shape_cast %reduce_sum3A_12 : vector<196xf32> to vector<196x1xf32>
    %div3A_14 = arith.constant 7.680000e+02 : f32
    %div3A_15 = vector.broadcast %div3A_14 : f32 to vector<196x1xf32>
    %div3A_16 = arith.divf %broadcast_in_dim3A_13, %div3A_15 : vector<196x1xf32>
    %sub3A = vector.broadcast %div3A_16 : vector<196x1xf32> to vector<196x768xf32>
    %sub3A_17 = arith.subf %get3A_1, %sub3A : vector<196x768xf32>
    %square3A = arith.mulf %sub3A_17, %sub3A_17 : vector<196x768xf32>
    %convert_element_type3A = arith.sitofp %jit3A : i32 to f32
    %sub3A_18 = arith.constant 7.680000e+02 : f32
    %sub3A_19 = arith.subf %sub3A_18, %convert_element_type3A : f32
    %reduce_sum3A_20 = arith.constant dense<0.000000e+00> : vector<196xf32>
    %reduce_sum3A_21 = vector.multi_reduction <add>, %square3A, %reduce_sum3A_20 [1] : vector<196x768xf32> to vector<196xf32>
    %broadcast_in_dim3A_22 = vector.shape_cast %reduce_sum3A_21 : vector<196xf32> to vector<196x1xf32>
    %div3A_23 = vector.broadcast %sub3A_19 : f32 to vector<196x1xf32>
    %div3A_24 = arith.divf %broadcast_in_dim3A_22, %div3A_23 : vector<196x1xf32>
    %gt3A = arith.constant 0.000000e+00 : f32
    %gt3A_25 = arith.cmpf ogt, %sub3A_19, %gt3A : f32
    %jit3A_26 = arith.constant 0x7FC00000 : f32
    %broadcast_in_dim3A_27 = vector.broadcast %jit3A_26 : f32 to vector<196x1xf32>
    %select_n3A = arith.select %gt3A_25, %div3A_24, %broadcast_in_dim3A_27 : vector<196x1xf32>
    %sub3A_28 = vector.broadcast %div3A_10 : vector<196x1xf32> to vector<196x768xf32>
    %sub3A_29 = arith.subf %get3A_1, %sub3A_28 : vector<196x768xf32>
    %add3A = arith.constant 9.99999974E-6 : f32
    %add3A_30 = vector.broadcast %add3A : f32 to vector<196x1xf32>
    %add3A_31 = arith.addf %select_n3A, %add3A_30 : vector<196x1xf32>
    %sqrt3A = math.sqrt %add3A_31 : vector<196x1xf32>
    %div3A_32 = vector.broadcast %sqrt3A : vector<196x1xf32> to vector<196x768xf32>
    %div3A_33 = arith.divf %sub3A_29, %div3A_32 : vector<196x768xf32>
    %mul3A = vector.broadcast %get3A_4 : vector<1x768xf32> to vector<196x768xf32>
    %mul3A_34 = arith.mulf %div3A_33, %mul3A : vector<196x768xf32>
    %add3A_35 = vector.broadcast %get3A_7 : vector<1x768xf32> to vector<196x768xf32>
    %add3A_36 = arith.addf %mul3A_34, %add3A_35 : vector<196x768xf32>
    %get3A_37 = arith.constant 0 : index
    %get3A_38 = arith.constant 0 : index
    %get3A_39 = vector.load %arg3[%get3A_37, %get3A_38] : memref<768x512xf32, #tpu.memory_space<vmem>>, vector<768x512xf32>
    %dot_general3A = arith.constant dense<0.000000e+00> : vector<196x512xf32>
    %dot_general3A_40 = tpu.matmul %add3A_36, %get3A_39, %dot_general3A {dimension_numbers = #tpu.dot_dimension_numbers<[1], [0], [0], [1], [0, 0, 1, 1], [], []>, transpose_lhs_hint = false} : vector<196x768xf32>, vector<768x512xf32>, vector<196x512xf32> -> vector<196x512xf32>
    %get3A_41 = arith.constant 0 : index
    %get3A_42 = arith.constant 0 : index
    %get3A_43 = vector.load %arg4[%get3A_41, %get3A_42] : memref<1x512xf32, #tpu.memory_space<vmem>>, vector<1x512xf32>
    %add3A_44 = vector.broadcast %get3A_43 : vector<1x512xf32> to vector<196x512xf32>
    %add3A_45 = arith.addf %dot_general3A_40, %add3A_44 : vector<196x512xf32>
    %get3A_46 = arith.constant 0 : index
    %get3A_47 = arith.constant 0 : index
    %get3A_48 = vector.load %arg5[%get3A_46, %get3A_47] : memref<1x512xf32, #tpu.memory_space<vmem>>, vector<1x512xf32>
    %get3A_49 = arith.constant 0 : index
    %get3A_50 = arith.constant 0 : index
    %get3A_51 = vector.load %arg6[%get3A_49, %get3A_50] : memref<1x512xf32, #tpu.memory_space<vmem>>, vector<1x512xf32>
    %reduce_sum3A_52 = arith.constant dense<0.000000e+00> : vector<196xf32>
    %reduce_sum3A_53 = vector.multi_reduction <add>, %add3A_45, %reduce_sum3A_52 [1] : vector<196x512xf32> to vector<196xf32>
    %broadcast_in_dim3A_54 = vector.shape_cast %reduce_sum3A_53 : vector<196xf32> to vector<196x1xf32>
    %div3A_55 = arith.constant 5.120000e+02 : f32
    %div3A_56 = vector.broadcast %div3A_55 : f32 to vector<196x1xf32>
    %div3A_57 = arith.divf %broadcast_in_dim3A_54, %div3A_56 : vector<196x1xf32>
    %jit3A_58 = arith.constant 0 : i32
    %reduce_sum3A_59 = arith.constant dense<0.000000e+00> : vector<196xf32>
    %reduce_sum3A_60 = vector.multi_reduction <add>, %add3A_45, %reduce_sum3A_59 [1] : vector<196x512xf32> to vector<196xf32>
    %broadcast_in_dim3A_61 = vector.shape_cast %reduce_sum3A_60 : vector<196xf32> to vector<196x1xf32>
    %div3A_62 = arith.constant 5.120000e+02 : f32
    %div3A_63 = vector.broadcast %div3A_62 : f32 to vector<196x1xf32>
    %div3A_64 = arith.divf %broadcast_in_dim3A_61, %div3A_63 : vector<196x1xf32>
    %sub3A_65 = vector.broadcast %div3A_64 : vector<196x1xf32> to vector<196x512xf32>
    %sub3A_66 = arith.subf %add3A_45, %sub3A_65 : vector<196x512xf32>
    %square3A_67 = arith.mulf %sub3A_66, %sub3A_66 : vector<196x512xf32>
    %convert_element_type3A_68 = arith.sitofp %jit3A_58 : i32 to f32
    %sub3A_69 = arith.constant 5.120000e+02 : f32
    %sub3A_70 = arith.subf %sub3A_69, %convert_element_type3A_68 : f32
    %reduce_sum3A_71 = arith.constant dense<0.000000e+00> : vector<196xf32>
    %reduce_sum3A_72 = vector.multi_reduction <add>, %square3A_67, %reduce_sum3A_71 [1] : vector<196x512xf32> to vector<196xf32>
    %broadcast_in_dim3A_73 = vector.shape_cast %reduce_sum3A_72 : vector<196xf32> to vector<196x1xf32>
    %div3A_74 = vector.broadcast %sub3A_70 : f32 to vector<196x1xf32>
    %div3A_75 = arith.divf %broadcast_in_dim3A_73, %div3A_74 : vector<196x1xf32>
    %gt3A_76 = arith.constant 0.000000e+00 : f32
    %gt3A_77 = arith.cmpf ogt, %sub3A_70, %gt3A_76 : f32
    %jit3A_78 = arith.constant 0x7FC00000 : f32
    %broadcast_in_dim3A_79 = vector.broadcast %jit3A_78 : f32 to vector<196x1xf32>
    %select_n3A_80 = arith.select %gt3A_77, %div3A_75, %broadcast_in_dim3A_79 : vector<196x1xf32>
    %sub3A_81 = vector.broadcast %div3A_57 : vector<196x1xf32> to vector<196x512xf32>
    %sub3A_82 = arith.subf %add3A_45, %sub3A_81 : vector<196x512xf32>
    %add3A_83 = arith.constant 9.99999974E-6 : f32
    %add3A_84 = vector.broadcast %add3A_83 : f32 to vector<196x1xf32>
    %add3A_85 = arith.addf %select_n3A_80, %add3A_84 : vector<196x1xf32>
    %sqrt3A_86 = math.sqrt %add3A_85 : vector<196x1xf32>
    %div3A_87 = vector.broadcast %sqrt3A_86 : vector<196x1xf32> to vector<196x512xf32>
    %div3A_88 = arith.divf %sub3A_82, %div3A_87 : vector<196x512xf32>
    %mul3A_89 = vector.broadcast %get3A_48 : vector<1x512xf32> to vector<196x512xf32>
    %mul3A_90 = arith.mulf %div3A_88, %mul3A_89 : vector<196x512xf32>
    %add3A_91 = vector.broadcast %get3A_51 : vector<1x512xf32> to vector<196x512xf32>
    %add3A_92 = arith.addf %mul3A_90, %add3A_91 : vector<196x512xf32>
    %swap3A = arith.constant 0 : index
    %swap3A_93 = arith.constant 0 : index
    %swap3A_94 = vector.load %arg7[%swap3A, %swap3A_93] : memref<196x512xf32, #tpu.memory_space<vmem>>, vector<196x512xf32>
    tpu.vector_store %arg7[%swap3A, %swap3A_93], %add3A_92 {strides = array<i32>} : memref<196x512xf32, #tpu.memory_space<vmem>>, vector<196x512xf32>,
    return
  }
}

module attributes {stable_mosaic.version = 14 : i64} {
  func.func @body(%arg0: i32, %arg1: memref<5x196x512xf32, #tpu.memory_space<vmem>>, %arg2: memref<8x196x196xf32, #tpu.memory_space<vmem>>, %arg3: memref<1x1x512xf32, #tpu.memory_space<vmem>>, %arg4: memref<1x1x512xf32, #tpu.memory_space<vmem>>, %arg5: memref<1x512x512xf32, #tpu.memory_space<vmem>>, %arg6: memref<1x512x512xf32, #tpu.memory_space<vmem>>, %arg7: memref<1x512x512xf32, #tpu.memory_space<vmem>>, %arg8: memref<1x512x512xf32, #tpu.memory_space<vmem>>, %arg9: memref<1x1x512xf32, #tpu.memory_space<vmem>>, %arg10: memref<1x1x512xf32, #tpu.memory_space<vmem>>, %arg11: memref<1x512x1408xf32, #tpu.memory_space<vmem>>, %arg12: memref<1x512x1408xf32, #tpu.memory_space<vmem>>, %arg13: memref<1x1408x512xf32, #tpu.memory_space<vmem>>, %arg14: memref<1x512xf32, #tpu.memory_space<vmem>>, %arg15: memref<1x512xf32, #tpu.memory_space<vmem>>, %arg16: memref<5x196x512xf32, #tpu.memory_space<vmem>>, %arg17: memref<5x196x512xf32, #tpu.memory_space<vmem>>, %arg18: memref<196x512xf32, #tpu.memory_space<vmem>>) attributes {dimension_semantics = [#tpu.dimension_semantics<arbitrary>], iteration_bounds = array<i64: 4>, scalar_prefetch = 0 : i64, scratch_operands = 2 : i64, tpu.core_type = #tpu.core_type<tc>, window_params = [{pipeline_mode = #tpu.pipeline_mode<synchronous>, transform_indices = @transform_0, window_bounds = array<i64: 5, 196, 512>}, {pipeline_mode = #tpu.pipeline_mode<synchronous>, transform_indices = @transform_1, window_bounds = array<i64: 8, 196, 196>}, {transform_indices = @transform_2, window_bounds = array<i64: 1, 1, 512>}, {transform_indices = @transform_3, window_bounds = array<i64: 1, 1, 512>}, {transform_indices = @transform_4, window_bounds = array<i64: 1, 512, 512>}, {transform_indices = @transform_5, window_bounds = array<i64: 1, 512, 512>}, {transform_indices = @transform_6, window_bounds = array<i64: 1, 512, 512>}, {transform_indices = @transform_7, window_bounds = array<i64: 1, 512, 512>}, {transform_indices = @transform_8, window_bounds = array<i64: 1, 1, 512>}, {transform_indices = @transform_9, window_bounds = array<i64: 1, 1, 512>}, {transform_indices = @transform_10, window_bounds = array<i64: 1, 512, 1408>}, {transform_indices = @transform_11, window_bounds = array<i64: 1, 512, 1408>}, {transform_indices = @transform_12, window_bounds = array<i64: 1, 1408, 512>}, {pipeline_mode = #tpu.pipeline_mode<synchronous>, transform_indices = @transform_13, window_bounds = array<i64: 1, 512>}, {pipeline_mode = #tpu.pipeline_mode<synchronous>, transform_indices = @transform_14, window_bounds = array<i64: 1, 512>}, {pipeline_mode = #tpu.pipeline_mode<synchronous>, transform_indices = @transform_15, window_bounds = array<i64: 5, 196, 512>}]} {
    %eq3A = arith.constant 0 : i32
    %eq3A_0 = arith.cmpi eq, %arg0, %eq3A : i32
    %convert_element_type3A = arith.extui %eq3A_0 : i1 to i32
    %cond3A = arith.constant 0 : i32
    %cond3A_1 = arith.cmpi ne, %convert_element_type3A, %cond3A : i32
    scf.if %cond3A_1 {
      %get3A_2133 = arith.constant 0 : index
      %get3A_2134 = arith.constant 0 : index
      %get3A_2135 = arith.constant 0 : index
      %get3A_2136 = vector.load %arg1[%get3A_2133, %get3A_2134, %get3A_2135] : memref<5x196x512xf32, #tpu.memory_space<vmem>>, vector<5x196x512xf32>
      %swap3A_2137 = arith.constant 0 : index
      %swap3A_2138 = arith.constant 0 : index
      %swap3A_2139 = arith.constant 0 : index
      %swap3A_2140 = vector.load %arg17[%swap3A_2137, %swap3A_2138, %swap3A_2139] : memref<5x196x512xf32, #tpu.memory_space<vmem>>, vector<5x196x512xf32>
      tpu.vector_store %arg17[%swap3A_2137, %swap3A_2138, %swap3A_2139], %get3A_2136 {strides = array<i32>} : memref<5x196x512xf32, #tpu.memory_space<vmem>>, vector<5x196x512xf32>,
    } else {
    }
    %get3A = arith.constant 0 : index
    %get3A_2 = arith.constant 0 : index
    %get3A_3 = arith.constant 0 : index
    %get3A_4 = vector.load %arg17[%get3A, %get3A_2, %get3A_3] : memref<5x196x512xf32, #tpu.memory_space<vmem>>, vector<1x196x512xf32>
    %get3A_5 = vector.shape_cast %get3A_4 : vector<1x196x512xf32> to vector<196x512xf32>
    %get3A_6 = arith.constant 0 : index
    %get3A_7 = arith.constant 0 : index
    %get3A_8 = arith.constant 0 : index
    %get3A_9 = vector.load %arg3[%get3A_6, %get3A_7, %get3A_8] : memref<1x1x512xf32, #tpu.memory_space<vmem>>, vector<1x1x512xf32>
    %get3A_10 = vector.shape_cast %get3A_9 : vector<1x1x512xf32> to vector<1x512xf32>
    %get3A_11 = arith.constant 0 : index
    %get3A_12 = arith.constant 0 : index
    %get3A_13 = arith.constant 0 : index
    %get3A_14 = vector.load %arg4[%get3A_11, %get3A_12, %get3A_13] : memref<1x1x512xf32, #tpu.memory_space<vmem>>, vector<1x1x512xf32>
    %get3A_15 = vector.shape_cast %get3A_14 : vector<1x1x512xf32> to vector<1x512xf32>
    %reduce_sum3A = arith.constant dense<0.000000e+00> : vector<196xf32>
    %reduce_sum3A_16 = vector.multi_reduction <add>, %get3A_5, %reduce_sum3A [1] : vector<196x512xf32> to vector<196xf32>
    %broadcast_in_dim3A = vector.shape_cast %reduce_sum3A_16 : vector<196xf32> to vector<196x1xf32>
    %div3A = arith.constant 5.120000e+02 : f32
    %div3A_17 = vector.broadcast %div3A : f32 to vector<196x1xf32>
    %div3A_18 = arith.divf %broadcast_in_dim3A, %div3A_17 : vector<196x1xf32>
    %jit3A = arith.constant 0 : i32
    %reduce_sum3A_19 = arith.constant dense<0.000000e+00> : vector<196xf32>
    %reduce_sum3A_20 = vector.multi_reduction <add>, %get3A_5, %reduce_sum3A_19 [1] : vector<196x512xf32> to vector<196xf32>
    %broadcast_in_dim3A_21 = vector.shape_cast %reduce_sum3A_20 : vector<196xf32> to vector<196x1xf32>
    %div3A_22 = arith.constant 5.120000e+02 : f32
    %div3A_23 = vector.broadcast %div3A_22 : f32 to vector<196x1xf32>
    %div3A_24 = arith.divf %broadcast_in_dim3A_21, %div3A_23 : vector<196x1xf32>
    %sub3A = vector.broadcast %div3A_24 : vector<196x1xf32> to vector<196x512xf32>
    %sub3A_25 = arith.subf %get3A_5, %sub3A : vector<196x512xf32>
    %square3A = arith.mulf %sub3A_25, %sub3A_25 : vector<196x512xf32>
    %convert_element_type3A_26 = arith.sitofp %jit3A : i32 to f32
    %sub3A_27 = arith.constant 5.120000e+02 : f32
    %sub3A_28 = arith.subf %sub3A_27, %convert_element_type3A_26 : f32
    %reduce_sum3A_29 = arith.constant dense<0.000000e+00> : vector<196xf32>
    %reduce_sum3A_30 = vector.multi_reduction <add>, %square3A, %reduce_sum3A_29 [1] : vector<196x512xf32> to vector<196xf32>
    %broadcast_in_dim3A_31 = vector.shape_cast %reduce_sum3A_30 : vector<196xf32> to vector<196x1xf32>
    %div3A_32 = vector.broadcast %sub3A_28 : f32 to vector<196x1xf32>
    %div3A_33 = arith.divf %broadcast_in_dim3A_31, %div3A_32 : vector<196x1xf32>
    %gt3A = arith.constant 0.000000e+00 : f32
    %gt3A_34 = arith.cmpf ogt, %sub3A_28, %gt3A : f32
    %jit3A_35 = arith.constant 0x7FC00000 : f32
    %broadcast_in_dim3A_36 = vector.broadcast %jit3A_35 : f32 to vector<196x1xf32>
    %select_n3A = arith.select %gt3A_34, %div3A_33, %broadcast_in_dim3A_36 : vector<196x1xf32>
    %sub3A_37 = vector.broadcast %div3A_18 : vector<196x1xf32> to vector<196x512xf32>
    %sub3A_38 = arith.subf %get3A_5, %sub3A_37 : vector<196x512xf32>
    %add3A = arith.constant 9.99999974E-6 : f32
    %add3A_39 = vector.broadcast %add3A : f32 to vector<196x1xf32>
    %add3A_40 = arith.addf %select_n3A, %add3A_39 : vector<196x1xf32>
    %sqrt3A = math.sqrt %add3A_40 : vector<196x1xf32>
    %div3A_41 = vector.broadcast %sqrt3A : vector<196x1xf32> to vector<196x512xf32>
    %div3A_42 = arith.divf %sub3A_38, %div3A_41 : vector<196x512xf32>
    %mul3A = vector.broadcast %get3A_10 : vector<1x512xf32> to vector<196x512xf32>
    %mul3A_43 = arith.mulf %div3A_42, %mul3A : vector<196x512xf32>
    %add3A_44 = vector.broadcast %get3A_15 : vector<1x512xf32> to vector<196x512xf32>
    %add3A_45 = arith.addf %mul3A_43, %add3A_44 : vector<196x512xf32>
    %get3A_46 = arith.constant 0 : index
    %get3A_47 = arith.constant 0 : index
    %get3A_48 = arith.constant 0 : index
    %get3A_49 = vector.load %arg5[%get3A_46, %get3A_47, %get3A_48] : memref<1x512x512xf32, #tpu.memory_space<vmem>>, vector<1x512x512xf32>
    %get3A_50 = vector.shape_cast %get3A_49 : vector<1x512x512xf32> to vector<512x512xf32>
    %dot_general3A = arith.constant dense<0.000000e+00> : vector<196x512xf32>
    %dot_general3A_51 = tpu.matmul %add3A_45, %get3A_50, %dot_general3A {dimension_numbers = #tpu.dot_dimension_numbers<[1], [0], [0], [1], [0, 0, 1, 1], [], []>, transpose_lhs_hint = false} : vector<196x512xf32>, vector<512x512xf32>, vector<196x512xf32> -> vector<196x512xf32>
    %get3A_52 = arith.constant 0 : index
    %get3A_53 = arith.constant 0 : index
    %get3A_54 = arith.constant 0 : index
    %get3A_55 = vector.load %arg6[%get3A_52, %get3A_53, %get3A_54] : memref<1x512x512xf32, #tpu.memory_space<vmem>>, vector<1x512x512xf32>
    %get3A_56 = vector.shape_cast %get3A_55 : vector<1x512x512xf32> to vector<512x512xf32>
    %dot_general3A_57 = arith.constant dense<0.000000e+00> : vector<196x512xf32>
    %dot_general3A_58 = tpu.matmul %add3A_45, %get3A_56, %dot_general3A_57 {dimension_numbers = #tpu.dot_dimension_numbers<[1], [0], [0], [1], [0, 0, 1, 1], [], []>, transpose_lhs_hint = false} : vector<196x512xf32>, vector<512x512xf32>, vector<196x512xf32> -> vector<196x512xf32>
    %get3A_59 = arith.constant 0 : index
    %get3A_60 = arith.constant 0 : index
    %get3A_61 = arith.constant 0 : index
    %get3A_62 = vector.load %arg7[%get3A_59, %get3A_60, %get3A_61] : memref<1x512x512xf32, #tpu.memory_space<vmem>>, vector<1x512x512xf32>
    %get3A_63 = vector.shape_cast %get3A_62 : vector<1x512x512xf32> to vector<512x512xf32>
    %dot_general3A_64 = arith.constant dense<0.000000e+00> : vector<196x512xf32>
    %dot_general3A_65 = tpu.matmul %add3A_45, %get3A_63, %dot_general3A_64 {dimension_numbers = #tpu.dot_dimension_numbers<[1], [0], [0], [1], [0, 0, 1, 1], [], []>, transpose_lhs_hint = false} : vector<196x512xf32>, vector<512x512xf32>, vector<196x512xf32> -> vector<196x512xf32>
    %slice3A = vector.extract_strided_slice %dot_general3A_51 {offsets = [0, 0], sizes = [196, 64], strides = [1, 1]} : vector<196x512xf32> to vector<196x64xf32>
    %slice3A_66 = vector.extract_strided_slice %dot_general3A_58 {offsets = [0, 0], sizes = [196, 64], strides = [1, 1]} : vector<196x512xf32> to vector<196x64xf32>
    %dot_general3A_67 = arith.constant dense<0.000000e+00> : vector<196x196xf32>
    %dot_general3A_68 = tpu.matmul %slice3A, %slice3A_66, %dot_general3A_67 {dimension_numbers = #tpu.dot_dimension_numbers<[1], [1], [0], [0], [0, 0, 1, 0], [], []>, transpose_lhs_hint = false} : vector<196x64xf32>, vector<196x64xf32>, vector<196x196xf32> -> vector<196x196xf32>
    %mul3A_69 = arith.constant 1.250000e-01 : f32
    %mul3A_70 = vector.broadcast %mul3A_69 : f32 to vector<196x196xf32>
    %mul3A_71 = arith.mulf %dot_general3A_68, %mul3A_70 : vector<196x196xf32>
    %get3A_72 = arith.constant 0 : index
    %get3A_73 = arith.constant 0 : index
    %get3A_74 = arith.constant 0 : index
    %get3A_75 = vector.load %arg2[%get3A_72, %get3A_73, %get3A_74] : memref<8x196x196xf32, #tpu.memory_space<vmem>>, vector<1x196x196xf32>
    %get3A_76 = vector.shape_cast %get3A_75 : vector<1x196x196xf32> to vector<196x196xf32>
    %add3A_77 = arith.addf %mul3A_71, %get3A_76 : vector<196x196xf32>
    %reduce_max3A = arith.constant dense<0xFF800000> : vector<196xf32>
    %reduce_max3A_78 = vector.multi_reduction <maximumf>, %add3A_77, %reduce_max3A [1] : vector<196x196xf32> to vector<196xf32>
    %broadcast_in_dim3A_79 = vector.shape_cast %reduce_max3A_78 : vector<196xf32> to vector<196x1xf32>
    %sub3A_80 = vector.broadcast %broadcast_in_dim3A_79 : vector<196x1xf32> to vector<196x196xf32>
    %sub3A_81 = arith.subf %add3A_77, %sub3A_80 : vector<196x196xf32>
    %exp3A = math.exp %sub3A_81 : vector<196x196xf32>
    %reduce_sum3A_82 = arith.constant dense<0.000000e+00> : vector<196xf32>
    %reduce_sum3A_83 = vector.multi_reduction <add>, %exp3A, %reduce_sum3A_82 [1] : vector<196x196xf32> to vector<196xf32>
    %broadcast_in_dim3A_84 = vector.shape_cast %reduce_sum3A_83 : vector<196xf32> to vector<196x1xf32>
    %div3A_85 = vector.broadcast %broadcast_in_dim3A_84 : vector<196x1xf32> to vector<196x196xf32>
    %div3A_86 = arith.divf %exp3A, %div3A_85 : vector<196x196xf32>
    %slice3A_87 = vector.extract_strided_slice %dot_general3A_65 {offsets = [0, 0], sizes = [196, 64], strides = [1, 1]} : vector<196x512xf32> to vector<196x64xf32>
    %dot_general3A_88 = arith.constant dense<0.000000e+00> : vector<196x64xf32>
    %dot_general3A_89 = tpu.matmul %div3A_86, %slice3A_87, %dot_general3A_88 {dimension_numbers = #tpu.dot_dimension_numbers<[1], [0], [0], [1], [0, 0, 1, 1], [], []>, transpose_lhs_hint = false} : vector<196x196xf32>, vector<196x64xf32>, vector<196x64xf32> -> vector<196x64xf32>
    %swap3A = arith.constant 0 : index
    %swap3A_90 = arith.constant 0 : index
    %swap3A_91 = vector.load %arg18[%swap3A, %swap3A_90] : memref<196x512xf32, #tpu.memory_space<vmem>>, vector<196x64xf32>
    tpu.vector_store %arg18[%swap3A, %swap3A_90], %dot_general3A_89 {strides = array<i32>} : memref<196x512xf32, #tpu.memory_space<vmem>>, vector<196x64xf32>,
    %slice3A_92 = vector.extract_strided_slice %dot_general3A_51 {offsets = [0, 64], sizes = [196, 64], strides = [1, 1]} : vector<196x512xf32> to vector<196x64xf32>
    %slice3A_93 = vector.extract_strided_slice %dot_general3A_58 {offsets = [0, 64], sizes = [196, 64], strides = [1, 1]} : vector<196x512xf32> to vector<196x64xf32>
    %dot_general3A_94 = arith.constant dense<0.000000e+00> : vector<196x196xf32>
    %dot_general3A_95 = tpu.matmul %slice3A_92, %slice3A_93, %dot_general3A_94 {dimension_numbers = #tpu.dot_dimension_numbers<[1], [1], [0], [0], [0, 0, 1, 0], [], []>, transpose_lhs_hint = false} : vector<196x64xf32>, vector<196x64xf32>, vector<196x196xf32> -> vector<196x196xf32>
    %mul3A_96 = arith.constant 1.250000e-01 : f32
    %mul3A_97 = vector.broadcast %mul3A_96 : f32 to vector<196x196xf32>
    %mul3A_98 = arith.mulf %dot_general3A_95, %mul3A_97 : vector<196x196xf32>
    %get3A_99 = arith.constant 1 : index
    %get3A_100 = arith.constant 0 : index
    %get3A_101 = arith.constant 0 : index
    %get3A_102 = vector.load %arg2[%get3A_99, %get3A_100, %get3A_101] : memref<8x196x196xf32, #tpu.memory_space<vmem>>, vector<1x196x196xf32>
    %get3A_103 = vector.shape_cast %get3A_102 : vector<1x196x196xf32> to vector<196x196xf32>
    %add3A_104 = arith.addf %mul3A_98, %get3A_103 : vector<196x196xf32>
    %reduce_max3A_105 = arith.constant dense<0xFF800000> : vector<196xf32>
    %reduce_max3A_106 = vector.multi_reduction <maximumf>, %add3A_104, %reduce_max3A_105 [1] : vector<196x196xf32> to vector<196xf32>
    %broadcast_in_dim3A_107 = vector.shape_cast %reduce_max3A_106 : vector<196xf32> to vector<196x1xf32>
    %sub3A_108 = vector.broadcast %broadcast_in_dim3A_107 : vector<196x1xf32> to vector<196x196xf32>
    %sub3A_109 = arith.subf %add3A_104, %sub3A_108 : vector<196x196xf32>
    %exp3A_110 = math.exp %sub3A_109 : vector<196x196xf32>
    %reduce_sum3A_111 = arith.constant dense<0.000000e+00> : vector<196xf32>
    %reduce_sum3A_112 = vector.multi_reduction <add>, %exp3A_110, %reduce_sum3A_111 [1] : vector<196x196xf32> to vector<196xf32>
    %broadcast_in_dim3A_113 = vector.shape_cast %reduce_sum3A_112 : vector<196xf32> to vector<196x1xf32>
    %div3A_114 = vector.broadcast %broadcast_in_dim3A_113 : vector<196x1xf32> to vector<196x196xf32>
    %div3A_115 = arith.divf %exp3A_110, %div3A_114 : vector<196x196xf32>
    %slice3A_116 = vector.extract_strided_slice %dot_general3A_65 {offsets = [0, 64], sizes = [196, 64], strides = [1, 1]} : vector<196x512xf32> to vector<196x64xf32>
    %dot_general3A_117 = arith.constant dense<0.000000e+00> : vector<196x64xf32>
    %dot_general3A_118 = tpu.matmul %div3A_115, %slice3A_116, %dot_general3A_117 {dimension_numbers = #tpu.dot_dimension_numbers<[1], [0], [0], [1], [0, 0, 1, 1], [], []>, transpose_lhs_hint = false} : vector<196x196xf32>, vector<196x64xf32>, vector<196x64xf32> -> vector<196x64xf32>
    %swap3A_119 = arith.constant 0 : index
    %swap3A_120 = arith.constant 64 : index
    %swap3A_121 = vector.load %arg18[%swap3A_119, %swap3A_120] : memref<196x512xf32, #tpu.memory_space<vmem>>, vector<196x64xf32>
    tpu.vector_store %arg18[%swap3A_119, %swap3A_120], %dot_general3A_118 {strides = array<i32>} : memref<196x512xf32, #tpu.memory_space<vmem>>, vector<196x64xf32>,
    %slice3A_122 = vector.extract_strided_slice %dot_general3A_51 {offsets = [0, 128], sizes = [196, 64], strides = [1, 1]} : vector<196x512xf32> to vector<196x64xf32>
    %slice3A_123 = vector.extract_strided_slice %dot_general3A_58 {offsets = [0, 128], sizes = [196, 64], strides = [1, 1]} : vector<196x512xf32> to vector<196x64xf32>
    %dot_general3A_124 = arith.constant dense<0.000000e+00> : vector<196x196xf32>
    %dot_general3A_125 = tpu.matmul %slice3A_122, %slice3A_123, %dot_general3A_124 {dimension_numbers = #tpu.dot_dimension_numbers<[1], [1], [0], [0], [0, 0, 1, 0], [], []>, transpose_lhs_hint = false} : vector<196x64xf32>, vector<196x64xf32>, vector<196x196xf32> -> vector<196x196xf32>
    %mul3A_126 = arith.constant 1.250000e-01 : f32
    %mul3A_127 = vector.broadcast %mul3A_126 : f32 to vector<196x196xf32>
    %mul3A_128 = arith.mulf %dot_general3A_125, %mul3A_127 : vector<196x196xf32>
    %get3A_129 = arith.constant 2 : index
    %get3A_130 = arith.constant 0 : index
    %get3A_131 = arith.constant 0 : index
    %get3A_132 = vector.load %arg2[%get3A_129, %get3A_130, %get3A_131] : memref<8x196x196xf32, #tpu.memory_space<vmem>>, vector<1x196x196xf32>
    %get3A_133 = vector.shape_cast %get3A_132 : vector<1x196x196xf32> to vector<196x196xf32>
    %add3A_134 = arith.addf %mul3A_128, %get3A_133 : vector<196x196xf32>
    %reduce_max3A_135 = arith.constant dense<0xFF800000> : vector<196xf32>
    %reduce_max3A_136 = vector.multi_reduction <maximumf>, %add3A_134, %reduce_max3A_135 [1] : vector<196x196xf32> to vector<196xf32>
    %broadcast_in_dim3A_137 = vector.shape_cast %reduce_max3A_136 : vector<196xf32> to vector<196x1xf32>
    %sub3A_138 = vector.broadcast %broadcast_in_dim3A_137 : vector<196x1xf32> to vector<196x196xf32>
    %sub3A_139 = arith.subf %add3A_134, %sub3A_138 : vector<196x196xf32>
    %exp3A_140 = math.exp %sub3A_139 : vector<196x196xf32>
    %reduce_sum3A_141 = arith.constant dense<0.000000e+00> : vector<196xf32>
    %reduce_sum3A_142 = vector.multi_reduction <add>, %exp3A_140, %reduce_sum3A_141 [1] : vector<196x196xf32> to vector<196xf32>
    %broadcast_in_dim3A_143 = vector.shape_cast %reduce_sum3A_142 : vector<196xf32> to vector<196x1xf32>
    %div3A_144 = vector.broadcast %broadcast_in_dim3A_143 : vector<196x1xf32> to vector<196x196xf32>
    %div3A_145 = arith.divf %exp3A_140, %div3A_144 : vector<196x196xf32>
    %slice3A_146 = vector.extract_strided_slice %dot_general3A_65 {offsets = [0, 128], sizes = [196, 64], strides = [1, 1]} : vector<196x512xf32> to vector<196x64xf32>
    %dot_general3A_147 = arith.constant dense<0.000000e+00> : vector<196x64xf32>
    %dot_general3A_148 = tpu.matmul %div3A_145, %slice3A_146, %dot_general3A_147 {dimension_numbers = #tpu.dot_dimension_numbers<[1], [0], [0], [1], [0, 0, 1, 1], [], []>, transpose_lhs_hint = false} : vector<196x196xf32>, vector<196x64xf32>, vector<196x64xf32> -> vector<196x64xf32>
    %swap3A_149 = arith.constant 0 : index
    %swap3A_150 = arith.constant 128 : index
    %swap3A_151 = vector.load %arg18[%swap3A_149, %swap3A_150] : memref<196x512xf32, #tpu.memory_space<vmem>>, vector<196x64xf32>
    tpu.vector_store %arg18[%swap3A_149, %swap3A_150], %dot_general3A_148 {strides = array<i32>} : memref<196x512xf32, #tpu.memory_space<vmem>>, vector<196x64xf32>,
    %slice3A_152 = vector.extract_strided_slice %dot_general3A_51 {offsets = [0, 192], sizes = [196, 64], strides = [1, 1]} : vector<196x512xf32> to vector<196x64xf32>
    %slice3A_153 = vector.extract_strided_slice %dot_general3A_58 {offsets = [0, 192], sizes = [196, 64], strides = [1, 1]} : vector<196x512xf32> to vector<196x64xf32>
    %dot_general3A_154 = arith.constant dense<0.000000e+00> : vector<196x196xf32>
    %dot_general3A_155 = tpu.matmul %slice3A_152, %slice3A_153, %dot_general3A_154 {dimension_numbers = #tpu.dot_dimension_numbers<[1], [1], [0], [0], [0, 0, 1, 0], [], []>, transpose_lhs_hint = false} : vector<196x64xf32>, vector<196x64xf32>, vector<196x196xf32> -> vector<196x196xf32>
    %mul3A_156 = arith.constant 1.250000e-01 : f32
    %mul3A_157 = vector.broadcast %mul3A_156 : f32 to vector<196x196xf32>
    %mul3A_158 = arith.mulf %dot_general3A_155, %mul3A_157 : vector<196x196xf32>
    %get3A_159 = arith.constant 3 : index
    %get3A_160 = arith.constant 0 : index
    %get3A_161 = arith.constant 0 : index
    %get3A_162 = vector.load %arg2[%get3A_159, %get3A_160, %get3A_161] : memref<8x196x196xf32, #tpu.memory_space<vmem>>, vector<1x196x196xf32>
    %get3A_163 = vector.shape_cast %get3A_162 : vector<1x196x196xf32> to vector<196x196xf32>
    %add3A_164 = arith.addf %mul3A_158, %get3A_163 : vector<196x196xf32>
    %reduce_max3A_165 = arith.constant dense<0xFF800000> : vector<196xf32>
    %reduce_max3A_166 = vector.multi_reduction <maximumf>, %add3A_164, %reduce_max3A_165 [1] : vector<196x196xf32> to vector<196xf32>
    %broadcast_in_dim3A_167 = vector.shape_cast %reduce_max3A_166 : vector<196xf32> to vector<196x1xf32>
    %sub3A_168 = vector.broadcast %broadcast_in_dim3A_167 : vector<196x1xf32> to vector<196x196xf32>
    %sub3A_169 = arith.subf %add3A_164, %sub3A_168 : vector<196x196xf32>
    %exp3A_170 = math.exp %sub3A_169 : vector<196x196xf32>
    %reduce_sum3A_171 = arith.constant dense<0.000000e+00> : vector<196xf32>
    %reduce_sum3A_172 = vector.multi_reduction <add>, %exp3A_170, %reduce_sum3A_171 [1] : vector<196x196xf32> to vector<196xf32>
    %broadcast_in_dim3A_173 = vector.shape_cast %reduce_sum3A_172 : vector<196xf32> to vector<196x1xf32>
    %div3A_174 = vector.broadcast %broadcast_in_dim3A_173 : vector<196x1xf32> to vector<196x196xf32>
    %div3A_175 = arith.divf %exp3A_170, %div3A_174 : vector<196x196xf32>
    %slice3A_176 = vector.extract_strided_slice %dot_general3A_65 {offsets = [0, 192], sizes = [196, 64], strides = [1, 1]} : vector<196x512xf32> to vector<196x64xf32>
    %dot_general3A_177 = arith.constant dense<0.000000e+00> : vector<196x64xf32>
    %dot_general3A_178 = tpu.matmul %div3A_175, %slice3A_176, %dot_general3A_177 {dimension_numbers = #tpu.dot_dimension_numbers<[1], [0], [0], [1], [0, 0, 1, 1], [], []>, transpose_lhs_hint = false} : vector<196x196xf32>, vector<196x64xf32>, vector<196x64xf32> -> vector<196x64xf32>
    %swap3A_179 = arith.constant 0 : index
    %swap3A_180 = arith.constant 192 : index
    %swap3A_181 = vector.load %arg18[%swap3A_179, %swap3A_180] : memref<196x512xf32, #tpu.memory_space<vmem>>, vector<196x64xf32>
    tpu.vector_store %arg18[%swap3A_179, %swap3A_180], %dot_general3A_178 {strides = array<i32>} : memref<196x512xf32, #tpu.memory_space<vmem>>, vector<196x64xf32>,
    %slice3A_182 = vector.extract_strided_slice %dot_general3A_51 {offsets = [0, 256], sizes = [196, 64], strides = [1, 1]} : vector<196x512xf32> to vector<196x64xf32>
    %slice3A_183 = vector.extract_strided_slice %dot_general3A_58 {offsets = [0, 256], sizes = [196, 64], strides = [1, 1]} : vector<196x512xf32> to vector<196x64xf32>
    %dot_general3A_184 = arith.constant dense<0.000000e+00> : vector<196x196xf32>
    %dot_general3A_185 = tpu.matmul %slice3A_182, %slice3A_183, %dot_general3A_184 {dimension_numbers = #tpu.dot_dimension_numbers<[1], [1], [0], [0], [0, 0, 1, 0], [], []>, transpose_lhs_hint = false} : vector<196x64xf32>, vector<196x64xf32>, vector<196x196xf32> -> vector<196x196xf32>
    %mul3A_186 = arith.constant 1.250000e-01 : f32
    %mul3A_187 = vector.broadcast %mul3A_186 : f32 to vector<196x196xf32>
    %mul3A_188 = arith.mulf %dot_general3A_185, %mul3A_187 : vector<196x196xf32>
    %get3A_189 = arith.constant 4 : index
    %get3A_190 = arith.constant 0 : index
    %get3A_191 = arith.constant 0 : index
    %get3A_192 = vector.load %arg2[%get3A_189, %get3A_190, %get3A_191] : memref<8x196x196xf32, #tpu.memory_space<vmem>>, vector<1x196x196xf32>
    %get3A_193 = vector.shape_cast %get3A_192 : vector<1x196x196xf32> to vector<196x196xf32>
    %add3A_194 = arith.addf %mul3A_188, %get3A_193 : vector<196x196xf32>
    %reduce_max3A_195 = arith.constant dense<0xFF800000> : vector<196xf32>
    %reduce_max3A_196 = vector.multi_reduction <maximumf>, %add3A_194, %reduce_max3A_195 [1] : vector<196x196xf32> to vector<196xf32>
    %broadcast_in_dim3A_197 = vector.shape_cast %reduce_max3A_196 : vector<196xf32> to vector<196x1xf32>
    %sub3A_198 = vector.broadcast %broadcast_in_dim3A_197 : vector<196x1xf32> to vector<196x196xf32>
    %sub3A_199 = arith.subf %add3A_194, %sub3A_198 : vector<196x196xf32>
    %exp3A_200 = math.exp %sub3A_199 : vector<196x196xf32>
    %reduce_sum3A_201 = arith.constant dense<0.000000e+00> : vector<196xf32>
    %reduce_sum3A_202 = vector.multi_reduction <add>, %exp3A_200, %reduce_sum3A_201 [1] : vector<196x196xf32> to vector<196xf32>
    %broadcast_in_dim3A_203 = vector.shape_cast %reduce_sum3A_202 : vector<196xf32> to vector<196x1xf32>
    %div3A_204 = vector.broadcast %broadcast_in_dim3A_203 : vector<196x1xf32> to vector<196x196xf32>
    %div3A_205 = arith.divf %exp3A_200, %div3A_204 : vector<196x196xf32>
    %slice3A_206 = vector.extract_strided_slice %dot_general3A_65 {offsets = [0, 256], sizes = [196, 64], strides = [1, 1]} : vector<196x512xf32> to vector<196x64xf32>
    %dot_general3A_207 = arith.constant dense<0.000000e+00> : vector<196x64xf32>
    %dot_general3A_208 = tpu.matmul %div3A_205, %slice3A_206, %dot_general3A_207 {dimension_numbers = #tpu.dot_dimension_numbers<[1], [0], [0], [1], [0, 0, 1, 1], [], []>, transpose_lhs_hint = false} : vector<196x196xf32>, vector<196x64xf32>, vector<196x64xf32> -> vector<196x64xf32>
    %swap3A_209 = arith.constant 0 : index
    %swap3A_210 = arith.constant 256 : index
    %swap3A_211 = vector.load %arg18[%swap3A_209, %swap3A_210] : memref<196x512xf32, #tpu.memory_space<vmem>>, vector<196x64xf32>
    tpu.vector_store %arg18[%swap3A_209, %swap3A_210], %dot_general3A_208 {strides = array<i32>} : memref<196x512xf32, #tpu.memory_space<vmem>>, vector<196x64xf32>,
    %slice3A_212 = vector.extract_strided_slice %dot_general3A_51 {offsets = [0, 320], sizes = [196, 64], strides = [1, 1]} : vector<196x512xf32> to vector<196x64xf32>
    %slice3A_213 = vector.extract_strided_slice %dot_general3A_58 {offsets = [0, 320], sizes = [196, 64], strides = [1, 1]} : vector<196x512xf32> to vector<196x64xf32>
    %dot_general3A_214 = arith.constant dense<0.000000e+00> : vector<196x196xf32>
    %dot_general3A_215 = tpu.matmul %slice3A_212, %slice3A_213, %dot_general3A_214 {dimension_numbers = #tpu.dot_dimension_numbers<[1], [1], [0], [0], [0, 0, 1, 0], [], []>, transpose_lhs_hint = false} : vector<196x64xf32>, vector<196x64xf32>, vector<196x196xf32> -> vector<196x196xf32>
    %mul3A_216 = arith.constant 1.250000e-01 : f32
    %mul3A_217 = vector.broadcast %mul3A_216 : f32 to vector<196x196xf32>
    %mul3A_218 = arith.mulf %dot_general3A_215, %mul3A_217 : vector<196x196xf32>
    %get3A_219 = arith.constant 5 : index
    %get3A_220 = arith.constant 0 : index
    %get3A_221 = arith.constant 0 : index
    %get3A_222 = vector.load %arg2[%get3A_219, %get3A_220, %get3A_221] : memref<8x196x196xf32, #tpu.memory_space<vmem>>, vector<1x196x196xf32>
    %get3A_223 = vector.shape_cast %get3A_222 : vector<1x196x196xf32> to vector<196x196xf32>
    %add3A_224 = arith.addf %mul3A_218, %get3A_223 : vector<196x196xf32>
    %reduce_max3A_225 = arith.constant dense<0xFF800000> : vector<196xf32>
    %reduce_max3A_226 = vector.multi_reduction <maximumf>, %add3A_224, %reduce_max3A_225 [1] : vector<196x196xf32> to vector<196xf32>
    %broadcast_in_dim3A_227 = vector.shape_cast %reduce_max3A_226 : vector<196xf32> to vector<196x1xf32>
    %sub3A_228 = vector.broadcast %broadcast_in_dim3A_227 : vector<196x1xf32> to vector<196x196xf32>
    %sub3A_229 = arith.subf %add3A_224, %sub3A_228 : vector<196x196xf32>
    %exp3A_230 = math.exp %sub3A_229 : vector<196x196xf32>
    %reduce_sum3A_231 = arith.constant dense<0.000000e+00> : vector<196xf32>
    %reduce_sum3A_232 = vector.multi_reduction <add>, %exp3A_230, %reduce_sum3A_231 [1] : vector<196x196xf32> to vector<196xf32>
    %broadcast_in_dim3A_233 = vector.shape_cast %reduce_sum3A_232 : vector<196xf32> to vector<196x1xf32>
    %div3A_234 = vector.broadcast %broadcast_in_dim3A_233 : vector<196x1xf32> to vector<196x196xf32>
    %div3A_235 = arith.divf %exp3A_230, %div3A_234 : vector<196x196xf32>
    %slice3A_236 = vector.extract_strided_slice %dot_general3A_65 {offsets = [0, 320], sizes = [196, 64], strides = [1, 1]} : vector<196x512xf32> to vector<196x64xf32>
    %dot_general3A_237 = arith.constant dense<0.000000e+00> : vector<196x64xf32>
    %dot_general3A_238 = tpu.matmul %div3A_235, %slice3A_236, %dot_general3A_237 {dimension_numbers = #tpu.dot_dimension_numbers<[1], [0], [0], [1], [0, 0, 1, 1], [], []>, transpose_lhs_hint = false} : vector<196x196xf32>, vector<196x64xf32>, vector<196x64xf32> -> vector<196x64xf32>
    %swap3A_239 = arith.constant 0 : index
    %swap3A_240 = arith.constant 320 : index
    %swap3A_241 = vector.load %arg18[%swap3A_239, %swap3A_240] : memref<196x512xf32, #tpu.memory_space<vmem>>, vector<196x64xf32>
    tpu.vector_store %arg18[%swap3A_239, %swap3A_240], %dot_general3A_238 {strides = array<i32>} : memref<196x512xf32, #tpu.memory_space<vmem>>, vector<196x64xf32>,
    %slice3A_242 = vector.extract_strided_slice %dot_general3A_51 {offsets = [0, 384], sizes = [196, 64], strides = [1, 1]} : vector<196x512xf32> to vector<196x64xf32>
    %slice3A_243 = vector.extract_strided_slice %dot_general3A_58 {offsets = [0, 384], sizes = [196, 64], strides = [1, 1]} : vector<196x512xf32> to vector<196x64xf32>
    %dot_general3A_244 = arith.constant dense<0.000000e+00> : vector<196x196xf32>
    %dot_general3A_245 = tpu.matmul %slice3A_242, %slice3A_243, %dot_general3A_244 {dimension_numbers = #tpu.dot_dimension_numbers<[1], [1], [0], [0], [0, 0, 1, 0], [], []>, transpose_lhs_hint = false} : vector<196x64xf32>, vector<196x64xf32>, vector<196x196xf32> -> vector<196x196xf32>
    %mul3A_246 = arith.constant 1.250000e-01 : f32
    %mul3A_247 = vector.broadcast %mul3A_246 : f32 to vector<196x196xf32>
    %mul3A_248 = arith.mulf %dot_general3A_245, %mul3A_247 : vector<196x196xf32>
    %get3A_249 = arith.constant 6 : index
    %get3A_250 = arith.constant 0 : index
    %get3A_251 = arith.constant 0 : index
    %get3A_252 = vector.load %arg2[%get3A_249, %get3A_250, %get3A_251] : memref<8x196x196xf32, #tpu.memory_space<vmem>>, vector<1x196x196xf32>
    %get3A_253 = vector.shape_cast %get3A_252 : vector<1x196x196xf32> to vector<196x196xf32>
    %add3A_254 = arith.addf %mul3A_248, %get3A_253 : vector<196x196xf32>
    %reduce_max3A_255 = arith.constant dense<0xFF800000> : vector<196xf32>
    %reduce_max3A_256 = vector.multi_reduction <maximumf>, %add3A_254, %reduce_max3A_255 [1] : vector<196x196xf32> to vector<196xf32>
    %broadcast_in_dim3A_257 = vector.shape_cast %reduce_max3A_256 : vector<196xf32> to vector<196x1xf32>
    %sub3A_258 = vector.broadcast %broadcast_in_dim3A_257 : vector<196x1xf32> to vector<196x196xf32>
    %sub3A_259 = arith.subf %add3A_254, %sub3A_258 : vector<196x196xf32>
    %exp3A_260 = math.exp %sub3A_259 : vector<196x196xf32>
    %reduce_sum3A_261 = arith.constant dense<0.000000e+00> : vector<196xf32>
    %reduce_sum3A_262 = vector.multi_reduction <add>, %exp3A_260, %reduce_sum3A_261 [1] : vector<196x196xf32> to vector<196xf32>
    %broadcast_in_dim3A_263 = vector.shape_cast %reduce_sum3A_262 : vector<196xf32> to vector<196x1xf32>
    %div3A_264 = vector.broadcast %broadcast_in_dim3A_263 : vector<196x1xf32> to vector<196x196xf32>
    %div3A_265 = arith.divf %exp3A_260, %div3A_264 : vector<196x196xf32>
    %slice3A_266 = vector.extract_strided_slice %dot_general3A_65 {offsets = [0, 384], sizes = [196, 64], strides = [1, 1]} : vector<196x512xf32> to vector<196x64xf32>
    %dot_general3A_267 = arith.constant dense<0.000000e+00> : vector<196x64xf32>
    %dot_general3A_268 = tpu.matmul %div3A_265, %slice3A_266, %dot_general3A_267 {dimension_numbers = #tpu.dot_dimension_numbers<[1], [0], [0], [1], [0, 0, 1, 1], [], []>, transpose_lhs_hint = false} : vector<196x196xf32>, vector<196x64xf32>, vector<196x64xf32> -> vector<196x64xf32>
    %swap3A_269 = arith.constant 0 : index
    %swap3A_270 = arith.constant 384 : index
    %swap3A_271 = vector.load %arg18[%swap3A_269, %swap3A_270] : memref<196x512xf32, #tpu.memory_space<vmem>>, vector<196x64xf32>
    tpu.vector_store %arg18[%swap3A_269, %swap3A_270], %dot_general3A_268 {strides = array<i32>} : memref<196x512xf32, #tpu.memory_space<vmem>>, vector<196x64xf32>,
    %slice3A_272 = vector.extract_strided_slice %dot_general3A_51 {offsets = [0, 448], sizes = [196, 64], strides = [1, 1]} : vector<196x512xf32> to vector<196x64xf32>
    %slice3A_273 = vector.extract_strided_slice %dot_general3A_58 {offsets = [0, 448], sizes = [196, 64], strides = [1, 1]} : vector<196x512xf32> to vector<196x64xf32>
    %dot_general3A_274 = arith.constant dense<0.000000e+00> : vector<196x196xf32>
    %dot_general3A_275 = tpu.matmul %slice3A_272, %slice3A_273, %dot_general3A_274 {dimension_numbers = #tpu.dot_dimension_numbers<[1], [1], [0], [0], [0, 0, 1, 0], [], []>, transpose_lhs_hint = false} : vector<196x64xf32>, vector<196x64xf32>, vector<196x196xf32> -> vector<196x196xf32>
    %mul3A_276 = arith.constant 1.250000e-01 : f32
    %mul3A_277 = vector.broadcast %mul3A_276 : f32 to vector<196x196xf32>
    %mul3A_278 = arith.mulf %dot_general3A_275, %mul3A_277 : vector<196x196xf32>
    %get3A_279 = arith.constant 7 : index
    %get3A_280 = arith.constant 0 : index
    %get3A_281 = arith.constant 0 : index
    %get3A_282 = vector.load %arg2[%get3A_279, %get3A_280, %get3A_281] : memref<8x196x196xf32, #tpu.memory_space<vmem>>, vector<1x196x196xf32>
    %get3A_283 = vector.shape_cast %get3A_282 : vector<1x196x196xf32> to vector<196x196xf32>
    %add3A_284 = arith.addf %mul3A_278, %get3A_283 : vector<196x196xf32>
    %reduce_max3A_285 = arith.constant dense<0xFF800000> : vector<196xf32>
    %reduce_max3A_286 = vector.multi_reduction <maximumf>, %add3A_284, %reduce_max3A_285 [1] : vector<196x196xf32> to vector<196xf32>
    %broadcast_in_dim3A_287 = vector.shape_cast %reduce_max3A_286 : vector<196xf32> to vector<196x1xf32>
    %sub3A_288 = vector.broadcast %broadcast_in_dim3A_287 : vector<196x1xf32> to vector<196x196xf32>
    %sub3A_289 = arith.subf %add3A_284, %sub3A_288 : vector<196x196xf32>
    %exp3A_290 = math.exp %sub3A_289 : vector<196x196xf32>
    %reduce_sum3A_291 = arith.constant dense<0.000000e+00> : vector<196xf32>
    %reduce_sum3A_292 = vector.multi_reduction <add>, %exp3A_290, %reduce_sum3A_291 [1] : vector<196x196xf32> to vector<196xf32>
    %broadcast_in_dim3A_293 = vector.shape_cast %reduce_sum3A_292 : vector<196xf32> to vector<196x1xf32>
    %div3A_294 = vector.broadcast %broadcast_in_dim3A_293 : vector<196x1xf32> to vector<196x196xf32>
    %div3A_295 = arith.divf %exp3A_290, %div3A_294 : vector<196x196xf32>
    %slice3A_296 = vector.extract_strided_slice %dot_general3A_65 {offsets = [0, 448], sizes = [196, 64], strides = [1, 1]} : vector<196x512xf32> to vector<196x64xf32>
    %dot_general3A_297 = arith.constant dense<0.000000e+00> : vector<196x64xf32>
    %dot_general3A_298 = tpu.matmul %div3A_295, %slice3A_296, %dot_general3A_297 {dimension_numbers = #tpu.dot_dimension_numbers<[1], [0], [0], [1], [0, 0, 1, 1], [], []>, transpose_lhs_hint = false} : vector<196x196xf32>, vector<196x64xf32>, vector<196x64xf32> -> vector<196x64xf32>
    %swap3A_299 = arith.constant 0 : index
    %swap3A_300 = arith.constant 448 : index
    %swap3A_301 = vector.load %arg18[%swap3A_299, %swap3A_300] : memref<196x512xf32, #tpu.memory_space<vmem>>, vector<196x64xf32>
    tpu.vector_store %arg18[%swap3A_299, %swap3A_300], %dot_general3A_298 {strides = array<i32>} : memref<196x512xf32, #tpu.memory_space<vmem>>, vector<196x64xf32>,
    %get3A_302 = arith.constant 0 : index
    %get3A_303 = arith.constant 0 : index
    %get3A_304 = vector.load %arg18[%get3A_302, %get3A_303] : memref<196x512xf32, #tpu.memory_space<vmem>>, vector<196x512xf32>
    %get3A_305 = arith.constant 0 : index
    %get3A_306 = arith.constant 0 : index
    %get3A_307 = arith.constant 0 : index
    %get3A_308 = vector.load %arg8[%get3A_305, %get3A_306, %get3A_307] : memref<1x512x512xf32, #tpu.memory_space<vmem>>, vector<1x512x512xf32>
    %get3A_309 = vector.shape_cast %get3A_308 : vector<1x512x512xf32> to vector<512x512xf32>
    %dot_general3A_310 = arith.constant dense<0.000000e+00> : vector<196x512xf32>
    %dot_general3A_311 = tpu.matmul %get3A_304, %get3A_309, %dot_general3A_310 {dimension_numbers = #tpu.dot_dimension_numbers<[1], [0], [0], [1], [0, 0, 1, 1], [], []>, transpose_lhs_hint = false} : vector<196x512xf32>, vector<512x512xf32>, vector<196x512xf32> -> vector<196x512xf32>
    %add3A_312 = arith.addf %get3A_5, %dot_general3A_311 : vector<196x512xf32>
    %get3A_313 = arith.constant 0 : index
    %get3A_314 = arith.constant 0 : index
    %get3A_315 = arith.constant 0 : index
    %get3A_316 = vector.load %arg9[%get3A_313, %get3A_314, %get3A_315] : memref<1x1x512xf32, #tpu.memory_space<vmem>>, vector<1x1x512xf32>
    %get3A_317 = vector.shape_cast %get3A_316 : vector<1x1x512xf32> to vector<1x512xf32>
    %get3A_318 = arith.constant 0 : index
    %get3A_319 = arith.constant 0 : index
    %get3A_320 = arith.constant 0 : index
    %get3A_321 = vector.load %arg10[%get3A_318, %get3A_319, %get3A_320] : memref<1x1x512xf32, #tpu.memory_space<vmem>>, vector<1x1x512xf32>
    %get3A_322 = vector.shape_cast %get3A_321 : vector<1x1x512xf32> to vector<1x512xf32>
    %reduce_sum3A_323 = arith.constant dense<0.000000e+00> : vector<196xf32>
    %reduce_sum3A_324 = vector.multi_reduction <add>, %add3A_312, %reduce_sum3A_323 [1] : vector<196x512xf32> to vector<196xf32>
    %broadcast_in_dim3A_325 = vector.shape_cast %reduce_sum3A_324 : vector<196xf32> to vector<196x1xf32>
    %div3A_326 = arith.constant 5.120000e+02 : f32
    %div3A_327 = vector.broadcast %div3A_326 : f32 to vector<196x1xf32>
    %div3A_328 = arith.divf %broadcast_in_dim3A_325, %div3A_327 : vector<196x1xf32>
    %jit3A_329 = arith.constant 0 : i32
    %reduce_sum3A_330 = arith.constant dense<0.000000e+00> : vector<196xf32>
    %reduce_sum3A_331 = vector.multi_reduction <add>, %add3A_312, %reduce_sum3A_330 [1] : vector<196x512xf32> to vector<196xf32>
    %broadcast_in_dim3A_332 = vector.shape_cast %reduce_sum3A_331 : vector<196xf32> to vector<196x1xf32>
    %div3A_333 = arith.constant 5.120000e+02 : f32
    %div3A_334 = vector.broadcast %div3A_333 : f32 to vector<196x1xf32>
    %div3A_335 = arith.divf %broadcast_in_dim3A_332, %div3A_334 : vector<196x1xf32>
    %sub3A_336 = vector.broadcast %div3A_335 : vector<196x1xf32> to vector<196x512xf32>
    %sub3A_337 = arith.subf %add3A_312, %sub3A_336 : vector<196x512xf32>
    %square3A_338 = arith.mulf %sub3A_337, %sub3A_337 : vector<196x512xf32>
    %convert_element_type3A_339 = arith.sitofp %jit3A_329 : i32 to f32
    %sub3A_340 = arith.constant 5.120000e+02 : f32
    %sub3A_341 = arith.subf %sub3A_340, %convert_element_type3A_339 : f32
    %reduce_sum3A_342 = arith.constant dense<0.000000e+00> : vector<196xf32>
    %reduce_sum3A_343 = vector.multi_reduction <add>, %square3A_338, %reduce_sum3A_342 [1] : vector<196x512xf32> to vector<196xf32>
    %broadcast_in_dim3A_344 = vector.shape_cast %reduce_sum3A_343 : vector<196xf32> to vector<196x1xf32>
    %div3A_345 = vector.broadcast %sub3A_341 : f32 to vector<196x1xf32>
    %div3A_346 = arith.divf %broadcast_in_dim3A_344, %div3A_345 : vector<196x1xf32>
    %gt3A_347 = arith.constant 0.000000e+00 : f32
    %gt3A_348 = arith.cmpf ogt, %sub3A_341, %gt3A_347 : f32
    %jit3A_349 = arith.constant 0x7FC00000 : f32
    %broadcast_in_dim3A_350 = vector.broadcast %jit3A_349 : f32 to vector<196x1xf32>
    %select_n3A_351 = arith.select %gt3A_348, %div3A_346, %broadcast_in_dim3A_350 : vector<196x1xf32>
    %sub3A_352 = vector.broadcast %div3A_328 : vector<196x1xf32> to vector<196x512xf32>
    %sub3A_353 = arith.subf %add3A_312, %sub3A_352 : vector<196x512xf32>
    %add3A_354 = arith.constant 9.99999974E-6 : f32
    %add3A_355 = vector.broadcast %add3A_354 : f32 to vector<196x1xf32>
    %add3A_356 = arith.addf %select_n3A_351, %add3A_355 : vector<196x1xf32>
    %sqrt3A_357 = math.sqrt %add3A_356 : vector<196x1xf32>
    %div3A_358 = vector.broadcast %sqrt3A_357 : vector<196x1xf32> to vector<196x512xf32>
    %div3A_359 = arith.divf %sub3A_353, %div3A_358 : vector<196x512xf32>
    %mul3A_360 = vector.broadcast %get3A_317 : vector<1x512xf32> to vector<196x512xf32>
    %mul3A_361 = arith.mulf %div3A_359, %mul3A_360 : vector<196x512xf32>
    %add3A_362 = vector.broadcast %get3A_322 : vector<1x512xf32> to vector<196x512xf32>
    %add3A_363 = arith.addf %mul3A_361, %add3A_362 : vector<196x512xf32>
    %get3A_364 = arith.constant 0 : index
    %get3A_365 = arith.constant 0 : index
    %get3A_366 = arith.constant 0 : index
    %get3A_367 = vector.load %arg11[%get3A_364, %get3A_365, %get3A_366] : memref<1x512x1408xf32, #tpu.memory_space<vmem>>, vector<1x512x1408xf32>
    %get3A_368 = vector.shape_cast %get3A_367 : vector<1x512x1408xf32> to vector<512x1408xf32>
    %dot_general3A_369 = arith.constant dense<0.000000e+00> : vector<196x1408xf32>
    %dot_general3A_370 = tpu.matmul %add3A_363, %get3A_368, %dot_general3A_369 {dimension_numbers = #tpu.dot_dimension_numbers<[1], [0], [0], [1], [0, 0, 1, 1], [], []>, transpose_lhs_hint = false} : vector<196x512xf32>, vector<512x1408xf32>, vector<196x1408xf32> -> vector<196x1408xf32>
    %get3A_371 = arith.constant 0 : index
    %get3A_372 = arith.constant 0 : index
    %get3A_373 = arith.constant 0 : index
    %get3A_374 = vector.load %arg12[%get3A_371, %get3A_372, %get3A_373] : memref<1x512x1408xf32, #tpu.memory_space<vmem>>, vector<1x512x1408xf32>
    %get3A_375 = vector.shape_cast %get3A_374 : vector<1x512x1408xf32> to vector<512x1408xf32>
    %dot_general3A_376 = arith.constant dense<0.000000e+00> : vector<196x1408xf32>
    %dot_general3A_377 = tpu.matmul %add3A_363, %get3A_375, %dot_general3A_376 {dimension_numbers = #tpu.dot_dimension_numbers<[1], [0], [0], [1], [0, 0, 1, 1], [], []>, transpose_lhs_hint = false} : vector<196x512xf32>, vector<512x1408xf32>, vector<196x1408xf32> -> vector<196x1408xf32>
    %integer_pow3A = arith.mulf %dot_general3A_377, %dot_general3A_377 : vector<196x1408xf32>
    %integer_pow3A_378 = arith.mulf %dot_general3A_377, %integer_pow3A : vector<196x1408xf32>
    %mul3A_379 = arith.constant 4.471500e-02 : f32
    %mul3A_380 = vector.broadcast %mul3A_379 : f32 to vector<196x1408xf32>
    %mul3A_381 = arith.mulf %mul3A_380, %integer_pow3A_378 : vector<196x1408xf32>
    %add3A_382 = arith.addf %dot_general3A_377, %mul3A_381 : vector<196x1408xf32>
    %mul3A_383 = arith.constant 0.797884583 : f32
    %mul3A_384 = vector.broadcast %mul3A_383 : f32 to vector<196x1408xf32>
    %mul3A_385 = arith.mulf %mul3A_384, %add3A_382 : vector<196x1408xf32>
    %tanh3A = math.tanh %mul3A_385 : vector<196x1408xf32>
    %add3A_386 = arith.constant 1.000000e+00 : f32
    %add3A_387 = vector.broadcast %add3A_386 : f32 to vector<196x1408xf32>
    %add3A_388 = arith.addf %add3A_387, %tanh3A : vector<196x1408xf32>
    %mul3A_389 = arith.constant 5.000000e-01 : f32
    %mul3A_390 = vector.broadcast %mul3A_389 : f32 to vector<196x1408xf32>
    %mul3A_391 = arith.mulf %mul3A_390, %add3A_388 : vector<196x1408xf32>
    %mul3A_392 = arith.mulf %dot_general3A_377, %mul3A_391 : vector<196x1408xf32>
    %mul3A_393 = arith.mulf %dot_general3A_370, %mul3A_392 : vector<196x1408xf32>
    %get3A_394 = arith.constant 0 : index
    %get3A_395 = arith.constant 0 : index
    %get3A_396 = arith.constant 0 : index
    %get3A_397 = vector.load %arg13[%get3A_394, %get3A_395, %get3A_396] : memref<1x1408x512xf32, #tpu.memory_space<vmem>>, vector<1x1408x512xf32>
    %get3A_398 = vector.shape_cast %get3A_397 : vector<1x1408x512xf32> to vector<1408x512xf32>
    %dot_general3A_399 = arith.constant dense<0.000000e+00> : vector<196x512xf32>
    %dot_general3A_400 = tpu.matmul %mul3A_393, %get3A_398, %dot_general3A_399 {dimension_numbers = #tpu.dot_dimension_numbers<[1], [0], [0], [1], [0, 0, 1, 1], [], []>, transpose_lhs_hint = false} : vector<196x1408xf32>, vector<1408x512xf32>, vector<196x512xf32> -> vector<196x512xf32>
    %add3A_401 = arith.addf %add3A_312, %dot_general3A_400 : vector<196x512xf32>
    %swap3A_402 = arith.constant 0 : index
    %swap3A_403 = arith.constant 0 : index
    %swap3A_404 = arith.constant 0 : index
    %swap3A_405 = vector.load %arg17[%swap3A_402, %swap3A_403, %swap3A_404] : memref<5x196x512xf32, #tpu.memory_space<vmem>>, vector<1x196x512xf32>
    %swap3A_406 = vector.shape_cast %swap3A_405 : vector<1x196x512xf32> to vector<196x512xf32>
    %swap3A_407 = vector.shape_cast %add3A_401 : vector<196x512xf32> to vector<1x196x512xf32>
    tpu.vector_store %arg17[%swap3A_402, %swap3A_403, %swap3A_404], %swap3A_407 {strides = array<i32>} : memref<5x196x512xf32, #tpu.memory_space<vmem>>, vector<1x196x512xf32>,
    %eq3A_408 = arith.constant 3 : i32
    %eq3A_409 = arith.cmpi eq, %arg0, %eq3A_408 : i32
    %convert_element_type3A_410 = arith.extui %eq3A_409 : i1 to i32
    %cond3A_411 = arith.constant 0 : i32
    %cond3A_412 = arith.cmpi ne, %convert_element_type3A_410, %cond3A_411 : i32
    scf.if %cond3A_412 {
      %get3A_2133 = arith.constant 0 : index
      %get3A_2134 = arith.constant 0 : index
      %get3A_2135 = arith.constant 0 : index
      %get3A_2136 = vector.load %arg17[%get3A_2133, %get3A_2134, %get3A_2135] : memref<5x196x512xf32, #tpu.memory_space<vmem>>, vector<1x196x512xf32>
      %get3A_2137 = vector.shape_cast %get3A_2136 : vector<1x196x512xf32> to vector<196x512xf32>
      %get3A_2138 = arith.constant 0 : index
      %get3A_2139 = arith.constant 0 : index
      %get3A_2140 = vector.load %arg14[%get3A_2138, %get3A_2139] : memref<1x512xf32, #tpu.memory_space<vmem>>, vector<1x512xf32>
      %get3A_2141 = arith.constant 0 : index
      %get3A_2142 = arith.constant 0 : index
      %get3A_2143 = vector.load %arg15[%get3A_2141, %get3A_2142] : memref<1x512xf32, #tpu.memory_space<vmem>>, vector<1x512xf32>
      %reduce_sum3A_2144 = arith.constant dense<0.000000e+00> : vector<196xf32>
      %reduce_sum3A_2145 = vector.multi_reduction <add>, %get3A_2137, %reduce_sum3A_2144 [1] : vector<196x512xf32> to vector<196xf32>
      %broadcast_in_dim3A_2146 = vector.shape_cast %reduce_sum3A_2145 : vector<196xf32> to vector<196x1xf32>
      %div3A_2147 = arith.constant 5.120000e+02 : f32
      %div3A_2148 = vector.broadcast %div3A_2147 : f32 to vector<196x1xf32>
      %div3A_2149 = arith.divf %broadcast_in_dim3A_2146, %div3A_2148 : vector<196x1xf32>
      %jit3A_2150 = arith.constant 0 : i32
      %reduce_sum3A_2151 = arith.constant dense<0.000000e+00> : vector<196xf32>
      %reduce_sum3A_2152 = vector.multi_reduction <add>, %get3A_2137, %reduce_sum3A_2151 [1] : vector<196x512xf32> to vector<196xf32>
      %broadcast_in_dim3A_2153 = vector.shape_cast %reduce_sum3A_2152 : vector<196xf32> to vector<196x1xf32>
      %div3A_2154 = arith.constant 5.120000e+02 : f32
      %div3A_2155 = vector.broadcast %div3A_2154 : f32 to vector<196x1xf32>
      %div3A_2156 = arith.divf %broadcast_in_dim3A_2153, %div3A_2155 : vector<196x1xf32>
      %sub3A_2157 = vector.broadcast %div3A_2156 : vector<196x1xf32> to vector<196x512xf32>
      %sub3A_2158 = arith.subf %get3A_2137, %sub3A_2157 : vector<196x512xf32>
      %square3A_2159 = arith.mulf %sub3A_2158, %sub3A_2158 : vector<196x512xf32>
      %convert_element_type3A_2160 = arith.sitofp %jit3A_2150 : i32 to f32
      %sub3A_2161 = arith.constant 5.120000e+02 : f32
      %sub3A_2162 = arith.subf %sub3A_2161, %convert_element_type3A_2160 : f32
      %reduce_sum3A_2163 = arith.constant dense<0.000000e+00> : vector<196xf32>
      %reduce_sum3A_2164 = vector.multi_reduction <add>, %square3A_2159, %reduce_sum3A_2163 [1] : vector<196x512xf32> to vector<196xf32>
      %broadcast_in_dim3A_2165 = vector.shape_cast %reduce_sum3A_2164 : vector<196xf32> to vector<196x1xf32>
      %div3A_2166 = vector.broadcast %sub3A_2162 : f32 to vector<196x1xf32>
      %div3A_2167 = arith.divf %broadcast_in_dim3A_2165, %div3A_2166 : vector<196x1xf32>
      %gt3A_2168 = arith.constant 0.000000e+00 : f32
      %gt3A_2169 = arith.cmpf ogt, %sub3A_2162, %gt3A_2168 : f32
      %jit3A_2170 = arith.constant 0x7FC00000 : f32
      %broadcast_in_dim3A_2171 = vector.broadcast %jit3A_2170 : f32 to vector<196x1xf32>
      %select_n3A_2172 = arith.select %gt3A_2169, %div3A_2167, %broadcast_in_dim3A_2171 : vector<196x1xf32>
      %sub3A_2173 = vector.broadcast %div3A_2149 : vector<196x1xf32> to vector<196x512xf32>
      %sub3A_2174 = arith.subf %get3A_2137, %sub3A_2173 : vector<196x512xf32>
      %add3A_2175 = arith.constant 9.99999974E-6 : f32
      %add3A_2176 = vector.broadcast %add3A_2175 : f32 to vector<196x1xf32>
      %add3A_2177 = arith.addf %select_n3A_2172, %add3A_2176 : vector<196x1xf32>
      %sqrt3A_2178 = math.sqrt %add3A_2177 : vector<196x1xf32>
      %div3A_2179 = vector.broadcast %sqrt3A_2178 : vector<196x1xf32> to vector<196x512xf32>
      %div3A_2180 = arith.divf %sub3A_2174, %div3A_2179 : vector<196x512xf32>
      %mul3A_2181 = vector.broadcast %get3A_2140 : vector<1x512xf32> to vector<196x512xf32>
      %mul3A_2182 = arith.mulf %div3A_2180, %mul3A_2181 : vector<196x512xf32>
      %add3A_2183 = vector.broadcast %get3A_2143 : vector<1x512xf32> to vector<196x512xf32>
      %add3A_2184 = arith.addf %mul3A_2182, %add3A_2183 : vector<196x512xf32>
      %swap3A_2185 = arith.constant 0 : index
      %swap3A_2186 = arith.constant 0 : index
      %swap3A_2187 = arith.constant 0 : index
      %swap3A_2188 = vector.load %arg16[%swap3A_2185, %swap3A_2186, %swap3A_2187] : memref<5x196x512xf32, #tpu.memory_space<vmem>>, vector<1x196x512xf32>
      %swap3A_2189 = vector.shape_cast %swap3A_2188 : vector<1x196x512xf32> to vector<196x512xf32>
      %swap3A_2190 = vector.shape_cast %add3A_2184 : vector<196x512xf32> to vector<1x196x512xf32>
      tpu.vector_store %arg16[%swap3A_2185, %swap3A_2186, %swap3A_2187], %swap3A_2190 {strides = array<i32>} : memref<5x196x512xf32, #tpu.memory_space<vmem>>, vector<1x196x512xf32>,
    } else {
    }
    %get3A_413 = arith.constant 1 : index
    %get3A_414 = arith.constant 0 : index
    %get3A_415 = arith.constant 0 : index
    %get3A_416 = vector.load %arg17[%get3A_413, %get3A_414, %get3A_415] : memref<5x196x512xf32, #tpu.memory_space<vmem>>, vector<1x196x512xf32>
    %get3A_417 = vector.shape_cast %get3A_416 : vector<1x196x512xf32> to vector<196x512xf32>
    %get3A_418 = arith.constant 0 : index
    %get3A_419 = arith.constant 0 : index
    %get3A_420 = arith.constant 0 : index
    %get3A_421 = vector.load %arg3[%get3A_418, %get3A_419, %get3A_420] : memref<1x1x512xf32, #tpu.memory_space<vmem>>, vector<1x1x512xf32>
    %get3A_422 = vector.shape_cast %get3A_421 : vector<1x1x512xf32> to vector<1x512xf32>
    %get3A_423 = arith.constant 0 : index
    %get3A_424 = arith.constant 0 : index
    %get3A_425 = arith.constant 0 : index
    %get3A_426 = vector.load %arg4[%get3A_423, %get3A_424, %get3A_425] : memref<1x1x512xf32, #tpu.memory_space<vmem>>, vector<1x1x512xf32>
    %get3A_427 = vector.shape_cast %get3A_426 : vector<1x1x512xf32> to vector<1x512xf32>
    %reduce_sum3A_428 = arith.constant dense<0.000000e+00> : vector<196xf32>
    %reduce_sum3A_429 = vector.multi_reduction <add>, %get3A_417, %reduce_sum3A_428 [1] : vector<196x512xf32> to vector<196xf32>
    %broadcast_in_dim3A_430 = vector.shape_cast %reduce_sum3A_429 : vector<196xf32> to vector<196x1xf32>
    %div3A_431 = arith.constant 5.120000e+02 : f32
    %div3A_432 = vector.broadcast %div3A_431 : f32 to vector<196x1xf32>
    %div3A_433 = arith.divf %broadcast_in_dim3A_430, %div3A_432 : vector<196x1xf32>
    %jit3A_434 = arith.constant 0 : i32
    %reduce_sum3A_435 = arith.constant dense<0.000000e+00> : vector<196xf32>
    %reduce_sum3A_436 = vector.multi_reduction <add>, %get3A_417, %reduce_sum3A_435 [1] : vector<196x512xf32> to vector<196xf32>
    %broadcast_in_dim3A_437 = vector.shape_cast %reduce_sum3A_436 : vector<196xf32> to vector<196x1xf32>
    %div3A_438 = arith.constant 5.120000e+02 : f32
    %div3A_439 = vector.broadcast %div3A_438 : f32 to vector<196x1xf32>
    %div3A_440 = arith.divf %broadcast_in_dim3A_437, %div3A_439 : vector<196x1xf32>
    %sub3A_441 = vector.broadcast %div3A_440 : vector<196x1xf32> to vector<196x512xf32>
    %sub3A_442 = arith.subf %get3A_417, %sub3A_441 : vector<196x512xf32>
    %square3A_443 = arith.mulf %sub3A_442, %sub3A_442 : vector<196x512xf32>
    %convert_element_type3A_444 = arith.sitofp %jit3A_434 : i32 to f32
    %sub3A_445 = arith.constant 5.120000e+02 : f32
    %sub3A_446 = arith.subf %sub3A_445, %convert_element_type3A_444 : f32
    %reduce_sum3A_447 = arith.constant dense<0.000000e+00> : vector<196xf32>
    %reduce_sum3A_448 = vector.multi_reduction <add>, %square3A_443, %reduce_sum3A_447 [1] : vector<196x512xf32> to vector<196xf32>
    %broadcast_in_dim3A_449 = vector.shape_cast %reduce_sum3A_448 : vector<196xf32> to vector<196x1xf32>
    %div3A_450 = vector.broadcast %sub3A_446 : f32 to vector<196x1xf32>
    %div3A_451 = arith.divf %broadcast_in_dim3A_449, %div3A_450 : vector<196x1xf32>
    %gt3A_452 = arith.constant 0.000000e+00 : f32
    %gt3A_453 = arith.cmpf ogt, %sub3A_446, %gt3A_452 : f32
    %jit3A_454 = arith.constant 0x7FC00000 : f32
    %broadcast_in_dim3A_455 = vector.broadcast %jit3A_454 : f32 to vector<196x1xf32>
    %select_n3A_456 = arith.select %gt3A_453, %div3A_451, %broadcast_in_dim3A_455 : vector<196x1xf32>
    %sub3A_457 = vector.broadcast %div3A_433 : vector<196x1xf32> to vector<196x512xf32>
    %sub3A_458 = arith.subf %get3A_417, %sub3A_457 : vector<196x512xf32>
    %add3A_459 = arith.constant 9.99999974E-6 : f32
    %add3A_460 = vector.broadcast %add3A_459 : f32 to vector<196x1xf32>
    %add3A_461 = arith.addf %select_n3A_456, %add3A_460 : vector<196x1xf32>
    %sqrt3A_462 = math.sqrt %add3A_461 : vector<196x1xf32>
    %div3A_463 = vector.broadcast %sqrt3A_462 : vector<196x1xf32> to vector<196x512xf32>
    %div3A_464 = arith.divf %sub3A_458, %div3A_463 : vector<196x512xf32>
    %mul3A_465 = vector.broadcast %get3A_422 : vector<1x512xf32> to vector<196x512xf32>
    %mul3A_466 = arith.mulf %div3A_464, %mul3A_465 : vector<196x512xf32>
    %add3A_467 = vector.broadcast %get3A_427 : vector<1x512xf32> to vector<196x512xf32>
    %add3A_468 = arith.addf %mul3A_466, %add3A_467 : vector<196x512xf32>
    %get3A_469 = arith.constant 0 : index
    %get3A_470 = arith.constant 0 : index
    %get3A_471 = arith.constant 0 : index
    %get3A_472 = vector.load %arg5[%get3A_469, %get3A_470, %get3A_471] : memref<1x512x512xf32, #tpu.memory_space<vmem>>, vector<1x512x512xf32>
    %get3A_473 = vector.shape_cast %get3A_472 : vector<1x512x512xf32> to vector<512x512xf32>
    %dot_general3A_474 = arith.constant dense<0.000000e+00> : vector<196x512xf32>
    %dot_general3A_475 = tpu.matmul %add3A_468, %get3A_473, %dot_general3A_474 {dimension_numbers = #tpu.dot_dimension_numbers<[1], [0], [0], [1], [0, 0, 1, 1], [], []>, transpose_lhs_hint = false} : vector<196x512xf32>, vector<512x512xf32>, vector<196x512xf32> -> vector<196x512xf32>
    %get3A_476 = arith.constant 0 : index
    %get3A_477 = arith.constant 0 : index
    %get3A_478 = arith.constant 0 : index
    %get3A_479 = vector.load %arg6[%get3A_476, %get3A_477, %get3A_478] : memref<1x512x512xf32, #tpu.memory_space<vmem>>, vector<1x512x512xf32>
    %get3A_480 = vector.shape_cast %get3A_479 : vector<1x512x512xf32> to vector<512x512xf32>
    %dot_general3A_481 = arith.constant dense<0.000000e+00> : vector<196x512xf32>
    %dot_general3A_482 = tpu.matmul %add3A_468, %get3A_480, %dot_general3A_481 {dimension_numbers = #tpu.dot_dimension_numbers<[1], [0], [0], [1], [0, 0, 1, 1], [], []>, transpose_lhs_hint = false} : vector<196x512xf32>, vector<512x512xf32>, vector<196x512xf32> -> vector<196x512xf32>
    %get3A_483 = arith.constant 0 : index
    %get3A_484 = arith.constant 0 : index
    %get3A_485 = arith.constant 0 : index
    %get3A_486 = vector.load %arg7[%get3A_483, %get3A_484, %get3A_485] : memref<1x512x512xf32, #tpu.memory_space<vmem>>, vector<1x512x512xf32>
    %get3A_487 = vector.shape_cast %get3A_486 : vector<1x512x512xf32> to vector<512x512xf32>
    %dot_general3A_488 = arith.constant dense<0.000000e+00> : vector<196x512xf32>
    %dot_general3A_489 = tpu.matmul %add3A_468, %get3A_487, %dot_general3A_488 {dimension_numbers = #tpu.dot_dimension_numbers<[1], [0], [0], [1], [0, 0, 1, 1], [], []>, transpose_lhs_hint = false} : vector<196x512xf32>, vector<512x512xf32>, vector<196x512xf32> -> vector<196x512xf32>
    %slice3A_490 = vector.extract_strided_slice %dot_general3A_475 {offsets = [0, 0], sizes = [196, 64], strides = [1, 1]} : vector<196x512xf32> to vector<196x64xf32>
    %slice3A_491 = vector.extract_strided_slice %dot_general3A_482 {offsets = [0, 0], sizes = [196, 64], strides = [1, 1]} : vector<196x512xf32> to vector<196x64xf32>
    %dot_general3A_492 = arith.constant dense<0.000000e+00> : vector<196x196xf32>
    %dot_general3A_493 = tpu.matmul %slice3A_490, %slice3A_491, %dot_general3A_492 {dimension_numbers = #tpu.dot_dimension_numbers<[1], [1], [0], [0], [0, 0, 1, 0], [], []>, transpose_lhs_hint = false} : vector<196x64xf32>, vector<196x64xf32>, vector<196x196xf32> -> vector<196x196xf32>
    %mul3A_494 = arith.constant 1.250000e-01 : f32
    %mul3A_495 = vector.broadcast %mul3A_494 : f32 to vector<196x196xf32>
    %mul3A_496 = arith.mulf %dot_general3A_493, %mul3A_495 : vector<196x196xf32>
    %get3A_497 = arith.constant 0 : index
    %get3A_498 = arith.constant 0 : index
    %get3A_499 = arith.constant 0 : index
    %get3A_500 = vector.load %arg2[%get3A_497, %get3A_498, %get3A_499] : memref<8x196x196xf32, #tpu.memory_space<vmem>>, vector<1x196x196xf32>
    %get3A_501 = vector.shape_cast %get3A_500 : vector<1x196x196xf32> to vector<196x196xf32>
    %add3A_502 = arith.addf %mul3A_496, %get3A_501 : vector<196x196xf32>
    %reduce_max3A_503 = arith.constant dense<0xFF800000> : vector<196xf32>
    %reduce_max3A_504 = vector.multi_reduction <maximumf>, %add3A_502, %reduce_max3A_503 [1] : vector<196x196xf32> to vector<196xf32>
    %broadcast_in_dim3A_505 = vector.shape_cast %reduce_max3A_504 : vector<196xf32> to vector<196x1xf32>
    %sub3A_506 = vector.broadcast %broadcast_in_dim3A_505 : vector<196x1xf32> to vector<196x196xf32>
    %sub3A_507 = arith.subf %add3A_502, %sub3A_506 : vector<196x196xf32>
    %exp3A_508 = math.exp %sub3A_507 : vector<196x196xf32>
    %reduce_sum3A_509 = arith.constant dense<0.000000e+00> : vector<196xf32>
    %reduce_sum3A_510 = vector.multi_reduction <add>, %exp3A_508, %reduce_sum3A_509 [1] : vector<196x196xf32> to vector<196xf32>
    %broadcast_in_dim3A_511 = vector.shape_cast %reduce_sum3A_510 : vector<196xf32> to vector<196x1xf32>
    %div3A_512 = vector.broadcast %broadcast_in_dim3A_511 : vector<196x1xf32> to vector<196x196xf32>
    %div3A_513 = arith.divf %exp3A_508, %div3A_512 : vector<196x196xf32>
    %slice3A_514 = vector.extract_strided_slice %dot_general3A_489 {offsets = [0, 0], sizes = [196, 64], strides = [1, 1]} : vector<196x512xf32> to vector<196x64xf32>
    %dot_general3A_515 = arith.constant dense<0.000000e+00> : vector<196x64xf32>
    %dot_general3A_516 = tpu.matmul %div3A_513, %slice3A_514, %dot_general3A_515 {dimension_numbers = #tpu.dot_dimension_numbers<[1], [0], [0], [1], [0, 0, 1, 1], [], []>, transpose_lhs_hint = false} : vector<196x196xf32>, vector<196x64xf32>, vector<196x64xf32> -> vector<196x64xf32>
    %swap3A_517 = arith.constant 0 : index
    %swap3A_518 = arith.constant 0 : index
    %swap3A_519 = vector.load %arg18[%swap3A_517, %swap3A_518] : memref<196x512xf32, #tpu.memory_space<vmem>>, vector<196x64xf32>
    tpu.vector_store %arg18[%swap3A_517, %swap3A_518], %dot_general3A_516 {strides = array<i32>} : memref<196x512xf32, #tpu.memory_space<vmem>>, vector<196x64xf32>,
    %slice3A_520 = vector.extract_strided_slice %dot_general3A_475 {offsets = [0, 64], sizes = [196, 64], strides = [1, 1]} : vector<196x512xf32> to vector<196x64xf32>
    %slice3A_521 = vector.extract_strided_slice %dot_general3A_482 {offsets = [0, 64], sizes = [196, 64], strides = [1, 1]} : vector<196x512xf32> to vector<196x64xf32>
    %dot_general3A_522 = arith.constant dense<0.000000e+00> : vector<196x196xf32>
    %dot_general3A_523 = tpu.matmul %slice3A_520, %slice3A_521, %dot_general3A_522 {dimension_numbers = #tpu.dot_dimension_numbers<[1], [1], [0], [0], [0, 0, 1, 0], [], []>, transpose_lhs_hint = false} : vector<196x64xf32>, vector<196x64xf32>, vector<196x196xf32> -> vector<196x196xf32>
    %mul3A_524 = arith.constant 1.250000e-01 : f32
    %mul3A_525 = vector.broadcast %mul3A_524 : f32 to vector<196x196xf32>
    %mul3A_526 = arith.mulf %dot_general3A_523, %mul3A_525 : vector<196x196xf32>
    %get3A_527 = arith.constant 1 : index
    %get3A_528 = arith.constant 0 : index
    %get3A_529 = arith.constant 0 : index
    %get3A_530 = vector.load %arg2[%get3A_527, %get3A_528, %get3A_529] : memref<8x196x196xf32, #tpu.memory_space<vmem>>, vector<1x196x196xf32>
    %get3A_531 = vector.shape_cast %get3A_530 : vector<1x196x196xf32> to vector<196x196xf32>
    %add3A_532 = arith.addf %mul3A_526, %get3A_531 : vector<196x196xf32>
    %reduce_max3A_533 = arith.constant dense<0xFF800000> : vector<196xf32>
    %reduce_max3A_534 = vector.multi_reduction <maximumf>, %add3A_532, %reduce_max3A_533 [1] : vector<196x196xf32> to vector<196xf32>
    %broadcast_in_dim3A_535 = vector.shape_cast %reduce_max3A_534 : vector<196xf32> to vector<196x1xf32>
    %sub3A_536 = vector.broadcast %broadcast_in_dim3A_535 : vector<196x1xf32> to vector<196x196xf32>
    %sub3A_537 = arith.subf %add3A_532, %sub3A_536 : vector<196x196xf32>
    %exp3A_538 = math.exp %sub3A_537 : vector<196x196xf32>
    %reduce_sum3A_539 = arith.constant dense<0.000000e+00> : vector<196xf32>
    %reduce_sum3A_540 = vector.multi_reduction <add>, %exp3A_538, %reduce_sum3A_539 [1] : vector<196x196xf32> to vector<196xf32>
    %broadcast_in_dim3A_541 = vector.shape_cast %reduce_sum3A_540 : vector<196xf32> to vector<196x1xf32>
    %div3A_542 = vector.broadcast %broadcast_in_dim3A_541 : vector<196x1xf32> to vector<196x196xf32>
    %div3A_543 = arith.divf %exp3A_538, %div3A_542 : vector<196x196xf32>
    %slice3A_544 = vector.extract_strided_slice %dot_general3A_489 {offsets = [0, 64], sizes = [196, 64], strides = [1, 1]} : vector<196x512xf32> to vector<196x64xf32>
    %dot_general3A_545 = arith.constant dense<0.000000e+00> : vector<196x64xf32>
    %dot_general3A_546 = tpu.matmul %div3A_543, %slice3A_544, %dot_general3A_545 {dimension_numbers = #tpu.dot_dimension_numbers<[1], [0], [0], [1], [0, 0, 1, 1], [], []>, transpose_lhs_hint = false} : vector<196x196xf32>, vector<196x64xf32>, vector<196x64xf32> -> vector<196x64xf32>
    %swap3A_547 = arith.constant 0 : index
    %swap3A_548 = arith.constant 64 : index
    %swap3A_549 = vector.load %arg18[%swap3A_547, %swap3A_548] : memref<196x512xf32, #tpu.memory_space<vmem>>, vector<196x64xf32>
    tpu.vector_store %arg18[%swap3A_547, %swap3A_548], %dot_general3A_546 {strides = array<i32>} : memref<196x512xf32, #tpu.memory_space<vmem>>, vector<196x64xf32>,
    %slice3A_550 = vector.extract_strided_slice %dot_general3A_475 {offsets = [0, 128], sizes = [196, 64], strides = [1, 1]} : vector<196x512xf32> to vector<196x64xf32>
    %slice3A_551 = vector.extract_strided_slice %dot_general3A_482 {offsets = [0, 128], sizes = [196, 64], strides = [1, 1]} : vector<196x512xf32> to vector<196x64xf32>
    %dot_general3A_552 = arith.constant dense<0.000000e+00> : vector<196x196xf32>
    %dot_general3A_553 = tpu.matmul %slice3A_550, %slice3A_551, %dot_general3A_552 {dimension_numbers = #tpu.dot_dimension_numbers<[1], [1], [0], [0], [0, 0, 1, 0], [], []>, transpose_lhs_hint = false} : vector<196x64xf32>, vector<196x64xf32>, vector<196x196xf32> -> vector<196x196xf32>
    %mul3A_554 = arith.constant 1.250000e-01 : f32
    %mul3A_555 = vector.broadcast %mul3A_554 : f32 to vector<196x196xf32>
    %mul3A_556 = arith.mulf %dot_general3A_553, %mul3A_555 : vector<196x196xf32>
    %get3A_557 = arith.constant 2 : index
    %get3A_558 = arith.constant 0 : index
    %get3A_559 = arith.constant 0 : index
    %get3A_560 = vector.load %arg2[%get3A_557, %get3A_558, %get3A_559] : memref<8x196x196xf32, #tpu.memory_space<vmem>>, vector<1x196x196xf32>
    %get3A_561 = vector.shape_cast %get3A_560 : vector<1x196x196xf32> to vector<196x196xf32>
    %add3A_562 = arith.addf %mul3A_556, %get3A_561 : vector<196x196xf32>
    %reduce_max3A_563 = arith.constant dense<0xFF800000> : vector<196xf32>
    %reduce_max3A_564 = vector.multi_reduction <maximumf>, %add3A_562, %reduce_max3A_563 [1] : vector<196x196xf32> to vector<196xf32>
    %broadcast_in_dim3A_565 = vector.shape_cast %reduce_max3A_564 : vector<196xf32> to vector<196x1xf32>
    %sub3A_566 = vector.broadcast %broadcast_in_dim3A_565 : vector<196x1xf32> to vector<196x196xf32>
    %sub3A_567 = arith.subf %add3A_562, %sub3A_566 : vector<196x196xf32>
    %exp3A_568 = math.exp %sub3A_567 : vector<196x196xf32>
    %reduce_sum3A_569 = arith.constant dense<0.000000e+00> : vector<196xf32>
    %reduce_sum3A_570 = vector.multi_reduction <add>, %exp3A_568, %reduce_sum3A_569 [1] : vector<196x196xf32> to vector<196xf32>
    %broadcast_in_dim3A_571 = vector.shape_cast %reduce_sum3A_570 : vector<196xf32> to vector<196x1xf32>
    %div3A_572 = vector.broadcast %broadcast_in_dim3A_571 : vector<196x1xf32> to vector<196x196xf32>
    %div3A_573 = arith.divf %exp3A_568, %div3A_572 : vector<196x196xf32>
    %slice3A_574 = vector.extract_strided_slice %dot_general3A_489 {offsets = [0, 128], sizes = [196, 64], strides = [1, 1]} : vector<196x512xf32> to vector<196x64xf32>
    %dot_general3A_575 = arith.constant dense<0.000000e+00> : vector<196x64xf32>
    %dot_general3A_576 = tpu.matmul %div3A_573, %slice3A_574, %dot_general3A_575 {dimension_numbers = #tpu.dot_dimension_numbers<[1], [0], [0], [1], [0, 0, 1, 1], [], []>, transpose_lhs_hint = false} : vector<196x196xf32>, vector<196x64xf32>, vector<196x64xf32> -> vector<196x64xf32>
    %swap3A_577 = arith.constant 0 : index
    %swap3A_578 = arith.constant 128 : index
    %swap3A_579 = vector.load %arg18[%swap3A_577, %swap3A_578] : memref<196x512xf32, #tpu.memory_space<vmem>>, vector<196x64xf32>
    tpu.vector_store %arg18[%swap3A_577, %swap3A_578], %dot_general3A_576 {strides = array<i32>} : memref<196x512xf32, #tpu.memory_space<vmem>>, vector<196x64xf32>,
    %slice3A_580 = vector.extract_strided_slice %dot_general3A_475 {offsets = [0, 192], sizes = [196, 64], strides = [1, 1]} : vector<196x512xf32> to vector<196x64xf32>
    %slice3A_581 = vector.extract_strided_slice %dot_general3A_482 {offsets = [0, 192], sizes = [196, 64], strides = [1, 1]} : vector<196x512xf32> to vector<196x64xf32>
    %dot_general3A_582 = arith.constant dense<0.000000e+00> : vector<196x196xf32>
    %dot_general3A_583 = tpu.matmul %slice3A_580, %slice3A_581, %dot_general3A_582 {dimension_numbers = #tpu.dot_dimension_numbers<[1], [1], [0], [0], [0, 0, 1, 0], [], []>, transpose_lhs_hint = false} : vector<196x64xf32>, vector<196x64xf32>, vector<196x196xf32> -> vector<196x196xf32>
    %mul3A_584 = arith.constant 1.250000e-01 : f32
    %mul3A_585 = vector.broadcast %mul3A_584 : f32 to vector<196x196xf32>
    %mul3A_586 = arith.mulf %dot_general3A_583, %mul3A_585 : vector<196x196xf32>
    %get3A_587 = arith.constant 3 : index
    %get3A_588 = arith.constant 0 : index
    %get3A_589 = arith.constant 0 : index
    %get3A_590 = vector.load %arg2[%get3A_587, %get3A_588, %get3A_589] : memref<8x196x196xf32, #tpu.memory_space<vmem>>, vector<1x196x196xf32>
    %get3A_591 = vector.shape_cast %get3A_590 : vector<1x196x196xf32> to vector<196x196xf32>
    %add3A_592 = arith.addf %mul3A_586, %get3A_591 : vector<196x196xf32>
    %reduce_max3A_593 = arith.constant dense<0xFF800000> : vector<196xf32>
    %reduce_max3A_594 = vector.multi_reduction <maximumf>, %add3A_592, %reduce_max3A_593 [1] : vector<196x196xf32> to vector<196xf32>
    %broadcast_in_dim3A_595 = vector.shape_cast %reduce_max3A_594 : vector<196xf32> to vector<196x1xf32>
    %sub3A_596 = vector.broadcast %broadcast_in_dim3A_595 : vector<196x1xf32> to vector<196x196xf32>
    %sub3A_597 = arith.subf %add3A_592, %sub3A_596 : vector<196x196xf32>
    %exp3A_598 = math.exp %sub3A_597 : vector<196x196xf32>
    %reduce_sum3A_599 = arith.constant dense<0.000000e+00> : vector<196xf32>
    %reduce_sum3A_600 = vector.multi_reduction <add>, %exp3A_598, %reduce_sum3A_599 [1] : vector<196x196xf32> to vector<196xf32>
    %broadcast_in_dim3A_601 = vector.shape_cast %reduce_sum3A_600 : vector<196xf32> to vector<196x1xf32>
    %div3A_602 = vector.broadcast %broadcast_in_dim3A_601 : vector<196x1xf32> to vector<196x196xf32>
    %div3A_603 = arith.divf %exp3A_598, %div3A_602 : vector<196x196xf32>
    %slice3A_604 = vector.extract_strided_slice %dot_general3A_489 {offsets = [0, 192], sizes = [196, 64], strides = [1, 1]} : vector<196x512xf32> to vector<196x64xf32>
    %dot_general3A_605 = arith.constant dense<0.000000e+00> : vector<196x64xf32>
    %dot_general3A_606 = tpu.matmul %div3A_603, %slice3A_604, %dot_general3A_605 {dimension_numbers = #tpu.dot_dimension_numbers<[1], [0], [0], [1], [0, 0, 1, 1], [], []>, transpose_lhs_hint = false} : vector<196x196xf32>, vector<196x64xf32>, vector<196x64xf32> -> vector<196x64xf32>
    %swap3A_607 = arith.constant 0 : index
    %swap3A_608 = arith.constant 192 : index
    %swap3A_609 = vector.load %arg18[%swap3A_607, %swap3A_608] : memref<196x512xf32, #tpu.memory_space<vmem>>, vector<196x64xf32>
    tpu.vector_store %arg18[%swap3A_607, %swap3A_608], %dot_general3A_606 {strides = array<i32>} : memref<196x512xf32, #tpu.memory_space<vmem>>, vector<196x64xf32>,
    %slice3A_610 = vector.extract_strided_slice %dot_general3A_475 {offsets = [0, 256], sizes = [196, 64], strides = [1, 1]} : vector<196x512xf32> to vector<196x64xf32>
    %slice3A_611 = vector.extract_strided_slice %dot_general3A_482 {offsets = [0, 256], sizes = [196, 64], strides = [1, 1]} : vector<196x512xf32> to vector<196x64xf32>
    %dot_general3A_612 = arith.constant dense<0.000000e+00> : vector<196x196xf32>
    %dot_general3A_613 = tpu.matmul %slice3A_610, %slice3A_611, %dot_general3A_612 {dimension_numbers = #tpu.dot_dimension_numbers<[1], [1], [0], [0], [0, 0, 1, 0], [], []>, transpose_lhs_hint = false} : vector<196x64xf32>, vector<196x64xf32>, vector<196x196xf32> -> vector<196x196xf32>
    %mul3A_614 = arith.constant 1.250000e-01 : f32
    %mul3A_615 = vector.broadcast %mul3A_614 : f32 to vector<196x196xf32>
    %mul3A_616 = arith.mulf %dot_general3A_613, %mul3A_615 : vector<196x196xf32>
    %get3A_617 = arith.constant 4 : index
    %get3A_618 = arith.constant 0 : index
    %get3A_619 = arith.constant 0 : index
    %get3A_620 = vector.load %arg2[%get3A_617, %get3A_618, %get3A_619] : memref<8x196x196xf32, #tpu.memory_space<vmem>>, vector<1x196x196xf32>
    %get3A_621 = vector.shape_cast %get3A_620 : vector<1x196x196xf32> to vector<196x196xf32>
    %add3A_622 = arith.addf %mul3A_616, %get3A_621 : vector<196x196xf32>
    %reduce_max3A_623 = arith.constant dense<0xFF800000> : vector<196xf32>
    %reduce_max3A_624 = vector.multi_reduction <maximumf>, %add3A_622, %reduce_max3A_623 [1] : vector<196x196xf32> to vector<196xf32>
    %broadcast_in_dim3A_625 = vector.shape_cast %reduce_max3A_624 : vector<196xf32> to vector<196x1xf32>
    %sub3A_626 = vector.broadcast %broadcast_in_dim3A_625 : vector<196x1xf32> to vector<196x196xf32>
    %sub3A_627 = arith.subf %add3A_622, %sub3A_626 : vector<196x196xf32>
    %exp3A_628 = math.exp %sub3A_627 : vector<196x196xf32>
    %reduce_sum3A_629 = arith.constant dense<0.000000e+00> : vector<196xf32>
    %reduce_sum3A_630 = vector.multi_reduction <add>, %exp3A_628, %reduce_sum3A_629 [1] : vector<196x196xf32> to vector<196xf32>
    %broadcast_in_dim3A_631 = vector.shape_cast %reduce_sum3A_630 : vector<196xf32> to vector<196x1xf32>
    %div3A_632 = vector.broadcast %broadcast_in_dim3A_631 : vector<196x1xf32> to vector<196x196xf32>
    %div3A_633 = arith.divf %exp3A_628, %div3A_632 : vector<196x196xf32>
    %slice3A_634 = vector.extract_strided_slice %dot_general3A_489 {offsets = [0, 256], sizes = [196, 64], strides = [1, 1]} : vector<196x512xf32> to vector<196x64xf32>
    %dot_general3A_635 = arith.constant dense<0.000000e+00> : vector<196x64xf32>
    %dot_general3A_636 = tpu.matmul %div3A_633, %slice3A_634, %dot_general3A_635 {dimension_numbers = #tpu.dot_dimension_numbers<[1], [0], [0], [1], [0, 0, 1, 1], [], []>, transpose_lhs_hint = false} : vector<196x196xf32>, vector<196x64xf32>, vector<196x64xf32> -> vector<196x64xf32>
    %swap3A_637 = arith.constant 0 : index
    %swap3A_638 = arith.constant 256 : index
    %swap3A_639 = vector.load %arg18[%swap3A_637, %swap3A_638] : memref<196x512xf32, #tpu.memory_space<vmem>>, vector<196x64xf32>
    tpu.vector_store %arg18[%swap3A_637, %swap3A_638], %dot_general3A_636 {strides = array<i32>} : memref<196x512xf32, #tpu.memory_space<vmem>>, vector<196x64xf32>,
    %slice3A_640 = vector.extract_strided_slice %dot_general3A_475 {offsets = [0, 320], sizes = [196, 64], strides = [1, 1]} : vector<196x512xf32> to vector<196x64xf32>
    %slice3A_641 = vector.extract_strided_slice %dot_general3A_482 {offsets = [0, 320], sizes = [196, 64], strides = [1, 1]} : vector<196x512xf32> to vector<196x64xf32>
    %dot_general3A_642 = arith.constant dense<0.000000e+00> : vector<196x196xf32>
    %dot_general3A_643 = tpu.matmul %slice3A_640, %slice3A_641, %dot_general3A_642 {dimension_numbers = #tpu.dot_dimension_numbers<[1], [1], [0], [0], [0, 0, 1, 0], [], []>, transpose_lhs_hint = false} : vector<196x64xf32>, vector<196x64xf32>, vector<196x196xf32> -> vector<196x196xf32>
    %mul3A_644 = arith.constant 1.250000e-01 : f32
    %mul3A_645 = vector.broadcast %mul3A_644 : f32 to vector<196x196xf32>
    %mul3A_646 = arith.mulf %dot_general3A_643, %mul3A_645 : vector<196x196xf32>
    %get3A_647 = arith.constant 5 : index
    %get3A_648 = arith.constant 0 : index
    %get3A_649 = arith.constant 0 : index
    %get3A_650 = vector.load %arg2[%get3A_647, %get3A_648, %get3A_649] : memref<8x196x196xf32, #tpu.memory_space<vmem>>, vector<1x196x196xf32>
    %get3A_651 = vector.shape_cast %get3A_650 : vector<1x196x196xf32> to vector<196x196xf32>
    %add3A_652 = arith.addf %mul3A_646, %get3A_651 : vector<196x196xf32>
    %reduce_max3A_653 = arith.constant dense<0xFF800000> : vector<196xf32>
    %reduce_max3A_654 = vector.multi_reduction <maximumf>, %add3A_652, %reduce_max3A_653 [1] : vector<196x196xf32> to vector<196xf32>
    %broadcast_in_dim3A_655 = vector.shape_cast %reduce_max3A_654 : vector<196xf32> to vector<196x1xf32>
    %sub3A_656 = vector.broadcast %broadcast_in_dim3A_655 : vector<196x1xf32> to vector<196x196xf32>
    %sub3A_657 = arith.subf %add3A_652, %sub3A_656 : vector<196x196xf32>
    %exp3A_658 = math.exp %sub3A_657 : vector<196x196xf32>
    %reduce_sum3A_659 = arith.constant dense<0.000000e+00> : vector<196xf32>
    %reduce_sum3A_660 = vector.multi_reduction <add>, %exp3A_658, %reduce_sum3A_659 [1] : vector<196x196xf32> to vector<196xf32>
    %broadcast_in_dim3A_661 = vector.shape_cast %reduce_sum3A_660 : vector<196xf32> to vector<196x1xf32>
    %div3A_662 = vector.broadcast %broadcast_in_dim3A_661 : vector<196x1xf32> to vector<196x196xf32>
    %div3A_663 = arith.divf %exp3A_658, %div3A_662 : vector<196x196xf32>
    %slice3A_664 = vector.extract_strided_slice %dot_general3A_489 {offsets = [0, 320], sizes = [196, 64], strides = [1, 1]} : vector<196x512xf32> to vector<196x64xf32>
    %dot_general3A_665 = arith.constant dense<0.000000e+00> : vector<196x64xf32>
    %dot_general3A_666 = tpu.matmul %div3A_663, %slice3A_664, %dot_general3A_665 {dimension_numbers = #tpu.dot_dimension_numbers<[1], [0], [0], [1], [0, 0, 1, 1], [], []>, transpose_lhs_hint = false} : vector<196x196xf32>, vector<196x64xf32>, vector<196x64xf32> -> vector<196x64xf32>
    %swap3A_667 = arith.constant 0 : index
    %swap3A_668 = arith.constant 320 : index
    %swap3A_669 = vector.load %arg18[%swap3A_667, %swap3A_668] : memref<196x512xf32, #tpu.memory_space<vmem>>, vector<196x64xf32>
    tpu.vector_store %arg18[%swap3A_667, %swap3A_668], %dot_general3A_666 {strides = array<i32>} : memref<196x512xf32, #tpu.memory_space<vmem>>, vector<196x64xf32>,
    %slice3A_670 = vector.extract_strided_slice %dot_general3A_475 {offsets = [0, 384], sizes = [196, 64], strides = [1, 1]} : vector<196x512xf32> to vector<196x64xf32>
    %slice3A_671 = vector.extract_strided_slice %dot_general3A_482 {offsets = [0, 384], sizes = [196, 64], strides = [1, 1]} : vector<196x512xf32> to vector<196x64xf32>
    %dot_general3A_672 = arith.constant dense<0.000000e+00> : vector<196x196xf32>
    %dot_general3A_673 = tpu.matmul %slice3A_670, %slice3A_671, %dot_general3A_672 {dimension_numbers = #tpu.dot_dimension_numbers<[1], [1], [0], [0], [0, 0, 1, 0], [], []>, transpose_lhs_hint = false} : vector<196x64xf32>, vector<196x64xf32>, vector<196x196xf32> -> vector<196x196xf32>
    %mul3A_674 = arith.constant 1.250000e-01 : f32
    %mul3A_675 = vector.broadcast %mul3A_674 : f32 to vector<196x196xf32>
    %mul3A_676 = arith.mulf %dot_general3A_673, %mul3A_675 : vector<196x196xf32>
    %get3A_677 = arith.constant 6 : index
    %get3A_678 = arith.constant 0 : index
    %get3A_679 = arith.constant 0 : index
    %get3A_680 = vector.load %arg2[%get3A_677, %get3A_678, %get3A_679] : memref<8x196x196xf32, #tpu.memory_space<vmem>>, vector<1x196x196xf32>
    %get3A_681 = vector.shape_cast %get3A_680 : vector<1x196x196xf32> to vector<196x196xf32>
    %add3A_682 = arith.addf %mul3A_676, %get3A_681 : vector<196x196xf32>
    %reduce_max3A_683 = arith.constant dense<0xFF800000> : vector<196xf32>
    %reduce_max3A_684 = vector.multi_reduction <maximumf>, %add3A_682, %reduce_max3A_683 [1] : vector<196x196xf32> to vector<196xf32>
    %broadcast_in_dim3A_685 = vector.shape_cast %reduce_max3A_684 : vector<196xf32> to vector<196x1xf32>
    %sub3A_686 = vector.broadcast %broadcast_in_dim3A_685 : vector<196x1xf32> to vector<196x196xf32>
    %sub3A_687 = arith.subf %add3A_682, %sub3A_686 : vector<196x196xf32>
    %exp3A_688 = math.exp %sub3A_687 : vector<196x196xf32>
    %reduce_sum3A_689 = arith.constant dense<0.000000e+00> : vector<196xf32>
    %reduce_sum3A_690 = vector.multi_reduction <add>, %exp3A_688, %reduce_sum3A_689 [1] : vector<196x196xf32> to vector<196xf32>
    %broadcast_in_dim3A_691 = vector.shape_cast %reduce_sum3A_690 : vector<196xf32> to vector<196x1xf32>
    %div3A_692 = vector.broadcast %broadcast_in_dim3A_691 : vector<196x1xf32> to vector<196x196xf32>
    %div3A_693 = arith.divf %exp3A_688, %div3A_692 : vector<196x196xf32>
    %slice3A_694 = vector.extract_strided_slice %dot_general3A_489 {offsets = [0, 384], sizes = [196, 64], strides = [1, 1]} : vector<196x512xf32> to vector<196x64xf32>
    %dot_general3A_695 = arith.constant dense<0.000000e+00> : vector<196x64xf32>
    %dot_general3A_696 = tpu.matmul %div3A_693, %slice3A_694, %dot_general3A_695 {dimension_numbers = #tpu.dot_dimension_numbers<[1], [0], [0], [1], [0, 0, 1, 1], [], []>, transpose_lhs_hint = false} : vector<196x196xf32>, vector<196x64xf32>, vector<196x64xf32> -> vector<196x64xf32>
    %swap3A_697 = arith.constant 0 : index
    %swap3A_698 = arith.constant 384 : index
    %swap3A_699 = vector.load %arg18[%swap3A_697, %swap3A_698] : memref<196x512xf32, #tpu.memory_space<vmem>>, vector<196x64xf32>
    tpu.vector_store %arg18[%swap3A_697, %swap3A_698], %dot_general3A_696 {strides = array<i32>} : memref<196x512xf32, #tpu.memory_space<vmem>>, vector<196x64xf32>,
    %slice3A_700 = vector.extract_strided_slice %dot_general3A_475 {offsets = [0, 448], sizes = [196, 64], strides = [1, 1]} : vector<196x512xf32> to vector<196x64xf32>
    %slice3A_701 = vector.extract_strided_slice %dot_general3A_482 {offsets = [0, 448], sizes = [196, 64], strides = [1, 1]} : vector<196x512xf32> to vector<196x64xf32>
    %dot_general3A_702 = arith.constant dense<0.000000e+00> : vector<196x196xf32>
    %dot_general3A_703 = tpu.matmul %slice3A_700, %slice3A_701, %dot_general3A_702 {dimension_numbers = #tpu.dot_dimension_numbers<[1], [1], [0], [0], [0, 0, 1, 0], [], []>, transpose_lhs_hint = false} : vector<196x64xf32>, vector<196x64xf32>, vector<196x196xf32> -> vector<196x196xf32>
    %mul3A_704 = arith.constant 1.250000e-01 : f32
    %mul3A_705 = vector.broadcast %mul3A_704 : f32 to vector<196x196xf32>
    %mul3A_706 = arith.mulf %dot_general3A_703, %mul3A_705 : vector<196x196xf32>
    %get3A_707 = arith.constant 7 : index
    %get3A_708 = arith.constant 0 : index
    %get3A_709 = arith.constant 0 : index
    %get3A_710 = vector.load %arg2[%get3A_707, %get3A_708, %get3A_709] : memref<8x196x196xf32, #tpu.memory_space<vmem>>, vector<1x196x196xf32>
    %get3A_711 = vector.shape_cast %get3A_710 : vector<1x196x196xf32> to vector<196x196xf32>
    %add3A_712 = arith.addf %mul3A_706, %get3A_711 : vector<196x196xf32>
    %reduce_max3A_713 = arith.constant dense<0xFF800000> : vector<196xf32>
    %reduce_max3A_714 = vector.multi_reduction <maximumf>, %add3A_712, %reduce_max3A_713 [1] : vector<196x196xf32> to vector<196xf32>
    %broadcast_in_dim3A_715 = vector.shape_cast %reduce_max3A_714 : vector<196xf32> to vector<196x1xf32>
    %sub3A_716 = vector.broadcast %broadcast_in_dim3A_715 : vector<196x1xf32> to vector<196x196xf32>
    %sub3A_717 = arith.subf %add3A_712, %sub3A_716 : vector<196x196xf32>
    %exp3A_718 = math.exp %sub3A_717 : vector<196x196xf32>
    %reduce_sum3A_719 = arith.constant dense<0.000000e+00> : vector<196xf32>
    %reduce_sum3A_720 = vector.multi_reduction <add>, %exp3A_718, %reduce_sum3A_719 [1] : vector<196x196xf32> to vector<196xf32>
    %broadcast_in_dim3A_721 = vector.shape_cast %reduce_sum3A_720 : vector<196xf32> to vector<196x1xf32>
    %div3A_722 = vector.broadcast %broadcast_in_dim3A_721 : vector<196x1xf32> to vector<196x196xf32>
    %div3A_723 = arith.divf %exp3A_718, %div3A_722 : vector<196x196xf32>
    %slice3A_724 = vector.extract_strided_slice %dot_general3A_489 {offsets = [0, 448], sizes = [196, 64], strides = [1, 1]} : vector<196x512xf32> to vector<196x64xf32>
    %dot_general3A_725 = arith.constant dense<0.000000e+00> : vector<196x64xf32>
    %dot_general3A_726 = tpu.matmul %div3A_723, %slice3A_724, %dot_general3A_725 {dimension_numbers = #tpu.dot_dimension_numbers<[1], [0], [0], [1], [0, 0, 1, 1], [], []>, transpose_lhs_hint = false} : vector<196x196xf32>, vector<196x64xf32>, vector<196x64xf32> -> vector<196x64xf32>
    %swap3A_727 = arith.constant 0 : index
    %swap3A_728 = arith.constant 448 : index
    %swap3A_729 = vector.load %arg18[%swap3A_727, %swap3A_728] : memref<196x512xf32, #tpu.memory_space<vmem>>, vector<196x64xf32>
    tpu.vector_store %arg18[%swap3A_727, %swap3A_728], %dot_general3A_726 {strides = array<i32>} : memref<196x512xf32, #tpu.memory_space<vmem>>, vector<196x64xf32>,
    %get3A_730 = arith.constant 0 : index
    %get3A_731 = arith.constant 0 : index
    %get3A_732 = vector.load %arg18[%get3A_730, %get3A_731] : memref<196x512xf32, #tpu.memory_space<vmem>>, vector<196x512xf32>
    %get3A_733 = arith.constant 0 : index
    %get3A_734 = arith.constant 0 : index
    %get3A_735 = arith.constant 0 : index
    %get3A_736 = vector.load %arg8[%get3A_733, %get3A_734, %get3A_735] : memref<1x512x512xf32, #tpu.memory_space<vmem>>, vector<1x512x512xf32>
    %get3A_737 = vector.shape_cast %get3A_736 : vector<1x512x512xf32> to vector<512x512xf32>
    %dot_general3A_738 = arith.constant dense<0.000000e+00> : vector<196x512xf32>
    %dot_general3A_739 = tpu.matmul %get3A_732, %get3A_737, %dot_general3A_738 {dimension_numbers = #tpu.dot_dimension_numbers<[1], [0], [0], [1], [0, 0, 1, 1], [], []>, transpose_lhs_hint = false} : vector<196x512xf32>, vector<512x512xf32>, vector<196x512xf32> -> vector<196x512xf32>
    %add3A_740 = arith.addf %get3A_417, %dot_general3A_739 : vector<196x512xf32>
    %get3A_741 = arith.constant 0 : index
    %get3A_742 = arith.constant 0 : index
    %get3A_743 = arith.constant 0 : index
    %get3A_744 = vector.load %arg9[%get3A_741, %get3A_742, %get3A_743] : memref<1x1x512xf32, #tpu.memory_space<vmem>>, vector<1x1x512xf32>
    %get3A_745 = vector.shape_cast %get3A_744 : vector<1x1x512xf32> to vector<1x512xf32>
    %get3A_746 = arith.constant 0 : index
    %get3A_747 = arith.constant 0 : index
    %get3A_748 = arith.constant 0 : index
    %get3A_749 = vector.load %arg10[%get3A_746, %get3A_747, %get3A_748] : memref<1x1x512xf32, #tpu.memory_space<vmem>>, vector<1x1x512xf32>
    %get3A_750 = vector.shape_cast %get3A_749 : vector<1x1x512xf32> to vector<1x512xf32>
    %reduce_sum3A_751 = arith.constant dense<0.000000e+00> : vector<196xf32>
    %reduce_sum3A_752 = vector.multi_reduction <add>, %add3A_740, %reduce_sum3A_751 [1] : vector<196x512xf32> to vector<196xf32>
    %broadcast_in_dim3A_753 = vector.shape_cast %reduce_sum3A_752 : vector<196xf32> to vector<196x1xf32>
    %div3A_754 = arith.constant 5.120000e+02 : f32
    %div3A_755 = vector.broadcast %div3A_754 : f32 to vector<196x1xf32>
    %div3A_756 = arith.divf %broadcast_in_dim3A_753, %div3A_755 : vector<196x1xf32>
    %jit3A_757 = arith.constant 0 : i32
    %reduce_sum3A_758 = arith.constant dense<0.000000e+00> : vector<196xf32>
    %reduce_sum3A_759 = vector.multi_reduction <add>, %add3A_740, %reduce_sum3A_758 [1] : vector<196x512xf32> to vector<196xf32>
    %broadcast_in_dim3A_760 = vector.shape_cast %reduce_sum3A_759 : vector<196xf32> to vector<196x1xf32>
    %div3A_761 = arith.constant 5.120000e+02 : f32
    %div3A_762 = vector.broadcast %div3A_761 : f32 to vector<196x1xf32>
    %div3A_763 = arith.divf %broadcast_in_dim3A_760, %div3A_762 : vector<196x1xf32>
    %sub3A_764 = vector.broadcast %div3A_763 : vector<196x1xf32> to vector<196x512xf32>
    %sub3A_765 = arith.subf %add3A_740, %sub3A_764 : vector<196x512xf32>
    %square3A_766 = arith.mulf %sub3A_765, %sub3A_765 : vector<196x512xf32>
    %convert_element_type3A_767 = arith.sitofp %jit3A_757 : i32 to f32
    %sub3A_768 = arith.constant 5.120000e+02 : f32
    %sub3A_769 = arith.subf %sub3A_768, %convert_element_type3A_767 : f32
    %reduce_sum3A_770 = arith.constant dense<0.000000e+00> : vector<196xf32>
    %reduce_sum3A_771 = vector.multi_reduction <add>, %square3A_766, %reduce_sum3A_770 [1] : vector<196x512xf32> to vector<196xf32>
    %broadcast_in_dim3A_772 = vector.shape_cast %reduce_sum3A_771 : vector<196xf32> to vector<196x1xf32>
    %div3A_773 = vector.broadcast %sub3A_769 : f32 to vector<196x1xf32>
    %div3A_774 = arith.divf %broadcast_in_dim3A_772, %div3A_773 : vector<196x1xf32>
    %gt3A_775 = arith.constant 0.000000e+00 : f32
    %gt3A_776 = arith.cmpf ogt, %sub3A_769, %gt3A_775 : f32
    %jit3A_777 = arith.constant 0x7FC00000 : f32
    %broadcast_in_dim3A_778 = vector.broadcast %jit3A_777 : f32 to vector<196x1xf32>
    %select_n3A_779 = arith.select %gt3A_776, %div3A_774, %broadcast_in_dim3A_778 : vector<196x1xf32>
    %sub3A_780 = vector.broadcast %div3A_756 : vector<196x1xf32> to vector<196x512xf32>
    %sub3A_781 = arith.subf %add3A_740, %sub3A_780 : vector<196x512xf32>
    %add3A_782 = arith.constant 9.99999974E-6 : f32
    %add3A_783 = vector.broadcast %add3A_782 : f32 to vector<196x1xf32>
    %add3A_784 = arith.addf %select_n3A_779, %add3A_783 : vector<196x1xf32>
    %sqrt3A_785 = math.sqrt %add3A_784 : vector<196x1xf32>
    %div3A_786 = vector.broadcast %sqrt3A_785 : vector<196x1xf32> to vector<196x512xf32>
    %div3A_787 = arith.divf %sub3A_781, %div3A_786 : vector<196x512xf32>
    %mul3A_788 = vector.broadcast %get3A_745 : vector<1x512xf32> to vector<196x512xf32>
    %mul3A_789 = arith.mulf %div3A_787, %mul3A_788 : vector<196x512xf32>
    %add3A_790 = vector.broadcast %get3A_750 : vector<1x512xf32> to vector<196x512xf32>
    %add3A_791 = arith.addf %mul3A_789, %add3A_790 : vector<196x512xf32>
    %get3A_792 = arith.constant 0 : index
    %get3A_793 = arith.constant 0 : index
    %get3A_794 = arith.constant 0 : index
    %get3A_795 = vector.load %arg11[%get3A_792, %get3A_793, %get3A_794] : memref<1x512x1408xf32, #tpu.memory_space<vmem>>, vector<1x512x1408xf32>
    %get3A_796 = vector.shape_cast %get3A_795 : vector<1x512x1408xf32> to vector<512x1408xf32>
    %dot_general3A_797 = arith.constant dense<0.000000e+00> : vector<196x1408xf32>
    %dot_general3A_798 = tpu.matmul %add3A_791, %get3A_796, %dot_general3A_797 {dimension_numbers = #tpu.dot_dimension_numbers<[1], [0], [0], [1], [0, 0, 1, 1], [], []>, transpose_lhs_hint = false} : vector<196x512xf32>, vector<512x1408xf32>, vector<196x1408xf32> -> vector<196x1408xf32>
    %get3A_799 = arith.constant 0 : index
    %get3A_800 = arith.constant 0 : index
    %get3A_801 = arith.constant 0 : index
    %get3A_802 = vector.load %arg12[%get3A_799, %get3A_800, %get3A_801] : memref<1x512x1408xf32, #tpu.memory_space<vmem>>, vector<1x512x1408xf32>
    %get3A_803 = vector.shape_cast %get3A_802 : vector<1x512x1408xf32> to vector<512x1408xf32>
    %dot_general3A_804 = arith.constant dense<0.000000e+00> : vector<196x1408xf32>
    %dot_general3A_805 = tpu.matmul %add3A_791, %get3A_803, %dot_general3A_804 {dimension_numbers = #tpu.dot_dimension_numbers<[1], [0], [0], [1], [0, 0, 1, 1], [], []>, transpose_lhs_hint = false} : vector<196x512xf32>, vector<512x1408xf32>, vector<196x1408xf32> -> vector<196x1408xf32>
    %integer_pow3A_806 = arith.mulf %dot_general3A_805, %dot_general3A_805 : vector<196x1408xf32>
    %integer_pow3A_807 = arith.mulf %dot_general3A_805, %integer_pow3A_806 : vector<196x1408xf32>
    %mul3A_808 = arith.constant 4.471500e-02 : f32
    %mul3A_809 = vector.broadcast %mul3A_808 : f32 to vector<196x1408xf32>
    %mul3A_810 = arith.mulf %mul3A_809, %integer_pow3A_807 : vector<196x1408xf32>
    %add3A_811 = arith.addf %dot_general3A_805, %mul3A_810 : vector<196x1408xf32>
    %mul3A_812 = arith.constant 0.797884583 : f32
    %mul3A_813 = vector.broadcast %mul3A_812 : f32 to vector<196x1408xf32>
    %mul3A_814 = arith.mulf %mul3A_813, %add3A_811 : vector<196x1408xf32>
    %tanh3A_815 = math.tanh %mul3A_814 : vector<196x1408xf32>
    %add3A_816 = arith.constant 1.000000e+00 : f32
    %add3A_817 = vector.broadcast %add3A_816 : f32 to vector<196x1408xf32>
    %add3A_818 = arith.addf %add3A_817, %tanh3A_815 : vector<196x1408xf32>
    %mul3A_819 = arith.constant 5.000000e-01 : f32
    %mul3A_820 = vector.broadcast %mul3A_819 : f32 to vector<196x1408xf32>
    %mul3A_821 = arith.mulf %mul3A_820, %add3A_818 : vector<196x1408xf32>
    %mul3A_822 = arith.mulf %dot_general3A_805, %mul3A_821 : vector<196x1408xf32>
    %mul3A_823 = arith.mulf %dot_general3A_798, %mul3A_822 : vector<196x1408xf32>
    %get3A_824 = arith.constant 0 : index
    %get3A_825 = arith.constant 0 : index
    %get3A_826 = arith.constant 0 : index
    %get3A_827 = vector.load %arg13[%get3A_824, %get3A_825, %get3A_826] : memref<1x1408x512xf32, #tpu.memory_space<vmem>>, vector<1x1408x512xf32>
    %get3A_828 = vector.shape_cast %get3A_827 : vector<1x1408x512xf32> to vector<1408x512xf32>
    %dot_general3A_829 = arith.constant dense<0.000000e+00> : vector<196x512xf32>
    %dot_general3A_830 = tpu.matmul %mul3A_823, %get3A_828, %dot_general3A_829 {dimension_numbers = #tpu.dot_dimension_numbers<[1], [0], [0], [1], [0, 0, 1, 1], [], []>, transpose_lhs_hint = false} : vector<196x1408xf32>, vector<1408x512xf32>, vector<196x512xf32> -> vector<196x512xf32>
    %add3A_831 = arith.addf %add3A_740, %dot_general3A_830 : vector<196x512xf32>
    %swap3A_832 = arith.constant 1 : index
    %swap3A_833 = arith.constant 0 : index
    %swap3A_834 = arith.constant 0 : index
    %swap3A_835 = vector.load %arg17[%swap3A_832, %swap3A_833, %swap3A_834] : memref<5x196x512xf32, #tpu.memory_space<vmem>>, vector<1x196x512xf32>
    %swap3A_836 = vector.shape_cast %swap3A_835 : vector<1x196x512xf32> to vector<196x512xf32>
    %swap3A_837 = vector.shape_cast %add3A_831 : vector<196x512xf32> to vector<1x196x512xf32>
    tpu.vector_store %arg17[%swap3A_832, %swap3A_833, %swap3A_834], %swap3A_837 {strides = array<i32>} : memref<5x196x512xf32, #tpu.memory_space<vmem>>, vector<1x196x512xf32>,
    %eq3A_838 = arith.constant 3 : i32
    %eq3A_839 = arith.cmpi eq, %arg0, %eq3A_838 : i32
    %convert_element_type3A_840 = arith.extui %eq3A_839 : i1 to i32
    %cond3A_841 = arith.constant 0 : i32
    %cond3A_842 = arith.cmpi ne, %convert_element_type3A_840, %cond3A_841 : i32
    scf.if %cond3A_842 {
      %get3A_2133 = arith.constant 1 : index
      %get3A_2134 = arith.constant 0 : index
      %get3A_2135 = arith.constant 0 : index
      %get3A_2136 = vector.load %arg17[%get3A_2133, %get3A_2134, %get3A_2135] : memref<5x196x512xf32, #tpu.memory_space<vmem>>, vector<1x196x512xf32>
      %get3A_2137 = vector.shape_cast %get3A_2136 : vector<1x196x512xf32> to vector<196x512xf32>
      %get3A_2138 = arith.constant 0 : index
      %get3A_2139 = arith.constant 0 : index
      %get3A_2140 = vector.load %arg14[%get3A_2138, %get3A_2139] : memref<1x512xf32, #tpu.memory_space<vmem>>, vector<1x512xf32>
      %get3A_2141 = arith.constant 0 : index
      %get3A_2142 = arith.constant 0 : index
      %get3A_2143 = vector.load %arg15[%get3A_2141, %get3A_2142] : memref<1x512xf32, #tpu.memory_space<vmem>>, vector<1x512xf32>
      %reduce_sum3A_2144 = arith.constant dense<0.000000e+00> : vector<196xf32>
      %reduce_sum3A_2145 = vector.multi_reduction <add>, %get3A_2137, %reduce_sum3A_2144 [1] : vector<196x512xf32> to vector<196xf32>
      %broadcast_in_dim3A_2146 = vector.shape_cast %reduce_sum3A_2145 : vector<196xf32> to vector<196x1xf32>
      %div3A_2147 = arith.constant 5.120000e+02 : f32
      %div3A_2148 = vector.broadcast %div3A_2147 : f32 to vector<196x1xf32>
      %div3A_2149 = arith.divf %broadcast_in_dim3A_2146, %div3A_2148 : vector<196x1xf32>
      %jit3A_2150 = arith.constant 0 : i32
      %reduce_sum3A_2151 = arith.constant dense<0.000000e+00> : vector<196xf32>
      %reduce_sum3A_2152 = vector.multi_reduction <add>, %get3A_2137, %reduce_sum3A_2151 [1] : vector<196x512xf32> to vector<196xf32>
      %broadcast_in_dim3A_2153 = vector.shape_cast %reduce_sum3A_2152 : vector<196xf32> to vector<196x1xf32>
      %div3A_2154 = arith.constant 5.120000e+02 : f32
      %div3A_2155 = vector.broadcast %div3A_2154 : f32 to vector<196x1xf32>
      %div3A_2156 = arith.divf %broadcast_in_dim3A_2153, %div3A_2155 : vector<196x1xf32>
      %sub3A_2157 = vector.broadcast %div3A_2156 : vector<196x1xf32> to vector<196x512xf32>
      %sub3A_2158 = arith.subf %get3A_2137, %sub3A_2157 : vector<196x512xf32>
      %square3A_2159 = arith.mulf %sub3A_2158, %sub3A_2158 : vector<196x512xf32>
      %convert_element_type3A_2160 = arith.sitofp %jit3A_2150 : i32 to f32
      %sub3A_2161 = arith.constant 5.120000e+02 : f32
      %sub3A_2162 = arith.subf %sub3A_2161, %convert_element_type3A_2160 : f32
      %reduce_sum3A_2163 = arith.constant dense<0.000000e+00> : vector<196xf32>
      %reduce_sum3A_2164 = vector.multi_reduction <add>, %square3A_2159, %reduce_sum3A_2163 [1] : vector<196x512xf32> to vector<196xf32>
      %broadcast_in_dim3A_2165 = vector.shape_cast %reduce_sum3A_2164 : vector<196xf32> to vector<196x1xf32>
      %div3A_2166 = vector.broadcast %sub3A_2162 : f32 to vector<196x1xf32>
      %div3A_2167 = arith.divf %broadcast_in_dim3A_2165, %div3A_2166 : vector<196x1xf32>
      %gt3A_2168 = arith.constant 0.000000e+00 : f32
      %gt3A_2169 = arith.cmpf ogt, %sub3A_2162, %gt3A_2168 : f32
      %jit3A_2170 = arith.constant 0x7FC00000 : f32
      %broadcast_in_dim3A_2171 = vector.broadcast %jit3A_2170 : f32 to vector<196x1xf32>
      %select_n3A_2172 = arith.select %gt3A_2169, %div3A_2167, %broadcast_in_dim3A_2171 : vector<196x1xf32>
      %sub3A_2173 = vector.broadcast %div3A_2149 : vector<196x1xf32> to vector<196x512xf32>
      %sub3A_2174 = arith.subf %get3A_2137, %sub3A_2173 : vector<196x512xf32>
      %add3A_2175 = arith.constant 9.99999974E-6 : f32
      %add3A_2176 = vector.broadcast %add3A_2175 : f32 to vector<196x1xf32>
      %add3A_2177 = arith.addf %select_n3A_2172, %add3A_2176 : vector<196x1xf32>
      %sqrt3A_2178 = math.sqrt %add3A_2177 : vector<196x1xf32>
      %div3A_2179 = vector.broadcast %sqrt3A_2178 : vector<196x1xf32> to vector<196x512xf32>
      %div3A_2180 = arith.divf %sub3A_2174, %div3A_2179 : vector<196x512xf32>
      %mul3A_2181 = vector.broadcast %get3A_2140 : vector<1x512xf32> to vector<196x512xf32>
      %mul3A_2182 = arith.mulf %div3A_2180, %mul3A_2181 : vector<196x512xf32>
      %add3A_2183 = vector.broadcast %get3A_2143 : vector<1x512xf32> to vector<196x512xf32>
      %add3A_2184 = arith.addf %mul3A_2182, %add3A_2183 : vector<196x512xf32>
      %swap3A_2185 = arith.constant 1 : index
      %swap3A_2186 = arith.constant 0 : index
      %swap3A_2187 = arith.constant 0 : index
      %swap3A_2188 = vector.load %arg16[%swap3A_2185, %swap3A_2186, %swap3A_2187] : memref<5x196x512xf32, #tpu.memory_space<vmem>>, vector<1x196x512xf32>
      %swap3A_2189 = vector.shape_cast %swap3A_2188 : vector<1x196x512xf32> to vector<196x512xf32>
      %swap3A_2190 = vector.shape_cast %add3A_2184 : vector<196x512xf32> to vector<1x196x512xf32>
      tpu.vector_store %arg16[%swap3A_2185, %swap3A_2186, %swap3A_2187], %swap3A_2190 {strides = array<i32>} : memref<5x196x512xf32, #tpu.memory_space<vmem>>, vector<1x196x512xf32>,
    } else {
    }
    %get3A_843 = arith.constant 2 : index
    %get3A_844 = arith.constant 0 : index
    %get3A_845 = arith.constant 0 : index
    %get3A_846 = vector.load %arg17[%get3A_843, %get3A_844, %get3A_845] : memref<5x196x512xf32, #tpu.memory_space<vmem>>, vector<1x196x512xf32>
    %get3A_847 = vector.shape_cast %get3A_846 : vector<1x196x512xf32> to vector<196x512xf32>
    %get3A_848 = arith.constant 0 : index
    %get3A_849 = arith.constant 0 : index
    %get3A_850 = arith.constant 0 : index
    %get3A_851 = vector.load %arg3[%get3A_848, %get3A_849, %get3A_850] : memref<1x1x512xf32, #tpu.memory_space<vmem>>, vector<1x1x512xf32>
    %get3A_852 = vector.shape_cast %get3A_851 : vector<1x1x512xf32> to vector<1x512xf32>
    %get3A_853 = arith.constant 0 : index
    %get3A_854 = arith.constant 0 : index
    %get3A_855 = arith.constant 0 : index
    %get3A_856 = vector.load %arg4[%get3A_853, %get3A_854, %get3A_855] : memref<1x1x512xf32, #tpu.memory_space<vmem>>, vector<1x1x512xf32>
    %get3A_857 = vector.shape_cast %get3A_856 : vector<1x1x512xf32> to vector<1x512xf32>
    %reduce_sum3A_858 = arith.constant dense<0.000000e+00> : vector<196xf32>
    %reduce_sum3A_859 = vector.multi_reduction <add>, %get3A_847, %reduce_sum3A_858 [1] : vector<196x512xf32> to vector<196xf32>
    %broadcast_in_dim3A_860 = vector.shape_cast %reduce_sum3A_859 : vector<196xf32> to vector<196x1xf32>
    %div3A_861 = arith.constant 5.120000e+02 : f32
    %div3A_862 = vector.broadcast %div3A_861 : f32 to vector<196x1xf32>
    %div3A_863 = arith.divf %broadcast_in_dim3A_860, %div3A_862 : vector<196x1xf32>
    %jit3A_864 = arith.constant 0 : i32
    %reduce_sum3A_865 = arith.constant dense<0.000000e+00> : vector<196xf32>
    %reduce_sum3A_866 = vector.multi_reduction <add>, %get3A_847, %reduce_sum3A_865 [1] : vector<196x512xf32> to vector<196xf32>
    %broadcast_in_dim3A_867 = vector.shape_cast %reduce_sum3A_866 : vector<196xf32> to vector<196x1xf32>
    %div3A_868 = arith.constant 5.120000e+02 : f32
    %div3A_869 = vector.broadcast %div3A_868 : f32 to vector<196x1xf32>
    %div3A_870 = arith.divf %broadcast_in_dim3A_867, %div3A_869 : vector<196x1xf32>
    %sub3A_871 = vector.broadcast %div3A_870 : vector<196x1xf32> to vector<196x512xf32>
    %sub3A_872 = arith.subf %get3A_847, %sub3A_871 : vector<196x512xf32>
    %square3A_873 = arith.mulf %sub3A_872, %sub3A_872 : vector<196x512xf32>
    %convert_element_type3A_874 = arith.sitofp %jit3A_864 : i32 to f32
    %sub3A_875 = arith.constant 5.120000e+02 : f32
    %sub3A_876 = arith.subf %sub3A_875, %convert_element_type3A_874 : f32
    %reduce_sum3A_877 = arith.constant dense<0.000000e+00> : vector<196xf32>
    %reduce_sum3A_878 = vector.multi_reduction <add>, %square3A_873, %reduce_sum3A_877 [1] : vector<196x512xf32> to vector<196xf32>
    %broadcast_in_dim3A_879 = vector.shape_cast %reduce_sum3A_878 : vector<196xf32> to vector<196x1xf32>
    %div3A_880 = vector.broadcast %sub3A_876 : f32 to vector<196x1xf32>
    %div3A_881 = arith.divf %broadcast_in_dim3A_879, %div3A_880 : vector<196x1xf32>
    %gt3A_882 = arith.constant 0.000000e+00 : f32
    %gt3A_883 = arith.cmpf ogt, %sub3A_876, %gt3A_882 : f32
    %jit3A_884 = arith.constant 0x7FC00000 : f32
    %broadcast_in_dim3A_885 = vector.broadcast %jit3A_884 : f32 to vector<196x1xf32>
    %select_n3A_886 = arith.select %gt3A_883, %div3A_881, %broadcast_in_dim3A_885 : vector<196x1xf32>
    %sub3A_887 = vector.broadcast %div3A_863 : vector<196x1xf32> to vector<196x512xf32>
    %sub3A_888 = arith.subf %get3A_847, %sub3A_887 : vector<196x512xf32>
    %add3A_889 = arith.constant 9.99999974E-6 : f32
    %add3A_890 = vector.broadcast %add3A_889 : f32 to vector<196x1xf32>
    %add3A_891 = arith.addf %select_n3A_886, %add3A_890 : vector<196x1xf32>
    %sqrt3A_892 = math.sqrt %add3A_891 : vector<196x1xf32>
    %div3A_893 = vector.broadcast %sqrt3A_892 : vector<196x1xf32> to vector<196x512xf32>
    %div3A_894 = arith.divf %sub3A_888, %div3A_893 : vector<196x512xf32>
    %mul3A_895 = vector.broadcast %get3A_852 : vector<1x512xf32> to vector<196x512xf32>
    %mul3A_896 = arith.mulf %div3A_894, %mul3A_895 : vector<196x512xf32>
    %add3A_897 = vector.broadcast %get3A_857 : vector<1x512xf32> to vector<196x512xf32>
    %add3A_898 = arith.addf %mul3A_896, %add3A_897 : vector<196x512xf32>
    %get3A_899 = arith.constant 0 : index
    %get3A_900 = arith.constant 0 : index
    %get3A_901 = arith.constant 0 : index
    %get3A_902 = vector.load %arg5[%get3A_899, %get3A_900, %get3A_901] : memref<1x512x512xf32, #tpu.memory_space<vmem>>, vector<1x512x512xf32>
    %get3A_903 = vector.shape_cast %get3A_902 : vector<1x512x512xf32> to vector<512x512xf32>
    %dot_general3A_904 = arith.constant dense<0.000000e+00> : vector<196x512xf32>
    %dot_general3A_905 = tpu.matmul %add3A_898, %get3A_903, %dot_general3A_904 {dimension_numbers = #tpu.dot_dimension_numbers<[1], [0], [0], [1], [0, 0, 1, 1], [], []>, transpose_lhs_hint = false} : vector<196x512xf32>, vector<512x512xf32>, vector<196x512xf32> -> vector<196x512xf32>
    %get3A_906 = arith.constant 0 : index
    %get3A_907 = arith.constant 0 : index
    %get3A_908 = arith.constant 0 : index
    %get3A_909 = vector.load %arg6[%get3A_906, %get3A_907, %get3A_908] : memref<1x512x512xf32, #tpu.memory_space<vmem>>, vector<1x512x512xf32>
    %get3A_910 = vector.shape_cast %get3A_909 : vector<1x512x512xf32> to vector<512x512xf32>
    %dot_general3A_911 = arith.constant dense<0.000000e+00> : vector<196x512xf32>
    %dot_general3A_912 = tpu.matmul %add3A_898, %get3A_910, %dot_general3A_911 {dimension_numbers = #tpu.dot_dimension_numbers<[1], [0], [0], [1], [0, 0, 1, 1], [], []>, transpose_lhs_hint = false} : vector<196x512xf32>, vector<512x512xf32>, vector<196x512xf32> -> vector<196x512xf32>
    %get3A_913 = arith.constant 0 : index
    %get3A_914 = arith.constant 0 : index
    %get3A_915 = arith.constant 0 : index
    %get3A_916 = vector.load %arg7[%get3A_913, %get3A_914, %get3A_915] : memref<1x512x512xf32, #tpu.memory_space<vmem>>, vector<1x512x512xf32>
    %get3A_917 = vector.shape_cast %get3A_916 : vector<1x512x512xf32> to vector<512x512xf32>
    %dot_general3A_918 = arith.constant dense<0.000000e+00> : vector<196x512xf32>
    %dot_general3A_919 = tpu.matmul %add3A_898, %get3A_917, %dot_general3A_918 {dimension_numbers = #tpu.dot_dimension_numbers<[1], [0], [0], [1], [0, 0, 1, 1], [], []>, transpose_lhs_hint = false} : vector<196x512xf32>, vector<512x512xf32>, vector<196x512xf32> -> vector<196x512xf32>
    %slice3A_920 = vector.extract_strided_slice %dot_general3A_905 {offsets = [0, 0], sizes = [196, 64], strides = [1, 1]} : vector<196x512xf32> to vector<196x64xf32>
    %slice3A_921 = vector.extract_strided_slice %dot_general3A_912 {offsets = [0, 0], sizes = [196, 64], strides = [1, 1]} : vector<196x512xf32> to vector<196x64xf32>
    %dot_general3A_922 = arith.constant dense<0.000000e+00> : vector<196x196xf32>
    %dot_general3A_923 = tpu.matmul %slice3A_920, %slice3A_921, %dot_general3A_922 {dimension_numbers = #tpu.dot_dimension_numbers<[1], [1], [0], [0], [0, 0, 1, 0], [], []>, transpose_lhs_hint = false} : vector<196x64xf32>, vector<196x64xf32>, vector<196x196xf32> -> vector<196x196xf32>
    %mul3A_924 = arith.constant 1.250000e-01 : f32
    %mul3A_925 = vector.broadcast %mul3A_924 : f32 to vector<196x196xf32>
    %mul3A_926 = arith.mulf %dot_general3A_923, %mul3A_925 : vector<196x196xf32>
    %get3A_927 = arith.constant 0 : index
    %get3A_928 = arith.constant 0 : index
    %get3A_929 = arith.constant 0 : index
    %get3A_930 = vector.load %arg2[%get3A_927, %get3A_928, %get3A_929] : memref<8x196x196xf32, #tpu.memory_space<vmem>>, vector<1x196x196xf32>
    %get3A_931 = vector.shape_cast %get3A_930 : vector<1x196x196xf32> to vector<196x196xf32>
    %add3A_932 = arith.addf %mul3A_926, %get3A_931 : vector<196x196xf32>
    %reduce_max3A_933 = arith.constant dense<0xFF800000> : vector<196xf32>
    %reduce_max3A_934 = vector.multi_reduction <maximumf>, %add3A_932, %reduce_max3A_933 [1] : vector<196x196xf32> to vector<196xf32>
    %broadcast_in_dim3A_935 = vector.shape_cast %reduce_max3A_934 : vector<196xf32> to vector<196x1xf32>
    %sub3A_936 = vector.broadcast %broadcast_in_dim3A_935 : vector<196x1xf32> to vector<196x196xf32>
    %sub3A_937 = arith.subf %add3A_932, %sub3A_936 : vector<196x196xf32>
    %exp3A_938 = math.exp %sub3A_937 : vector<196x196xf32>
    %reduce_sum3A_939 = arith.constant dense<0.000000e+00> : vector<196xf32>
    %reduce_sum3A_940 = vector.multi_reduction <add>, %exp3A_938, %reduce_sum3A_939 [1] : vector<196x196xf32> to vector<196xf32>
    %broadcast_in_dim3A_941 = vector.shape_cast %reduce_sum3A_940 : vector<196xf32> to vector<196x1xf32>
    %div3A_942 = vector.broadcast %broadcast_in_dim3A_941 : vector<196x1xf32> to vector<196x196xf32>
    %div3A_943 = arith.divf %exp3A_938, %div3A_942 : vector<196x196xf32>
    %slice3A_944 = vector.extract_strided_slice %dot_general3A_919 {offsets = [0, 0], sizes = [196, 64], strides = [1, 1]} : vector<196x512xf32> to vector<196x64xf32>
    %dot_general3A_945 = arith.constant dense<0.000000e+00> : vector<196x64xf32>
    %dot_general3A_946 = tpu.matmul %div3A_943, %slice3A_944, %dot_general3A_945 {dimension_numbers = #tpu.dot_dimension_numbers<[1], [0], [0], [1], [0, 0, 1, 1], [], []>, transpose_lhs_hint = false} : vector<196x196xf32>, vector<196x64xf32>, vector<196x64xf32> -> vector<196x64xf32>
    %swap3A_947 = arith.constant 0 : index
    %swap3A_948 = arith.constant 0 : index
    %swap3A_949 = vector.load %arg18[%swap3A_947, %swap3A_948] : memref<196x512xf32, #tpu.memory_space<vmem>>, vector<196x64xf32>
    tpu.vector_store %arg18[%swap3A_947, %swap3A_948], %dot_general3A_946 {strides = array<i32>} : memref<196x512xf32, #tpu.memory_space<vmem>>, vector<196x64xf32>,
    %slice3A_950 = vector.extract_strided_slice %dot_general3A_905 {offsets = [0, 64], sizes = [196, 64], strides = [1, 1]} : vector<196x512xf32> to vector<196x64xf32>
    %slice3A_951 = vector.extract_strided_slice %dot_general3A_912 {offsets = [0, 64], sizes = [196, 64], strides = [1, 1]} : vector<196x512xf32> to vector<196x64xf32>
    %dot_general3A_952 = arith.constant dense<0.000000e+00> : vector<196x196xf32>
    %dot_general3A_953 = tpu.matmul %slice3A_950, %slice3A_951, %dot_general3A_952 {dimension_numbers = #tpu.dot_dimension_numbers<[1], [1], [0], [0], [0, 0, 1, 0], [], []>, transpose_lhs_hint = false} : vector<196x64xf32>, vector<196x64xf32>, vector<196x196xf32> -> vector<196x196xf32>
    %mul3A_954 = arith.constant 1.250000e-01 : f32
    %mul3A_955 = vector.broadcast %mul3A_954 : f32 to vector<196x196xf32>
    %mul3A_956 = arith.mulf %dot_general3A_953, %mul3A_955 : vector<196x196xf32>
    %get3A_957 = arith.constant 1 : index
    %get3A_958 = arith.constant 0 : index
    %get3A_959 = arith.constant 0 : index
    %get3A_960 = vector.load %arg2[%get3A_957, %get3A_958, %get3A_959] : memref<8x196x196xf32, #tpu.memory_space<vmem>>, vector<1x196x196xf32>
    %get3A_961 = vector.shape_cast %get3A_960 : vector<1x196x196xf32> to vector<196x196xf32>
    %add3A_962 = arith.addf %mul3A_956, %get3A_961 : vector<196x196xf32>
    %reduce_max3A_963 = arith.constant dense<0xFF800000> : vector<196xf32>
    %reduce_max3A_964 = vector.multi_reduction <maximumf>, %add3A_962, %reduce_max3A_963 [1] : vector<196x196xf32> to vector<196xf32>
    %broadcast_in_dim3A_965 = vector.shape_cast %reduce_max3A_964 : vector<196xf32> to vector<196x1xf32>
    %sub3A_966 = vector.broadcast %broadcast_in_dim3A_965 : vector<196x1xf32> to vector<196x196xf32>
    %sub3A_967 = arith.subf %add3A_962, %sub3A_966 : vector<196x196xf32>
    %exp3A_968 = math.exp %sub3A_967 : vector<196x196xf32>
    %reduce_sum3A_969 = arith.constant dense<0.000000e+00> : vector<196xf32>
    %reduce_sum3A_970 = vector.multi_reduction <add>, %exp3A_968, %reduce_sum3A_969 [1] : vector<196x196xf32> to vector<196xf32>
    %broadcast_in_dim3A_971 = vector.shape_cast %reduce_sum3A_970 : vector<196xf32> to vector<196x1xf32>
    %div3A_972 = vector.broadcast %broadcast_in_dim3A_971 : vector<196x1xf32> to vector<196x196xf32>
    %div3A_973 = arith.divf %exp3A_968, %div3A_972 : vector<196x196xf32>
    %slice3A_974 = vector.extract_strided_slice %dot_general3A_919 {offsets = [0, 64], sizes = [196, 64], strides = [1, 1]} : vector<196x512xf32> to vector<196x64xf32>
    %dot_general3A_975 = arith.constant dense<0.000000e+00> : vector<196x64xf32>
    %dot_general3A_976 = tpu.matmul %div3A_973, %slice3A_974, %dot_general3A_975 {dimension_numbers = #tpu.dot_dimension_numbers<[1], [0], [0], [1], [0, 0, 1, 1], [], []>, transpose_lhs_hint = false} : vector<196x196xf32>, vector<196x64xf32>, vector<196x64xf32> -> vector<196x64xf32>
    %swap3A_977 = arith.constant 0 : index
    %swap3A_978 = arith.constant 64 : index
    %swap3A_979 = vector.load %arg18[%swap3A_977, %swap3A_978] : memref<196x512xf32, #tpu.memory_space<vmem>>, vector<196x64xf32>
    tpu.vector_store %arg18[%swap3A_977, %swap3A_978], %dot_general3A_976 {strides = array<i32>} : memref<196x512xf32, #tpu.memory_space<vmem>>, vector<196x64xf32>,
    %slice3A_980 = vector.extract_strided_slice %dot_general3A_905 {offsets = [0, 128], sizes = [196, 64], strides = [1, 1]} : vector<196x512xf32> to vector<196x64xf32>
    %slice3A_981 = vector.extract_strided_slice %dot_general3A_912 {offsets = [0, 128], sizes = [196, 64], strides = [1, 1]} : vector<196x512xf32> to vector<196x64xf32>
    %dot_general3A_982 = arith.constant dense<0.000000e+00> : vector<196x196xf32>
    %dot_general3A_983 = tpu.matmul %slice3A_980, %slice3A_981, %dot_general3A_982 {dimension_numbers = #tpu.dot_dimension_numbers<[1], [1], [0], [0], [0, 0, 1, 0], [], []>, transpose_lhs_hint = false} : vector<196x64xf32>, vector<196x64xf32>, vector<196x196xf32> -> vector<196x196xf32>
    %mul3A_984 = arith.constant 1.250000e-01 : f32
    %mul3A_985 = vector.broadcast %mul3A_984 : f32 to vector<196x196xf32>
    %mul3A_986 = arith.mulf %dot_general3A_983, %mul3A_985 : vector<196x196xf32>
    %get3A_987 = arith.constant 2 : index
    %get3A_988 = arith.constant 0 : index
    %get3A_989 = arith.constant 0 : index
    %get3A_990 = vector.load %arg2[%get3A_987, %get3A_988, %get3A_989] : memref<8x196x196xf32, #tpu.memory_space<vmem>>, vector<1x196x196xf32>
    %get3A_991 = vector.shape_cast %get3A_990 : vector<1x196x196xf32> to vector<196x196xf32>
    %add3A_992 = arith.addf %mul3A_986, %get3A_991 : vector<196x196xf32>
    %reduce_max3A_993 = arith.constant dense<0xFF800000> : vector<196xf32>
    %reduce_max3A_994 = vector.multi_reduction <maximumf>, %add3A_992, %reduce_max3A_993 [1] : vector<196x196xf32> to vector<196xf32>
    %broadcast_in_dim3A_995 = vector.shape_cast %reduce_max3A_994 : vector<196xf32> to vector<196x1xf32>
    %sub3A_996 = vector.broadcast %broadcast_in_dim3A_995 : vector<196x1xf32> to vector<196x196xf32>
    %sub3A_997 = arith.subf %add3A_992, %sub3A_996 : vector<196x196xf32>
    %exp3A_998 = math.exp %sub3A_997 : vector<196x196xf32>
    %reduce_sum3A_999 = arith.constant dense<0.000000e+00> : vector<196xf32>
    %reduce_sum3A_1000 = vector.multi_reduction <add>, %exp3A_998, %reduce_sum3A_999 [1] : vector<196x196xf32> to vector<196xf32>
    %broadcast_in_dim3A_1001 = vector.shape_cast %reduce_sum3A_1000 : vector<196xf32> to vector<196x1xf32>
    %div3A_1002 = vector.broadcast %broadcast_in_dim3A_1001 : vector<196x1xf32> to vector<196x196xf32>
    %div3A_1003 = arith.divf %exp3A_998, %div3A_1002 : vector<196x196xf32>
    %slice3A_1004 = vector.extract_strided_slice %dot_general3A_919 {offsets = [0, 128], sizes = [196, 64], strides = [1, 1]} : vector<196x512xf32> to vector<196x64xf32>
    %dot_general3A_1005 = arith.constant dense<0.000000e+00> : vector<196x64xf32>
    %dot_general3A_1006 = tpu.matmul %div3A_1003, %slice3A_1004, %dot_general3A_1005 {dimension_numbers = #tpu.dot_dimension_numbers<[1], [0], [0], [1], [0, 0, 1, 1], [], []>, transpose_lhs_hint = false} : vector<196x196xf32>, vector<196x64xf32>, vector<196x64xf32> -> vector<196x64xf32>
    %swap3A_1007 = arith.constant 0 : index
    %swap3A_1008 = arith.constant 128 : index
    %swap3A_1009 = vector.load %arg18[%swap3A_1007, %swap3A_1008] : memref<196x512xf32, #tpu.memory_space<vmem>>, vector<196x64xf32>
    tpu.vector_store %arg18[%swap3A_1007, %swap3A_1008], %dot_general3A_1006 {strides = array<i32>} : memref<196x512xf32, #tpu.memory_space<vmem>>, vector<196x64xf32>,
    %slice3A_1010 = vector.extract_strided_slice %dot_general3A_905 {offsets = [0, 192], sizes = [196, 64], strides = [1, 1]} : vector<196x512xf32> to vector<196x64xf32>
    %slice3A_1011 = vector.extract_strided_slice %dot_general3A_912 {offsets = [0, 192], sizes = [196, 64], strides = [1, 1]} : vector<196x512xf32> to vector<196x64xf32>
    %dot_general3A_1012 = arith.constant dense<0.000000e+00> : vector<196x196xf32>
    %dot_general3A_1013 = tpu.matmul %slice3A_1010, %slice3A_1011, %dot_general3A_1012 {dimension_numbers = #tpu.dot_dimension_numbers<[1], [1], [0], [0], [0, 0, 1, 0], [], []>, transpose_lhs_hint = false} : vector<196x64xf32>, vector<196x64xf32>, vector<196x196xf32> -> vector<196x196xf32>
    %mul3A_1014 = arith.constant 1.250000e-01 : f32
    %mul3A_1015 = vector.broadcast %mul3A_1014 : f32 to vector<196x196xf32>
    %mul3A_1016 = arith.mulf %dot_general3A_1013, %mul3A_1015 : vector<196x196xf32>
    %get3A_1017 = arith.constant 3 : index
    %get3A_1018 = arith.constant 0 : index
    %get3A_1019 = arith.constant 0 : index
    %get3A_1020 = vector.load %arg2[%get3A_1017, %get3A_1018, %get3A_1019] : memref<8x196x196xf32, #tpu.memory_space<vmem>>, vector<1x196x196xf32>
    %get3A_1021 = vector.shape_cast %get3A_1020 : vector<1x196x196xf32> to vector<196x196xf32>
    %add3A_1022 = arith.addf %mul3A_1016, %get3A_1021 : vector<196x196xf32>
    %reduce_max3A_1023 = arith.constant dense<0xFF800000> : vector<196xf32>
    %reduce_max3A_1024 = vector.multi_reduction <maximumf>, %add3A_1022, %reduce_max3A_1023 [1] : vector<196x196xf32> to vector<196xf32>
    %broadcast_in_dim3A_1025 = vector.shape_cast %reduce_max3A_1024 : vector<196xf32> to vector<196x1xf32>
    %sub3A_1026 = vector.broadcast %broadcast_in_dim3A_1025 : vector<196x1xf32> to vector<196x196xf32>
    %sub3A_1027 = arith.subf %add3A_1022, %sub3A_1026 : vector<196x196xf32>
    %exp3A_1028 = math.exp %sub3A_1027 : vector<196x196xf32>
    %reduce_sum3A_1029 = arith.constant dense<0.000000e+00> : vector<196xf32>
    %reduce_sum3A_1030 = vector.multi_reduction <add>, %exp3A_1028, %reduce_sum3A_1029 [1] : vector<196x196xf32> to vector<196xf32>
    %broadcast_in_dim3A_1031 = vector.shape_cast %reduce_sum3A_1030 : vector<196xf32> to vector<196x1xf32>
    %div3A_1032 = vector.broadcast %broadcast_in_dim3A_1031 : vector<196x1xf32> to vector<196x196xf32>
    %div3A_1033 = arith.divf %exp3A_1028, %div3A_1032 : vector<196x196xf32>
    %slice3A_1034 = vector.extract_strided_slice %dot_general3A_919 {offsets = [0, 192], sizes = [196, 64], strides = [1, 1]} : vector<196x512xf32> to vector<196x64xf32>
    %dot_general3A_1035 = arith.constant dense<0.000000e+00> : vector<196x64xf32>
    %dot_general3A_1036 = tpu.matmul %div3A_1033, %slice3A_1034, %dot_general3A_1035 {dimension_numbers = #tpu.dot_dimension_numbers<[1], [0], [0], [1], [0, 0, 1, 1], [], []>, transpose_lhs_hint = false} : vector<196x196xf32>, vector<196x64xf32>, vector<196x64xf32> -> vector<196x64xf32>
    %swap3A_1037 = arith.constant 0 : index
    %swap3A_1038 = arith.constant 192 : index
    %swap3A_1039 = vector.load %arg18[%swap3A_1037, %swap3A_1038] : memref<196x512xf32, #tpu.memory_space<vmem>>, vector<196x64xf32>
    tpu.vector_store %arg18[%swap3A_1037, %swap3A_1038], %dot_general3A_1036 {strides = array<i32>} : memref<196x512xf32, #tpu.memory_space<vmem>>, vector<196x64xf32>,
    %slice3A_1040 = vector.extract_strided_slice %dot_general3A_905 {offsets = [0, 256], sizes = [196, 64], strides = [1, 1]} : vector<196x512xf32> to vector<196x64xf32>
    %slice3A_1041 = vector.extract_strided_slice %dot_general3A_912 {offsets = [0, 256], sizes = [196, 64], strides = [1, 1]} : vector<196x512xf32> to vector<196x64xf32>
    %dot_general3A_1042 = arith.constant dense<0.000000e+00> : vector<196x196xf32>
    %dot_general3A_1043 = tpu.matmul %slice3A_1040, %slice3A_1041, %dot_general3A_1042 {dimension_numbers = #tpu.dot_dimension_numbers<[1], [1], [0], [0], [0, 0, 1, 0], [], []>, transpose_lhs_hint = false} : vector<196x64xf32>, vector<196x64xf32>, vector<196x196xf32> -> vector<196x196xf32>
    %mul3A_1044 = arith.constant 1.250000e-01 : f32
    %mul3A_1045 = vector.broadcast %mul3A_1044 : f32 to vector<196x196xf32>
    %mul3A_1046 = arith.mulf %dot_general3A_1043, %mul3A_1045 : vector<196x196xf32>
    %get3A_1047 = arith.constant 4 : index
    %get3A_1048 = arith.constant 0 : index
    %get3A_1049 = arith.constant 0 : index
    %get3A_1050 = vector.load %arg2[%get3A_1047, %get3A_1048, %get3A_1049] : memref<8x196x196xf32, #tpu.memory_space<vmem>>, vector<1x196x196xf32>
    %get3A_1051 = vector.shape_cast %get3A_1050 : vector<1x196x196xf32> to vector<196x196xf32>
    %add3A_1052 = arith.addf %mul3A_1046, %get3A_1051 : vector<196x196xf32>
    %reduce_max3A_1053 = arith.constant dense<0xFF800000> : vector<196xf32>
    %reduce_max3A_1054 = vector.multi_reduction <maximumf>, %add3A_1052, %reduce_max3A_1053 [1] : vector<196x196xf32> to vector<196xf32>
    %broadcast_in_dim3A_1055 = vector.shape_cast %reduce_max3A_1054 : vector<196xf32> to vector<196x1xf32>
    %sub3A_1056 = vector.broadcast %broadcast_in_dim3A_1055 : vector<196x1xf32> to vector<196x196xf32>
    %sub3A_1057 = arith.subf %add3A_1052, %sub3A_1056 : vector<196x196xf32>
    %exp3A_1058 = math.exp %sub3A_1057 : vector<196x196xf32>
    %reduce_sum3A_1059 = arith.constant dense<0.000000e+00> : vector<196xf32>
    %reduce_sum3A_1060 = vector.multi_reduction <add>, %exp3A_1058, %reduce_sum3A_1059 [1] : vector<196x196xf32> to vector<196xf32>
    %broadcast_in_dim3A_1061 = vector.shape_cast %reduce_sum3A_1060 : vector<196xf32> to vector<196x1xf32>
    %div3A_1062 = vector.broadcast %broadcast_in_dim3A_1061 : vector<196x1xf32> to vector<196x196xf32>
    %div3A_1063 = arith.divf %exp3A_1058, %div3A_1062 : vector<196x196xf32>
    %slice3A_1064 = vector.extract_strided_slice %dot_general3A_919 {offsets = [0, 256], sizes = [196, 64], strides = [1, 1]} : vector<196x512xf32> to vector<196x64xf32>
    %dot_general3A_1065 = arith.constant dense<0.000000e+00> : vector<196x64xf32>
    %dot_general3A_1066 = tpu.matmul %div3A_1063, %slice3A_1064, %dot_general3A_1065 {dimension_numbers = #tpu.dot_dimension_numbers<[1], [0], [0], [1], [0, 0, 1, 1], [], []>, transpose_lhs_hint = false} : vector<196x196xf32>, vector<196x64xf32>, vector<196x64xf32> -> vector<196x64xf32>
    %swap3A_1067 = arith.constant 0 : index
    %swap3A_1068 = arith.constant 256 : index
    %swap3A_1069 = vector.load %arg18[%swap3A_1067, %swap3A_1068] : memref<196x512xf32, #tpu.memory_space<vmem>>, vector<196x64xf32>
    tpu.vector_store %arg18[%swap3A_1067, %swap3A_1068], %dot_general3A_1066 {strides = array<i32>} : memref<196x512xf32, #tpu.memory_space<vmem>>, vector<196x64xf32>,
    %slice3A_1070 = vector.extract_strided_slice %dot_general3A_905 {offsets = [0, 320], sizes = [196, 64], strides = [1, 1]} : vector<196x512xf32> to vector<196x64xf32>
    %slice3A_1071 = vector.extract_strided_slice %dot_general3A_912 {offsets = [0, 320], sizes = [196, 64], strides = [1, 1]} : vector<196x512xf32> to vector<196x64xf32>
    %dot_general3A_1072 = arith.constant dense<0.000000e+00> : vector<196x196xf32>
    %dot_general3A_1073 = tpu.matmul %slice3A_1070, %slice3A_1071, %dot_general3A_1072 {dimension_numbers = #tpu.dot_dimension_numbers<[1], [1], [0], [0], [0, 0, 1, 0], [], []>, transpose_lhs_hint = false} : vector<196x64xf32>, vector<196x64xf32>, vector<196x196xf32> -> vector<196x196xf32>
    %mul3A_1074 = arith.constant 1.250000e-01 : f32
    %mul3A_1075 = vector.broadcast %mul3A_1074 : f32 to vector<196x196xf32>
    %mul3A_1076 = arith.mulf %dot_general3A_1073, %mul3A_1075 : vector<196x196xf32>
    %get3A_1077 = arith.constant 5 : index
    %get3A_1078 = arith.constant 0 : index
    %get3A_1079 = arith.constant 0 : index
    %get3A_1080 = vector.load %arg2[%get3A_1077, %get3A_1078, %get3A_1079] : memref<8x196x196xf32, #tpu.memory_space<vmem>>, vector<1x196x196xf32>
    %get3A_1081 = vector.shape_cast %get3A_1080 : vector<1x196x196xf32> to vector<196x196xf32>
    %add3A_1082 = arith.addf %mul3A_1076, %get3A_1081 : vector<196x196xf32>
    %reduce_max3A_1083 = arith.constant dense<0xFF800000> : vector<196xf32>
    %reduce_max3A_1084 = vector.multi_reduction <maximumf>, %add3A_1082, %reduce_max3A_1083 [1] : vector<196x196xf32> to vector<196xf32>
    %broadcast_in_dim3A_1085 = vector.shape_cast %reduce_max3A_1084 : vector<196xf32> to vector<196x1xf32>
    %sub3A_1086 = vector.broadcast %broadcast_in_dim3A_1085 : vector<196x1xf32> to vector<196x196xf32>
    %sub3A_1087 = arith.subf %add3A_1082, %sub3A_1086 : vector<196x196xf32>
    %exp3A_1088 = math.exp %sub3A_1087 : vector<196x196xf32>
    %reduce_sum3A_1089 = arith.constant dense<0.000000e+00> : vector<196xf32>
    %reduce_sum3A_1090 = vector.multi_reduction <add>, %exp3A_1088, %reduce_sum3A_1089 [1] : vector<196x196xf32> to vector<196xf32>
    %broadcast_in_dim3A_1091 = vector.shape_cast %reduce_sum3A_1090 : vector<196xf32> to vector<196x1xf32>
    %div3A_1092 = vector.broadcast %broadcast_in_dim3A_1091 : vector<196x1xf32> to vector<196x196xf32>
    %div3A_1093 = arith.divf %exp3A_1088, %div3A_1092 : vector<196x196xf32>
    %slice3A_1094 = vector.extract_strided_slice %dot_general3A_919 {offsets = [0, 320], sizes = [196, 64], strides = [1, 1]} : vector<196x512xf32> to vector<196x64xf32>
    %dot_general3A_1095 = arith.constant dense<0.000000e+00> : vector<196x64xf32>
    %dot_general3A_1096 = tpu.matmul %div3A_1093, %slice3A_1094, %dot_general3A_1095 {dimension_numbers = #tpu.dot_dimension_numbers<[1], [0], [0], [1], [0, 0, 1, 1], [], []>, transpose_lhs_hint = false} : vector<196x196xf32>, vector<196x64xf32>, vector<196x64xf32> -> vector<196x64xf32>
    %swap3A_1097 = arith.constant 0 : index
    %swap3A_1098 = arith.constant 320 : index
    %swap3A_1099 = vector.load %arg18[%swap3A_1097, %swap3A_1098] : memref<196x512xf32, #tpu.memory_space<vmem>>, vector<196x64xf32>
    tpu.vector_store %arg18[%swap3A_1097, %swap3A_1098], %dot_general3A_1096 {strides = array<i32>} : memref<196x512xf32, #tpu.memory_space<vmem>>, vector<196x64xf32>,
    %slice3A_1100 = vector.extract_strided_slice %dot_general3A_905 {offsets = [0, 384], sizes = [196, 64], strides = [1, 1]} : vector<196x512xf32> to vector<196x64xf32>
    %slice3A_1101 = vector.extract_strided_slice %dot_general3A_912 {offsets = [0, 384], sizes = [196, 64], strides = [1, 1]} : vector<196x512xf32> to vector<196x64xf32>
    %dot_general3A_1102 = arith.constant dense<0.000000e+00> : vector<196x196xf32>
    %dot_general3A_1103 = tpu.matmul %slice3A_1100, %slice3A_1101, %dot_general3A_1102 {dimension_numbers = #tpu.dot_dimension_numbers<[1], [1], [0], [0], [0, 0, 1, 0], [], []>, transpose_lhs_hint = false} : vector<196x64xf32>, vector<196x64xf32>, vector<196x196xf32> -> vector<196x196xf32>
    %mul3A_1104 = arith.constant 1.250000e-01 : f32
    %mul3A_1105 = vector.broadcast %mul3A_1104 : f32 to vector<196x196xf32>
    %mul3A_1106 = arith.mulf %dot_general3A_1103, %mul3A_1105 : vector<196x196xf32>
    %get3A_1107 = arith.constant 6 : index
    %get3A_1108 = arith.constant 0 : index
    %get3A_1109 = arith.constant 0 : index
    %get3A_1110 = vector.load %arg2[%get3A_1107, %get3A_1108, %get3A_1109] : memref<8x196x196xf32, #tpu.memory_space<vmem>>, vector<1x196x196xf32>
    %get3A_1111 = vector.shape_cast %get3A_1110 : vector<1x196x196xf32> to vector<196x196xf32>
    %add3A_1112 = arith.addf %mul3A_1106, %get3A_1111 : vector<196x196xf32>
    %reduce_max3A_1113 = arith.constant dense<0xFF800000> : vector<196xf32>
    %reduce_max3A_1114 = vector.multi_reduction <maximumf>, %add3A_1112, %reduce_max3A_1113 [1] : vector<196x196xf32> to vector<196xf32>
    %broadcast_in_dim3A_1115 = vector.shape_cast %reduce_max3A_1114 : vector<196xf32> to vector<196x1xf32>
    %sub3A_1116 = vector.broadcast %broadcast_in_dim3A_1115 : vector<196x1xf32> to vector<196x196xf32>
    %sub3A_1117 = arith.subf %add3A_1112, %sub3A_1116 : vector<196x196xf32>
    %exp3A_1118 = math.exp %sub3A_1117 : vector<196x196xf32>
    %reduce_sum3A_1119 = arith.constant dense<0.000000e+00> : vector<196xf32>
    %reduce_sum3A_1120 = vector.multi_reduction <add>, %exp3A_1118, %reduce_sum3A_1119 [1] : vector<196x196xf32> to vector<196xf32>
    %broadcast_in_dim3A_1121 = vector.shape_cast %reduce_sum3A_1120 : vector<196xf32> to vector<196x1xf32>
    %div3A_1122 = vector.broadcast %broadcast_in_dim3A_1121 : vector<196x1xf32> to vector<196x196xf32>
    %div3A_1123 = arith.divf %exp3A_1118, %div3A_1122 : vector<196x196xf32>
    %slice3A_1124 = vector.extract_strided_slice %dot_general3A_919 {offsets = [0, 384], sizes = [196, 64], strides = [1, 1]} : vector<196x512xf32> to vector<196x64xf32>
    %dot_general3A_1125 = arith.constant dense<0.000000e+00> : vector<196x64xf32>
    %dot_general3A_1126 = tpu.matmul %div3A_1123, %slice3A_1124, %dot_general3A_1125 {dimension_numbers = #tpu.dot_dimension_numbers<[1], [0], [0], [1], [0, 0, 1, 1], [], []>, transpose_lhs_hint = false} : vector<196x196xf32>, vector<196x64xf32>, vector<196x64xf32> -> vector<196x64xf32>
    %swap3A_1127 = arith.constant 0 : index
    %swap3A_1128 = arith.constant 384 : index
    %swap3A_1129 = vector.load %arg18[%swap3A_1127, %swap3A_1128] : memref<196x512xf32, #tpu.memory_space<vmem>>, vector<196x64xf32>
    tpu.vector_store %arg18[%swap3A_1127, %swap3A_1128], %dot_general3A_1126 {strides = array<i32>} : memref<196x512xf32, #tpu.memory_space<vmem>>, vector<196x64xf32>,
    %slice3A_1130 = vector.extract_strided_slice %dot_general3A_905 {offsets = [0, 448], sizes = [196, 64], strides = [1, 1]} : vector<196x512xf32> to vector<196x64xf32>
    %slice3A_1131 = vector.extract_strided_slice %dot_general3A_912 {offsets = [0, 448], sizes = [196, 64], strides = [1, 1]} : vector<196x512xf32> to vector<196x64xf32>
    %dot_general3A_1132 = arith.constant dense<0.000000e+00> : vector<196x196xf32>
    %dot_general3A_1133 = tpu.matmul %slice3A_1130, %slice3A_1131, %dot_general3A_1132 {dimension_numbers = #tpu.dot_dimension_numbers<[1], [1], [0], [0], [0, 0, 1, 0], [], []>, transpose_lhs_hint = false} : vector<196x64xf32>, vector<196x64xf32>, vector<196x196xf32> -> vector<196x196xf32>
    %mul3A_1134 = arith.constant 1.250000e-01 : f32
    %mul3A_1135 = vector.broadcast %mul3A_1134 : f32 to vector<196x196xf32>
    %mul3A_1136 = arith.mulf %dot_general3A_1133, %mul3A_1135 : vector<196x196xf32>
    %get3A_1137 = arith.constant 7 : index
    %get3A_1138 = arith.constant 0 : index
    %get3A_1139 = arith.constant 0 : index
    %get3A_1140 = vector.load %arg2[%get3A_1137, %get3A_1138, %get3A_1139] : memref<8x196x196xf32, #tpu.memory_space<vmem>>, vector<1x196x196xf32>
    %get3A_1141 = vector.shape_cast %get3A_1140 : vector<1x196x196xf32> to vector<196x196xf32>
    %add3A_1142 = arith.addf %mul3A_1136, %get3A_1141 : vector<196x196xf32>
    %reduce_max3A_1143 = arith.constant dense<0xFF800000> : vector<196xf32>
    %reduce_max3A_1144 = vector.multi_reduction <maximumf>, %add3A_1142, %reduce_max3A_1143 [1] : vector<196x196xf32> to vector<196xf32>
    %broadcast_in_dim3A_1145 = vector.shape_cast %reduce_max3A_1144 : vector<196xf32> to vector<196x1xf32>
    %sub3A_1146 = vector.broadcast %broadcast_in_dim3A_1145 : vector<196x1xf32> to vector<196x196xf32>
    %sub3A_1147 = arith.subf %add3A_1142, %sub3A_1146 : vector<196x196xf32>
    %exp3A_1148 = math.exp %sub3A_1147 : vector<196x196xf32>
    %reduce_sum3A_1149 = arith.constant dense<0.000000e+00> : vector<196xf32>
    %reduce_sum3A_1150 = vector.multi_reduction <add>, %exp3A_1148, %reduce_sum3A_1149 [1] : vector<196x196xf32> to vector<196xf32>
    %broadcast_in_dim3A_1151 = vector.shape_cast %reduce_sum3A_1150 : vector<196xf32> to vector<196x1xf32>
    %div3A_1152 = vector.broadcast %broadcast_in_dim3A_1151 : vector<196x1xf32> to vector<196x196xf32>
    %div3A_1153 = arith.divf %exp3A_1148, %div3A_1152 : vector<196x196xf32>
    %slice3A_1154 = vector.extract_strided_slice %dot_general3A_919 {offsets = [0, 448], sizes = [196, 64], strides = [1, 1]} : vector<196x512xf32> to vector<196x64xf32>
    %dot_general3A_1155 = arith.constant dense<0.000000e+00> : vector<196x64xf32>
    %dot_general3A_1156 = tpu.matmul %div3A_1153, %slice3A_1154, %dot_general3A_1155 {dimension_numbers = #tpu.dot_dimension_numbers<[1], [0], [0], [1], [0, 0, 1, 1], [], []>, transpose_lhs_hint = false} : vector<196x196xf32>, vector<196x64xf32>, vector<196x64xf32> -> vector<196x64xf32>
    %swap3A_1157 = arith.constant 0 : index
    %swap3A_1158 = arith.constant 448 : index
    %swap3A_1159 = vector.load %arg18[%swap3A_1157, %swap3A_1158] : memref<196x512xf32, #tpu.memory_space<vmem>>, vector<196x64xf32>
    tpu.vector_store %arg18[%swap3A_1157, %swap3A_1158], %dot_general3A_1156 {strides = array<i32>} : memref<196x512xf32, #tpu.memory_space<vmem>>, vector<196x64xf32>,
    %get3A_1160 = arith.constant 0 : index
    %get3A_1161 = arith.constant 0 : index
    %get3A_1162 = vector.load %arg18[%get3A_1160, %get3A_1161] : memref<196x512xf32, #tpu.memory_space<vmem>>, vector<196x512xf32>
    %get3A_1163 = arith.constant 0 : index
    %get3A_1164 = arith.constant 0 : index
    %get3A_1165 = arith.constant 0 : index
    %get3A_1166 = vector.load %arg8[%get3A_1163, %get3A_1164, %get3A_1165] : memref<1x512x512xf32, #tpu.memory_space<vmem>>, vector<1x512x512xf32>
    %get3A_1167 = vector.shape_cast %get3A_1166 : vector<1x512x512xf32> to vector<512x512xf32>
    %dot_general3A_1168 = arith.constant dense<0.000000e+00> : vector<196x512xf32>
    %dot_general3A_1169 = tpu.matmul %get3A_1162, %get3A_1167, %dot_general3A_1168 {dimension_numbers = #tpu.dot_dimension_numbers<[1], [0], [0], [1], [0, 0, 1, 1], [], []>, transpose_lhs_hint = false} : vector<196x512xf32>, vector<512x512xf32>, vector<196x512xf32> -> vector<196x512xf32>
    %add3A_1170 = arith.addf %get3A_847, %dot_general3A_1169 : vector<196x512xf32>
    %get3A_1171 = arith.constant 0 : index
    %get3A_1172 = arith.constant 0 : index
    %get3A_1173 = arith.constant 0 : index
    %get3A_1174 = vector.load %arg9[%get3A_1171, %get3A_1172, %get3A_1173] : memref<1x1x512xf32, #tpu.memory_space<vmem>>, vector<1x1x512xf32>
    %get3A_1175 = vector.shape_cast %get3A_1174 : vector<1x1x512xf32> to vector<1x512xf32>
    %get3A_1176 = arith.constant 0 : index
    %get3A_1177 = arith.constant 0 : index
    %get3A_1178 = arith.constant 0 : index
    %get3A_1179 = vector.load %arg10[%get3A_1176, %get3A_1177, %get3A_1178] : memref<1x1x512xf32, #tpu.memory_space<vmem>>, vector<1x1x512xf32>
    %get3A_1180 = vector.shape_cast %get3A_1179 : vector<1x1x512xf32> to vector<1x512xf32>
    %reduce_sum3A_1181 = arith.constant dense<0.000000e+00> : vector<196xf32>
    %reduce_sum3A_1182 = vector.multi_reduction <add>, %add3A_1170, %reduce_sum3A_1181 [1] : vector<196x512xf32> to vector<196xf32>
    %broadcast_in_dim3A_1183 = vector.shape_cast %reduce_sum3A_1182 : vector<196xf32> to vector<196x1xf32>
    %div3A_1184 = arith.constant 5.120000e+02 : f32
    %div3A_1185 = vector.broadcast %div3A_1184 : f32 to vector<196x1xf32>
    %div3A_1186 = arith.divf %broadcast_in_dim3A_1183, %div3A_1185 : vector<196x1xf32>
    %jit3A_1187 = arith.constant 0 : i32
    %reduce_sum3A_1188 = arith.constant dense<0.000000e+00> : vector<196xf32>
    %reduce_sum3A_1189 = vector.multi_reduction <add>, %add3A_1170, %reduce_sum3A_1188 [1] : vector<196x512xf32> to vector<196xf32>
    %broadcast_in_dim3A_1190 = vector.shape_cast %reduce_sum3A_1189 : vector<196xf32> to vector<196x1xf32>
    %div3A_1191 = arith.constant 5.120000e+02 : f32
    %div3A_1192 = vector.broadcast %div3A_1191 : f32 to vector<196x1xf32>
    %div3A_1193 = arith.divf %broadcast_in_dim3A_1190, %div3A_1192 : vector<196x1xf32>
    %sub3A_1194 = vector.broadcast %div3A_1193 : vector<196x1xf32> to vector<196x512xf32>
    %sub3A_1195 = arith.subf %add3A_1170, %sub3A_1194 : vector<196x512xf32>
    %square3A_1196 = arith.mulf %sub3A_1195, %sub3A_1195 : vector<196x512xf32>
    %convert_element_type3A_1197 = arith.sitofp %jit3A_1187 : i32 to f32
    %sub3A_1198 = arith.constant 5.120000e+02 : f32
    %sub3A_1199 = arith.subf %sub3A_1198, %convert_element_type3A_1197 : f32
    %reduce_sum3A_1200 = arith.constant dense<0.000000e+00> : vector<196xf32>
    %reduce_sum3A_1201 = vector.multi_reduction <add>, %square3A_1196, %reduce_sum3A_1200 [1] : vector<196x512xf32> to vector<196xf32>
    %broadcast_in_dim3A_1202 = vector.shape_cast %reduce_sum3A_1201 : vector<196xf32> to vector<196x1xf32>
    %div3A_1203 = vector.broadcast %sub3A_1199 : f32 to vector<196x1xf32>
    %div3A_1204 = arith.divf %broadcast_in_dim3A_1202, %div3A_1203 : vector<196x1xf32>
    %gt3A_1205 = arith.constant 0.000000e+00 : f32
    %gt3A_1206 = arith.cmpf ogt, %sub3A_1199, %gt3A_1205 : f32
    %jit3A_1207 = arith.constant 0x7FC00000 : f32
    %broadcast_in_dim3A_1208 = vector.broadcast %jit3A_1207 : f32 to vector<196x1xf32>
    %select_n3A_1209 = arith.select %gt3A_1206, %div3A_1204, %broadcast_in_dim3A_1208 : vector<196x1xf32>
    %sub3A_1210 = vector.broadcast %div3A_1186 : vector<196x1xf32> to vector<196x512xf32>
    %sub3A_1211 = arith.subf %add3A_1170, %sub3A_1210 : vector<196x512xf32>
    %add3A_1212 = arith.constant 9.99999974E-6 : f32
    %add3A_1213 = vector.broadcast %add3A_1212 : f32 to vector<196x1xf32>
    %add3A_1214 = arith.addf %select_n3A_1209, %add3A_1213 : vector<196x1xf32>
    %sqrt3A_1215 = math.sqrt %add3A_1214 : vector<196x1xf32>
    %div3A_1216 = vector.broadcast %sqrt3A_1215 : vector<196x1xf32> to vector<196x512xf32>
    %div3A_1217 = arith.divf %sub3A_1211, %div3A_1216 : vector<196x512xf32>
    %mul3A_1218 = vector.broadcast %get3A_1175 : vector<1x512xf32> to vector<196x512xf32>
    %mul3A_1219 = arith.mulf %div3A_1217, %mul3A_1218 : vector<196x512xf32>
    %add3A_1220 = vector.broadcast %get3A_1180 : vector<1x512xf32> to vector<196x512xf32>
    %add3A_1221 = arith.addf %mul3A_1219, %add3A_1220 : vector<196x512xf32>
    %get3A_1222 = arith.constant 0 : index
    %get3A_1223 = arith.constant 0 : index
    %get3A_1224 = arith.constant 0 : index
    %get3A_1225 = vector.load %arg11[%get3A_1222, %get3A_1223, %get3A_1224] : memref<1x512x1408xf32, #tpu.memory_space<vmem>>, vector<1x512x1408xf32>
    %get3A_1226 = vector.shape_cast %get3A_1225 : vector<1x512x1408xf32> to vector<512x1408xf32>
    %dot_general3A_1227 = arith.constant dense<0.000000e+00> : vector<196x1408xf32>
    %dot_general3A_1228 = tpu.matmul %add3A_1221, %get3A_1226, %dot_general3A_1227 {dimension_numbers = #tpu.dot_dimension_numbers<[1], [0], [0], [1], [0, 0, 1, 1], [], []>, transpose_lhs_hint = false} : vector<196x512xf32>, vector<512x1408xf32>, vector<196x1408xf32> -> vector<196x1408xf32>
    %get3A_1229 = arith.constant 0 : index
    %get3A_1230 = arith.constant 0 : index
    %get3A_1231 = arith.constant 0 : index
    %get3A_1232 = vector.load %arg12[%get3A_1229, %get3A_1230, %get3A_1231] : memref<1x512x1408xf32, #tpu.memory_space<vmem>>, vector<1x512x1408xf32>
    %get3A_1233 = vector.shape_cast %get3A_1232 : vector<1x512x1408xf32> to vector<512x1408xf32>
    %dot_general3A_1234 = arith.constant dense<0.000000e+00> : vector<196x1408xf32>
    %dot_general3A_1235 = tpu.matmul %add3A_1221, %get3A_1233, %dot_general3A_1234 {dimension_numbers = #tpu.dot_dimension_numbers<[1], [0], [0], [1], [0, 0, 1, 1], [], []>, transpose_lhs_hint = false} : vector<196x512xf32>, vector<512x1408xf32>, vector<196x1408xf32> -> vector<196x1408xf32>
    %integer_pow3A_1236 = arith.mulf %dot_general3A_1235, %dot_general3A_1235 : vector<196x1408xf32>
    %integer_pow3A_1237 = arith.mulf %dot_general3A_1235, %integer_pow3A_1236 : vector<196x1408xf32>
    %mul3A_1238 = arith.constant 4.471500e-02 : f32
    %mul3A_1239 = vector.broadcast %mul3A_1238 : f32 to vector<196x1408xf32>
    %mul3A_1240 = arith.mulf %mul3A_1239, %integer_pow3A_1237 : vector<196x1408xf32>
    %add3A_1241 = arith.addf %dot_general3A_1235, %mul3A_1240 : vector<196x1408xf32>
    %mul3A_1242 = arith.constant 0.797884583 : f32
    %mul3A_1243 = vector.broadcast %mul3A_1242 : f32 to vector<196x1408xf32>
    %mul3A_1244 = arith.mulf %mul3A_1243, %add3A_1241 : vector<196x1408xf32>
    %tanh3A_1245 = math.tanh %mul3A_1244 : vector<196x1408xf32>
    %add3A_1246 = arith.constant 1.000000e+00 : f32
    %add3A_1247 = vector.broadcast %add3A_1246 : f32 to vector<196x1408xf32>
    %add3A_1248 = arith.addf %add3A_1247, %tanh3A_1245 : vector<196x1408xf32>
    %mul3A_1249 = arith.constant 5.000000e-01 : f32
    %mul3A_1250 = vector.broadcast %mul3A_1249 : f32 to vector<196x1408xf32>
    %mul3A_1251 = arith.mulf %mul3A_1250, %add3A_1248 : vector<196x1408xf32>
    %mul3A_1252 = arith.mulf %dot_general3A_1235, %mul3A_1251 : vector<196x1408xf32>
    %mul3A_1253 = arith.mulf %dot_general3A_1228, %mul3A_1252 : vector<196x1408xf32>
    %get3A_1254 = arith.constant 0 : index
    %get3A_1255 = arith.constant 0 : index
    %get3A_1256 = arith.constant 0 : index
    %get3A_1257 = vector.load %arg13[%get3A_1254, %get3A_1255, %get3A_1256] : memref<1x1408x512xf32, #tpu.memory_space<vmem>>, vector<1x1408x512xf32>
    %get3A_1258 = vector.shape_cast %get3A_1257 : vector<1x1408x512xf32> to vector<1408x512xf32>
    %dot_general3A_1259 = arith.constant dense<0.000000e+00> : vector<196x512xf32>
    %dot_general3A_1260 = tpu.matmul %mul3A_1253, %get3A_1258, %dot_general3A_1259 {dimension_numbers = #tpu.dot_dimension_numbers<[1], [0], [0], [1], [0, 0, 1, 1], [], []>, transpose_lhs_hint = false} : vector<196x1408xf32>, vector<1408x512xf32>, vector<196x512xf32> -> vector<196x512xf32>
    %add3A_1261 = arith.addf %add3A_1170, %dot_general3A_1260 : vector<196x512xf32>
    %swap3A_1262 = arith.constant 2 : index
    %swap3A_1263 = arith.constant 0 : index
    %swap3A_1264 = arith.constant 0 : index
    %swap3A_1265 = vector.load %arg17[%swap3A_1262, %swap3A_1263, %swap3A_1264] : memref<5x196x512xf32, #tpu.memory_space<vmem>>, vector<1x196x512xf32>
    %swap3A_1266 = vector.shape_cast %swap3A_1265 : vector<1x196x512xf32> to vector<196x512xf32>
    %swap3A_1267 = vector.shape_cast %add3A_1261 : vector<196x512xf32> to vector<1x196x512xf32>
    tpu.vector_store %arg17[%swap3A_1262, %swap3A_1263, %swap3A_1264], %swap3A_1267 {strides = array<i32>} : memref<5x196x512xf32, #tpu.memory_space<vmem>>, vector<1x196x512xf32>,
    %eq3A_1268 = arith.constant 3 : i32
    %eq3A_1269 = arith.cmpi eq, %arg0, %eq3A_1268 : i32
    %convert_element_type3A_1270 = arith.extui %eq3A_1269 : i1 to i32
    %cond3A_1271 = arith.constant 0 : i32
    %cond3A_1272 = arith.cmpi ne, %convert_element_type3A_1270, %cond3A_1271 : i32
    scf.if %cond3A_1272 {
      %get3A_2133 = arith.constant 2 : index
      %get3A_2134 = arith.constant 0 : index
      %get3A_2135 = arith.constant 0 : index
      %get3A_2136 = vector.load %arg17[%get3A_2133, %get3A_2134, %get3A_2135] : memref<5x196x512xf32, #tpu.memory_space<vmem>>, vector<1x196x512xf32>
      %get3A_2137 = vector.shape_cast %get3A_2136 : vector<1x196x512xf32> to vector<196x512xf32>
      %get3A_2138 = arith.constant 0 : index
      %get3A_2139 = arith.constant 0 : index
      %get3A_2140 = vector.load %arg14[%get3A_2138, %get3A_2139] : memref<1x512xf32, #tpu.memory_space<vmem>>, vector<1x512xf32>
      %get3A_2141 = arith.constant 0 : index
      %get3A_2142 = arith.constant 0 : index
      %get3A_2143 = vector.load %arg15[%get3A_2141, %get3A_2142] : memref<1x512xf32, #tpu.memory_space<vmem>>, vector<1x512xf32>
      %reduce_sum3A_2144 = arith.constant dense<0.000000e+00> : vector<196xf32>
      %reduce_sum3A_2145 = vector.multi_reduction <add>, %get3A_2137, %reduce_sum3A_2144 [1] : vector<196x512xf32> to vector<196xf32>
      %broadcast_in_dim3A_2146 = vector.shape_cast %reduce_sum3A_2145 : vector<196xf32> to vector<196x1xf32>
      %div3A_2147 = arith.constant 5.120000e+02 : f32
      %div3A_2148 = vector.broadcast %div3A_2147 : f32 to vector<196x1xf32>
      %div3A_2149 = arith.divf %broadcast_in_dim3A_2146, %div3A_2148 : vector<196x1xf32>
      %jit3A_2150 = arith.constant 0 : i32
      %reduce_sum3A_2151 = arith.constant dense<0.000000e+00> : vector<196xf32>
      %reduce_sum3A_2152 = vector.multi_reduction <add>, %get3A_2137, %reduce_sum3A_2151 [1] : vector<196x512xf32> to vector<196xf32>
      %broadcast_in_dim3A_2153 = vector.shape_cast %reduce_sum3A_2152 : vector<196xf32> to vector<196x1xf32>
      %div3A_2154 = arith.constant 5.120000e+02 : f32
      %div3A_2155 = vector.broadcast %div3A_2154 : f32 to vector<196x1xf32>
      %div3A_2156 = arith.divf %broadcast_in_dim3A_2153, %div3A_2155 : vector<196x1xf32>
      %sub3A_2157 = vector.broadcast %div3A_2156 : vector<196x1xf32> to vector<196x512xf32>
      %sub3A_2158 = arith.subf %get3A_2137, %sub3A_2157 : vector<196x512xf32>
      %square3A_2159 = arith.mulf %sub3A_2158, %sub3A_2158 : vector<196x512xf32>
      %convert_element_type3A_2160 = arith.sitofp %jit3A_2150 : i32 to f32
      %sub3A_2161 = arith.constant 5.120000e+02 : f32
      %sub3A_2162 = arith.subf %sub3A_2161, %convert_element_type3A_2160 : f32
      %reduce_sum3A_2163 = arith.constant dense<0.000000e+00> : vector<196xf32>
      %reduce_sum3A_2164 = vector.multi_reduction <add>, %square3A_2159, %reduce_sum3A_2163 [1] : vector<196x512xf32> to vector<196xf32>
      %broadcast_in_dim3A_2165 = vector.shape_cast %reduce_sum3A_2164 : vector<196xf32> to vector<196x1xf32>
      %div3A_2166 = vector.broadcast %sub3A_2162 : f32 to vector<196x1xf32>
      %div3A_2167 = arith.divf %broadcast_in_dim3A_2165, %div3A_2166 : vector<196x1xf32>
      %gt3A_2168 = arith.constant 0.000000e+00 : f32
      %gt3A_2169 = arith.cmpf ogt, %sub3A_2162, %gt3A_2168 : f32
      %jit3A_2170 = arith.constant 0x7FC00000 : f32
      %broadcast_in_dim3A_2171 = vector.broadcast %jit3A_2170 : f32 to vector<196x1xf32>
      %select_n3A_2172 = arith.select %gt3A_2169, %div3A_2167, %broadcast_in_dim3A_2171 : vector<196x1xf32>
      %sub3A_2173 = vector.broadcast %div3A_2149 : vector<196x1xf32> to vector<196x512xf32>
      %sub3A_2174 = arith.subf %get3A_2137, %sub3A_2173 : vector<196x512xf32>
      %add3A_2175 = arith.constant 9.99999974E-6 : f32
      %add3A_2176 = vector.broadcast %add3A_2175 : f32 to vector<196x1xf32>
      %add3A_2177 = arith.addf %select_n3A_2172, %add3A_2176 : vector<196x1xf32>
      %sqrt3A_2178 = math.sqrt %add3A_2177 : vector<196x1xf32>
      %div3A_2179 = vector.broadcast %sqrt3A_2178 : vector<196x1xf32> to vector<196x512xf32>
      %div3A_2180 = arith.divf %sub3A_2174, %div3A_2179 : vector<196x512xf32>
      %mul3A_2181 = vector.broadcast %get3A_2140 : vector<1x512xf32> to vector<196x512xf32>
      %mul3A_2182 = arith.mulf %div3A_2180, %mul3A_2181 : vector<196x512xf32>
      %add3A_2183 = vector.broadcast %get3A_2143 : vector<1x512xf32> to vector<196x512xf32>
      %add3A_2184 = arith.addf %mul3A_2182, %add3A_2183 : vector<196x512xf32>
      %swap3A_2185 = arith.constant 2 : index
      %swap3A_2186 = arith.constant 0 : index
      %swap3A_2187 = arith.constant 0 : index
      %swap3A_2188 = vector.load %arg16[%swap3A_2185, %swap3A_2186, %swap3A_2187] : memref<5x196x512xf32, #tpu.memory_space<vmem>>, vector<1x196x512xf32>
      %swap3A_2189 = vector.shape_cast %swap3A_2188 : vector<1x196x512xf32> to vector<196x512xf32>
      %swap3A_2190 = vector.shape_cast %add3A_2184 : vector<196x512xf32> to vector<1x196x512xf32>
      tpu.vector_store %arg16[%swap3A_2185, %swap3A_2186, %swap3A_2187], %swap3A_2190 {strides = array<i32>} : memref<5x196x512xf32, #tpu.memory_space<vmem>>, vector<1x196x512xf32>,
    } else {
    }
    %get3A_1273 = arith.constant 3 : index
    %get3A_1274 = arith.constant 0 : index
    %get3A_1275 = arith.constant 0 : index
    %get3A_1276 = vector.load %arg17[%get3A_1273, %get3A_1274, %get3A_1275] : memref<5x196x512xf32, #tpu.memory_space<vmem>>, vector<1x196x512xf32>
    %get3A_1277 = vector.shape_cast %get3A_1276 : vector<1x196x512xf32> to vector<196x512xf32>
    %get3A_1278 = arith.constant 0 : index
    %get3A_1279 = arith.constant 0 : index
    %get3A_1280 = arith.constant 0 : index
    %get3A_1281 = vector.load %arg3[%get3A_1278, %get3A_1279, %get3A_1280] : memref<1x1x512xf32, #tpu.memory_space<vmem>>, vector<1x1x512xf32>
    %get3A_1282 = vector.shape_cast %get3A_1281 : vector<1x1x512xf32> to vector<1x512xf32>
    %get3A_1283 = arith.constant 0 : index
    %get3A_1284 = arith.constant 0 : index
    %get3A_1285 = arith.constant 0 : index
    %get3A_1286 = vector.load %arg4[%get3A_1283, %get3A_1284, %get3A_1285] : memref<1x1x512xf32, #tpu.memory_space<vmem>>, vector<1x1x512xf32>
    %get3A_1287 = vector.shape_cast %get3A_1286 : vector<1x1x512xf32> to vector<1x512xf32>
    %reduce_sum3A_1288 = arith.constant dense<0.000000e+00> : vector<196xf32>
    %reduce_sum3A_1289 = vector.multi_reduction <add>, %get3A_1277, %reduce_sum3A_1288 [1] : vector<196x512xf32> to vector<196xf32>
    %broadcast_in_dim3A_1290 = vector.shape_cast %reduce_sum3A_1289 : vector<196xf32> to vector<196x1xf32>
    %div3A_1291 = arith.constant 5.120000e+02 : f32
    %div3A_1292 = vector.broadcast %div3A_1291 : f32 to vector<196x1xf32>
    %div3A_1293 = arith.divf %broadcast_in_dim3A_1290, %div3A_1292 : vector<196x1xf32>
    %jit3A_1294 = arith.constant 0 : i32
    %reduce_sum3A_1295 = arith.constant dense<0.000000e+00> : vector<196xf32>
    %reduce_sum3A_1296 = vector.multi_reduction <add>, %get3A_1277, %reduce_sum3A_1295 [1] : vector<196x512xf32> to vector<196xf32>
    %broadcast_in_dim3A_1297 = vector.shape_cast %reduce_sum3A_1296 : vector<196xf32> to vector<196x1xf32>
    %div3A_1298 = arith.constant 5.120000e+02 : f32
    %div3A_1299 = vector.broadcast %div3A_1298 : f32 to vector<196x1xf32>
    %div3A_1300 = arith.divf %broadcast_in_dim3A_1297, %div3A_1299 : vector<196x1xf32>
    %sub3A_1301 = vector.broadcast %div3A_1300 : vector<196x1xf32> to vector<196x512xf32>
    %sub3A_1302 = arith.subf %get3A_1277, %sub3A_1301 : vector<196x512xf32>
    %square3A_1303 = arith.mulf %sub3A_1302, %sub3A_1302 : vector<196x512xf32>
    %convert_element_type3A_1304 = arith.sitofp %jit3A_1294 : i32 to f32
    %sub3A_1305 = arith.constant 5.120000e+02 : f32
    %sub3A_1306 = arith.subf %sub3A_1305, %convert_element_type3A_1304 : f32
    %reduce_sum3A_1307 = arith.constant dense<0.000000e+00> : vector<196xf32>
    %reduce_sum3A_1308 = vector.multi_reduction <add>, %square3A_1303, %reduce_sum3A_1307 [1] : vector<196x512xf32> to vector<196xf32>
    %broadcast_in_dim3A_1309 = vector.shape_cast %reduce_sum3A_1308 : vector<196xf32> to vector<196x1xf32>
    %div3A_1310 = vector.broadcast %sub3A_1306 : f32 to vector<196x1xf32>
    %div3A_1311 = arith.divf %broadcast_in_dim3A_1309, %div3A_1310 : vector<196x1xf32>
    %gt3A_1312 = arith.constant 0.000000e+00 : f32
    %gt3A_1313 = arith.cmpf ogt, %sub3A_1306, %gt3A_1312 : f32
    %jit3A_1314 = arith.constant 0x7FC00000 : f32
    %broadcast_in_dim3A_1315 = vector.broadcast %jit3A_1314 : f32 to vector<196x1xf32>
    %select_n3A_1316 = arith.select %gt3A_1313, %div3A_1311, %broadcast_in_dim3A_1315 : vector<196x1xf32>
    %sub3A_1317 = vector.broadcast %div3A_1293 : vector<196x1xf32> to vector<196x512xf32>
    %sub3A_1318 = arith.subf %get3A_1277, %sub3A_1317 : vector<196x512xf32>
    %add3A_1319 = arith.constant 9.99999974E-6 : f32
    %add3A_1320 = vector.broadcast %add3A_1319 : f32 to vector<196x1xf32>
    %add3A_1321 = arith.addf %select_n3A_1316, %add3A_1320 : vector<196x1xf32>
    %sqrt3A_1322 = math.sqrt %add3A_1321 : vector<196x1xf32>
    %div3A_1323 = vector.broadcast %sqrt3A_1322 : vector<196x1xf32> to vector<196x512xf32>
    %div3A_1324 = arith.divf %sub3A_1318, %div3A_1323 : vector<196x512xf32>
    %mul3A_1325 = vector.broadcast %get3A_1282 : vector<1x512xf32> to vector<196x512xf32>
    %mul3A_1326 = arith.mulf %div3A_1324, %mul3A_1325 : vector<196x512xf32>
    %add3A_1327 = vector.broadcast %get3A_1287 : vector<1x512xf32> to vector<196x512xf32>
    %add3A_1328 = arith.addf %mul3A_1326, %add3A_1327 : vector<196x512xf32>
    %get3A_1329 = arith.constant 0 : index
    %get3A_1330 = arith.constant 0 : index
    %get3A_1331 = arith.constant 0 : index
    %get3A_1332 = vector.load %arg5[%get3A_1329, %get3A_1330, %get3A_1331] : memref<1x512x512xf32, #tpu.memory_space<vmem>>, vector<1x512x512xf32>
    %get3A_1333 = vector.shape_cast %get3A_1332 : vector<1x512x512xf32> to vector<512x512xf32>
    %dot_general3A_1334 = arith.constant dense<0.000000e+00> : vector<196x512xf32>
    %dot_general3A_1335 = tpu.matmul %add3A_1328, %get3A_1333, %dot_general3A_1334 {dimension_numbers = #tpu.dot_dimension_numbers<[1], [0], [0], [1], [0, 0, 1, 1], [], []>, transpose_lhs_hint = false} : vector<196x512xf32>, vector<512x512xf32>, vector<196x512xf32> -> vector<196x512xf32>
    %get3A_1336 = arith.constant 0 : index
    %get3A_1337 = arith.constant 0 : index
    %get3A_1338 = arith.constant 0 : index
    %get3A_1339 = vector.load %arg6[%get3A_1336, %get3A_1337, %get3A_1338] : memref<1x512x512xf32, #tpu.memory_space<vmem>>, vector<1x512x512xf32>
    %get3A_1340 = vector.shape_cast %get3A_1339 : vector<1x512x512xf32> to vector<512x512xf32>
    %dot_general3A_1341 = arith.constant dense<0.000000e+00> : vector<196x512xf32>
    %dot_general3A_1342 = tpu.matmul %add3A_1328, %get3A_1340, %dot_general3A_1341 {dimension_numbers = #tpu.dot_dimension_numbers<[1], [0], [0], [1], [0, 0, 1, 1], [], []>, transpose_lhs_hint = false} : vector<196x512xf32>, vector<512x512xf32>, vector<196x512xf32> -> vector<196x512xf32>
    %get3A_1343 = arith.constant 0 : index
    %get3A_1344 = arith.constant 0 : index
    %get3A_1345 = arith.constant 0 : index
    %get3A_1346 = vector.load %arg7[%get3A_1343, %get3A_1344, %get3A_1345] : memref<1x512x512xf32, #tpu.memory_space<vmem>>, vector<1x512x512xf32>
    %get3A_1347 = vector.shape_cast %get3A_1346 : vector<1x512x512xf32> to vector<512x512xf32>
    %dot_general3A_1348 = arith.constant dense<0.000000e+00> : vector<196x512xf32>
    %dot_general3A_1349 = tpu.matmul %add3A_1328, %get3A_1347, %dot_general3A_1348 {dimension_numbers = #tpu.dot_dimension_numbers<[1], [0], [0], [1], [0, 0, 1, 1], [], []>, transpose_lhs_hint = false} : vector<196x512xf32>, vector<512x512xf32>, vector<196x512xf32> -> vector<196x512xf32>
    %slice3A_1350 = vector.extract_strided_slice %dot_general3A_1335 {offsets = [0, 0], sizes = [196, 64], strides = [1, 1]} : vector<196x512xf32> to vector<196x64xf32>
    %slice3A_1351 = vector.extract_strided_slice %dot_general3A_1342 {offsets = [0, 0], sizes = [196, 64], strides = [1, 1]} : vector<196x512xf32> to vector<196x64xf32>
    %dot_general3A_1352 = arith.constant dense<0.000000e+00> : vector<196x196xf32>
    %dot_general3A_1353 = tpu.matmul %slice3A_1350, %slice3A_1351, %dot_general3A_1352 {dimension_numbers = #tpu.dot_dimension_numbers<[1], [1], [0], [0], [0, 0, 1, 0], [], []>, transpose_lhs_hint = false} : vector<196x64xf32>, vector<196x64xf32>, vector<196x196xf32> -> vector<196x196xf32>
    %mul3A_1354 = arith.constant 1.250000e-01 : f32
    %mul3A_1355 = vector.broadcast %mul3A_1354 : f32 to vector<196x196xf32>
    %mul3A_1356 = arith.mulf %dot_general3A_1353, %mul3A_1355 : vector<196x196xf32>
    %get3A_1357 = arith.constant 0 : index
    %get3A_1358 = arith.constant 0 : index
    %get3A_1359 = arith.constant 0 : index
    %get3A_1360 = vector.load %arg2[%get3A_1357, %get3A_1358, %get3A_1359] : memref<8x196x196xf32, #tpu.memory_space<vmem>>, vector<1x196x196xf32>
    %get3A_1361 = vector.shape_cast %get3A_1360 : vector<1x196x196xf32> to vector<196x196xf32>
    %add3A_1362 = arith.addf %mul3A_1356, %get3A_1361 : vector<196x196xf32>
    %reduce_max3A_1363 = arith.constant dense<0xFF800000> : vector<196xf32>
    %reduce_max3A_1364 = vector.multi_reduction <maximumf>, %add3A_1362, %reduce_max3A_1363 [1] : vector<196x196xf32> to vector<196xf32>
    %broadcast_in_dim3A_1365 = vector.shape_cast %reduce_max3A_1364 : vector<196xf32> to vector<196x1xf32>
    %sub3A_1366 = vector.broadcast %broadcast_in_dim3A_1365 : vector<196x1xf32> to vector<196x196xf32>
    %sub3A_1367 = arith.subf %add3A_1362, %sub3A_1366 : vector<196x196xf32>
    %exp3A_1368 = math.exp %sub3A_1367 : vector<196x196xf32>
    %reduce_sum3A_1369 = arith.constant dense<0.000000e+00> : vector<196xf32>
    %reduce_sum3A_1370 = vector.multi_reduction <add>, %exp3A_1368, %reduce_sum3A_1369 [1] : vector<196x196xf32> to vector<196xf32>
    %broadcast_in_dim3A_1371 = vector.shape_cast %reduce_sum3A_1370 : vector<196xf32> to vector<196x1xf32>
    %div3A_1372 = vector.broadcast %broadcast_in_dim3A_1371 : vector<196x1xf32> to vector<196x196xf32>
    %div3A_1373 = arith.divf %exp3A_1368, %div3A_1372 : vector<196x196xf32>
    %slice3A_1374 = vector.extract_strided_slice %dot_general3A_1349 {offsets = [0, 0], sizes = [196, 64], strides = [1, 1]} : vector<196x512xf32> to vector<196x64xf32>
    %dot_general3A_1375 = arith.constant dense<0.000000e+00> : vector<196x64xf32>
    %dot_general3A_1376 = tpu.matmul %div3A_1373, %slice3A_1374, %dot_general3A_1375 {dimension_numbers = #tpu.dot_dimension_numbers<[1], [0], [0], [1], [0, 0, 1, 1], [], []>, transpose_lhs_hint = false} : vector<196x196xf32>, vector<196x64xf32>, vector<196x64xf32> -> vector<196x64xf32>
    %swap3A_1377 = arith.constant 0 : index
    %swap3A_1378 = arith.constant 0 : index
    %swap3A_1379 = vector.load %arg18[%swap3A_1377, %swap3A_1378] : memref<196x512xf32, #tpu.memory_space<vmem>>, vector<196x64xf32>
    tpu.vector_store %arg18[%swap3A_1377, %swap3A_1378], %dot_general3A_1376 {strides = array<i32>} : memref<196x512xf32, #tpu.memory_space<vmem>>, vector<196x64xf32>,
    %slice3A_1380 = vector.extract_strided_slice %dot_general3A_1335 {offsets = [0, 64], sizes = [196, 64], strides = [1, 1]} : vector<196x512xf32> to vector<196x64xf32>
    %slice3A_1381 = vector.extract_strided_slice %dot_general3A_1342 {offsets = [0, 64], sizes = [196, 64], strides = [1, 1]} : vector<196x512xf32> to vector<196x64xf32>
    %dot_general3A_1382 = arith.constant dense<0.000000e+00> : vector<196x196xf32>
    %dot_general3A_1383 = tpu.matmul %slice3A_1380, %slice3A_1381, %dot_general3A_1382 {dimension_numbers = #tpu.dot_dimension_numbers<[1], [1], [0], [0], [0, 0, 1, 0], [], []>, transpose_lhs_hint = false} : vector<196x64xf32>, vector<196x64xf32>, vector<196x196xf32> -> vector<196x196xf32>
    %mul3A_1384 = arith.constant 1.250000e-01 : f32
    %mul3A_1385 = vector.broadcast %mul3A_1384 : f32 to vector<196x196xf32>
    %mul3A_1386 = arith.mulf %dot_general3A_1383, %mul3A_1385 : vector<196x196xf32>
    %get3A_1387 = arith.constant 1 : index
    %get3A_1388 = arith.constant 0 : index
    %get3A_1389 = arith.constant 0 : index
    %get3A_1390 = vector.load %arg2[%get3A_1387, %get3A_1388, %get3A_1389] : memref<8x196x196xf32, #tpu.memory_space<vmem>>, vector<1x196x196xf32>
    %get3A_1391 = vector.shape_cast %get3A_1390 : vector<1x196x196xf32> to vector<196x196xf32>
    %add3A_1392 = arith.addf %mul3A_1386, %get3A_1391 : vector<196x196xf32>
    %reduce_max3A_1393 = arith.constant dense<0xFF800000> : vector<196xf32>
    %reduce_max3A_1394 = vector.multi_reduction <maximumf>, %add3A_1392, %reduce_max3A_1393 [1] : vector<196x196xf32> to vector<196xf32>
    %broadcast_in_dim3A_1395 = vector.shape_cast %reduce_max3A_1394 : vector<196xf32> to vector<196x1xf32>
    %sub3A_1396 = vector.broadcast %broadcast_in_dim3A_1395 : vector<196x1xf32> to vector<196x196xf32>
    %sub3A_1397 = arith.subf %add3A_1392, %sub3A_1396 : vector<196x196xf32>
    %exp3A_1398 = math.exp %sub3A_1397 : vector<196x196xf32>
    %reduce_sum3A_1399 = arith.constant dense<0.000000e+00> : vector<196xf32>
    %reduce_sum3A_1400 = vector.multi_reduction <add>, %exp3A_1398, %reduce_sum3A_1399 [1] : vector<196x196xf32> to vector<196xf32>
    %broadcast_in_dim3A_1401 = vector.shape_cast %reduce_sum3A_1400 : vector<196xf32> to vector<196x1xf32>
    %div3A_1402 = vector.broadcast %broadcast_in_dim3A_1401 : vector<196x1xf32> to vector<196x196xf32>
    %div3A_1403 = arith.divf %exp3A_1398, %div3A_1402 : vector<196x196xf32>
    %slice3A_1404 = vector.extract_strided_slice %dot_general3A_1349 {offsets = [0, 64], sizes = [196, 64], strides = [1, 1]} : vector<196x512xf32> to vector<196x64xf32>
    %dot_general3A_1405 = arith.constant dense<0.000000e+00> : vector<196x64xf32>
    %dot_general3A_1406 = tpu.matmul %div3A_1403, %slice3A_1404, %dot_general3A_1405 {dimension_numbers = #tpu.dot_dimension_numbers<[1], [0], [0], [1], [0, 0, 1, 1], [], []>, transpose_lhs_hint = false} : vector<196x196xf32>, vector<196x64xf32>, vector<196x64xf32> -> vector<196x64xf32>
    %swap3A_1407 = arith.constant 0 : index
    %swap3A_1408 = arith.constant 64 : index
    %swap3A_1409 = vector.load %arg18[%swap3A_1407, %swap3A_1408] : memref<196x512xf32, #tpu.memory_space<vmem>>, vector<196x64xf32>
    tpu.vector_store %arg18[%swap3A_1407, %swap3A_1408], %dot_general3A_1406 {strides = array<i32>} : memref<196x512xf32, #tpu.memory_space<vmem>>, vector<196x64xf32>,
    %slice3A_1410 = vector.extract_strided_slice %dot_general3A_1335 {offsets = [0, 128], sizes = [196, 64], strides = [1, 1]} : vector<196x512xf32> to vector<196x64xf32>
    %slice3A_1411 = vector.extract_strided_slice %dot_general3A_1342 {offsets = [0, 128], sizes = [196, 64], strides = [1, 1]} : vector<196x512xf32> to vector<196x64xf32>
    %dot_general3A_1412 = arith.constant dense<0.000000e+00> : vector<196x196xf32>
    %dot_general3A_1413 = tpu.matmul %slice3A_1410, %slice3A_1411, %dot_general3A_1412 {dimension_numbers = #tpu.dot_dimension_numbers<[1], [1], [0], [0], [0, 0, 1, 0], [], []>, transpose_lhs_hint = false} : vector<196x64xf32>, vector<196x64xf32>, vector<196x196xf32> -> vector<196x196xf32>
    %mul3A_1414 = arith.constant 1.250000e-01 : f32
    %mul3A_1415 = vector.broadcast %mul3A_1414 : f32 to vector<196x196xf32>
    %mul3A_1416 = arith.mulf %dot_general3A_1413, %mul3A_1415 : vector<196x196xf32>
    %get3A_1417 = arith.constant 2 : index
    %get3A_1418 = arith.constant 0 : index
    %get3A_1419 = arith.constant 0 : index
    %get3A_1420 = vector.load %arg2[%get3A_1417, %get3A_1418, %get3A_1419] : memref<8x196x196xf32, #tpu.memory_space<vmem>>, vector<1x196x196xf32>
    %get3A_1421 = vector.shape_cast %get3A_1420 : vector<1x196x196xf32> to vector<196x196xf32>
    %add3A_1422 = arith.addf %mul3A_1416, %get3A_1421 : vector<196x196xf32>
    %reduce_max3A_1423 = arith.constant dense<0xFF800000> : vector<196xf32>
    %reduce_max3A_1424 = vector.multi_reduction <maximumf>, %add3A_1422, %reduce_max3A_1423 [1] : vector<196x196xf32> to vector<196xf32>
    %broadcast_in_dim3A_1425 = vector.shape_cast %reduce_max3A_1424 : vector<196xf32> to vector<196x1xf32>
    %sub3A_1426 = vector.broadcast %broadcast_in_dim3A_1425 : vector<196x1xf32> to vector<196x196xf32>
    %sub3A_1427 = arith.subf %add3A_1422, %sub3A_1426 : vector<196x196xf32>
    %exp3A_1428 = math.exp %sub3A_1427 : vector<196x196xf32>
    %reduce_sum3A_1429 = arith.constant dense<0.000000e+00> : vector<196xf32>
    %reduce_sum3A_1430 = vector.multi_reduction <add>, %exp3A_1428, %reduce_sum3A_1429 [1] : vector<196x196xf32> to vector<196xf32>
    %broadcast_in_dim3A_1431 = vector.shape_cast %reduce_sum3A_1430 : vector<196xf32> to vector<196x1xf32>
    %div3A_1432 = vector.broadcast %broadcast_in_dim3A_1431 : vector<196x1xf32> to vector<196x196xf32>
    %div3A_1433 = arith.divf %exp3A_1428, %div3A_1432 : vector<196x196xf32>
    %slice3A_1434 = vector.extract_strided_slice %dot_general3A_1349 {offsets = [0, 128], sizes = [196, 64], strides = [1, 1]} : vector<196x512xf32> to vector<196x64xf32>
    %dot_general3A_1435 = arith.constant dense<0.000000e+00> : vector<196x64xf32>
    %dot_general3A_1436 = tpu.matmul %div3A_1433, %slice3A_1434, %dot_general3A_1435 {dimension_numbers = #tpu.dot_dimension_numbers<[1], [0], [0], [1], [0, 0, 1, 1], [], []>, transpose_lhs_hint = false} : vector<196x196xf32>, vector<196x64xf32>, vector<196x64xf32> -> vector<196x64xf32>
    %swap3A_1437 = arith.constant 0 : index
    %swap3A_1438 = arith.constant 128 : index
    %swap3A_1439 = vector.load %arg18[%swap3A_1437, %swap3A_1438] : memref<196x512xf32, #tpu.memory_space<vmem>>, vector<196x64xf32>
    tpu.vector_store %arg18[%swap3A_1437, %swap3A_1438], %dot_general3A_1436 {strides = array<i32>} : memref<196x512xf32, #tpu.memory_space<vmem>>, vector<196x64xf32>,
    %slice3A_1440 = vector.extract_strided_slice %dot_general3A_1335 {offsets = [0, 192], sizes = [196, 64], strides = [1, 1]} : vector<196x512xf32> to vector<196x64xf32>
    %slice3A_1441 = vector.extract_strided_slice %dot_general3A_1342 {offsets = [0, 192], sizes = [196, 64], strides = [1, 1]} : vector<196x512xf32> to vector<196x64xf32>
    %dot_general3A_1442 = arith.constant dense<0.000000e+00> : vector<196x196xf32>
    %dot_general3A_1443 = tpu.matmul %slice3A_1440, %slice3A_1441, %dot_general3A_1442 {dimension_numbers = #tpu.dot_dimension_numbers<[1], [1], [0], [0], [0, 0, 1, 0], [], []>, transpose_lhs_hint = false} : vector<196x64xf32>, vector<196x64xf32>, vector<196x196xf32> -> vector<196x196xf32>
    %mul3A_1444 = arith.constant 1.250000e-01 : f32
    %mul3A_1445 = vector.broadcast %mul3A_1444 : f32 to vector<196x196xf32>
    %mul3A_1446 = arith.mulf %dot_general3A_1443, %mul3A_1445 : vector<196x196xf32>
    %get3A_1447 = arith.constant 3 : index
    %get3A_1448 = arith.constant 0 : index
    %get3A_1449 = arith.constant 0 : index
    %get3A_1450 = vector.load %arg2[%get3A_1447, %get3A_1448, %get3A_1449] : memref<8x196x196xf32, #tpu.memory_space<vmem>>, vector<1x196x196xf32>
    %get3A_1451 = vector.shape_cast %get3A_1450 : vector<1x196x196xf32> to vector<196x196xf32>
    %add3A_1452 = arith.addf %mul3A_1446, %get3A_1451 : vector<196x196xf32>
    %reduce_max3A_1453 = arith.constant dense<0xFF800000> : vector<196xf32>
    %reduce_max3A_1454 = vector.multi_reduction <maximumf>, %add3A_1452, %reduce_max3A_1453 [1] : vector<196x196xf32> to vector<196xf32>
    %broadcast_in_dim3A_1455 = vector.shape_cast %reduce_max3A_1454 : vector<196xf32> to vector<196x1xf32>
    %sub3A_1456 = vector.broadcast %broadcast_in_dim3A_1455 : vector<196x1xf32> to vector<196x196xf32>
    %sub3A_1457 = arith.subf %add3A_1452, %sub3A_1456 : vector<196x196xf32>
    %exp3A_1458 = math.exp %sub3A_1457 : vector<196x196xf32>
    %reduce_sum3A_1459 = arith.constant dense<0.000000e+00> : vector<196xf32>
    %reduce_sum3A_1460 = vector.multi_reduction <add>, %exp3A_1458, %reduce_sum3A_1459 [1] : vector<196x196xf32> to vector<196xf32>
    %broadcast_in_dim3A_1461 = vector.shape_cast %reduce_sum3A_1460 : vector<196xf32> to vector<196x1xf32>
    %div3A_1462 = vector.broadcast %broadcast_in_dim3A_1461 : vector<196x1xf32> to vector<196x196xf32>
    %div3A_1463 = arith.divf %exp3A_1458, %div3A_1462 : vector<196x196xf32>
    %slice3A_1464 = vector.extract_strided_slice %dot_general3A_1349 {offsets = [0, 192], sizes = [196, 64], strides = [1, 1]} : vector<196x512xf32> to vector<196x64xf32>
    %dot_general3A_1465 = arith.constant dense<0.000000e+00> : vector<196x64xf32>
    %dot_general3A_1466 = tpu.matmul %div3A_1463, %slice3A_1464, %dot_general3A_1465 {dimension_numbers = #tpu.dot_dimension_numbers<[1], [0], [0], [1], [0, 0, 1, 1], [], []>, transpose_lhs_hint = false} : vector<196x196xf32>, vector<196x64xf32>, vector<196x64xf32> -> vector<196x64xf32>
    %swap3A_1467 = arith.constant 0 : index
    %swap3A_1468 = arith.constant 192 : index
    %swap3A_1469 = vector.load %arg18[%swap3A_1467, %swap3A_1468] : memref<196x512xf32, #tpu.memory_space<vmem>>, vector<196x64xf32>
    tpu.vector_store %arg18[%swap3A_1467, %swap3A_1468], %dot_general3A_1466 {strides = array<i32>} : memref<196x512xf32, #tpu.memory_space<vmem>>, vector<196x64xf32>,
    %slice3A_1470 = vector.extract_strided_slice %dot_general3A_1335 {offsets = [0, 256], sizes = [196, 64], strides = [1, 1]} : vector<196x512xf32> to vector<196x64xf32>
    %slice3A_1471 = vector.extract_strided_slice %dot_general3A_1342 {offsets = [0, 256], sizes = [196, 64], strides = [1, 1]} : vector<196x512xf32> to vector<196x64xf32>
    %dot_general3A_1472 = arith.constant dense<0.000000e+00> : vector<196x196xf32>
    %dot_general3A_1473 = tpu.matmul %slice3A_1470, %slice3A_1471, %dot_general3A_1472 {dimension_numbers = #tpu.dot_dimension_numbers<[1], [1], [0], [0], [0, 0, 1, 0], [], []>, transpose_lhs_hint = false} : vector<196x64xf32>, vector<196x64xf32>, vector<196x196xf32> -> vector<196x196xf32>
    %mul3A_1474 = arith.constant 1.250000e-01 : f32
    %mul3A_1475 = vector.broadcast %mul3A_1474 : f32 to vector<196x196xf32>
    %mul3A_1476 = arith.mulf %dot_general3A_1473, %mul3A_1475 : vector<196x196xf32>
    %get3A_1477 = arith.constant 4 : index
    %get3A_1478 = arith.constant 0 : index
    %get3A_1479 = arith.constant 0 : index
    %get3A_1480 = vector.load %arg2[%get3A_1477, %get3A_1478, %get3A_1479] : memref<8x196x196xf32, #tpu.memory_space<vmem>>, vector<1x196x196xf32>
    %get3A_1481 = vector.shape_cast %get3A_1480 : vector<1x196x196xf32> to vector<196x196xf32>
    %add3A_1482 = arith.addf %mul3A_1476, %get3A_1481 : vector<196x196xf32>
    %reduce_max3A_1483 = arith.constant dense<0xFF800000> : vector<196xf32>
    %reduce_max3A_1484 = vector.multi_reduction <maximumf>, %add3A_1482, %reduce_max3A_1483 [1] : vector<196x196xf32> to vector<196xf32>
    %broadcast_in_dim3A_1485 = vector.shape_cast %reduce_max3A_1484 : vector<196xf32> to vector<196x1xf32>
    %sub3A_1486 = vector.broadcast %broadcast_in_dim3A_1485 : vector<196x1xf32> to vector<196x196xf32>
    %sub3A_1487 = arith.subf %add3A_1482, %sub3A_1486 : vector<196x196xf32>
    %exp3A_1488 = math.exp %sub3A_1487 : vector<196x196xf32>
    %reduce_sum3A_1489 = arith.constant dense<0.000000e+00> : vector<196xf32>
    %reduce_sum3A_1490 = vector.multi_reduction <add>, %exp3A_1488, %reduce_sum3A_1489 [1] : vector<196x196xf32> to vector<196xf32>
    %broadcast_in_dim3A_1491 = vector.shape_cast %reduce_sum3A_1490 : vector<196xf32> to vector<196x1xf32>
    %div3A_1492 = vector.broadcast %broadcast_in_dim3A_1491 : vector<196x1xf32> to vector<196x196xf32>
    %div3A_1493 = arith.divf %exp3A_1488, %div3A_1492 : vector<196x196xf32>
    %slice3A_1494 = vector.extract_strided_slice %dot_general3A_1349 {offsets = [0, 256], sizes = [196, 64], strides = [1, 1]} : vector<196x512xf32> to vector<196x64xf32>
    %dot_general3A_1495 = arith.constant dense<0.000000e+00> : vector<196x64xf32>
    %dot_general3A_1496 = tpu.matmul %div3A_1493, %slice3A_1494, %dot_general3A_1495 {dimension_numbers = #tpu.dot_dimension_numbers<[1], [0], [0], [1], [0, 0, 1, 1], [], []>, transpose_lhs_hint = false} : vector<196x196xf32>, vector<196x64xf32>, vector<196x64xf32> -> vector<196x64xf32>
    %swap3A_1497 = arith.constant 0 : index
    %swap3A_1498 = arith.constant 256 : index
    %swap3A_1499 = vector.load %arg18[%swap3A_1497, %swap3A_1498] : memref<196x512xf32, #tpu.memory_space<vmem>>, vector<196x64xf32>
    tpu.vector_store %arg18[%swap3A_1497, %swap3A_1498], %dot_general3A_1496 {strides = array<i32>} : memref<196x512xf32, #tpu.memory_space<vmem>>, vector<196x64xf32>,
    %slice3A_1500 = vector.extract_strided_slice %dot_general3A_1335 {offsets = [0, 320], sizes = [196, 64], strides = [1, 1]} : vector<196x512xf32> to vector<196x64xf32>
    %slice3A_1501 = vector.extract_strided_slice %dot_general3A_1342 {offsets = [0, 320], sizes = [196, 64], strides = [1, 1]} : vector<196x512xf32> to vector<196x64xf32>
    %dot_general3A_1502 = arith.constant dense<0.000000e+00> : vector<196x196xf32>
    %dot_general3A_1503 = tpu.matmul %slice3A_1500, %slice3A_1501, %dot_general3A_1502 {dimension_numbers = #tpu.dot_dimension_numbers<[1], [1], [0], [0], [0, 0, 1, 0], [], []>, transpose_lhs_hint = false} : vector<196x64xf32>, vector<196x64xf32>, vector<196x196xf32> -> vector<196x196xf32>
    %mul3A_1504 = arith.constant 1.250000e-01 : f32
    %mul3A_1505 = vector.broadcast %mul3A_1504 : f32 to vector<196x196xf32>
    %mul3A_1506 = arith.mulf %dot_general3A_1503, %mul3A_1505 : vector<196x196xf32>
    %get3A_1507 = arith.constant 5 : index
    %get3A_1508 = arith.constant 0 : index
    %get3A_1509 = arith.constant 0 : index
    %get3A_1510 = vector.load %arg2[%get3A_1507, %get3A_1508, %get3A_1509] : memref<8x196x196xf32, #tpu.memory_space<vmem>>, vector<1x196x196xf32>
    %get3A_1511 = vector.shape_cast %get3A_1510 : vector<1x196x196xf32> to vector<196x196xf32>
    %add3A_1512 = arith.addf %mul3A_1506, %get3A_1511 : vector<196x196xf32>
    %reduce_max3A_1513 = arith.constant dense<0xFF800000> : vector<196xf32>
    %reduce_max3A_1514 = vector.multi_reduction <maximumf>, %add3A_1512, %reduce_max3A_1513 [1] : vector<196x196xf32> to vector<196xf32>
    %broadcast_in_dim3A_1515 = vector.shape_cast %reduce_max3A_1514 : vector<196xf32> to vector<196x1xf32>
    %sub3A_1516 = vector.broadcast %broadcast_in_dim3A_1515 : vector<196x1xf32> to vector<196x196xf32>
    %sub3A_1517 = arith.subf %add3A_1512, %sub3A_1516 : vector<196x196xf32>
    %exp3A_1518 = math.exp %sub3A_1517 : vector<196x196xf32>
    %reduce_sum3A_1519 = arith.constant dense<0.000000e+00> : vector<196xf32>
    %reduce_sum3A_1520 = vector.multi_reduction <add>, %exp3A_1518, %reduce_sum3A_1519 [1] : vector<196x196xf32> to vector<196xf32>
    %broadcast_in_dim3A_1521 = vector.shape_cast %reduce_sum3A_1520 : vector<196xf32> to vector<196x1xf32>
    %div3A_1522 = vector.broadcast %broadcast_in_dim3A_1521 : vector<196x1xf32> to vector<196x196xf32>
    %div3A_1523 = arith.divf %exp3A_1518, %div3A_1522 : vector<196x196xf32>
    %slice3A_1524 = vector.extract_strided_slice %dot_general3A_1349 {offsets = [0, 320], sizes = [196, 64], strides = [1, 1]} : vector<196x512xf32> to vector<196x64xf32>
    %dot_general3A_1525 = arith.constant dense<0.000000e+00> : vector<196x64xf32>
    %dot_general3A_1526 = tpu.matmul %div3A_1523, %slice3A_1524, %dot_general3A_1525 {dimension_numbers = #tpu.dot_dimension_numbers<[1], [0], [0], [1], [0, 0, 1, 1], [], []>, transpose_lhs_hint = false} : vector<196x196xf32>, vector<196x64xf32>, vector<196x64xf32> -> vector<196x64xf32>
    %swap3A_1527 = arith.constant 0 : index
    %swap3A_1528 = arith.constant 320 : index
    %swap3A_1529 = vector.load %arg18[%swap3A_1527, %swap3A_1528] : memref<196x512xf32, #tpu.memory_space<vmem>>, vector<196x64xf32>
    tpu.vector_store %arg18[%swap3A_1527, %swap3A_1528], %dot_general3A_1526 {strides = array<i32>} : memref<196x512xf32, #tpu.memory_space<vmem>>, vector<196x64xf32>,
    %slice3A_1530 = vector.extract_strided_slice %dot_general3A_1335 {offsets = [0, 384], sizes = [196, 64], strides = [1, 1]} : vector<196x512xf32> to vector<196x64xf32>
    %slice3A_1531 = vector.extract_strided_slice %dot_general3A_1342 {offsets = [0, 384], sizes = [196, 64], strides = [1, 1]} : vector<196x512xf32> to vector<196x64xf32>
    %dot_general3A_1532 = arith.constant dense<0.000000e+00> : vector<196x196xf32>
    %dot_general3A_1533 = tpu.matmul %slice3A_1530, %slice3A_1531, %dot_general3A_1532 {dimension_numbers = #tpu.dot_dimension_numbers<[1], [1], [0], [0], [0, 0, 1, 0], [], []>, transpose_lhs_hint = false} : vector<196x64xf32>, vector<196x64xf32>, vector<196x196xf32> -> vector<196x196xf32>
    %mul3A_1534 = arith.constant 1.250000e-01 : f32
    %mul3A_1535 = vector.broadcast %mul3A_1534 : f32 to vector<196x196xf32>
    %mul3A_1536 = arith.mulf %dot_general3A_1533, %mul3A_1535 : vector<196x196xf32>
    %get3A_1537 = arith.constant 6 : index
    %get3A_1538 = arith.constant 0 : index
    %get3A_1539 = arith.constant 0 : index
    %get3A_1540 = vector.load %arg2[%get3A_1537, %get3A_1538, %get3A_1539] : memref<8x196x196xf32, #tpu.memory_space<vmem>>, vector<1x196x196xf32>
    %get3A_1541 = vector.shape_cast %get3A_1540 : vector<1x196x196xf32> to vector<196x196xf32>
    %add3A_1542 = arith.addf %mul3A_1536, %get3A_1541 : vector<196x196xf32>
    %reduce_max3A_1543 = arith.constant dense<0xFF800000> : vector<196xf32>
    %reduce_max3A_1544 = vector.multi_reduction <maximumf>, %add3A_1542, %reduce_max3A_1543 [1] : vector<196x196xf32> to vector<196xf32>
    %broadcast_in_dim3A_1545 = vector.shape_cast %reduce_max3A_1544 : vector<196xf32> to vector<196x1xf32>
    %sub3A_1546 = vector.broadcast %broadcast_in_dim3A_1545 : vector<196x1xf32> to vector<196x196xf32>
    %sub3A_1547 = arith.subf %add3A_1542, %sub3A_1546 : vector<196x196xf32>
    %exp3A_1548 = math.exp %sub3A_1547 : vector<196x196xf32>
    %reduce_sum3A_1549 = arith.constant dense<0.000000e+00> : vector<196xf32>
    %reduce_sum3A_1550 = vector.multi_reduction <add>, %exp3A_1548, %reduce_sum3A_1549 [1] : vector<196x196xf32> to vector<196xf32>
    %broadcast_in_dim3A_1551 = vector.shape_cast %reduce_sum3A_1550 : vector<196xf32> to vector<196x1xf32>
    %div3A_1552 = vector.broadcast %broadcast_in_dim3A_1551 : vector<196x1xf32> to vector<196x196xf32>
    %div3A_1553 = arith.divf %exp3A_1548, %div3A_1552 : vector<196x196xf32>
    %slice3A_1554 = vector.extract_strided_slice %dot_general3A_1349 {offsets = [0, 384], sizes = [196, 64], strides = [1, 1]} : vector<196x512xf32> to vector<196x64xf32>
    %dot_general3A_1555 = arith.constant dense<0.000000e+00> : vector<196x64xf32>
    %dot_general3A_1556 = tpu.matmul %div3A_1553, %slice3A_1554, %dot_general3A_1555 {dimension_numbers = #tpu.dot_dimension_numbers<[1], [0], [0], [1], [0, 0, 1, 1], [], []>, transpose_lhs_hint = false} : vector<196x196xf32>, vector<196x64xf32>, vector<196x64xf32> -> vector<196x64xf32>
    %swap3A_1557 = arith.constant 0 : index
    %swap3A_1558 = arith.constant 384 : index
    %swap3A_1559 = vector.load %arg18[%swap3A_1557, %swap3A_1558] : memref<196x512xf32, #tpu.memory_space<vmem>>, vector<196x64xf32>
    tpu.vector_store %arg18[%swap3A_1557, %swap3A_1558], %dot_general3A_1556 {strides = array<i32>} : memref<196x512xf32, #tpu.memory_space<vmem>>, vector<196x64xf32>,
    %slice3A_1560 = vector.extract_strided_slice %dot_general3A_1335 {offsets = [0, 448], sizes = [196, 64], strides = [1, 1]} : vector<196x512xf32> to vector<196x64xf32>
    %slice3A_1561 = vector.extract_strided_slice %dot_general3A_1342 {offsets = [0, 448], sizes = [196, 64], strides = [1, 1]} : vector<196x512xf32> to vector<196x64xf32>
    %dot_general3A_1562 = arith.constant dense<0.000000e+00> : vector<196x196xf32>
    %dot_general3A_1563 = tpu.matmul %slice3A_1560, %slice3A_1561, %dot_general3A_1562 {dimension_numbers = #tpu.dot_dimension_numbers<[1], [1], [0], [0], [0, 0, 1, 0], [], []>, transpose_lhs_hint = false} : vector<196x64xf32>, vector<196x64xf32>, vector<196x196xf32> -> vector<196x196xf32>
    %mul3A_1564 = arith.constant 1.250000e-01 : f32
    %mul3A_1565 = vector.broadcast %mul3A_1564 : f32 to vector<196x196xf32>
    %mul3A_1566 = arith.mulf %dot_general3A_1563, %mul3A_1565 : vector<196x196xf32>
    %get3A_1567 = arith.constant 7 : index
    %get3A_1568 = arith.constant 0 : index
    %get3A_1569 = arith.constant 0 : index
    %get3A_1570 = vector.load %arg2[%get3A_1567, %get3A_1568, %get3A_1569] : memref<8x196x196xf32, #tpu.memory_space<vmem>>, vector<1x196x196xf32>
    %get3A_1571 = vector.shape_cast %get3A_1570 : vector<1x196x196xf32> to vector<196x196xf32>
    %add3A_1572 = arith.addf %mul3A_1566, %get3A_1571 : vector<196x196xf32>
    %reduce_max3A_1573 = arith.constant dense<0xFF800000> : vector<196xf32>
    %reduce_max3A_1574 = vector.multi_reduction <maximumf>, %add3A_1572, %reduce_max3A_1573 [1] : vector<196x196xf32> to vector<196xf32>
    %broadcast_in_dim3A_1575 = vector.shape_cast %reduce_max3A_1574 : vector<196xf32> to vector<196x1xf32>
    %sub3A_1576 = vector.broadcast %broadcast_in_dim3A_1575 : vector<196x1xf32> to vector<196x196xf32>
    %sub3A_1577 = arith.subf %add3A_1572, %sub3A_1576 : vector<196x196xf32>
    %exp3A_1578 = math.exp %sub3A_1577 : vector<196x196xf32>
    %reduce_sum3A_1579 = arith.constant dense<0.000000e+00> : vector<196xf32>
    %reduce_sum3A_1580 = vector.multi_reduction <add>, %exp3A_1578, %reduce_sum3A_1579 [1] : vector<196x196xf32> to vector<196xf32>
    %broadcast_in_dim3A_1581 = vector.shape_cast %reduce_sum3A_1580 : vector<196xf32> to vector<196x1xf32>
    %div3A_1582 = vector.broadcast %broadcast_in_dim3A_1581 : vector<196x1xf32> to vector<196x196xf32>
    %div3A_1583 = arith.divf %exp3A_1578, %div3A_1582 : vector<196x196xf32>
    %slice3A_1584 = vector.extract_strided_slice %dot_general3A_1349 {offsets = [0, 448], sizes = [196, 64], strides = [1, 1]} : vector<196x512xf32> to vector<196x64xf32>
    %dot_general3A_1585 = arith.constant dense<0.000000e+00> : vector<196x64xf32>
    %dot_general3A_1586 = tpu.matmul %div3A_1583, %slice3A_1584, %dot_general3A_1585 {dimension_numbers = #tpu.dot_dimension_numbers<[1], [0], [0], [1], [0, 0, 1, 1], [], []>, transpose_lhs_hint = false} : vector<196x196xf32>, vector<196x64xf32>, vector<196x64xf32> -> vector<196x64xf32>
    %swap3A_1587 = arith.constant 0 : index
    %swap3A_1588 = arith.constant 448 : index
    %swap3A_1589 = vector.load %arg18[%swap3A_1587, %swap3A_1588] : memref<196x512xf32, #tpu.memory_space<vmem>>, vector<196x64xf32>
    tpu.vector_store %arg18[%swap3A_1587, %swap3A_1588], %dot_general3A_1586 {strides = array<i32>} : memref<196x512xf32, #tpu.memory_space<vmem>>, vector<196x64xf32>,
    %get3A_1590 = arith.constant 0 : index
    %get3A_1591 = arith.constant 0 : index
    %get3A_1592 = vector.load %arg18[%get3A_1590, %get3A_1591] : memref<196x512xf32, #tpu.memory_space<vmem>>, vector<196x512xf32>
    %get3A_1593 = arith.constant 0 : index
    %get3A_1594 = arith.constant 0 : index
    %get3A_1595 = arith.constant 0 : index
    %get3A_1596 = vector.load %arg8[%get3A_1593, %get3A_1594, %get3A_1595] : memref<1x512x512xf32, #tpu.memory_space<vmem>>, vector<1x512x512xf32>
    %get3A_1597 = vector.shape_cast %get3A_1596 : vector<1x512x512xf32> to vector<512x512xf32>
    %dot_general3A_1598 = arith.constant dense<0.000000e+00> : vector<196x512xf32>
    %dot_general3A_1599 = tpu.matmul %get3A_1592, %get3A_1597, %dot_general3A_1598 {dimension_numbers = #tpu.dot_dimension_numbers<[1], [0], [0], [1], [0, 0, 1, 1], [], []>, transpose_lhs_hint = false} : vector<196x512xf32>, vector<512x512xf32>, vector<196x512xf32> -> vector<196x512xf32>
    %add3A_1600 = arith.addf %get3A_1277, %dot_general3A_1599 : vector<196x512xf32>
    %get3A_1601 = arith.constant 0 : index
    %get3A_1602 = arith.constant 0 : index
    %get3A_1603 = arith.constant 0 : index
    %get3A_1604 = vector.load %arg9[%get3A_1601, %get3A_1602, %get3A_1603] : memref<1x1x512xf32, #tpu.memory_space<vmem>>, vector<1x1x512xf32>
    %get3A_1605 = vector.shape_cast %get3A_1604 : vector<1x1x512xf32> to vector<1x512xf32>
    %get3A_1606 = arith.constant 0 : index
    %get3A_1607 = arith.constant 0 : index
    %get3A_1608 = arith.constant 0 : index
    %get3A_1609 = vector.load %arg10[%get3A_1606, %get3A_1607, %get3A_1608] : memref<1x1x512xf32, #tpu.memory_space<vmem>>, vector<1x1x512xf32>
    %get3A_1610 = vector.shape_cast %get3A_1609 : vector<1x1x512xf32> to vector<1x512xf32>
    %reduce_sum3A_1611 = arith.constant dense<0.000000e+00> : vector<196xf32>
    %reduce_sum3A_1612 = vector.multi_reduction <add>, %add3A_1600, %reduce_sum3A_1611 [1] : vector<196x512xf32> to vector<196xf32>
    %broadcast_in_dim3A_1613 = vector.shape_cast %reduce_sum3A_1612 : vector<196xf32> to vector<196x1xf32>
    %div3A_1614 = arith.constant 5.120000e+02 : f32
    %div3A_1615 = vector.broadcast %div3A_1614 : f32 to vector<196x1xf32>
    %div3A_1616 = arith.divf %broadcast_in_dim3A_1613, %div3A_1615 : vector<196x1xf32>
    %jit3A_1617 = arith.constant 0 : i32
    %reduce_sum3A_1618 = arith.constant dense<0.000000e+00> : vector<196xf32>
    %reduce_sum3A_1619 = vector.multi_reduction <add>, %add3A_1600, %reduce_sum3A_1618 [1] : vector<196x512xf32> to vector<196xf32>
    %broadcast_in_dim3A_1620 = vector.shape_cast %reduce_sum3A_1619 : vector<196xf32> to vector<196x1xf32>
    %div3A_1621 = arith.constant 5.120000e+02 : f32
    %div3A_1622 = vector.broadcast %div3A_1621 : f32 to vector<196x1xf32>
    %div3A_1623 = arith.divf %broadcast_in_dim3A_1620, %div3A_1622 : vector<196x1xf32>
    %sub3A_1624 = vector.broadcast %div3A_1623 : vector<196x1xf32> to vector<196x512xf32>
    %sub3A_1625 = arith.subf %add3A_1600, %sub3A_1624 : vector<196x512xf32>
    %square3A_1626 = arith.mulf %sub3A_1625, %sub3A_1625 : vector<196x512xf32>
    %convert_element_type3A_1627 = arith.sitofp %jit3A_1617 : i32 to f32
    %sub3A_1628 = arith.constant 5.120000e+02 : f32
    %sub3A_1629 = arith.subf %sub3A_1628, %convert_element_type3A_1627 : f32
    %reduce_sum3A_1630 = arith.constant dense<0.000000e+00> : vector<196xf32>
    %reduce_sum3A_1631 = vector.multi_reduction <add>, %square3A_1626, %reduce_sum3A_1630 [1] : vector<196x512xf32> to vector<196xf32>
    %broadcast_in_dim3A_1632 = vector.shape_cast %reduce_sum3A_1631 : vector<196xf32> to vector<196x1xf32>
    %div3A_1633 = vector.broadcast %sub3A_1629 : f32 to vector<196x1xf32>
    %div3A_1634 = arith.divf %broadcast_in_dim3A_1632, %div3A_1633 : vector<196x1xf32>
    %gt3A_1635 = arith.constant 0.000000e+00 : f32
    %gt3A_1636 = arith.cmpf ogt, %sub3A_1629, %gt3A_1635 : f32
    %jit3A_1637 = arith.constant 0x7FC00000 : f32
    %broadcast_in_dim3A_1638 = vector.broadcast %jit3A_1637 : f32 to vector<196x1xf32>
    %select_n3A_1639 = arith.select %gt3A_1636, %div3A_1634, %broadcast_in_dim3A_1638 : vector<196x1xf32>
    %sub3A_1640 = vector.broadcast %div3A_1616 : vector<196x1xf32> to vector<196x512xf32>
    %sub3A_1641 = arith.subf %add3A_1600, %sub3A_1640 : vector<196x512xf32>
    %add3A_1642 = arith.constant 9.99999974E-6 : f32
    %add3A_1643 = vector.broadcast %add3A_1642 : f32 to vector<196x1xf32>
    %add3A_1644 = arith.addf %select_n3A_1639, %add3A_1643 : vector<196x1xf32>
    %sqrt3A_1645 = math.sqrt %add3A_1644 : vector<196x1xf32>
    %div3A_1646 = vector.broadcast %sqrt3A_1645 : vector<196x1xf32> to vector<196x512xf32>
    %div3A_1647 = arith.divf %sub3A_1641, %div3A_1646 : vector<196x512xf32>
    %mul3A_1648 = vector.broadcast %get3A_1605 : vector<1x512xf32> to vector<196x512xf32>
    %mul3A_1649 = arith.mulf %div3A_1647, %mul3A_1648 : vector<196x512xf32>
    %add3A_1650 = vector.broadcast %get3A_1610 : vector<1x512xf32> to vector<196x512xf32>
    %add3A_1651 = arith.addf %mul3A_1649, %add3A_1650 : vector<196x512xf32>
    %get3A_1652 = arith.constant 0 : index
    %get3A_1653 = arith.constant 0 : index
    %get3A_1654 = arith.constant 0 : index
    %get3A_1655 = vector.load %arg11[%get3A_1652, %get3A_1653, %get3A_1654] : memref<1x512x1408xf32, #tpu.memory_space<vmem>>, vector<1x512x1408xf32>
    %get3A_1656 = vector.shape_cast %get3A_1655 : vector<1x512x1408xf32> to vector<512x1408xf32>
    %dot_general3A_1657 = arith.constant dense<0.000000e+00> : vector<196x1408xf32>
    %dot_general3A_1658 = tpu.matmul %add3A_1651, %get3A_1656, %dot_general3A_1657 {dimension_numbers = #tpu.dot_dimension_numbers<[1], [0], [0], [1], [0, 0, 1, 1], [], []>, transpose_lhs_hint = false} : vector<196x512xf32>, vector<512x1408xf32>, vector<196x1408xf32> -> vector<196x1408xf32>
    %get3A_1659 = arith.constant 0 : index
    %get3A_1660 = arith.constant 0 : index
    %get3A_1661 = arith.constant 0 : index
    %get3A_1662 = vector.load %arg12[%get3A_1659, %get3A_1660, %get3A_1661] : memref<1x512x1408xf32, #tpu.memory_space<vmem>>, vector<1x512x1408xf32>
    %get3A_1663 = vector.shape_cast %get3A_1662 : vector<1x512x1408xf32> to vector<512x1408xf32>
    %dot_general3A_1664 = arith.constant dense<0.000000e+00> : vector<196x1408xf32>
    %dot_general3A_1665 = tpu.matmul %add3A_1651, %get3A_1663, %dot_general3A_1664 {dimension_numbers = #tpu.dot_dimension_numbers<[1], [0], [0], [1], [0, 0, 1, 1], [], []>, transpose_lhs_hint = false} : vector<196x512xf32>, vector<512x1408xf32>, vector<196x1408xf32> -> vector<196x1408xf32>
    %integer_pow3A_1666 = arith.mulf %dot_general3A_1665, %dot_general3A_1665 : vector<196x1408xf32>
    %integer_pow3A_1667 = arith.mulf %dot_general3A_1665, %integer_pow3A_1666 : vector<196x1408xf32>
    %mul3A_1668 = arith.constant 4.471500e-02 : f32
    %mul3A_1669 = vector.broadcast %mul3A_1668 : f32 to vector<196x1408xf32>
    %mul3A_1670 = arith.mulf %mul3A_1669, %integer_pow3A_1667 : vector<196x1408xf32>
    %add3A_1671 = arith.addf %dot_general3A_1665, %mul3A_1670 : vector<196x1408xf32>
    %mul3A_1672 = arith.constant 0.797884583 : f32
    %mul3A_1673 = vector.broadcast %mul3A_1672 : f32 to vector<196x1408xf32>
    %mul3A_1674 = arith.mulf %mul3A_1673, %add3A_1671 : vector<196x1408xf32>
    %tanh3A_1675 = math.tanh %mul3A_1674 : vector<196x1408xf32>
    %add3A_1676 = arith.constant 1.000000e+00 : f32
    %add3A_1677 = vector.broadcast %add3A_1676 : f32 to vector<196x1408xf32>
    %add3A_1678 = arith.addf %add3A_1677, %tanh3A_1675 : vector<196x1408xf32>
    %mul3A_1679 = arith.constant 5.000000e-01 : f32
    %mul3A_1680 = vector.broadcast %mul3A_1679 : f32 to vector<196x1408xf32>
    %mul3A_1681 = arith.mulf %mul3A_1680, %add3A_1678 : vector<196x1408xf32>
    %mul3A_1682 = arith.mulf %dot_general3A_1665, %mul3A_1681 : vector<196x1408xf32>
    %mul3A_1683 = arith.mulf %dot_general3A_1658, %mul3A_1682 : vector<196x1408xf32>
    %get3A_1684 = arith.constant 0 : index
    %get3A_1685 = arith.constant 0 : index
    %get3A_1686 = arith.constant 0 : index
    %get3A_1687 = vector.load %arg13[%get3A_1684, %get3A_1685, %get3A_1686] : memref<1x1408x512xf32, #tpu.memory_space<vmem>>, vector<1x1408x512xf32>
    %get3A_1688 = vector.shape_cast %get3A_1687 : vector<1x1408x512xf32> to vector<1408x512xf32>
    %dot_general3A_1689 = arith.constant dense<0.000000e+00> : vector<196x512xf32>
    %dot_general3A_1690 = tpu.matmul %mul3A_1683, %get3A_1688, %dot_general3A_1689 {dimension_numbers = #tpu.dot_dimension_numbers<[1], [0], [0], [1], [0, 0, 1, 1], [], []>, transpose_lhs_hint = false} : vector<196x1408xf32>, vector<1408x512xf32>, vector<196x512xf32> -> vector<196x512xf32>
    %add3A_1691 = arith.addf %add3A_1600, %dot_general3A_1690 : vector<196x512xf32>
    %swap3A_1692 = arith.constant 3 : index
    %swap3A_1693 = arith.constant 0 : index
    %swap3A_1694 = arith.constant 0 : index
    %swap3A_1695 = vector.load %arg17[%swap3A_1692, %swap3A_1693, %swap3A_1694] : memref<5x196x512xf32, #tpu.memory_space<vmem>>, vector<1x196x512xf32>
    %swap3A_1696 = vector.shape_cast %swap3A_1695 : vector<1x196x512xf32> to vector<196x512xf32>
    %swap3A_1697 = vector.shape_cast %add3A_1691 : vector<196x512xf32> to vector<1x196x512xf32>
    tpu.vector_store %arg17[%swap3A_1692, %swap3A_1693, %swap3A_1694], %swap3A_1697 {strides = array<i32>} : memref<5x196x512xf32, #tpu.memory_space<vmem>>, vector<1x196x512xf32>,
    %eq3A_1698 = arith.constant 3 : i32
    %eq3A_1699 = arith.cmpi eq, %arg0, %eq3A_1698 : i32
    %convert_element_type3A_1700 = arith.extui %eq3A_1699 : i1 to i32
    %cond3A_1701 = arith.constant 0 : i32
    %cond3A_1702 = arith.cmpi ne, %convert_element_type3A_1700, %cond3A_1701 : i32
    scf.if %cond3A_1702 {
      %get3A_2133 = arith.constant 3 : index
      %get3A_2134 = arith.constant 0 : index
      %get3A_2135 = arith.constant 0 : index
      %get3A_2136 = vector.load %arg17[%get3A_2133, %get3A_2134, %get3A_2135] : memref<5x196x512xf32, #tpu.memory_space<vmem>>, vector<1x196x512xf32>
      %get3A_2137 = vector.shape_cast %get3A_2136 : vector<1x196x512xf32> to vector<196x512xf32>
      %get3A_2138 = arith.constant 0 : index
      %get3A_2139 = arith.constant 0 : index
      %get3A_2140 = vector.load %arg14[%get3A_2138, %get3A_2139] : memref<1x512xf32, #tpu.memory_space<vmem>>, vector<1x512xf32>
      %get3A_2141 = arith.constant 0 : index
      %get3A_2142 = arith.constant 0 : index
      %get3A_2143 = vector.load %arg15[%get3A_2141, %get3A_2142] : memref<1x512xf32, #tpu.memory_space<vmem>>, vector<1x512xf32>
      %reduce_sum3A_2144 = arith.constant dense<0.000000e+00> : vector<196xf32>
      %reduce_sum3A_2145 = vector.multi_reduction <add>, %get3A_2137, %reduce_sum3A_2144 [1] : vector<196x512xf32> to vector<196xf32>
      %broadcast_in_dim3A_2146 = vector.shape_cast %reduce_sum3A_2145 : vector<196xf32> to vector<196x1xf32>
      %div3A_2147 = arith.constant 5.120000e+02 : f32
      %div3A_2148 = vector.broadcast %div3A_2147 : f32 to vector<196x1xf32>
      %div3A_2149 = arith.divf %broadcast_in_dim3A_2146, %div3A_2148 : vector<196x1xf32>
      %jit3A_2150 = arith.constant 0 : i32
      %reduce_sum3A_2151 = arith.constant dense<0.000000e+00> : vector<196xf32>
      %reduce_sum3A_2152 = vector.multi_reduction <add>, %get3A_2137, %reduce_sum3A_2151 [1] : vector<196x512xf32> to vector<196xf32>
      %broadcast_in_dim3A_2153 = vector.shape_cast %reduce_sum3A_2152 : vector<196xf32> to vector<196x1xf32>
      %div3A_2154 = arith.constant 5.120000e+02 : f32
      %div3A_2155 = vector.broadcast %div3A_2154 : f32 to vector<196x1xf32>
      %div3A_2156 = arith.divf %broadcast_in_dim3A_2153, %div3A_2155 : vector<196x1xf32>
      %sub3A_2157 = vector.broadcast %div3A_2156 : vector<196x1xf32> to vector<196x512xf32>
      %sub3A_2158 = arith.subf %get3A_2137, %sub3A_2157 : vector<196x512xf32>
      %square3A_2159 = arith.mulf %sub3A_2158, %sub3A_2158 : vector<196x512xf32>
      %convert_element_type3A_2160 = arith.sitofp %jit3A_2150 : i32 to f32
      %sub3A_2161 = arith.constant 5.120000e+02 : f32
      %sub3A_2162 = arith.subf %sub3A_2161, %convert_element_type3A_2160 : f32
      %reduce_sum3A_2163 = arith.constant dense<0.000000e+00> : vector<196xf32>
      %reduce_sum3A_2164 = vector.multi_reduction <add>, %square3A_2159, %reduce_sum3A_2163 [1] : vector<196x512xf32> to vector<196xf32>
      %broadcast_in_dim3A_2165 = vector.shape_cast %reduce_sum3A_2164 : vector<196xf32> to vector<196x1xf32>
      %div3A_2166 = vector.broadcast %sub3A_2162 : f32 to vector<196x1xf32>
      %div3A_2167 = arith.divf %broadcast_in_dim3A_2165, %div3A_2166 : vector<196x1xf32>
      %gt3A_2168 = arith.constant 0.000000e+00 : f32
      %gt3A_2169 = arith.cmpf ogt, %sub3A_2162, %gt3A_2168 : f32
      %jit3A_2170 = arith.constant 0x7FC00000 : f32
      %broadcast_in_dim3A_2171 = vector.broadcast %jit3A_2170 : f32 to vector<196x1xf32>
      %select_n3A_2172 = arith.select %gt3A_2169, %div3A_2167, %broadcast_in_dim3A_2171 : vector<196x1xf32>
      %sub3A_2173 = vector.broadcast %div3A_2149 : vector<196x1xf32> to vector<196x512xf32>
      %sub3A_2174 = arith.subf %get3A_2137, %sub3A_2173 : vector<196x512xf32>
      %add3A_2175 = arith.constant 9.99999974E-6 : f32
      %add3A_2176 = vector.broadcast %add3A_2175 : f32 to vector<196x1xf32>
      %add3A_2177 = arith.addf %select_n3A_2172, %add3A_2176 : vector<196x1xf32>
      %sqrt3A_2178 = math.sqrt %add3A_2177 : vector<196x1xf32>
      %div3A_2179 = vector.broadcast %sqrt3A_2178 : vector<196x1xf32> to vector<196x512xf32>
      %div3A_2180 = arith.divf %sub3A_2174, %div3A_2179 : vector<196x512xf32>
      %mul3A_2181 = vector.broadcast %get3A_2140 : vector<1x512xf32> to vector<196x512xf32>
      %mul3A_2182 = arith.mulf %div3A_2180, %mul3A_2181 : vector<196x512xf32>
      %add3A_2183 = vector.broadcast %get3A_2143 : vector<1x512xf32> to vector<196x512xf32>
      %add3A_2184 = arith.addf %mul3A_2182, %add3A_2183 : vector<196x512xf32>
      %swap3A_2185 = arith.constant 3 : index
      %swap3A_2186 = arith.constant 0 : index
      %swap3A_2187 = arith.constant 0 : index
      %swap3A_2188 = vector.load %arg16[%swap3A_2185, %swap3A_2186, %swap3A_2187] : memref<5x196x512xf32, #tpu.memory_space<vmem>>, vector<1x196x512xf32>
      %swap3A_2189 = vector.shape_cast %swap3A_2188 : vector<1x196x512xf32> to vector<196x512xf32>
      %swap3A_2190 = vector.shape_cast %add3A_2184 : vector<196x512xf32> to vector<1x196x512xf32>
      tpu.vector_store %arg16[%swap3A_2185, %swap3A_2186, %swap3A_2187], %swap3A_2190 {strides = array<i32>} : memref<5x196x512xf32, #tpu.memory_space<vmem>>, vector<1x196x512xf32>,
    } else {
    }
    %get3A_1703 = arith.constant 4 : index
    %get3A_1704 = arith.constant 0 : index
    %get3A_1705 = arith.constant 0 : index
    %get3A_1706 = vector.load %arg17[%get3A_1703, %get3A_1704, %get3A_1705] : memref<5x196x512xf32, #tpu.memory_space<vmem>>, vector<1x196x512xf32>
    %get3A_1707 = vector.shape_cast %get3A_1706 : vector<1x196x512xf32> to vector<196x512xf32>
    %get3A_1708 = arith.constant 0 : index
    %get3A_1709 = arith.constant 0 : index
    %get3A_1710 = arith.constant 0 : index
    %get3A_1711 = vector.load %arg3[%get3A_1708, %get3A_1709, %get3A_1710] : memref<1x1x512xf32, #tpu.memory_space<vmem>>, vector<1x1x512xf32>
    %get3A_1712 = vector.shape_cast %get3A_1711 : vector<1x1x512xf32> to vector<1x512xf32>
    %get3A_1713 = arith.constant 0 : index
    %get3A_1714 = arith.constant 0 : index
    %get3A_1715 = arith.constant 0 : index
    %get3A_1716 = vector.load %arg4[%get3A_1713, %get3A_1714, %get3A_1715] : memref<1x1x512xf32, #tpu.memory_space<vmem>>, vector<1x1x512xf32>
    %get3A_1717 = vector.shape_cast %get3A_1716 : vector<1x1x512xf32> to vector<1x512xf32>
    %reduce_sum3A_1718 = arith.constant dense<0.000000e+00> : vector<196xf32>
    %reduce_sum3A_1719 = vector.multi_reduction <add>, %get3A_1707, %reduce_sum3A_1718 [1] : vector<196x512xf32> to vector<196xf32>
    %broadcast_in_dim3A_1720 = vector.shape_cast %reduce_sum3A_1719 : vector<196xf32> to vector<196x1xf32>
    %div3A_1721 = arith.constant 5.120000e+02 : f32
    %div3A_1722 = vector.broadcast %div3A_1721 : f32 to vector<196x1xf32>
    %div3A_1723 = arith.divf %broadcast_in_dim3A_1720, %div3A_1722 : vector<196x1xf32>
    %jit3A_1724 = arith.constant 0 : i32
    %reduce_sum3A_1725 = arith.constant dense<0.000000e+00> : vector<196xf32>
    %reduce_sum3A_1726 = vector.multi_reduction <add>, %get3A_1707, %reduce_sum3A_1725 [1] : vector<196x512xf32> to vector<196xf32>
    %broadcast_in_dim3A_1727 = vector.shape_cast %reduce_sum3A_1726 : vector<196xf32> to vector<196x1xf32>
    %div3A_1728 = arith.constant 5.120000e+02 : f32
    %div3A_1729 = vector.broadcast %div3A_1728 : f32 to vector<196x1xf32>
    %div3A_1730 = arith.divf %broadcast_in_dim3A_1727, %div3A_1729 : vector<196x1xf32>
    %sub3A_1731 = vector.broadcast %div3A_1730 : vector<196x1xf32> to vector<196x512xf32>
    %sub3A_1732 = arith.subf %get3A_1707, %sub3A_1731 : vector<196x512xf32>
    %square3A_1733 = arith.mulf %sub3A_1732, %sub3A_1732 : vector<196x512xf32>
    %convert_element_type3A_1734 = arith.sitofp %jit3A_1724 : i32 to f32
    %sub3A_1735 = arith.constant 5.120000e+02 : f32
    %sub3A_1736 = arith.subf %sub3A_1735, %convert_element_type3A_1734 : f32
    %reduce_sum3A_1737 = arith.constant dense<0.000000e+00> : vector<196xf32>
    %reduce_sum3A_1738 = vector.multi_reduction <add>, %square3A_1733, %reduce_sum3A_1737 [1] : vector<196x512xf32> to vector<196xf32>
    %broadcast_in_dim3A_1739 = vector.shape_cast %reduce_sum3A_1738 : vector<196xf32> to vector<196x1xf32>
    %div3A_1740 = vector.broadcast %sub3A_1736 : f32 to vector<196x1xf32>
    %div3A_1741 = arith.divf %broadcast_in_dim3A_1739, %div3A_1740 : vector<196x1xf32>
    %gt3A_1742 = arith.constant 0.000000e+00 : f32
    %gt3A_1743 = arith.cmpf ogt, %sub3A_1736, %gt3A_1742 : f32
    %jit3A_1744 = arith.constant 0x7FC00000 : f32
    %broadcast_in_dim3A_1745 = vector.broadcast %jit3A_1744 : f32 to vector<196x1xf32>
    %select_n3A_1746 = arith.select %gt3A_1743, %div3A_1741, %broadcast_in_dim3A_1745 : vector<196x1xf32>
    %sub3A_1747 = vector.broadcast %div3A_1723 : vector<196x1xf32> to vector<196x512xf32>
    %sub3A_1748 = arith.subf %get3A_1707, %sub3A_1747 : vector<196x512xf32>
    %add3A_1749 = arith.constant 9.99999974E-6 : f32
    %add3A_1750 = vector.broadcast %add3A_1749 : f32 to vector<196x1xf32>
    %add3A_1751 = arith.addf %select_n3A_1746, %add3A_1750 : vector<196x1xf32>
    %sqrt3A_1752 = math.sqrt %add3A_1751 : vector<196x1xf32>
    %div3A_1753 = vector.broadcast %sqrt3A_1752 : vector<196x1xf32> to vector<196x512xf32>
    %div3A_1754 = arith.divf %sub3A_1748, %div3A_1753 : vector<196x512xf32>
    %mul3A_1755 = vector.broadcast %get3A_1712 : vector<1x512xf32> to vector<196x512xf32>
    %mul3A_1756 = arith.mulf %div3A_1754, %mul3A_1755 : vector<196x512xf32>
    %add3A_1757 = vector.broadcast %get3A_1717 : vector<1x512xf32> to vector<196x512xf32>
    %add3A_1758 = arith.addf %mul3A_1756, %add3A_1757 : vector<196x512xf32>
    %get3A_1759 = arith.constant 0 : index
    %get3A_1760 = arith.constant 0 : index
    %get3A_1761 = arith.constant 0 : index
    %get3A_1762 = vector.load %arg5[%get3A_1759, %get3A_1760, %get3A_1761] : memref<1x512x512xf32, #tpu.memory_space<vmem>>, vector<1x512x512xf32>
    %get3A_1763 = vector.shape_cast %get3A_1762 : vector<1x512x512xf32> to vector<512x512xf32>
    %dot_general3A_1764 = arith.constant dense<0.000000e+00> : vector<196x512xf32>
    %dot_general3A_1765 = tpu.matmul %add3A_1758, %get3A_1763, %dot_general3A_1764 {dimension_numbers = #tpu.dot_dimension_numbers<[1], [0], [0], [1], [0, 0, 1, 1], [], []>, transpose_lhs_hint = false} : vector<196x512xf32>, vector<512x512xf32>, vector<196x512xf32> -> vector<196x512xf32>
    %get3A_1766 = arith.constant 0 : index
    %get3A_1767 = arith.constant 0 : index
    %get3A_1768 = arith.constant 0 : index
    %get3A_1769 = vector.load %arg6[%get3A_1766, %get3A_1767, %get3A_1768] : memref<1x512x512xf32, #tpu.memory_space<vmem>>, vector<1x512x512xf32>
    %get3A_1770 = vector.shape_cast %get3A_1769 : vector<1x512x512xf32> to vector<512x512xf32>
    %dot_general3A_1771 = arith.constant dense<0.000000e+00> : vector<196x512xf32>
    %dot_general3A_1772 = tpu.matmul %add3A_1758, %get3A_1770, %dot_general3A_1771 {dimension_numbers = #tpu.dot_dimension_numbers<[1], [0], [0], [1], [0, 0, 1, 1], [], []>, transpose_lhs_hint = false} : vector<196x512xf32>, vector<512x512xf32>, vector<196x512xf32> -> vector<196x512xf32>
    %get3A_1773 = arith.constant 0 : index
    %get3A_1774 = arith.constant 0 : index
    %get3A_1775 = arith.constant 0 : index
    %get3A_1776 = vector.load %arg7[%get3A_1773, %get3A_1774, %get3A_1775] : memref<1x512x512xf32, #tpu.memory_space<vmem>>, vector<1x512x512xf32>
    %get3A_1777 = vector.shape_cast %get3A_1776 : vector<1x512x512xf32> to vector<512x512xf32>
    %dot_general3A_1778 = arith.constant dense<0.000000e+00> : vector<196x512xf32>
    %dot_general3A_1779 = tpu.matmul %add3A_1758, %get3A_1777, %dot_general3A_1778 {dimension_numbers = #tpu.dot_dimension_numbers<[1], [0], [0], [1], [0, 0, 1, 1], [], []>, transpose_lhs_hint = false} : vector<196x512xf32>, vector<512x512xf32>, vector<196x512xf32> -> vector<196x512xf32>
    %slice3A_1780 = vector.extract_strided_slice %dot_general3A_1765 {offsets = [0, 0], sizes = [196, 64], strides = [1, 1]} : vector<196x512xf32> to vector<196x64xf32>
    %slice3A_1781 = vector.extract_strided_slice %dot_general3A_1772 {offsets = [0, 0], sizes = [196, 64], strides = [1, 1]} : vector<196x512xf32> to vector<196x64xf32>
    %dot_general3A_1782 = arith.constant dense<0.000000e+00> : vector<196x196xf32>
    %dot_general3A_1783 = tpu.matmul %slice3A_1780, %slice3A_1781, %dot_general3A_1782 {dimension_numbers = #tpu.dot_dimension_numbers<[1], [1], [0], [0], [0, 0, 1, 0], [], []>, transpose_lhs_hint = false} : vector<196x64xf32>, vector<196x64xf32>, vector<196x196xf32> -> vector<196x196xf32>
    %mul3A_1784 = arith.constant 1.250000e-01 : f32
    %mul3A_1785 = vector.broadcast %mul3A_1784 : f32 to vector<196x196xf32>
    %mul3A_1786 = arith.mulf %dot_general3A_1783, %mul3A_1785 : vector<196x196xf32>
    %get3A_1787 = arith.constant 0 : index
    %get3A_1788 = arith.constant 0 : index
    %get3A_1789 = arith.constant 0 : index
    %get3A_1790 = vector.load %arg2[%get3A_1787, %get3A_1788, %get3A_1789] : memref<8x196x196xf32, #tpu.memory_space<vmem>>, vector<1x196x196xf32>
    %get3A_1791 = vector.shape_cast %get3A_1790 : vector<1x196x196xf32> to vector<196x196xf32>
    %add3A_1792 = arith.addf %mul3A_1786, %get3A_1791 : vector<196x196xf32>
    %reduce_max3A_1793 = arith.constant dense<0xFF800000> : vector<196xf32>
    %reduce_max3A_1794 = vector.multi_reduction <maximumf>, %add3A_1792, %reduce_max3A_1793 [1] : vector<196x196xf32> to vector<196xf32>
    %broadcast_in_dim3A_1795 = vector.shape_cast %reduce_max3A_1794 : vector<196xf32> to vector<196x1xf32>
    %sub3A_1796 = vector.broadcast %broadcast_in_dim3A_1795 : vector<196x1xf32> to vector<196x196xf32>
    %sub3A_1797 = arith.subf %add3A_1792, %sub3A_1796 : vector<196x196xf32>
    %exp3A_1798 = math.exp %sub3A_1797 : vector<196x196xf32>
    %reduce_sum3A_1799 = arith.constant dense<0.000000e+00> : vector<196xf32>
    %reduce_sum3A_1800 = vector.multi_reduction <add>, %exp3A_1798, %reduce_sum3A_1799 [1] : vector<196x196xf32> to vector<196xf32>
    %broadcast_in_dim3A_1801 = vector.shape_cast %reduce_sum3A_1800 : vector<196xf32> to vector<196x1xf32>
    %div3A_1802 = vector.broadcast %broadcast_in_dim3A_1801 : vector<196x1xf32> to vector<196x196xf32>
    %div3A_1803 = arith.divf %exp3A_1798, %div3A_1802 : vector<196x196xf32>
    %slice3A_1804 = vector.extract_strided_slice %dot_general3A_1779 {offsets = [0, 0], sizes = [196, 64], strides = [1, 1]} : vector<196x512xf32> to vector<196x64xf32>
    %dot_general3A_1805 = arith.constant dense<0.000000e+00> : vector<196x64xf32>
    %dot_general3A_1806 = tpu.matmul %div3A_1803, %slice3A_1804, %dot_general3A_1805 {dimension_numbers = #tpu.dot_dimension_numbers<[1], [0], [0], [1], [0, 0, 1, 1], [], []>, transpose_lhs_hint = false} : vector<196x196xf32>, vector<196x64xf32>, vector<196x64xf32> -> vector<196x64xf32>
    %swap3A_1807 = arith.constant 0 : index
    %swap3A_1808 = arith.constant 0 : index
    %swap3A_1809 = vector.load %arg18[%swap3A_1807, %swap3A_1808] : memref<196x512xf32, #tpu.memory_space<vmem>>, vector<196x64xf32>
    tpu.vector_store %arg18[%swap3A_1807, %swap3A_1808], %dot_general3A_1806 {strides = array<i32>} : memref<196x512xf32, #tpu.memory_space<vmem>>, vector<196x64xf32>,
    %slice3A_1810 = vector.extract_strided_slice %dot_general3A_1765 {offsets = [0, 64], sizes = [196, 64], strides = [1, 1]} : vector<196x512xf32> to vector<196x64xf32>
    %slice3A_1811 = vector.extract_strided_slice %dot_general3A_1772 {offsets = [0, 64], sizes = [196, 64], strides = [1, 1]} : vector<196x512xf32> to vector<196x64xf32>
    %dot_general3A_1812 = arith.constant dense<0.000000e+00> : vector<196x196xf32>
    %dot_general3A_1813 = tpu.matmul %slice3A_1810, %slice3A_1811, %dot_general3A_1812 {dimension_numbers = #tpu.dot_dimension_numbers<[1], [1], [0], [0], [0, 0, 1, 0], [], []>, transpose_lhs_hint = false} : vector<196x64xf32>, vector<196x64xf32>, vector<196x196xf32> -> vector<196x196xf32>
    %mul3A_1814 = arith.constant 1.250000e-01 : f32
    %mul3A_1815 = vector.broadcast %mul3A_1814 : f32 to vector<196x196xf32>
    %mul3A_1816 = arith.mulf %dot_general3A_1813, %mul3A_1815 : vector<196x196xf32>
    %get3A_1817 = arith.constant 1 : index
    %get3A_1818 = arith.constant 0 : index
    %get3A_1819 = arith.constant 0 : index
    %get3A_1820 = vector.load %arg2[%get3A_1817, %get3A_1818, %get3A_1819] : memref<8x196x196xf32, #tpu.memory_space<vmem>>, vector<1x196x196xf32>
    %get3A_1821 = vector.shape_cast %get3A_1820 : vector<1x196x196xf32> to vector<196x196xf32>
    %add3A_1822 = arith.addf %mul3A_1816, %get3A_1821 : vector<196x196xf32>
    %reduce_max3A_1823 = arith.constant dense<0xFF800000> : vector<196xf32>
    %reduce_max3A_1824 = vector.multi_reduction <maximumf>, %add3A_1822, %reduce_max3A_1823 [1] : vector<196x196xf32> to vector<196xf32>
    %broadcast_in_dim3A_1825 = vector.shape_cast %reduce_max3A_1824 : vector<196xf32> to vector<196x1xf32>
    %sub3A_1826 = vector.broadcast %broadcast_in_dim3A_1825 : vector<196x1xf32> to vector<196x196xf32>
    %sub3A_1827 = arith.subf %add3A_1822, %sub3A_1826 : vector<196x196xf32>
    %exp3A_1828 = math.exp %sub3A_1827 : vector<196x196xf32>
    %reduce_sum3A_1829 = arith.constant dense<0.000000e+00> : vector<196xf32>
    %reduce_sum3A_1830 = vector.multi_reduction <add>, %exp3A_1828, %reduce_sum3A_1829 [1] : vector<196x196xf32> to vector<196xf32>
    %broadcast_in_dim3A_1831 = vector.shape_cast %reduce_sum3A_1830 : vector<196xf32> to vector<196x1xf32>
    %div3A_1832 = vector.broadcast %broadcast_in_dim3A_1831 : vector<196x1xf32> to vector<196x196xf32>
    %div3A_1833 = arith.divf %exp3A_1828, %div3A_1832 : vector<196x196xf32>
    %slice3A_1834 = vector.extract_strided_slice %dot_general3A_1779 {offsets = [0, 64], sizes = [196, 64], strides = [1, 1]} : vector<196x512xf32> to vector<196x64xf32>
    %dot_general3A_1835 = arith.constant dense<0.000000e+00> : vector<196x64xf32>
    %dot_general3A_1836 = tpu.matmul %div3A_1833, %slice3A_1834, %dot_general3A_1835 {dimension_numbers = #tpu.dot_dimension_numbers<[1], [0], [0], [1], [0, 0, 1, 1], [], []>, transpose_lhs_hint = false} : vector<196x196xf32>, vector<196x64xf32>, vector<196x64xf32> -> vector<196x64xf32>
    %swap3A_1837 = arith.constant 0 : index
    %swap3A_1838 = arith.constant 64 : index
    %swap3A_1839 = vector.load %arg18[%swap3A_1837, %swap3A_1838] : memref<196x512xf32, #tpu.memory_space<vmem>>, vector<196x64xf32>
    tpu.vector_store %arg18[%swap3A_1837, %swap3A_1838], %dot_general3A_1836 {strides = array<i32>} : memref<196x512xf32, #tpu.memory_space<vmem>>, vector<196x64xf32>,
    %slice3A_1840 = vector.extract_strided_slice %dot_general3A_1765 {offsets = [0, 128], sizes = [196, 64], strides = [1, 1]} : vector<196x512xf32> to vector<196x64xf32>
    %slice3A_1841 = vector.extract_strided_slice %dot_general3A_1772 {offsets = [0, 128], sizes = [196, 64], strides = [1, 1]} : vector<196x512xf32> to vector<196x64xf32>
    %dot_general3A_1842 = arith.constant dense<0.000000e+00> : vector<196x196xf32>
    %dot_general3A_1843 = tpu.matmul %slice3A_1840, %slice3A_1841, %dot_general3A_1842 {dimension_numbers = #tpu.dot_dimension_numbers<[1], [1], [0], [0], [0, 0, 1, 0], [], []>, transpose_lhs_hint = false} : vector<196x64xf32>, vector<196x64xf32>, vector<196x196xf32> -> vector<196x196xf32>
    %mul3A_1844 = arith.constant 1.250000e-01 : f32
    %mul3A_1845 = vector.broadcast %mul3A_1844 : f32 to vector<196x196xf32>
    %mul3A_1846 = arith.mulf %dot_general3A_1843, %mul3A_1845 : vector<196x196xf32>
    %get3A_1847 = arith.constant 2 : index
    %get3A_1848 = arith.constant 0 : index
    %get3A_1849 = arith.constant 0 : index
    %get3A_1850 = vector.load %arg2[%get3A_1847, %get3A_1848, %get3A_1849] : memref<8x196x196xf32, #tpu.memory_space<vmem>>, vector<1x196x196xf32>
    %get3A_1851 = vector.shape_cast %get3A_1850 : vector<1x196x196xf32> to vector<196x196xf32>
    %add3A_1852 = arith.addf %mul3A_1846, %get3A_1851 : vector<196x196xf32>
    %reduce_max3A_1853 = arith.constant dense<0xFF800000> : vector<196xf32>
    %reduce_max3A_1854 = vector.multi_reduction <maximumf>, %add3A_1852, %reduce_max3A_1853 [1] : vector<196x196xf32> to vector<196xf32>
    %broadcast_in_dim3A_1855 = vector.shape_cast %reduce_max3A_1854 : vector<196xf32> to vector<196x1xf32>
    %sub3A_1856 = vector.broadcast %broadcast_in_dim3A_1855 : vector<196x1xf32> to vector<196x196xf32>
    %sub3A_1857 = arith.subf %add3A_1852, %sub3A_1856 : vector<196x196xf32>
    %exp3A_1858 = math.exp %sub3A_1857 : vector<196x196xf32>
    %reduce_sum3A_1859 = arith.constant dense<0.000000e+00> : vector<196xf32>
    %reduce_sum3A_1860 = vector.multi_reduction <add>, %exp3A_1858, %reduce_sum3A_1859 [1] : vector<196x196xf32> to vector<196xf32>
    %broadcast_in_dim3A_1861 = vector.shape_cast %reduce_sum3A_1860 : vector<196xf32> to vector<196x1xf32>
    %div3A_1862 = vector.broadcast %broadcast_in_dim3A_1861 : vector<196x1xf32> to vector<196x196xf32>
    %div3A_1863 = arith.divf %exp3A_1858, %div3A_1862 : vector<196x196xf32>
    %slice3A_1864 = vector.extract_strided_slice %dot_general3A_1779 {offsets = [0, 128], sizes = [196, 64], strides = [1, 1]} : vector<196x512xf32> to vector<196x64xf32>
    %dot_general3A_1865 = arith.constant dense<0.000000e+00> : vector<196x64xf32>
    %dot_general3A_1866 = tpu.matmul %div3A_1863, %slice3A_1864, %dot_general3A_1865 {dimension_numbers = #tpu.dot_dimension_numbers<[1], [0], [0], [1], [0, 0, 1, 1], [], []>, transpose_lhs_hint = false} : vector<196x196xf32>, vector<196x64xf32>, vector<196x64xf32> -> vector<196x64xf32>
    %swap3A_1867 = arith.constant 0 : index
    %swap3A_1868 = arith.constant 128 : index
    %swap3A_1869 = vector.load %arg18[%swap3A_1867, %swap3A_1868] : memref<196x512xf32, #tpu.memory_space<vmem>>, vector<196x64xf32>
    tpu.vector_store %arg18[%swap3A_1867, %swap3A_1868], %dot_general3A_1866 {strides = array<i32>} : memref<196x512xf32, #tpu.memory_space<vmem>>, vector<196x64xf32>,
    %slice3A_1870 = vector.extract_strided_slice %dot_general3A_1765 {offsets = [0, 192], sizes = [196, 64], strides = [1, 1]} : vector<196x512xf32> to vector<196x64xf32>
    %slice3A_1871 = vector.extract_strided_slice %dot_general3A_1772 {offsets = [0, 192], sizes = [196, 64], strides = [1, 1]} : vector<196x512xf32> to vector<196x64xf32>
    %dot_general3A_1872 = arith.constant dense<0.000000e+00> : vector<196x196xf32>
    %dot_general3A_1873 = tpu.matmul %slice3A_1870, %slice3A_1871, %dot_general3A_1872 {dimension_numbers = #tpu.dot_dimension_numbers<[1], [1], [0], [0], [0, 0, 1, 0], [], []>, transpose_lhs_hint = false} : vector<196x64xf32>, vector<196x64xf32>, vector<196x196xf32> -> vector<196x196xf32>
    %mul3A_1874 = arith.constant 1.250000e-01 : f32
    %mul3A_1875 = vector.broadcast %mul3A_1874 : f32 to vector<196x196xf32>
    %mul3A_1876 = arith.mulf %dot_general3A_1873, %mul3A_1875 : vector<196x196xf32>
    %get3A_1877 = arith.constant 3 : index
    %get3A_1878 = arith.constant 0 : index
    %get3A_1879 = arith.constant 0 : index
    %get3A_1880 = vector.load %arg2[%get3A_1877, %get3A_1878, %get3A_1879] : memref<8x196x196xf32, #tpu.memory_space<vmem>>, vector<1x196x196xf32>
    %get3A_1881 = vector.shape_cast %get3A_1880 : vector<1x196x196xf32> to vector<196x196xf32>
    %add3A_1882 = arith.addf %mul3A_1876, %get3A_1881 : vector<196x196xf32>
    %reduce_max3A_1883 = arith.constant dense<0xFF800000> : vector<196xf32>
    %reduce_max3A_1884 = vector.multi_reduction <maximumf>, %add3A_1882, %reduce_max3A_1883 [1] : vector<196x196xf32> to vector<196xf32>
    %broadcast_in_dim3A_1885 = vector.shape_cast %reduce_max3A_1884 : vector<196xf32> to vector<196x1xf32>
    %sub3A_1886 = vector.broadcast %broadcast_in_dim3A_1885 : vector<196x1xf32> to vector<196x196xf32>
    %sub3A_1887 = arith.subf %add3A_1882, %sub3A_1886 : vector<196x196xf32>
    %exp3A_1888 = math.exp %sub3A_1887 : vector<196x196xf32>
    %reduce_sum3A_1889 = arith.constant dense<0.000000e+00> : vector<196xf32>
    %reduce_sum3A_1890 = vector.multi_reduction <add>, %exp3A_1888, %reduce_sum3A_1889 [1] : vector<196x196xf32> to vector<196xf32>
    %broadcast_in_dim3A_1891 = vector.shape_cast %reduce_sum3A_1890 : vector<196xf32> to vector<196x1xf32>
    %div3A_1892 = vector.broadcast %broadcast_in_dim3A_1891 : vector<196x1xf32> to vector<196x196xf32>
    %div3A_1893 = arith.divf %exp3A_1888, %div3A_1892 : vector<196x196xf32>
    %slice3A_1894 = vector.extract_strided_slice %dot_general3A_1779 {offsets = [0, 192], sizes = [196, 64], strides = [1, 1]} : vector<196x512xf32> to vector<196x64xf32>
    %dot_general3A_1895 = arith.constant dense<0.000000e+00> : vector<196x64xf32>
    %dot_general3A_1896 = tpu.matmul %div3A_1893, %slice3A_1894, %dot_general3A_1895 {dimension_numbers = #tpu.dot_dimension_numbers<[1], [0], [0], [1], [0, 0, 1, 1], [], []>, transpose_lhs_hint = false} : vector<196x196xf32>, vector<196x64xf32>, vector<196x64xf32> -> vector<196x64xf32>
    %swap3A_1897 = arith.constant 0 : index
    %swap3A_1898 = arith.constant 192 : index
    %swap3A_1899 = vector.load %arg18[%swap3A_1897, %swap3A_1898] : memref<196x512xf32, #tpu.memory_space<vmem>>, vector<196x64xf32>
    tpu.vector_store %arg18[%swap3A_1897, %swap3A_1898], %dot_general3A_1896 {strides = array<i32>} : memref<196x512xf32, #tpu.memory_space<vmem>>, vector<196x64xf32>,
    %slice3A_1900 = vector.extract_strided_slice %dot_general3A_1765 {offsets = [0, 256], sizes = [196, 64], strides = [1, 1]} : vector<196x512xf32> to vector<196x64xf32>
    %slice3A_1901 = vector.extract_strided_slice %dot_general3A_1772 {offsets = [0, 256], sizes = [196, 64], strides = [1, 1]} : vector<196x512xf32> to vector<196x64xf32>
    %dot_general3A_1902 = arith.constant dense<0.000000e+00> : vector<196x196xf32>
    %dot_general3A_1903 = tpu.matmul %slice3A_1900, %slice3A_1901, %dot_general3A_1902 {dimension_numbers = #tpu.dot_dimension_numbers<[1], [1], [0], [0], [0, 0, 1, 0], [], []>, transpose_lhs_hint = false} : vector<196x64xf32>, vector<196x64xf32>, vector<196x196xf32> -> vector<196x196xf32>
    %mul3A_1904 = arith.constant 1.250000e-01 : f32
    %mul3A_1905 = vector.broadcast %mul3A_1904 : f32 to vector<196x196xf32>
    %mul3A_1906 = arith.mulf %dot_general3A_1903, %mul3A_1905 : vector<196x196xf32>
    %get3A_1907 = arith.constant 4 : index
    %get3A_1908 = arith.constant 0 : index
    %get3A_1909 = arith.constant 0 : index
    %get3A_1910 = vector.load %arg2[%get3A_1907, %get3A_1908, %get3A_1909] : memref<8x196x196xf32, #tpu.memory_space<vmem>>, vector<1x196x196xf32>
    %get3A_1911 = vector.shape_cast %get3A_1910 : vector<1x196x196xf32> to vector<196x196xf32>
    %add3A_1912 = arith.addf %mul3A_1906, %get3A_1911 : vector<196x196xf32>
    %reduce_max3A_1913 = arith.constant dense<0xFF800000> : vector<196xf32>
    %reduce_max3A_1914 = vector.multi_reduction <maximumf>, %add3A_1912, %reduce_max3A_1913 [1] : vector<196x196xf32> to vector<196xf32>
    %broadcast_in_dim3A_1915 = vector.shape_cast %reduce_max3A_1914 : vector<196xf32> to vector<196x1xf32>
    %sub3A_1916 = vector.broadcast %broadcast_in_dim3A_1915 : vector<196x1xf32> to vector<196x196xf32>
    %sub3A_1917 = arith.subf %add3A_1912, %sub3A_1916 : vector<196x196xf32>
    %exp3A_1918 = math.exp %sub3A_1917 : vector<196x196xf32>
    %reduce_sum3A_1919 = arith.constant dense<0.000000e+00> : vector<196xf32>
    %reduce_sum3A_1920 = vector.multi_reduction <add>, %exp3A_1918, %reduce_sum3A_1919 [1] : vector<196x196xf32> to vector<196xf32>
    %broadcast_in_dim3A_1921 = vector.shape_cast %reduce_sum3A_1920 : vector<196xf32> to vector<196x1xf32>
    %div3A_1922 = vector.broadcast %broadcast_in_dim3A_1921 : vector<196x1xf32> to vector<196x196xf32>
    %div3A_1923 = arith.divf %exp3A_1918, %div3A_1922 : vector<196x196xf32>
    %slice3A_1924 = vector.extract_strided_slice %dot_general3A_1779 {offsets = [0, 256], sizes = [196, 64], strides = [1, 1]} : vector<196x512xf32> to vector<196x64xf32>
    %dot_general3A_1925 = arith.constant dense<0.000000e+00> : vector<196x64xf32>
    %dot_general3A_1926 = tpu.matmul %div3A_1923, %slice3A_1924, %dot_general3A_1925 {dimension_numbers = #tpu.dot_dimension_numbers<[1], [0], [0], [1], [0, 0, 1, 1], [], []>, transpose_lhs_hint = false} : vector<196x196xf32>, vector<196x64xf32>, vector<196x64xf32> -> vector<196x64xf32>
    %swap3A_1927 = arith.constant 0 : index
    %swap3A_1928 = arith.constant 256 : index
    %swap3A_1929 = vector.load %arg18[%swap3A_1927, %swap3A_1928] : memref<196x512xf32, #tpu.memory_space<vmem>>, vector<196x64xf32>
    tpu.vector_store %arg18[%swap3A_1927, %swap3A_1928], %dot_general3A_1926 {strides = array<i32>} : memref<196x512xf32, #tpu.memory_space<vmem>>, vector<196x64xf32>,
    %slice3A_1930 = vector.extract_strided_slice %dot_general3A_1765 {offsets = [0, 320], sizes = [196, 64], strides = [1, 1]} : vector<196x512xf32> to vector<196x64xf32>
    %slice3A_1931 = vector.extract_strided_slice %dot_general3A_1772 {offsets = [0, 320], sizes = [196, 64], strides = [1, 1]} : vector<196x512xf32> to vector<196x64xf32>
    %dot_general3A_1932 = arith.constant dense<0.000000e+00> : vector<196x196xf32>
    %dot_general3A_1933 = tpu.matmul %slice3A_1930, %slice3A_1931, %dot_general3A_1932 {dimension_numbers = #tpu.dot_dimension_numbers<[1], [1], [0], [0], [0, 0, 1, 0], [], []>, transpose_lhs_hint = false} : vector<196x64xf32>, vector<196x64xf32>, vector<196x196xf32> -> vector<196x196xf32>
    %mul3A_1934 = arith.constant 1.250000e-01 : f32
    %mul3A_1935 = vector.broadcast %mul3A_1934 : f32 to vector<196x196xf32>
    %mul3A_1936 = arith.mulf %dot_general3A_1933, %mul3A_1935 : vector<196x196xf32>
    %get3A_1937 = arith.constant 5 : index
    %get3A_1938 = arith.constant 0 : index
    %get3A_1939 = arith.constant 0 : index
    %get3A_1940 = vector.load %arg2[%get3A_1937, %get3A_1938, %get3A_1939] : memref<8x196x196xf32, #tpu.memory_space<vmem>>, vector<1x196x196xf32>
    %get3A_1941 = vector.shape_cast %get3A_1940 : vector<1x196x196xf32> to vector<196x196xf32>
    %add3A_1942 = arith.addf %mul3A_1936, %get3A_1941 : vector<196x196xf32>
    %reduce_max3A_1943 = arith.constant dense<0xFF800000> : vector<196xf32>
    %reduce_max3A_1944 = vector.multi_reduction <maximumf>, %add3A_1942, %reduce_max3A_1943 [1] : vector<196x196xf32> to vector<196xf32>
    %broadcast_in_dim3A_1945 = vector.shape_cast %reduce_max3A_1944 : vector<196xf32> to vector<196x1xf32>
    %sub3A_1946 = vector.broadcast %broadcast_in_dim3A_1945 : vector<196x1xf32> to vector<196x196xf32>
    %sub3A_1947 = arith.subf %add3A_1942, %sub3A_1946 : vector<196x196xf32>
    %exp3A_1948 = math.exp %sub3A_1947 : vector<196x196xf32>
    %reduce_sum3A_1949 = arith.constant dense<0.000000e+00> : vector<196xf32>
    %reduce_sum3A_1950 = vector.multi_reduction <add>, %exp3A_1948, %reduce_sum3A_1949 [1] : vector<196x196xf32> to vector<196xf32>
    %broadcast_in_dim3A_1951 = vector.shape_cast %reduce_sum3A_1950 : vector<196xf32> to vector<196x1xf32>
    %div3A_1952 = vector.broadcast %broadcast_in_dim3A_1951 : vector<196x1xf32> to vector<196x196xf32>
    %div3A_1953 = arith.divf %exp3A_1948, %div3A_1952 : vector<196x196xf32>
    %slice3A_1954 = vector.extract_strided_slice %dot_general3A_1779 {offsets = [0, 320], sizes = [196, 64], strides = [1, 1]} : vector<196x512xf32> to vector<196x64xf32>
    %dot_general3A_1955 = arith.constant dense<0.000000e+00> : vector<196x64xf32>
    %dot_general3A_1956 = tpu.matmul %div3A_1953, %slice3A_1954, %dot_general3A_1955 {dimension_numbers = #tpu.dot_dimension_numbers<[1], [0], [0], [1], [0, 0, 1, 1], [], []>, transpose_lhs_hint = false} : vector<196x196xf32>, vector<196x64xf32>, vector<196x64xf32> -> vector<196x64xf32>
    %swap3A_1957 = arith.constant 0 : index
    %swap3A_1958 = arith.constant 320 : index
    %swap3A_1959 = vector.load %arg18[%swap3A_1957, %swap3A_1958] : memref<196x512xf32, #tpu.memory_space<vmem>>, vector<196x64xf32>
    tpu.vector_store %arg18[%swap3A_1957, %swap3A_1958], %dot_general3A_1956 {strides = array<i32>} : memref<196x512xf32, #tpu.memory_space<vmem>>, vector<196x64xf32>,
    %slice3A_1960 = vector.extract_strided_slice %dot_general3A_1765 {offsets = [0, 384], sizes = [196, 64], strides = [1, 1]} : vector<196x512xf32> to vector<196x64xf32>
    %slice3A_1961 = vector.extract_strided_slice %dot_general3A_1772 {offsets = [0, 384], sizes = [196, 64], strides = [1, 1]} : vector<196x512xf32> to vector<196x64xf32>
    %dot_general3A_1962 = arith.constant dense<0.000000e+00> : vector<196x196xf32>
    %dot_general3A_1963 = tpu.matmul %slice3A_1960, %slice3A_1961, %dot_general3A_1962 {dimension_numbers = #tpu.dot_dimension_numbers<[1], [1], [0], [0], [0, 0, 1, 0], [], []>, transpose_lhs_hint = false} : vector<196x64xf32>, vector<196x64xf32>, vector<196x196xf32> -> vector<196x196xf32>
    %mul3A_1964 = arith.constant 1.250000e-01 : f32
    %mul3A_1965 = vector.broadcast %mul3A_1964 : f32 to vector<196x196xf32>
    %mul3A_1966 = arith.mulf %dot_general3A_1963, %mul3A_1965 : vector<196x196xf32>
    %get3A_1967 = arith.constant 6 : index
    %get3A_1968 = arith.constant 0 : index
    %get3A_1969 = arith.constant 0 : index
    %get3A_1970 = vector.load %arg2[%get3A_1967, %get3A_1968, %get3A_1969] : memref<8x196x196xf32, #tpu.memory_space<vmem>>, vector<1x196x196xf32>
    %get3A_1971 = vector.shape_cast %get3A_1970 : vector<1x196x196xf32> to vector<196x196xf32>
    %add3A_1972 = arith.addf %mul3A_1966, %get3A_1971 : vector<196x196xf32>
    %reduce_max3A_1973 = arith.constant dense<0xFF800000> : vector<196xf32>
    %reduce_max3A_1974 = vector.multi_reduction <maximumf>, %add3A_1972, %reduce_max3A_1973 [1] : vector<196x196xf32> to vector<196xf32>
    %broadcast_in_dim3A_1975 = vector.shape_cast %reduce_max3A_1974 : vector<196xf32> to vector<196x1xf32>
    %sub3A_1976 = vector.broadcast %broadcast_in_dim3A_1975 : vector<196x1xf32> to vector<196x196xf32>
    %sub3A_1977 = arith.subf %add3A_1972, %sub3A_1976 : vector<196x196xf32>
    %exp3A_1978 = math.exp %sub3A_1977 : vector<196x196xf32>
    %reduce_sum3A_1979 = arith.constant dense<0.000000e+00> : vector<196xf32>
    %reduce_sum3A_1980 = vector.multi_reduction <add>, %exp3A_1978, %reduce_sum3A_1979 [1] : vector<196x196xf32> to vector<196xf32>
    %broadcast_in_dim3A_1981 = vector.shape_cast %reduce_sum3A_1980 : vector<196xf32> to vector<196x1xf32>
    %div3A_1982 = vector.broadcast %broadcast_in_dim3A_1981 : vector<196x1xf32> to vector<196x196xf32>
    %div3A_1983 = arith.divf %exp3A_1978, %div3A_1982 : vector<196x196xf32>
    %slice3A_1984 = vector.extract_strided_slice %dot_general3A_1779 {offsets = [0, 384], sizes = [196, 64], strides = [1, 1]} : vector<196x512xf32> to vector<196x64xf32>
    %dot_general3A_1985 = arith.constant dense<0.000000e+00> : vector<196x64xf32>
    %dot_general3A_1986 = tpu.matmul %div3A_1983, %slice3A_1984, %dot_general3A_1985 {dimension_numbers = #tpu.dot_dimension_numbers<[1], [0], [0], [1], [0, 0, 1, 1], [], []>, transpose_lhs_hint = false} : vector<196x196xf32>, vector<196x64xf32>, vector<196x64xf32> -> vector<196x64xf32>
    %swap3A_1987 = arith.constant 0 : index
    %swap3A_1988 = arith.constant 384 : index
    %swap3A_1989 = vector.load %arg18[%swap3A_1987, %swap3A_1988] : memref<196x512xf32, #tpu.memory_space<vmem>>, vector<196x64xf32>
    tpu.vector_store %arg18[%swap3A_1987, %swap3A_1988], %dot_general3A_1986 {strides = array<i32>} : memref<196x512xf32, #tpu.memory_space<vmem>>, vector<196x64xf32>,
    %slice3A_1990 = vector.extract_strided_slice %dot_general3A_1765 {offsets = [0, 448], sizes = [196, 64], strides = [1, 1]} : vector<196x512xf32> to vector<196x64xf32>
    %slice3A_1991 = vector.extract_strided_slice %dot_general3A_1772 {offsets = [0, 448], sizes = [196, 64], strides = [1, 1]} : vector<196x512xf32> to vector<196x64xf32>
    %dot_general3A_1992 = arith.constant dense<0.000000e+00> : vector<196x196xf32>
    %dot_general3A_1993 = tpu.matmul %slice3A_1990, %slice3A_1991, %dot_general3A_1992 {dimension_numbers = #tpu.dot_dimension_numbers<[1], [1], [0], [0], [0, 0, 1, 0], [], []>, transpose_lhs_hint = false} : vector<196x64xf32>, vector<196x64xf32>, vector<196x196xf32> -> vector<196x196xf32>
    %mul3A_1994 = arith.constant 1.250000e-01 : f32
    %mul3A_1995 = vector.broadcast %mul3A_1994 : f32 to vector<196x196xf32>
    %mul3A_1996 = arith.mulf %dot_general3A_1993, %mul3A_1995 : vector<196x196xf32>
    %get3A_1997 = arith.constant 7 : index
    %get3A_1998 = arith.constant 0 : index
    %get3A_1999 = arith.constant 0 : index
    %get3A_2000 = vector.load %arg2[%get3A_1997, %get3A_1998, %get3A_1999] : memref<8x196x196xf32, #tpu.memory_space<vmem>>, vector<1x196x196xf32>
    %get3A_2001 = vector.shape_cast %get3A_2000 : vector<1x196x196xf32> to vector<196x196xf32>
    %add3A_2002 = arith.addf %mul3A_1996, %get3A_2001 : vector<196x196xf32>
    %reduce_max3A_2003 = arith.constant dense<0xFF800000> : vector<196xf32>
    %reduce_max3A_2004 = vector.multi_reduction <maximumf>, %add3A_2002, %reduce_max3A_2003 [1] : vector<196x196xf32> to vector<196xf32>
    %broadcast_in_dim3A_2005 = vector.shape_cast %reduce_max3A_2004 : vector<196xf32> to vector<196x1xf32>
    %sub3A_2006 = vector.broadcast %broadcast_in_dim3A_2005 : vector<196x1xf32> to vector<196x196xf32>
    %sub3A_2007 = arith.subf %add3A_2002, %sub3A_2006 : vector<196x196xf32>
    %exp3A_2008 = math.exp %sub3A_2007 : vector<196x196xf32>
    %reduce_sum3A_2009 = arith.constant dense<0.000000e+00> : vector<196xf32>
    %reduce_sum3A_2010 = vector.multi_reduction <add>, %exp3A_2008, %reduce_sum3A_2009 [1] : vector<196x196xf32> to vector<196xf32>
    %broadcast_in_dim3A_2011 = vector.shape_cast %reduce_sum3A_2010 : vector<196xf32> to vector<196x1xf32>
    %div3A_2012 = vector.broadcast %broadcast_in_dim3A_2011 : vector<196x1xf32> to vector<196x196xf32>
    %div3A_2013 = arith.divf %exp3A_2008, %div3A_2012 : vector<196x196xf32>
    %slice3A_2014 = vector.extract_strided_slice %dot_general3A_1779 {offsets = [0, 448], sizes = [196, 64], strides = [1, 1]} : vector<196x512xf32> to vector<196x64xf32>
    %dot_general3A_2015 = arith.constant dense<0.000000e+00> : vector<196x64xf32>
    %dot_general3A_2016 = tpu.matmul %div3A_2013, %slice3A_2014, %dot_general3A_2015 {dimension_numbers = #tpu.dot_dimension_numbers<[1], [0], [0], [1], [0, 0, 1, 1], [], []>, transpose_lhs_hint = false} : vector<196x196xf32>, vector<196x64xf32>, vector<196x64xf32> -> vector<196x64xf32>
    %swap3A_2017 = arith.constant 0 : index
    %swap3A_2018 = arith.constant 448 : index
    %swap3A_2019 = vector.load %arg18[%swap3A_2017, %swap3A_2018] : memref<196x512xf32, #tpu.memory_space<vmem>>, vector<196x64xf32>
    tpu.vector_store %arg18[%swap3A_2017, %swap3A_2018], %dot_general3A_2016 {strides = array<i32>} : memref<196x512xf32, #tpu.memory_space<vmem>>, vector<196x64xf32>,
    %get3A_2020 = arith.constant 0 : index
    %get3A_2021 = arith.constant 0 : index
    %get3A_2022 = vector.load %arg18[%get3A_2020, %get3A_2021] : memref<196x512xf32, #tpu.memory_space<vmem>>, vector<196x512xf32>
    %get3A_2023 = arith.constant 0 : index
    %get3A_2024 = arith.constant 0 : index
    %get3A_2025 = arith.constant 0 : index
    %get3A_2026 = vector.load %arg8[%get3A_2023, %get3A_2024, %get3A_2025] : memref<1x512x512xf32, #tpu.memory_space<vmem>>, vector<1x512x512xf32>
    %get3A_2027 = vector.shape_cast %get3A_2026 : vector<1x512x512xf32> to vector<512x512xf32>
    %dot_general3A_2028 = arith.constant dense<0.000000e+00> : vector<196x512xf32>
    %dot_general3A_2029 = tpu.matmul %get3A_2022, %get3A_2027, %dot_general3A_2028 {dimension_numbers = #tpu.dot_dimension_numbers<[1], [0], [0], [1], [0, 0, 1, 1], [], []>, transpose_lhs_hint = false} : vector<196x512xf32>, vector<512x512xf32>, vector<196x512xf32> -> vector<196x512xf32>
    %add3A_2030 = arith.addf %get3A_1707, %dot_general3A_2029 : vector<196x512xf32>
    %get3A_2031 = arith.constant 0 : index
    %get3A_2032 = arith.constant 0 : index
    %get3A_2033 = arith.constant 0 : index
    %get3A_2034 = vector.load %arg9[%get3A_2031, %get3A_2032, %get3A_2033] : memref<1x1x512xf32, #tpu.memory_space<vmem>>, vector<1x1x512xf32>
    %get3A_2035 = vector.shape_cast %get3A_2034 : vector<1x1x512xf32> to vector<1x512xf32>
    %get3A_2036 = arith.constant 0 : index
    %get3A_2037 = arith.constant 0 : index
    %get3A_2038 = arith.constant 0 : index
    %get3A_2039 = vector.load %arg10[%get3A_2036, %get3A_2037, %get3A_2038] : memref<1x1x512xf32, #tpu.memory_space<vmem>>, vector<1x1x512xf32>
    %get3A_2040 = vector.shape_cast %get3A_2039 : vector<1x1x512xf32> to vector<1x512xf32>
    %reduce_sum3A_2041 = arith.constant dense<0.000000e+00> : vector<196xf32>
    %reduce_sum3A_2042 = vector.multi_reduction <add>, %add3A_2030, %reduce_sum3A_2041 [1] : vector<196x512xf32> to vector<196xf32>
    %broadcast_in_dim3A_2043 = vector.shape_cast %reduce_sum3A_2042 : vector<196xf32> to vector<196x1xf32>
    %div3A_2044 = arith.constant 5.120000e+02 : f32
    %div3A_2045 = vector.broadcast %div3A_2044 : f32 to vector<196x1xf32>
    %div3A_2046 = arith.divf %broadcast_in_dim3A_2043, %div3A_2045 : vector<196x1xf32>
    %jit3A_2047 = arith.constant 0 : i32
    %reduce_sum3A_2048 = arith.constant dense<0.000000e+00> : vector<196xf32>
    %reduce_sum3A_2049 = vector.multi_reduction <add>, %add3A_2030, %reduce_sum3A_2048 [1] : vector<196x512xf32> to vector<196xf32>
    %broadcast_in_dim3A_2050 = vector.shape_cast %reduce_sum3A_2049 : vector<196xf32> to vector<196x1xf32>
    %div3A_2051 = arith.constant 5.120000e+02 : f32
    %div3A_2052 = vector.broadcast %div3A_2051 : f32 to vector<196x1xf32>
    %div3A_2053 = arith.divf %broadcast_in_dim3A_2050, %div3A_2052 : vector<196x1xf32>
    %sub3A_2054 = vector.broadcast %div3A_2053 : vector<196x1xf32> to vector<196x512xf32>
    %sub3A_2055 = arith.subf %add3A_2030, %sub3A_2054 : vector<196x512xf32>
    %square3A_2056 = arith.mulf %sub3A_2055, %sub3A_2055 : vector<196x512xf32>
    %convert_element_type3A_2057 = arith.sitofp %jit3A_2047 : i32 to f32
    %sub3A_2058 = arith.constant 5.120000e+02 : f32
    %sub3A_2059 = arith.subf %sub3A_2058, %convert_element_type3A_2057 : f32
    %reduce_sum3A_2060 = arith.constant dense<0.000000e+00> : vector<196xf32>
    %reduce_sum3A_2061 = vector.multi_reduction <add>, %square3A_2056, %reduce_sum3A_2060 [1] : vector<196x512xf32> to vector<196xf32>
    %broadcast_in_dim3A_2062 = vector.shape_cast %reduce_sum3A_2061 : vector<196xf32> to vector<196x1xf32>
    %div3A_2063 = vector.broadcast %sub3A_2059 : f32 to vector<196x1xf32>
    %div3A_2064 = arith.divf %broadcast_in_dim3A_2062, %div3A_2063 : vector<196x1xf32>
    %gt3A_2065 = arith.constant 0.000000e+00 : f32
    %gt3A_2066 = arith.cmpf ogt, %sub3A_2059, %gt3A_2065 : f32
    %jit3A_2067 = arith.constant 0x7FC00000 : f32
    %broadcast_in_dim3A_2068 = vector.broadcast %jit3A_2067 : f32 to vector<196x1xf32>
    %select_n3A_2069 = arith.select %gt3A_2066, %div3A_2064, %broadcast_in_dim3A_2068 : vector<196x1xf32>
    %sub3A_2070 = vector.broadcast %div3A_2046 : vector<196x1xf32> to vector<196x512xf32>
    %sub3A_2071 = arith.subf %add3A_2030, %sub3A_2070 : vector<196x512xf32>
    %add3A_2072 = arith.constant 9.99999974E-6 : f32
    %add3A_2073 = vector.broadcast %add3A_2072 : f32 to vector<196x1xf32>
    %add3A_2074 = arith.addf %select_n3A_2069, %add3A_2073 : vector<196x1xf32>
    %sqrt3A_2075 = math.sqrt %add3A_2074 : vector<196x1xf32>
    %div3A_2076 = vector.broadcast %sqrt3A_2075 : vector<196x1xf32> to vector<196x512xf32>
    %div3A_2077 = arith.divf %sub3A_2071, %div3A_2076 : vector<196x512xf32>
    %mul3A_2078 = vector.broadcast %get3A_2035 : vector<1x512xf32> to vector<196x512xf32>
    %mul3A_2079 = arith.mulf %div3A_2077, %mul3A_2078 : vector<196x512xf32>
    %add3A_2080 = vector.broadcast %get3A_2040 : vector<1x512xf32> to vector<196x512xf32>
    %add3A_2081 = arith.addf %mul3A_2079, %add3A_2080 : vector<196x512xf32>
    %get3A_2082 = arith.constant 0 : index
    %get3A_2083 = arith.constant 0 : index
    %get3A_2084 = arith.constant 0 : index
    %get3A_2085 = vector.load %arg11[%get3A_2082, %get3A_2083, %get3A_2084] : memref<1x512x1408xf32, #tpu.memory_space<vmem>>, vector<1x512x1408xf32>
    %get3A_2086 = vector.shape_cast %get3A_2085 : vector<1x512x1408xf32> to vector<512x1408xf32>
    %dot_general3A_2087 = arith.constant dense<0.000000e+00> : vector<196x1408xf32>
    %dot_general3A_2088 = tpu.matmul %add3A_2081, %get3A_2086, %dot_general3A_2087 {dimension_numbers = #tpu.dot_dimension_numbers<[1], [0], [0], [1], [0, 0, 1, 1], [], []>, transpose_lhs_hint = false} : vector<196x512xf32>, vector<512x1408xf32>, vector<196x1408xf32> -> vector<196x1408xf32>
    %get3A_2089 = arith.constant 0 : index
    %get3A_2090 = arith.constant 0 : index
    %get3A_2091 = arith.constant 0 : index
    %get3A_2092 = vector.load %arg12[%get3A_2089, %get3A_2090, %get3A_2091] : memref<1x512x1408xf32, #tpu.memory_space<vmem>>, vector<1x512x1408xf32>
    %get3A_2093 = vector.shape_cast %get3A_2092 : vector<1x512x1408xf32> to vector<512x1408xf32>
    %dot_general3A_2094 = arith.constant dense<0.000000e+00> : vector<196x1408xf32>
    %dot_general3A_2095 = tpu.matmul %add3A_2081, %get3A_2093, %dot_general3A_2094 {dimension_numbers = #tpu.dot_dimension_numbers<[1], [0], [0], [1], [0, 0, 1, 1], [], []>, transpose_lhs_hint = false} : vector<196x512xf32>, vector<512x1408xf32>, vector<196x1408xf32> -> vector<196x1408xf32>
    %integer_pow3A_2096 = arith.mulf %dot_general3A_2095, %dot_general3A_2095 : vector<196x1408xf32>
    %integer_pow3A_2097 = arith.mulf %dot_general3A_2095, %integer_pow3A_2096 : vector<196x1408xf32>
    %mul3A_2098 = arith.constant 4.471500e-02 : f32
    %mul3A_2099 = vector.broadcast %mul3A_2098 : f32 to vector<196x1408xf32>
    %mul3A_2100 = arith.mulf %mul3A_2099, %integer_pow3A_2097 : vector<196x1408xf32>
    %add3A_2101 = arith.addf %dot_general3A_2095, %mul3A_2100 : vector<196x1408xf32>
    %mul3A_2102 = arith.constant 0.797884583 : f32
    %mul3A_2103 = vector.broadcast %mul3A_2102 : f32 to vector<196x1408xf32>
    %mul3A_2104 = arith.mulf %mul3A_2103, %add3A_2101 : vector<196x1408xf32>
    %tanh3A_2105 = math.tanh %mul3A_2104 : vector<196x1408xf32>
    %add3A_2106 = arith.constant 1.000000e+00 : f32
    %add3A_2107 = vector.broadcast %add3A_2106 : f32 to vector<196x1408xf32>
    %add3A_2108 = arith.addf %add3A_2107, %tanh3A_2105 : vector<196x1408xf32>
    %mul3A_2109 = arith.constant 5.000000e-01 : f32
    %mul3A_2110 = vector.broadcast %mul3A_2109 : f32 to vector<196x1408xf32>
    %mul3A_2111 = arith.mulf %mul3A_2110, %add3A_2108 : vector<196x1408xf32>
    %mul3A_2112 = arith.mulf %dot_general3A_2095, %mul3A_2111 : vector<196x1408xf32>
    %mul3A_2113 = arith.mulf %dot_general3A_2088, %mul3A_2112 : vector<196x1408xf32>
    %get3A_2114 = arith.constant 0 : index
    %get3A_2115 = arith.constant 0 : index
    %get3A_2116 = arith.constant 0 : index
    %get3A_2117 = vector.load %arg13[%get3A_2114, %get3A_2115, %get3A_2116] : memref<1x1408x512xf32, #tpu.memory_space<vmem>>, vector<1x1408x512xf32>
    %get3A_2118 = vector.shape_cast %get3A_2117 : vector<1x1408x512xf32> to vector<1408x512xf32>
    %dot_general3A_2119 = arith.constant dense<0.000000e+00> : vector<196x512xf32>
    %dot_general3A_2120 = tpu.matmul %mul3A_2113, %get3A_2118, %dot_general3A_2119 {dimension_numbers = #tpu.dot_dimension_numbers<[1], [0], [0], [1], [0, 0, 1, 1], [], []>, transpose_lhs_hint = false} : vector<196x1408xf32>, vector<1408x512xf32>, vector<196x512xf32> -> vector<196x512xf32>
    %add3A_2121 = arith.addf %add3A_2030, %dot_general3A_2120 : vector<196x512xf32>
    %swap3A_2122 = arith.constant 4 : index
    %swap3A_2123 = arith.constant 0 : index
    %swap3A_2124 = arith.constant 0 : index
    %swap3A_2125 = vector.load %arg17[%swap3A_2122, %swap3A_2123, %swap3A_2124] : memref<5x196x512xf32, #tpu.memory_space<vmem>>, vector<1x196x512xf32>
    %swap3A_2126 = vector.shape_cast %swap3A_2125 : vector<1x196x512xf32> to vector<196x512xf32>
    %swap3A_2127 = vector.shape_cast %add3A_2121 : vector<196x512xf32> to vector<1x196x512xf32>
    tpu.vector_store %arg17[%swap3A_2122, %swap3A_2123, %swap3A_2124], %swap3A_2127 {strides = array<i32>} : memref<5x196x512xf32, #tpu.memory_space<vmem>>, vector<1x196x512xf32>,
    %eq3A_2128 = arith.constant 3 : i32
    %eq3A_2129 = arith.cmpi eq, %arg0, %eq3A_2128 : i32
    %convert_element_type3A_2130 = arith.extui %eq3A_2129 : i1 to i32
    %cond3A_2131 = arith.constant 0 : i32
    %cond3A_2132 = arith.cmpi ne, %convert_element_type3A_2130, %cond3A_2131 : i32
    scf.if %cond3A_2132 {
      %get3A_2133 = arith.constant 4 : index
      %get3A_2134 = arith.constant 0 : index
      %get3A_2135 = arith.constant 0 : index
      %get3A_2136 = vector.load %arg17[%get3A_2133, %get3A_2134, %get3A_2135] : memref<5x196x512xf32, #tpu.memory_space<vmem>>, vector<1x196x512xf32>
      %get3A_2137 = vector.shape_cast %get3A_2136 : vector<1x196x512xf32> to vector<196x512xf32>
      %get3A_2138 = arith.constant 0 : index
      %get3A_2139 = arith.constant 0 : index
      %get3A_2140 = vector.load %arg14[%get3A_2138, %get3A_2139] : memref<1x512xf32, #tpu.memory_space<vmem>>, vector<1x512xf32>
      %get3A_2141 = arith.constant 0 : index
      %get3A_2142 = arith.constant 0 : index
      %get3A_2143 = vector.load %arg15[%get3A_2141, %get3A_2142] : memref<1x512xf32, #tpu.memory_space<vmem>>, vector<1x512xf32>
      %reduce_sum3A_2144 = arith.constant dense<0.000000e+00> : vector<196xf32>
      %reduce_sum3A_2145 = vector.multi_reduction <add>, %get3A_2137, %reduce_sum3A_2144 [1] : vector<196x512xf32> to vector<196xf32>
      %broadcast_in_dim3A_2146 = vector.shape_cast %reduce_sum3A_2145 : vector<196xf32> to vector<196x1xf32>
      %div3A_2147 = arith.constant 5.120000e+02 : f32
      %div3A_2148 = vector.broadcast %div3A_2147 : f32 to vector<196x1xf32>
      %div3A_2149 = arith.divf %broadcast_in_dim3A_2146, %div3A_2148 : vector<196x1xf32>
      %jit3A_2150 = arith.constant 0 : i32
      %reduce_sum3A_2151 = arith.constant dense<0.000000e+00> : vector<196xf32>
      %reduce_sum3A_2152 = vector.multi_reduction <add>, %get3A_2137, %reduce_sum3A_2151 [1] : vector<196x512xf32> to vector<196xf32>
      %broadcast_in_dim3A_2153 = vector.shape_cast %reduce_sum3A_2152 : vector<196xf32> to vector<196x1xf32>
      %div3A_2154 = arith.constant 5.120000e+02 : f32
      %div3A_2155 = vector.broadcast %div3A_2154 : f32 to vector<196x1xf32>
      %div3A_2156 = arith.divf %broadcast_in_dim3A_2153, %div3A_2155 : vector<196x1xf32>
      %sub3A_2157 = vector.broadcast %div3A_2156 : vector<196x1xf32> to vector<196x512xf32>
      %sub3A_2158 = arith.subf %get3A_2137, %sub3A_2157 : vector<196x512xf32>
      %square3A_2159 = arith.mulf %sub3A_2158, %sub3A_2158 : vector<196x512xf32>
      %convert_element_type3A_2160 = arith.sitofp %jit3A_2150 : i32 to f32
      %sub3A_2161 = arith.constant 5.120000e+02 : f32
      %sub3A_2162 = arith.subf %sub3A_2161, %convert_element_type3A_2160 : f32
      %reduce_sum3A_2163 = arith.constant dense<0.000000e+00> : vector<196xf32>
      %reduce_sum3A_2164 = vector.multi_reduction <add>, %square3A_2159, %reduce_sum3A_2163 [1] : vector<196x512xf32> to vector<196xf32>
      %broadcast_in_dim3A_2165 = vector.shape_cast %reduce_sum3A_2164 : vector<196xf32> to vector<196x1xf32>
      %div3A_2166 = vector.broadcast %sub3A_2162 : f32 to vector<196x1xf32>
      %div3A_2167 = arith.divf %broadcast_in_dim3A_2165, %div3A_2166 : vector<196x1xf32>
      %gt3A_2168 = arith.constant 0.000000e+00 : f32
      %gt3A_2169 = arith.cmpf ogt, %sub3A_2162, %gt3A_2168 : f32
      %jit3A_2170 = arith.constant 0x7FC00000 : f32
      %broadcast_in_dim3A_2171 = vector.broadcast %jit3A_2170 : f32 to vector<196x1xf32>
      %select_n3A_2172 = arith.select %gt3A_2169, %div3A_2167, %broadcast_in_dim3A_2171 : vector<196x1xf32>
      %sub3A_2173 = vector.broadcast %div3A_2149 : vector<196x1xf32> to vector<196x512xf32>
      %sub3A_2174 = arith.subf %get3A_2137, %sub3A_2173 : vector<196x512xf32>
      %add3A_2175 = arith.constant 9.99999974E-6 : f32
      %add3A_2176 = vector.broadcast %add3A_2175 : f32 to vector<196x1xf32>
      %add3A_2177 = arith.addf %select_n3A_2172, %add3A_2176 : vector<196x1xf32>
      %sqrt3A_2178 = math.sqrt %add3A_2177 : vector<196x1xf32>
      %div3A_2179 = vector.broadcast %sqrt3A_2178 : vector<196x1xf32> to vector<196x512xf32>
      %div3A_2180 = arith.divf %sub3A_2174, %div3A_2179 : vector<196x512xf32>
      %mul3A_2181 = vector.broadcast %get3A_2140 : vector<1x512xf32> to vector<196x512xf32>
      %mul3A_2182 = arith.mulf %div3A_2180, %mul3A_2181 : vector<196x512xf32>
      %add3A_2183 = vector.broadcast %get3A_2143 : vector<1x512xf32> to vector<196x512xf32>
      %add3A_2184 = arith.addf %mul3A_2182, %add3A_2183 : vector<196x512xf32>
      %swap3A_2185 = arith.constant 4 : index
      %swap3A_2186 = arith.constant 0 : index
      %swap3A_2187 = arith.constant 0 : index
      %swap3A_2188 = vector.load %arg16[%swap3A_2185, %swap3A_2186, %swap3A_2187] : memref<5x196x512xf32, #tpu.memory_space<vmem>>, vector<1x196x512xf32>
      %swap3A_2189 = vector.shape_cast %swap3A_2188 : vector<1x196x512xf32> to vector<196x512xf32>
      %swap3A_2190 = vector.shape_cast %add3A_2184 : vector<196x512xf32> to vector<1x196x512xf32>
      tpu.vector_store %arg16[%swap3A_2185, %swap3A_2186, %swap3A_2187], %swap3A_2190 {strides = array<i32>} : memref<5x196x512xf32, #tpu.memory_space<vmem>>, vector<1x196x512xf32>,
    } else {
    }
    return
  }
  func.func @transform_0(%arg0: i32) -> (i32, i32, i32) {
    %c0_i32 = arith.constant 0 : i32
    %c0_i32_0 = arith.constant 0 : i32
    %c0_i32_1 = arith.constant 0 : i32
    %c0_i32_2 = arith.constant 0 : i32
    return %c0_i32, %c0_i32_0, %c0_i32_1 : i32, i32, i32
  }
  func.func @transform_1(%arg0: i32) -> (i32, i32, i32) {
    %c0_i32 = arith.constant 0 : i32
    %c0_i32_0 = arith.constant 0 : i32
    %c0_i32_1 = arith.constant 0 : i32
    %c0_i32_2 = arith.constant 0 : i32
    return %c0_i32, %c0_i32_0, %c0_i32_1 : i32, i32, i32
  }
  func.func @transform_2(%arg0: i32) -> (i32, i32, i32) {
    %c0_i32 = arith.constant 0 : i32
    %c0_i32_0 = arith.constant 0 : i32
    %c0_i32_1 = arith.constant 0 : i32
    return %arg0, %c0_i32, %c0_i32_0 : i32, i32, i32
  }
  func.func @transform_3(%arg0: i32) -> (i32, i32, i32) {
    %c0_i32 = arith.constant 0 : i32
    %c0_i32_0 = arith.constant 0 : i32
    %c0_i32_1 = arith.constant 0 : i32
    return %arg0, %c0_i32, %c0_i32_0 : i32, i32, i32
  }
  func.func @transform_4(%arg0: i32) -> (i32, i32, i32) {
    %c0_i32 = arith.constant 0 : i32
    %c0_i32_0 = arith.constant 0 : i32
    %c0_i32_1 = arith.constant 0 : i32
    return %arg0, %c0_i32, %c0_i32_0 : i32, i32, i32
  }
  func.func @transform_5(%arg0: i32) -> (i32, i32, i32) {
    %c0_i32 = arith.constant 0 : i32
    %c0_i32_0 = arith.constant 0 : i32
    %c0_i32_1 = arith.constant 0 : i32
    return %arg0, %c0_i32, %c0_i32_0 : i32, i32, i32
  }
  func.func @transform_6(%arg0: i32) -> (i32, i32, i32) {
    %c0_i32 = arith.constant 0 : i32
    %c0_i32_0 = arith.constant 0 : i32
    %c0_i32_1 = arith.constant 0 : i32
    return %arg0, %c0_i32, %c0_i32_0 : i32, i32, i32
  }
  func.func @transform_7(%arg0: i32) -> (i32, i32, i32) {
    %c0_i32 = arith.constant 0 : i32
    %c0_i32_0 = arith.constant 0 : i32
    %c0_i32_1 = arith.constant 0 : i32
    return %arg0, %c0_i32, %c0_i32_0 : i32, i32, i32
  }
  func.func @transform_8(%arg0: i32) -> (i32, i32, i32) {
    %c0_i32 = arith.constant 0 : i32
    %c0_i32_0 = arith.constant 0 : i32
    %c0_i32_1 = arith.constant 0 : i32
    return %arg0, %c0_i32, %c0_i32_0 : i32, i32, i32
  }
  func.func @transform_9(%arg0: i32) -> (i32, i32, i32) {
    %c0_i32 = arith.constant 0 : i32
    %c0_i32_0 = arith.constant 0 : i32
    %c0_i32_1 = arith.constant 0 : i32
    return %arg0, %c0_i32, %c0_i32_0 : i32, i32, i32
  }
  func.func @transform_10(%arg0: i32) -> (i32, i32, i32) {
    %c0_i32 = arith.constant 0 : i32
    %c0_i32_0 = arith.constant 0 : i32
    %c0_i32_1 = arith.constant 0 : i32
    return %arg0, %c0_i32, %c0_i32_0 : i32, i32, i32
  }
  func.func @transform_11(%arg0: i32) -> (i32, i32, i32) {
    %c0_i32 = arith.constant 0 : i32
    %c0_i32_0 = arith.constant 0 : i32
    %c0_i32_1 = arith.constant 0 : i32
    return %arg0, %c0_i32, %c0_i32_0 : i32, i32, i32
  }
  func.func @transform_12(%arg0: i32) -> (i32, i32, i32) {
    %c0_i32 = arith.constant 0 : i32
    %c0_i32_0 = arith.constant 0 : i32
    %c0_i32_1 = arith.constant 0 : i32
    return %arg0, %c0_i32, %c0_i32_0 : i32, i32, i32
  }
  func.func @transform_13(%arg0: i32) -> (i32, i32) {
    %c0_i32 = arith.constant 0 : i32
    %c0_i32_0 = arith.constant 0 : i32
    %c0_i32_1 = arith.constant 0 : i32
    return %c0_i32, %c0_i32_0 : i32, i32
  }
  func.func @transform_14(%arg0: i32) -> (i32, i32) {
    %c0_i32 = arith.constant 0 : i32
    %c0_i32_0 = arith.constant 0 : i32
    %c0_i32_1 = arith.constant 0 : i32
    return %c0_i32, %c0_i32_0 : i32, i32
  }
  func.func @transform_15(%arg0: i32) -> (i32, i32, i32) {
    %c0_i32 = arith.constant 0 : i32
    %c0_i32_0 = arith.constant 0 : i32
    %c0_i32_1 = arith.constant 0 : i32
    %c0_i32_2 = arith.constant 0 : i32
    return %c0_i32, %c0_i32_0, %c0_i32_1 : i32, i32, i32
  }
}

module attributes {stable_mosaic.version = 14 : i64} {
  func.func @body(%arg0: i32, %arg1: memref<5x196x512xf32, #tpu.memory_space<vmem>>, %arg2: memref<1x1x512xf32, #tpu.memory_space<vmem>>, %arg3: memref<1x1x512xf32, #tpu.memory_space<vmem>>, %arg4: memref<1x512x512xf32, #tpu.memory_space<vmem>>, %arg5: memref<1x512x512xf32, #tpu.memory_space<vmem>>, %arg6: memref<1x512x512xf32, #tpu.memory_space<vmem>>, %arg7: memref<1x512x512xf32, #tpu.memory_space<vmem>>, %arg8: memref<1x1x512xf32, #tpu.memory_space<vmem>>, %arg9: memref<1x1x512xf32, #tpu.memory_space<vmem>>, %arg10: memref<1x512x1408xf32, #tpu.memory_space<vmem>>, %arg11: memref<1x512x1408xf32, #tpu.memory_space<vmem>>, %arg12: memref<1x1408x512xf32, #tpu.memory_space<vmem>>, %arg13: memref<512x8xf32, #tpu.memory_space<vmem>>, %arg14: memref<8x512xf32, #tpu.memory_space<vmem>>, %arg15: memref<1x8xf32, #tpu.memory_space<vmem>>, %arg16: memref<1x512xf32, #tpu.memory_space<vmem>>, %arg17: memref<1x512xf32, #tpu.memory_space<vmem>>, %arg18: memref<5x196x512xf32, #tpu.memory_space<vmem>>, %arg19: memref<5x196x512xf32, #tpu.memory_space<vmem>>, %arg20: memref<5x196x512xf32, #tpu.memory_space<vmem>>, %arg21: memref<5x196x512xf32, #tpu.memory_space<vmem>>, %arg22: memref<5x196x512xf32, #tpu.memory_space<vmem>>, %arg23: memref<5x196x512xf32, #tpu.memory_space<vmem>>) attributes {dimension_semantics = [#tpu.dimension_semantics<arbitrary>], iteration_bounds = array<i64: 4>, scalar_prefetch = 0 : i64, scratch_operands = 5 : i64, tpu.core_type = #tpu.core_type<tc>, window_params = [{pipeline_mode = #tpu.pipeline_mode<synchronous>, transform_indices = @transform_0, window_bounds = array<i64: 5, 196, 512>}, {transform_indices = @transform_1, window_bounds = array<i64: 1, 1, 512>}, {transform_indices = @transform_2, window_bounds = array<i64: 1, 1, 512>}, {transform_indices = @transform_3, window_bounds = array<i64: 1, 512, 512>}, {transform_indices = @transform_4, window_bounds = array<i64: 1, 512, 512>}, {transform_indices = @transform_5, window_bounds = array<i64: 1, 512, 512>}, {transform_indices = @transform_6, window_bounds = array<i64: 1, 512, 512>}, {transform_indices = @transform_7, window_bounds = array<i64: 1, 1, 512>}, {transform_indices = @transform_8, window_bounds = array<i64: 1, 1, 512>}, {transform_indices = @transform_9, window_bounds = array<i64: 1, 512, 1408>}, {transform_indices = @transform_10, window_bounds = array<i64: 1, 512, 1408>}, {transform_indices = @transform_11, window_bounds = array<i64: 1, 1408, 512>}, {pipeline_mode = #tpu.pipeline_mode<synchronous>, transform_indices = @transform_12, window_bounds = array<i64: 512, 8>}, {pipeline_mode = #tpu.pipeline_mode<synchronous>, transform_indices = @transform_13, window_bounds = array<i64: 8, 512>}, {pipeline_mode = #tpu.pipeline_mode<synchronous>, transform_indices = @transform_14, window_bounds = array<i64: 1, 8>}, {pipeline_mode = #tpu.pipeline_mode<synchronous>, transform_indices = @transform_15, window_bounds = array<i64: 1, 512>}, {pipeline_mode = #tpu.pipeline_mode<synchronous>, transform_indices = @transform_16, window_bounds = array<i64: 1, 512>}, {pipeline_mode = #tpu.pipeline_mode<synchronous>, transform_indices = @transform_17, window_bounds = array<i64: 5, 196, 512>}]} {
    %eq3A = arith.constant 0 : i32
    %eq3A_0 = arith.cmpi eq, %arg0, %eq3A : i32
    %convert_element_type3A = arith.extui %eq3A_0 : i1 to i32
    %cond3A = arith.constant 0 : i32
    %cond3A_1 = arith.cmpi ne, %convert_element_type3A, %cond3A : i32
    scf.if %cond3A_1 {
      %get3A_1707 = arith.constant 0 : index
      %get3A_1708 = arith.constant 0 : index
      %get3A_1709 = arith.constant 0 : index
      %get3A_1710 = vector.load %arg1[%get3A_1707, %get3A_1708, %get3A_1709] : memref<5x196x512xf32, #tpu.memory_space<vmem>>, vector<5x196x512xf32>
      %swap3A_1711 = arith.constant 0 : index
      %swap3A_1712 = arith.constant 0 : index
      %swap3A_1713 = arith.constant 0 : index
      %swap3A_1714 = vector.load %arg19[%swap3A_1711, %swap3A_1712, %swap3A_1713] : memref<5x196x512xf32, #tpu.memory_space<vmem>>, vector<5x196x512xf32>
      tpu.vector_store %arg19[%swap3A_1711, %swap3A_1712, %swap3A_1713], %get3A_1710 {strides = array<i32>} : memref<5x196x512xf32, #tpu.memory_space<vmem>>, vector<5x196x512xf32>,
    } else {
    }
    %get3A = arith.constant 0 : index
    %get3A_2 = arith.constant 0 : index
    %get3A_3 = arith.constant 0 : index
    %get3A_4 = vector.load %arg19[%get3A, %get3A_2, %get3A_3] : memref<5x196x512xf32, #tpu.memory_space<vmem>>, vector<1x196x512xf32>
    %get3A_5 = vector.shape_cast %get3A_4 : vector<1x196x512xf32> to vector<196x512xf32>
    %get3A_6 = arith.constant 0 : index
    %get3A_7 = arith.constant 0 : index
    %get3A_8 = arith.constant 0 : index
    %get3A_9 = vector.load %arg2[%get3A_6, %get3A_7, %get3A_8] : memref<1x1x512xf32, #tpu.memory_space<vmem>>, vector<1x1x512xf32>
    %get3A_10 = vector.shape_cast %get3A_9 : vector<1x1x512xf32> to vector<1x512xf32>
    %get3A_11 = arith.constant 0 : index
    %get3A_12 = arith.constant 0 : index
    %get3A_13 = arith.constant 0 : index
    %get3A_14 = vector.load %arg3[%get3A_11, %get3A_12, %get3A_13] : memref<1x1x512xf32, #tpu.memory_space<vmem>>, vector<1x1x512xf32>
    %get3A_15 = vector.shape_cast %get3A_14 : vector<1x1x512xf32> to vector<1x512xf32>
    %reduce_sum3A = arith.constant dense<0.000000e+00> : vector<196xf32>
    %reduce_sum3A_16 = vector.multi_reduction <add>, %get3A_5, %reduce_sum3A [1] : vector<196x512xf32> to vector<196xf32>
    %broadcast_in_dim3A = vector.shape_cast %reduce_sum3A_16 : vector<196xf32> to vector<196x1xf32>
    %div3A = arith.constant 5.120000e+02 : f32
    %div3A_17 = vector.broadcast %div3A : f32 to vector<196x1xf32>
    %div3A_18 = arith.divf %broadcast_in_dim3A, %div3A_17 : vector<196x1xf32>
    %jit3A = arith.constant 0 : i32
    %reduce_sum3A_19 = arith.constant dense<0.000000e+00> : vector<196xf32>
    %reduce_sum3A_20 = vector.multi_reduction <add>, %get3A_5, %reduce_sum3A_19 [1] : vector<196x512xf32> to vector<196xf32>
    %broadcast_in_dim3A_21 = vector.shape_cast %reduce_sum3A_20 : vector<196xf32> to vector<196x1xf32>
    %div3A_22 = arith.constant 5.120000e+02 : f32
    %div3A_23 = vector.broadcast %div3A_22 : f32 to vector<196x1xf32>
    %div3A_24 = arith.divf %broadcast_in_dim3A_21, %div3A_23 : vector<196x1xf32>
    %sub3A = vector.broadcast %div3A_24 : vector<196x1xf32> to vector<196x512xf32>
    %sub3A_25 = arith.subf %get3A_5, %sub3A : vector<196x512xf32>
    %square3A = arith.mulf %sub3A_25, %sub3A_25 : vector<196x512xf32>
    %convert_element_type3A_26 = arith.sitofp %jit3A : i32 to f32
    %sub3A_27 = arith.constant 5.120000e+02 : f32
    %sub3A_28 = arith.subf %sub3A_27, %convert_element_type3A_26 : f32
    %reduce_sum3A_29 = arith.constant dense<0.000000e+00> : vector<196xf32>
    %reduce_sum3A_30 = vector.multi_reduction <add>, %square3A, %reduce_sum3A_29 [1] : vector<196x512xf32> to vector<196xf32>
    %broadcast_in_dim3A_31 = vector.shape_cast %reduce_sum3A_30 : vector<196xf32> to vector<196x1xf32>
    %div3A_32 = vector.broadcast %sub3A_28 : f32 to vector<196x1xf32>
    %div3A_33 = arith.divf %broadcast_in_dim3A_31, %div3A_32 : vector<196x1xf32>
    %gt3A = arith.constant 0.000000e+00 : f32
    %gt3A_34 = arith.cmpf ogt, %sub3A_28, %gt3A : f32
    %jit3A_35 = arith.constant 0x7FC00000 : f32
    %broadcast_in_dim3A_36 = vector.broadcast %jit3A_35 : f32 to vector<196x1xf32>
    %select_n3A = arith.select %gt3A_34, %div3A_33, %broadcast_in_dim3A_36 : vector<196x1xf32>
    %sub3A_37 = vector.broadcast %div3A_18 : vector<196x1xf32> to vector<196x512xf32>
    %sub3A_38 = arith.subf %get3A_5, %sub3A_37 : vector<196x512xf32>
    %add3A = arith.constant 9.99999974E-6 : f32
    %add3A_39 = vector.broadcast %add3A : f32 to vector<196x1xf32>
    %add3A_40 = arith.addf %select_n3A, %add3A_39 : vector<196x1xf32>
    %sqrt3A = math.sqrt %add3A_40 : vector<196x1xf32>
    %div3A_41 = vector.broadcast %sqrt3A : vector<196x1xf32> to vector<196x512xf32>
    %div3A_42 = arith.divf %sub3A_38, %div3A_41 : vector<196x512xf32>
    %mul3A = vector.broadcast %get3A_10 : vector<1x512xf32> to vector<196x512xf32>
    %mul3A_43 = arith.mulf %div3A_42, %mul3A : vector<196x512xf32>
    %add3A_44 = vector.broadcast %get3A_15 : vector<1x512xf32> to vector<196x512xf32>
    %add3A_45 = arith.addf %mul3A_43, %add3A_44 : vector<196x512xf32>
    %get3A_46 = arith.constant 0 : index
    %get3A_47 = arith.constant 0 : index
    %get3A_48 = arith.constant 0 : index
    %get3A_49 = vector.load %arg4[%get3A_46, %get3A_47, %get3A_48] : memref<1x512x512xf32, #tpu.memory_space<vmem>>, vector<1x512x512xf32>
    %get3A_50 = vector.shape_cast %get3A_49 : vector<1x512x512xf32> to vector<512x512xf32>
    %dot_general3A = arith.constant dense<0.000000e+00> : vector<196x512xf32>
    %dot_general3A_51 = tpu.matmul %add3A_45, %get3A_50, %dot_general3A {dimension_numbers = #tpu.dot_dimension_numbers<[1], [0], [0], [1], [0, 0, 1, 1], [], []>, transpose_lhs_hint = false} : vector<196x512xf32>, vector<512x512xf32>, vector<196x512xf32> -> vector<196x512xf32>
    %swap3A = arith.constant 0 : index
    %swap3A_52 = arith.constant 0 : index
    %swap3A_53 = arith.constant 0 : index
    %swap3A_54 = vector.load %arg20[%swap3A, %swap3A_52, %swap3A_53] : memref<5x196x512xf32, #tpu.memory_space<vmem>>, vector<1x196x512xf32>
    %swap3A_55 = vector.shape_cast %swap3A_54 : vector<1x196x512xf32> to vector<196x512xf32>
    %swap3A_56 = vector.shape_cast %dot_general3A_51 : vector<196x512xf32> to vector<1x196x512xf32>
    tpu.vector_store %arg20[%swap3A, %swap3A_52, %swap3A_53], %swap3A_56 {strides = array<i32>} : memref<5x196x512xf32, #tpu.memory_space<vmem>>, vector<1x196x512xf32>,
    %get3A_57 = arith.constant 0 : index
    %get3A_58 = arith.constant 0 : index
    %get3A_59 = arith.constant 0 : index
    %get3A_60 = vector.load %arg5[%get3A_57, %get3A_58, %get3A_59] : memref<1x512x512xf32, #tpu.memory_space<vmem>>, vector<1x512x512xf32>
    %get3A_61 = vector.shape_cast %get3A_60 : vector<1x512x512xf32> to vector<512x512xf32>
    %dot_general3A_62 = arith.constant dense<0.000000e+00> : vector<196x512xf32>
    %dot_general3A_63 = tpu.matmul %add3A_45, %get3A_61, %dot_general3A_62 {dimension_numbers = #tpu.dot_dimension_numbers<[1], [0], [0], [1], [0, 0, 1, 1], [], []>, transpose_lhs_hint = false} : vector<196x512xf32>, vector<512x512xf32>, vector<196x512xf32> -> vector<196x512xf32>
    %swap3A_64 = arith.constant 0 : index
    %swap3A_65 = arith.constant 0 : index
    %swap3A_66 = arith.constant 0 : index
    %swap3A_67 = vector.load %arg21[%swap3A_64, %swap3A_65, %swap3A_66] : memref<5x196x512xf32, #tpu.memory_space<vmem>>, vector<1x196x512xf32>
    %swap3A_68 = vector.shape_cast %swap3A_67 : vector<1x196x512xf32> to vector<196x512xf32>
    %swap3A_69 = vector.shape_cast %dot_general3A_63 : vector<196x512xf32> to vector<1x196x512xf32>
    tpu.vector_store %arg21[%swap3A_64, %swap3A_65, %swap3A_66], %swap3A_69 {strides = array<i32>} : memref<5x196x512xf32, #tpu.memory_space<vmem>>, vector<1x196x512xf32>,
    %get3A_70 = arith.constant 0 : index
    %get3A_71 = arith.constant 0 : index
    %get3A_72 = arith.constant 0 : index
    %get3A_73 = vector.load %arg6[%get3A_70, %get3A_71, %get3A_72] : memref<1x512x512xf32, #tpu.memory_space<vmem>>, vector<1x512x512xf32>
    %get3A_74 = vector.shape_cast %get3A_73 : vector<1x512x512xf32> to vector<512x512xf32>
    %dot_general3A_75 = arith.constant dense<0.000000e+00> : vector<196x512xf32>
    %dot_general3A_76 = tpu.matmul %add3A_45, %get3A_74, %dot_general3A_75 {dimension_numbers = #tpu.dot_dimension_numbers<[1], [0], [0], [1], [0, 0, 1, 1], [], []>, transpose_lhs_hint = false} : vector<196x512xf32>, vector<512x512xf32>, vector<196x512xf32> -> vector<196x512xf32>
    %swap3A_77 = arith.constant 0 : index
    %swap3A_78 = arith.constant 0 : index
    %swap3A_79 = arith.constant 0 : index
    %swap3A_80 = vector.load %arg22[%swap3A_77, %swap3A_78, %swap3A_79] : memref<5x196x512xf32, #tpu.memory_space<vmem>>, vector<1x196x512xf32>
    %swap3A_81 = vector.shape_cast %swap3A_80 : vector<1x196x512xf32> to vector<196x512xf32>
    %swap3A_82 = vector.shape_cast %dot_general3A_76 : vector<196x512xf32> to vector<1x196x512xf32>
    tpu.vector_store %arg22[%swap3A_77, %swap3A_78, %swap3A_79], %swap3A_82 {strides = array<i32>} : memref<5x196x512xf32, #tpu.memory_space<vmem>>, vector<1x196x512xf32>,
    %get3A_83 = arith.constant 1 : index
    %get3A_84 = arith.constant 0 : index
    %get3A_85 = arith.constant 0 : index
    %get3A_86 = vector.load %arg19[%get3A_83, %get3A_84, %get3A_85] : memref<5x196x512xf32, #tpu.memory_space<vmem>>, vector<1x196x512xf32>
    %get3A_87 = vector.shape_cast %get3A_86 : vector<1x196x512xf32> to vector<196x512xf32>
    %get3A_88 = arith.constant 0 : index
    %get3A_89 = arith.constant 0 : index
    %get3A_90 = arith.constant 0 : index
    %get3A_91 = vector.load %arg2[%get3A_88, %get3A_89, %get3A_90] : memref<1x1x512xf32, #tpu.memory_space<vmem>>, vector<1x1x512xf32>
    %get3A_92 = vector.shape_cast %get3A_91 : vector<1x1x512xf32> to vector<1x512xf32>
    %get3A_93 = arith.constant 0 : index
    %get3A_94 = arith.constant 0 : index
    %get3A_95 = arith.constant 0 : index
    %get3A_96 = vector.load %arg3[%get3A_93, %get3A_94, %get3A_95] : memref<1x1x512xf32, #tpu.memory_space<vmem>>, vector<1x1x512xf32>
    %get3A_97 = vector.shape_cast %get3A_96 : vector<1x1x512xf32> to vector<1x512xf32>
    %reduce_sum3A_98 = arith.constant dense<0.000000e+00> : vector<196xf32>
    %reduce_sum3A_99 = vector.multi_reduction <add>, %get3A_87, %reduce_sum3A_98 [1] : vector<196x512xf32> to vector<196xf32>
    %broadcast_in_dim3A_100 = vector.shape_cast %reduce_sum3A_99 : vector<196xf32> to vector<196x1xf32>
    %div3A_101 = arith.constant 5.120000e+02 : f32
    %div3A_102 = vector.broadcast %div3A_101 : f32 to vector<196x1xf32>
    %div3A_103 = arith.divf %broadcast_in_dim3A_100, %div3A_102 : vector<196x1xf32>
    %jit3A_104 = arith.constant 0 : i32
    %reduce_sum3A_105 = arith.constant dense<0.000000e+00> : vector<196xf32>
    %reduce_sum3A_106 = vector.multi_reduction <add>, %get3A_87, %reduce_sum3A_105 [1] : vector<196x512xf32> to vector<196xf32>
    %broadcast_in_dim3A_107 = vector.shape_cast %reduce_sum3A_106 : vector<196xf32> to vector<196x1xf32>
    %div3A_108 = arith.constant 5.120000e+02 : f32
    %div3A_109 = vector.broadcast %div3A_108 : f32 to vector<196x1xf32>
    %div3A_110 = arith.divf %broadcast_in_dim3A_107, %div3A_109 : vector<196x1xf32>
    %sub3A_111 = vector.broadcast %div3A_110 : vector<196x1xf32> to vector<196x512xf32>
    %sub3A_112 = arith.subf %get3A_87, %sub3A_111 : vector<196x512xf32>
    %square3A_113 = arith.mulf %sub3A_112, %sub3A_112 : vector<196x512xf32>
    %convert_element_type3A_114 = arith.sitofp %jit3A_104 : i32 to f32
    %sub3A_115 = arith.constant 5.120000e+02 : f32
    %sub3A_116 = arith.subf %sub3A_115, %convert_element_type3A_114 : f32
    %reduce_sum3A_117 = arith.constant dense<0.000000e+00> : vector<196xf32>
    %reduce_sum3A_118 = vector.multi_reduction <add>, %square3A_113, %reduce_sum3A_117 [1] : vector<196x512xf32> to vector<196xf32>
    %broadcast_in_dim3A_119 = vector.shape_cast %reduce_sum3A_118 : vector<196xf32> to vector<196x1xf32>
    %div3A_120 = vector.broadcast %sub3A_116 : f32 to vector<196x1xf32>
    %div3A_121 = arith.divf %broadcast_in_dim3A_119, %div3A_120 : vector<196x1xf32>
    %gt3A_122 = arith.constant 0.000000e+00 : f32
    %gt3A_123 = arith.cmpf ogt, %sub3A_116, %gt3A_122 : f32
    %jit3A_124 = arith.constant 0x7FC00000 : f32
    %broadcast_in_dim3A_125 = vector.broadcast %jit3A_124 : f32 to vector<196x1xf32>
    %select_n3A_126 = arith.select %gt3A_123, %div3A_121, %broadcast_in_dim3A_125 : vector<196x1xf32>
    %sub3A_127 = vector.broadcast %div3A_103 : vector<196x1xf32> to vector<196x512xf32>
    %sub3A_128 = arith.subf %get3A_87, %sub3A_127 : vector<196x512xf32>
    %add3A_129 = arith.constant 9.99999974E-6 : f32
    %add3A_130 = vector.broadcast %add3A_129 : f32 to vector<196x1xf32>
    %add3A_131 = arith.addf %select_n3A_126, %add3A_130 : vector<196x1xf32>
    %sqrt3A_132 = math.sqrt %add3A_131 : vector<196x1xf32>
    %div3A_133 = vector.broadcast %sqrt3A_132 : vector<196x1xf32> to vector<196x512xf32>
    %div3A_134 = arith.divf %sub3A_128, %div3A_133 : vector<196x512xf32>
    %mul3A_135 = vector.broadcast %get3A_92 : vector<1x512xf32> to vector<196x512xf32>
    %mul3A_136 = arith.mulf %div3A_134, %mul3A_135 : vector<196x512xf32>
    %add3A_137 = vector.broadcast %get3A_97 : vector<1x512xf32> to vector<196x512xf32>
    %add3A_138 = arith.addf %mul3A_136, %add3A_137 : vector<196x512xf32>
    %get3A_139 = arith.constant 0 : index
    %get3A_140 = arith.constant 0 : index
    %get3A_141 = arith.constant 0 : index
    %get3A_142 = vector.load %arg4[%get3A_139, %get3A_140, %get3A_141] : memref<1x512x512xf32, #tpu.memory_space<vmem>>, vector<1x512x512xf32>
    %get3A_143 = vector.shape_cast %get3A_142 : vector<1x512x512xf32> to vector<512x512xf32>
    %dot_general3A_144 = arith.constant dense<0.000000e+00> : vector<196x512xf32>
    %dot_general3A_145 = tpu.matmul %add3A_138, %get3A_143, %dot_general3A_144 {dimension_numbers = #tpu.dot_dimension_numbers<[1], [0], [0], [1], [0, 0, 1, 1], [], []>, transpose_lhs_hint = false} : vector<196x512xf32>, vector<512x512xf32>, vector<196x512xf32> -> vector<196x512xf32>
    %swap3A_146 = arith.constant 1 : index
    %swap3A_147 = arith.constant 0 : index
    %swap3A_148 = arith.constant 0 : index
    %swap3A_149 = vector.load %arg20[%swap3A_146, %swap3A_147, %swap3A_148] : memref<5x196x512xf32, #tpu.memory_space<vmem>>, vector<1x196x512xf32>
    %swap3A_150 = vector.shape_cast %swap3A_149 : vector<1x196x512xf32> to vector<196x512xf32>
    %swap3A_151 = vector.shape_cast %dot_general3A_145 : vector<196x512xf32> to vector<1x196x512xf32>
    tpu.vector_store %arg20[%swap3A_146, %swap3A_147, %swap3A_148], %swap3A_151 {strides = array<i32>} : memref<5x196x512xf32, #tpu.memory_space<vmem>>, vector<1x196x512xf32>,
    %get3A_152 = arith.constant 0 : index
    %get3A_153 = arith.constant 0 : index
    %get3A_154 = arith.constant 0 : index
    %get3A_155 = vector.load %arg5[%get3A_152, %get3A_153, %get3A_154] : memref<1x512x512xf32, #tpu.memory_space<vmem>>, vector<1x512x512xf32>
    %get3A_156 = vector.shape_cast %get3A_155 : vector<1x512x512xf32> to vector<512x512xf32>
    %dot_general3A_157 = arith.constant dense<0.000000e+00> : vector<196x512xf32>
    %dot_general3A_158 = tpu.matmul %add3A_138, %get3A_156, %dot_general3A_157 {dimension_numbers = #tpu.dot_dimension_numbers<[1], [0], [0], [1], [0, 0, 1, 1], [], []>, transpose_lhs_hint = false} : vector<196x512xf32>, vector<512x512xf32>, vector<196x512xf32> -> vector<196x512xf32>
    %swap3A_159 = arith.constant 1 : index
    %swap3A_160 = arith.constant 0 : index
    %swap3A_161 = arith.constant 0 : index
    %swap3A_162 = vector.load %arg21[%swap3A_159, %swap3A_160, %swap3A_161] : memref<5x196x512xf32, #tpu.memory_space<vmem>>, vector<1x196x512xf32>
    %swap3A_163 = vector.shape_cast %swap3A_162 : vector<1x196x512xf32> to vector<196x512xf32>
    %swap3A_164 = vector.shape_cast %dot_general3A_158 : vector<196x512xf32> to vector<1x196x512xf32>
    tpu.vector_store %arg21[%swap3A_159, %swap3A_160, %swap3A_161], %swap3A_164 {strides = array<i32>} : memref<5x196x512xf32, #tpu.memory_space<vmem>>, vector<1x196x512xf32>,
    %get3A_165 = arith.constant 0 : index
    %get3A_166 = arith.constant 0 : index
    %get3A_167 = arith.constant 0 : index
    %get3A_168 = vector.load %arg6[%get3A_165, %get3A_166, %get3A_167] : memref<1x512x512xf32, #tpu.memory_space<vmem>>, vector<1x512x512xf32>
    %get3A_169 = vector.shape_cast %get3A_168 : vector<1x512x512xf32> to vector<512x512xf32>
    %dot_general3A_170 = arith.constant dense<0.000000e+00> : vector<196x512xf32>
    %dot_general3A_171 = tpu.matmul %add3A_138, %get3A_169, %dot_general3A_170 {dimension_numbers = #tpu.dot_dimension_numbers<[1], [0], [0], [1], [0, 0, 1, 1], [], []>, transpose_lhs_hint = false} : vector<196x512xf32>, vector<512x512xf32>, vector<196x512xf32> -> vector<196x512xf32>
    %swap3A_172 = arith.constant 1 : index
    %swap3A_173 = arith.constant 0 : index
    %swap3A_174 = arith.constant 0 : index
    %swap3A_175 = vector.load %arg22[%swap3A_172, %swap3A_173, %swap3A_174] : memref<5x196x512xf32, #tpu.memory_space<vmem>>, vector<1x196x512xf32>
    %swap3A_176 = vector.shape_cast %swap3A_175 : vector<1x196x512xf32> to vector<196x512xf32>
    %swap3A_177 = vector.shape_cast %dot_general3A_171 : vector<196x512xf32> to vector<1x196x512xf32>
    tpu.vector_store %arg22[%swap3A_172, %swap3A_173, %swap3A_174], %swap3A_177 {strides = array<i32>} : memref<5x196x512xf32, #tpu.memory_space<vmem>>, vector<1x196x512xf32>,
    %get3A_178 = arith.constant 2 : index
    %get3A_179 = arith.constant 0 : index
    %get3A_180 = arith.constant 0 : index
    %get3A_181 = vector.load %arg19[%get3A_178, %get3A_179, %get3A_180] : memref<5x196x512xf32, #tpu.memory_space<vmem>>, vector<1x196x512xf32>
    %get3A_182 = vector.shape_cast %get3A_181 : vector<1x196x512xf32> to vector<196x512xf32>
    %get3A_183 = arith.constant 0 : index
    %get3A_184 = arith.constant 0 : index
    %get3A_185 = arith.constant 0 : index
    %get3A_186 = vector.load %arg2[%get3A_183, %get3A_184, %get3A_185] : memref<1x1x512xf32, #tpu.memory_space<vmem>>, vector<1x1x512xf32>
    %get3A_187 = vector.shape_cast %get3A_186 : vector<1x1x512xf32> to vector<1x512xf32>
    %get3A_188 = arith.constant 0 : index
    %get3A_189 = arith.constant 0 : index
    %get3A_190 = arith.constant 0 : index
    %get3A_191 = vector.load %arg3[%get3A_188, %get3A_189, %get3A_190] : memref<1x1x512xf32, #tpu.memory_space<vmem>>, vector<1x1x512xf32>
    %get3A_192 = vector.shape_cast %get3A_191 : vector<1x1x512xf32> to vector<1x512xf32>
    %reduce_sum3A_193 = arith.constant dense<0.000000e+00> : vector<196xf32>
    %reduce_sum3A_194 = vector.multi_reduction <add>, %get3A_182, %reduce_sum3A_193 [1] : vector<196x512xf32> to vector<196xf32>
    %broadcast_in_dim3A_195 = vector.shape_cast %reduce_sum3A_194 : vector<196xf32> to vector<196x1xf32>
    %div3A_196 = arith.constant 5.120000e+02 : f32
    %div3A_197 = vector.broadcast %div3A_196 : f32 to vector<196x1xf32>
    %div3A_198 = arith.divf %broadcast_in_dim3A_195, %div3A_197 : vector<196x1xf32>
    %jit3A_199 = arith.constant 0 : i32
    %reduce_sum3A_200 = arith.constant dense<0.000000e+00> : vector<196xf32>
    %reduce_sum3A_201 = vector.multi_reduction <add>, %get3A_182, %reduce_sum3A_200 [1] : vector<196x512xf32> to vector<196xf32>
    %broadcast_in_dim3A_202 = vector.shape_cast %reduce_sum3A_201 : vector<196xf32> to vector<196x1xf32>
    %div3A_203 = arith.constant 5.120000e+02 : f32
    %div3A_204 = vector.broadcast %div3A_203 : f32 to vector<196x1xf32>
    %div3A_205 = arith.divf %broadcast_in_dim3A_202, %div3A_204 : vector<196x1xf32>
    %sub3A_206 = vector.broadcast %div3A_205 : vector<196x1xf32> to vector<196x512xf32>
    %sub3A_207 = arith.subf %get3A_182, %sub3A_206 : vector<196x512xf32>
    %square3A_208 = arith.mulf %sub3A_207, %sub3A_207 : vector<196x512xf32>
    %convert_element_type3A_209 = arith.sitofp %jit3A_199 : i32 to f32
    %sub3A_210 = arith.constant 5.120000e+02 : f32
    %sub3A_211 = arith.subf %sub3A_210, %convert_element_type3A_209 : f32
    %reduce_sum3A_212 = arith.constant dense<0.000000e+00> : vector<196xf32>
    %reduce_sum3A_213 = vector.multi_reduction <add>, %square3A_208, %reduce_sum3A_212 [1] : vector<196x512xf32> to vector<196xf32>
    %broadcast_in_dim3A_214 = vector.shape_cast %reduce_sum3A_213 : vector<196xf32> to vector<196x1xf32>
    %div3A_215 = vector.broadcast %sub3A_211 : f32 to vector<196x1xf32>
    %div3A_216 = arith.divf %broadcast_in_dim3A_214, %div3A_215 : vector<196x1xf32>
    %gt3A_217 = arith.constant 0.000000e+00 : f32
    %gt3A_218 = arith.cmpf ogt, %sub3A_211, %gt3A_217 : f32
    %jit3A_219 = arith.constant 0x7FC00000 : f32
    %broadcast_in_dim3A_220 = vector.broadcast %jit3A_219 : f32 to vector<196x1xf32>
    %select_n3A_221 = arith.select %gt3A_218, %div3A_216, %broadcast_in_dim3A_220 : vector<196x1xf32>
    %sub3A_222 = vector.broadcast %div3A_198 : vector<196x1xf32> to vector<196x512xf32>
    %sub3A_223 = arith.subf %get3A_182, %sub3A_222 : vector<196x512xf32>
    %add3A_224 = arith.constant 9.99999974E-6 : f32
    %add3A_225 = vector.broadcast %add3A_224 : f32 to vector<196x1xf32>
    %add3A_226 = arith.addf %select_n3A_221, %add3A_225 : vector<196x1xf32>
    %sqrt3A_227 = math.sqrt %add3A_226 : vector<196x1xf32>
    %div3A_228 = vector.broadcast %sqrt3A_227 : vector<196x1xf32> to vector<196x512xf32>
    %div3A_229 = arith.divf %sub3A_223, %div3A_228 : vector<196x512xf32>
    %mul3A_230 = vector.broadcast %get3A_187 : vector<1x512xf32> to vector<196x512xf32>
    %mul3A_231 = arith.mulf %div3A_229, %mul3A_230 : vector<196x512xf32>
    %add3A_232 = vector.broadcast %get3A_192 : vector<1x512xf32> to vector<196x512xf32>
    %add3A_233 = arith.addf %mul3A_231, %add3A_232 : vector<196x512xf32>
    %get3A_234 = arith.constant 0 : index
    %get3A_235 = arith.constant 0 : index
    %get3A_236 = arith.constant 0 : index
    %get3A_237 = vector.load %arg4[%get3A_234, %get3A_235, %get3A_236] : memref<1x512x512xf32, #tpu.memory_space<vmem>>, vector<1x512x512xf32>
    %get3A_238 = vector.shape_cast %get3A_237 : vector<1x512x512xf32> to vector<512x512xf32>
    %dot_general3A_239 = arith.constant dense<0.000000e+00> : vector<196x512xf32>
    %dot_general3A_240 = tpu.matmul %add3A_233, %get3A_238, %dot_general3A_239 {dimension_numbers = #tpu.dot_dimension_numbers<[1], [0], [0], [1], [0, 0, 1, 1], [], []>, transpose_lhs_hint = false} : vector<196x512xf32>, vector<512x512xf32>, vector<196x512xf32> -> vector<196x512xf32>
    %swap3A_241 = arith.constant 2 : index
    %swap3A_242 = arith.constant 0 : index
    %swap3A_243 = arith.constant 0 : index
    %swap3A_244 = vector.load %arg20[%swap3A_241, %swap3A_242, %swap3A_243] : memref<5x196x512xf32, #tpu.memory_space<vmem>>, vector<1x196x512xf32>
    %swap3A_245 = vector.shape_cast %swap3A_244 : vector<1x196x512xf32> to vector<196x512xf32>
    %swap3A_246 = vector.shape_cast %dot_general3A_240 : vector<196x512xf32> to vector<1x196x512xf32>
    tpu.vector_store %arg20[%swap3A_241, %swap3A_242, %swap3A_243], %swap3A_246 {strides = array<i32>} : memref<5x196x512xf32, #tpu.memory_space<vmem>>, vector<1x196x512xf32>,
    %get3A_247 = arith.constant 0 : index
    %get3A_248 = arith.constant 0 : index
    %get3A_249 = arith.constant 0 : index
    %get3A_250 = vector.load %arg5[%get3A_247, %get3A_248, %get3A_249] : memref<1x512x512xf32, #tpu.memory_space<vmem>>, vector<1x512x512xf32>
    %get3A_251 = vector.shape_cast %get3A_250 : vector<1x512x512xf32> to vector<512x512xf32>
    %dot_general3A_252 = arith.constant dense<0.000000e+00> : vector<196x512xf32>
    %dot_general3A_253 = tpu.matmul %add3A_233, %get3A_251, %dot_general3A_252 {dimension_numbers = #tpu.dot_dimension_numbers<[1], [0], [0], [1], [0, 0, 1, 1], [], []>, transpose_lhs_hint = false} : vector<196x512xf32>, vector<512x512xf32>, vector<196x512xf32> -> vector<196x512xf32>
    %swap3A_254 = arith.constant 2 : index
    %swap3A_255 = arith.constant 0 : index
    %swap3A_256 = arith.constant 0 : index
    %swap3A_257 = vector.load %arg21[%swap3A_254, %swap3A_255, %swap3A_256] : memref<5x196x512xf32, #tpu.memory_space<vmem>>, vector<1x196x512xf32>
    %swap3A_258 = vector.shape_cast %swap3A_257 : vector<1x196x512xf32> to vector<196x512xf32>
    %swap3A_259 = vector.shape_cast %dot_general3A_253 : vector<196x512xf32> to vector<1x196x512xf32>
    tpu.vector_store %arg21[%swap3A_254, %swap3A_255, %swap3A_256], %swap3A_259 {strides = array<i32>} : memref<5x196x512xf32, #tpu.memory_space<vmem>>, vector<1x196x512xf32>,
    %get3A_260 = arith.constant 0 : index
    %get3A_261 = arith.constant 0 : index
    %get3A_262 = arith.constant 0 : index
    %get3A_263 = vector.load %arg6[%get3A_260, %get3A_261, %get3A_262] : memref<1x512x512xf32, #tpu.memory_space<vmem>>, vector<1x512x512xf32>
    %get3A_264 = vector.shape_cast %get3A_263 : vector<1x512x512xf32> to vector<512x512xf32>
    %dot_general3A_265 = arith.constant dense<0.000000e+00> : vector<196x512xf32>
    %dot_general3A_266 = tpu.matmul %add3A_233, %get3A_264, %dot_general3A_265 {dimension_numbers = #tpu.dot_dimension_numbers<[1], [0], [0], [1], [0, 0, 1, 1], [], []>, transpose_lhs_hint = false} : vector<196x512xf32>, vector<512x512xf32>, vector<196x512xf32> -> vector<196x512xf32>
    %swap3A_267 = arith.constant 2 : index
    %swap3A_268 = arith.constant 0 : index
    %swap3A_269 = arith.constant 0 : index
    %swap3A_270 = vector.load %arg22[%swap3A_267, %swap3A_268, %swap3A_269] : memref<5x196x512xf32, #tpu.memory_space<vmem>>, vector<1x196x512xf32>
    %swap3A_271 = vector.shape_cast %swap3A_270 : vector<1x196x512xf32> to vector<196x512xf32>
    %swap3A_272 = vector.shape_cast %dot_general3A_266 : vector<196x512xf32> to vector<1x196x512xf32>
    tpu.vector_store %arg22[%swap3A_267, %swap3A_268, %swap3A_269], %swap3A_272 {strides = array<i32>} : memref<5x196x512xf32, #tpu.memory_space<vmem>>, vector<1x196x512xf32>,
    %get3A_273 = arith.constant 3 : index
    %get3A_274 = arith.constant 0 : index
    %get3A_275 = arith.constant 0 : index
    %get3A_276 = vector.load %arg19[%get3A_273, %get3A_274, %get3A_275] : memref<5x196x512xf32, #tpu.memory_space<vmem>>, vector<1x196x512xf32>
    %get3A_277 = vector.shape_cast %get3A_276 : vector<1x196x512xf32> to vector<196x512xf32>
    %get3A_278 = arith.constant 0 : index
    %get3A_279 = arith.constant 0 : index
    %get3A_280 = arith.constant 0 : index
    %get3A_281 = vector.load %arg2[%get3A_278, %get3A_279, %get3A_280] : memref<1x1x512xf32, #tpu.memory_space<vmem>>, vector<1x1x512xf32>
    %get3A_282 = vector.shape_cast %get3A_281 : vector<1x1x512xf32> to vector<1x512xf32>
    %get3A_283 = arith.constant 0 : index
    %get3A_284 = arith.constant 0 : index
    %get3A_285 = arith.constant 0 : index
    %get3A_286 = vector.load %arg3[%get3A_283, %get3A_284, %get3A_285] : memref<1x1x512xf32, #tpu.memory_space<vmem>>, vector<1x1x512xf32>
    %get3A_287 = vector.shape_cast %get3A_286 : vector<1x1x512xf32> to vector<1x512xf32>
    %reduce_sum3A_288 = arith.constant dense<0.000000e+00> : vector<196xf32>
    %reduce_sum3A_289 = vector.multi_reduction <add>, %get3A_277, %reduce_sum3A_288 [1] : vector<196x512xf32> to vector<196xf32>
    %broadcast_in_dim3A_290 = vector.shape_cast %reduce_sum3A_289 : vector<196xf32> to vector<196x1xf32>
    %div3A_291 = arith.constant 5.120000e+02 : f32
    %div3A_292 = vector.broadcast %div3A_291 : f32 to vector<196x1xf32>
    %div3A_293 = arith.divf %broadcast_in_dim3A_290, %div3A_292 : vector<196x1xf32>
    %jit3A_294 = arith.constant 0 : i32
    %reduce_sum3A_295 = arith.constant dense<0.000000e+00> : vector<196xf32>
    %reduce_sum3A_296 = vector.multi_reduction <add>, %get3A_277, %reduce_sum3A_295 [1] : vector<196x512xf32> to vector<196xf32>
    %broadcast_in_dim3A_297 = vector.shape_cast %reduce_sum3A_296 : vector<196xf32> to vector<196x1xf32>
    %div3A_298 = arith.constant 5.120000e+02 : f32
    %div3A_299 = vector.broadcast %div3A_298 : f32 to vector<196x1xf32>
    %div3A_300 = arith.divf %broadcast_in_dim3A_297, %div3A_299 : vector<196x1xf32>
    %sub3A_301 = vector.broadcast %div3A_300 : vector<196x1xf32> to vector<196x512xf32>
    %sub3A_302 = arith.subf %get3A_277, %sub3A_301 : vector<196x512xf32>
    %square3A_303 = arith.mulf %sub3A_302, %sub3A_302 : vector<196x512xf32>
    %convert_element_type3A_304 = arith.sitofp %jit3A_294 : i32 to f32
    %sub3A_305 = arith.constant 5.120000e+02 : f32
    %sub3A_306 = arith.subf %sub3A_305, %convert_element_type3A_304 : f32
    %reduce_sum3A_307 = arith.constant dense<0.000000e+00> : vector<196xf32>
    %reduce_sum3A_308 = vector.multi_reduction <add>, %square3A_303, %reduce_sum3A_307 [1] : vector<196x512xf32> to vector<196xf32>
    %broadcast_in_dim3A_309 = vector.shape_cast %reduce_sum3A_308 : vector<196xf32> to vector<196x1xf32>
    %div3A_310 = vector.broadcast %sub3A_306 : f32 to vector<196x1xf32>
    %div3A_311 = arith.divf %broadcast_in_dim3A_309, %div3A_310 : vector<196x1xf32>
    %gt3A_312 = arith.constant 0.000000e+00 : f32
    %gt3A_313 = arith.cmpf ogt, %sub3A_306, %gt3A_312 : f32
    %jit3A_314 = arith.constant 0x7FC00000 : f32
    %broadcast_in_dim3A_315 = vector.broadcast %jit3A_314 : f32 to vector<196x1xf32>
    %select_n3A_316 = arith.select %gt3A_313, %div3A_311, %broadcast_in_dim3A_315 : vector<196x1xf32>
    %sub3A_317 = vector.broadcast %div3A_293 : vector<196x1xf32> to vector<196x512xf32>
    %sub3A_318 = arith.subf %get3A_277, %sub3A_317 : vector<196x512xf32>
    %add3A_319 = arith.constant 9.99999974E-6 : f32
    %add3A_320 = vector.broadcast %add3A_319 : f32 to vector<196x1xf32>
    %add3A_321 = arith.addf %select_n3A_316, %add3A_320 : vector<196x1xf32>
    %sqrt3A_322 = math.sqrt %add3A_321 : vector<196x1xf32>
    %div3A_323 = vector.broadcast %sqrt3A_322 : vector<196x1xf32> to vector<196x512xf32>
    %div3A_324 = arith.divf %sub3A_318, %div3A_323 : vector<196x512xf32>
    %mul3A_325 = vector.broadcast %get3A_282 : vector<1x512xf32> to vector<196x512xf32>
    %mul3A_326 = arith.mulf %div3A_324, %mul3A_325 : vector<196x512xf32>
    %add3A_327 = vector.broadcast %get3A_287 : vector<1x512xf32> to vector<196x512xf32>
    %add3A_328 = arith.addf %mul3A_326, %add3A_327 : vector<196x512xf32>
    %get3A_329 = arith.constant 0 : index
    %get3A_330 = arith.constant 0 : index
    %get3A_331 = arith.constant 0 : index
    %get3A_332 = vector.load %arg4[%get3A_329, %get3A_330, %get3A_331] : memref<1x512x512xf32, #tpu.memory_space<vmem>>, vector<1x512x512xf32>
    %get3A_333 = vector.shape_cast %get3A_332 : vector<1x512x512xf32> to vector<512x512xf32>
    %dot_general3A_334 = arith.constant dense<0.000000e+00> : vector<196x512xf32>
    %dot_general3A_335 = tpu.matmul %add3A_328, %get3A_333, %dot_general3A_334 {dimension_numbers = #tpu.dot_dimension_numbers<[1], [0], [0], [1], [0, 0, 1, 1], [], []>, transpose_lhs_hint = false} : vector<196x512xf32>, vector<512x512xf32>, vector<196x512xf32> -> vector<196x512xf32>
    %swap3A_336 = arith.constant 3 : index
    %swap3A_337 = arith.constant 0 : index
    %swap3A_338 = arith.constant 0 : index
    %swap3A_339 = vector.load %arg20[%swap3A_336, %swap3A_337, %swap3A_338] : memref<5x196x512xf32, #tpu.memory_space<vmem>>, vector<1x196x512xf32>
    %swap3A_340 = vector.shape_cast %swap3A_339 : vector<1x196x512xf32> to vector<196x512xf32>
    %swap3A_341 = vector.shape_cast %dot_general3A_335 : vector<196x512xf32> to vector<1x196x512xf32>
    tpu.vector_store %arg20[%swap3A_336, %swap3A_337, %swap3A_338], %swap3A_341 {strides = array<i32>} : memref<5x196x512xf32, #tpu.memory_space<vmem>>, vector<1x196x512xf32>,
    %get3A_342 = arith.constant 0 : index
    %get3A_343 = arith.constant 0 : index
    %get3A_344 = arith.constant 0 : index
    %get3A_345 = vector.load %arg5[%get3A_342, %get3A_343, %get3A_344] : memref<1x512x512xf32, #tpu.memory_space<vmem>>, vector<1x512x512xf32>
    %get3A_346 = vector.shape_cast %get3A_345 : vector<1x512x512xf32> to vector<512x512xf32>
    %dot_general3A_347 = arith.constant dense<0.000000e+00> : vector<196x512xf32>
    %dot_general3A_348 = tpu.matmul %add3A_328, %get3A_346, %dot_general3A_347 {dimension_numbers = #tpu.dot_dimension_numbers<[1], [0], [0], [1], [0, 0, 1, 1], [], []>, transpose_lhs_hint = false} : vector<196x512xf32>, vector<512x512xf32>, vector<196x512xf32> -> vector<196x512xf32>
    %swap3A_349 = arith.constant 3 : index
    %swap3A_350 = arith.constant 0 : index
    %swap3A_351 = arith.constant 0 : index
    %swap3A_352 = vector.load %arg21[%swap3A_349, %swap3A_350, %swap3A_351] : memref<5x196x512xf32, #tpu.memory_space<vmem>>, vector<1x196x512xf32>
    %swap3A_353 = vector.shape_cast %swap3A_352 : vector<1x196x512xf32> to vector<196x512xf32>
    %swap3A_354 = vector.shape_cast %dot_general3A_348 : vector<196x512xf32> to vector<1x196x512xf32>
    tpu.vector_store %arg21[%swap3A_349, %swap3A_350, %swap3A_351], %swap3A_354 {strides = array<i32>} : memref<5x196x512xf32, #tpu.memory_space<vmem>>, vector<1x196x512xf32>,
    %get3A_355 = arith.constant 0 : index
    %get3A_356 = arith.constant 0 : index
    %get3A_357 = arith.constant 0 : index
    %get3A_358 = vector.load %arg6[%get3A_355, %get3A_356, %get3A_357] : memref<1x512x512xf32, #tpu.memory_space<vmem>>, vector<1x512x512xf32>
    %get3A_359 = vector.shape_cast %get3A_358 : vector<1x512x512xf32> to vector<512x512xf32>
    %dot_general3A_360 = arith.constant dense<0.000000e+00> : vector<196x512xf32>
    %dot_general3A_361 = tpu.matmul %add3A_328, %get3A_359, %dot_general3A_360 {dimension_numbers = #tpu.dot_dimension_numbers<[1], [0], [0], [1], [0, 0, 1, 1], [], []>, transpose_lhs_hint = false} : vector<196x512xf32>, vector<512x512xf32>, vector<196x512xf32> -> vector<196x512xf32>
    %swap3A_362 = arith.constant 3 : index
    %swap3A_363 = arith.constant 0 : index
    %swap3A_364 = arith.constant 0 : index
    %swap3A_365 = vector.load %arg22[%swap3A_362, %swap3A_363, %swap3A_364] : memref<5x196x512xf32, #tpu.memory_space<vmem>>, vector<1x196x512xf32>
    %swap3A_366 = vector.shape_cast %swap3A_365 : vector<1x196x512xf32> to vector<196x512xf32>
    %swap3A_367 = vector.shape_cast %dot_general3A_361 : vector<196x512xf32> to vector<1x196x512xf32>
    tpu.vector_store %arg22[%swap3A_362, %swap3A_363, %swap3A_364], %swap3A_367 {strides = array<i32>} : memref<5x196x512xf32, #tpu.memory_space<vmem>>, vector<1x196x512xf32>,
    %get3A_368 = arith.constant 4 : index
    %get3A_369 = arith.constant 0 : index
    %get3A_370 = arith.constant 0 : index
    %get3A_371 = vector.load %arg19[%get3A_368, %get3A_369, %get3A_370] : memref<5x196x512xf32, #tpu.memory_space<vmem>>, vector<1x196x512xf32>
    %get3A_372 = vector.shape_cast %get3A_371 : vector<1x196x512xf32> to vector<196x512xf32>
    %get3A_373 = arith.constant 0 : index
    %get3A_374 = arith.constant 0 : index
    %get3A_375 = arith.constant 0 : index
    %get3A_376 = vector.load %arg2[%get3A_373, %get3A_374, %get3A_375] : memref<1x1x512xf32, #tpu.memory_space<vmem>>, vector<1x1x512xf32>
    %get3A_377 = vector.shape_cast %get3A_376 : vector<1x1x512xf32> to vector<1x512xf32>
    %get3A_378 = arith.constant 0 : index
    %get3A_379 = arith.constant 0 : index
    %get3A_380 = arith.constant 0 : index
    %get3A_381 = vector.load %arg3[%get3A_378, %get3A_379, %get3A_380] : memref<1x1x512xf32, #tpu.memory_space<vmem>>, vector<1x1x512xf32>
    %get3A_382 = vector.shape_cast %get3A_381 : vector<1x1x512xf32> to vector<1x512xf32>
    %reduce_sum3A_383 = arith.constant dense<0.000000e+00> : vector<196xf32>
    %reduce_sum3A_384 = vector.multi_reduction <add>, %get3A_372, %reduce_sum3A_383 [1] : vector<196x512xf32> to vector<196xf32>
    %broadcast_in_dim3A_385 = vector.shape_cast %reduce_sum3A_384 : vector<196xf32> to vector<196x1xf32>
    %div3A_386 = arith.constant 5.120000e+02 : f32
    %div3A_387 = vector.broadcast %div3A_386 : f32 to vector<196x1xf32>
    %div3A_388 = arith.divf %broadcast_in_dim3A_385, %div3A_387 : vector<196x1xf32>
    %jit3A_389 = arith.constant 0 : i32
    %reduce_sum3A_390 = arith.constant dense<0.000000e+00> : vector<196xf32>
    %reduce_sum3A_391 = vector.multi_reduction <add>, %get3A_372, %reduce_sum3A_390 [1] : vector<196x512xf32> to vector<196xf32>
    %broadcast_in_dim3A_392 = vector.shape_cast %reduce_sum3A_391 : vector<196xf32> to vector<196x1xf32>
    %div3A_393 = arith.constant 5.120000e+02 : f32
    %div3A_394 = vector.broadcast %div3A_393 : f32 to vector<196x1xf32>
    %div3A_395 = arith.divf %broadcast_in_dim3A_392, %div3A_394 : vector<196x1xf32>
    %sub3A_396 = vector.broadcast %div3A_395 : vector<196x1xf32> to vector<196x512xf32>
    %sub3A_397 = arith.subf %get3A_372, %sub3A_396 : vector<196x512xf32>
    %square3A_398 = arith.mulf %sub3A_397, %sub3A_397 : vector<196x512xf32>
    %convert_element_type3A_399 = arith.sitofp %jit3A_389 : i32 to f32
    %sub3A_400 = arith.constant 5.120000e+02 : f32
    %sub3A_401 = arith.subf %sub3A_400, %convert_element_type3A_399 : f32
    %reduce_sum3A_402 = arith.constant dense<0.000000e+00> : vector<196xf32>
    %reduce_sum3A_403 = vector.multi_reduction <add>, %square3A_398, %reduce_sum3A_402 [1] : vector<196x512xf32> to vector<196xf32>
    %broadcast_in_dim3A_404 = vector.shape_cast %reduce_sum3A_403 : vector<196xf32> to vector<196x1xf32>
    %div3A_405 = vector.broadcast %sub3A_401 : f32 to vector<196x1xf32>
    %div3A_406 = arith.divf %broadcast_in_dim3A_404, %div3A_405 : vector<196x1xf32>
    %gt3A_407 = arith.constant 0.000000e+00 : f32
    %gt3A_408 = arith.cmpf ogt, %sub3A_401, %gt3A_407 : f32
    %jit3A_409 = arith.constant 0x7FC00000 : f32
    %broadcast_in_dim3A_410 = vector.broadcast %jit3A_409 : f32 to vector<196x1xf32>
    %select_n3A_411 = arith.select %gt3A_408, %div3A_406, %broadcast_in_dim3A_410 : vector<196x1xf32>
    %sub3A_412 = vector.broadcast %div3A_388 : vector<196x1xf32> to vector<196x512xf32>
    %sub3A_413 = arith.subf %get3A_372, %sub3A_412 : vector<196x512xf32>
    %add3A_414 = arith.constant 9.99999974E-6 : f32
    %add3A_415 = vector.broadcast %add3A_414 : f32 to vector<196x1xf32>
    %add3A_416 = arith.addf %select_n3A_411, %add3A_415 : vector<196x1xf32>
    %sqrt3A_417 = math.sqrt %add3A_416 : vector<196x1xf32>
    %div3A_418 = vector.broadcast %sqrt3A_417 : vector<196x1xf32> to vector<196x512xf32>
    %div3A_419 = arith.divf %sub3A_413, %div3A_418 : vector<196x512xf32>
    %mul3A_420 = vector.broadcast %get3A_377 : vector<1x512xf32> to vector<196x512xf32>
    %mul3A_421 = arith.mulf %div3A_419, %mul3A_420 : vector<196x512xf32>
    %add3A_422 = vector.broadcast %get3A_382 : vector<1x512xf32> to vector<196x512xf32>
    %add3A_423 = arith.addf %mul3A_421, %add3A_422 : vector<196x512xf32>
    %get3A_424 = arith.constant 0 : index
    %get3A_425 = arith.constant 0 : index
    %get3A_426 = arith.constant 0 : index
    %get3A_427 = vector.load %arg4[%get3A_424, %get3A_425, %get3A_426] : memref<1x512x512xf32, #tpu.memory_space<vmem>>, vector<1x512x512xf32>
    %get3A_428 = vector.shape_cast %get3A_427 : vector<1x512x512xf32> to vector<512x512xf32>
    %dot_general3A_429 = arith.constant dense<0.000000e+00> : vector<196x512xf32>
    %dot_general3A_430 = tpu.matmul %add3A_423, %get3A_428, %dot_general3A_429 {dimension_numbers = #tpu.dot_dimension_numbers<[1], [0], [0], [1], [0, 0, 1, 1], [], []>, transpose_lhs_hint = false} : vector<196x512xf32>, vector<512x512xf32>, vector<196x512xf32> -> vector<196x512xf32>
    %swap3A_431 = arith.constant 4 : index
    %swap3A_432 = arith.constant 0 : index
    %swap3A_433 = arith.constant 0 : index
    %swap3A_434 = vector.load %arg20[%swap3A_431, %swap3A_432, %swap3A_433] : memref<5x196x512xf32, #tpu.memory_space<vmem>>, vector<1x196x512xf32>
    %swap3A_435 = vector.shape_cast %swap3A_434 : vector<1x196x512xf32> to vector<196x512xf32>
    %swap3A_436 = vector.shape_cast %dot_general3A_430 : vector<196x512xf32> to vector<1x196x512xf32>
    tpu.vector_store %arg20[%swap3A_431, %swap3A_432, %swap3A_433], %swap3A_436 {strides = array<i32>} : memref<5x196x512xf32, #tpu.memory_space<vmem>>, vector<1x196x512xf32>,
    %get3A_437 = arith.constant 0 : index
    %get3A_438 = arith.constant 0 : index
    %get3A_439 = arith.constant 0 : index
    %get3A_440 = vector.load %arg5[%get3A_437, %get3A_438, %get3A_439] : memref<1x512x512xf32, #tpu.memory_space<vmem>>, vector<1x512x512xf32>
    %get3A_441 = vector.shape_cast %get3A_440 : vector<1x512x512xf32> to vector<512x512xf32>
    %dot_general3A_442 = arith.constant dense<0.000000e+00> : vector<196x512xf32>
    %dot_general3A_443 = tpu.matmul %add3A_423, %get3A_441, %dot_general3A_442 {dimension_numbers = #tpu.dot_dimension_numbers<[1], [0], [0], [1], [0, 0, 1, 1], [], []>, transpose_lhs_hint = false} : vector<196x512xf32>, vector<512x512xf32>, vector<196x512xf32> -> vector<196x512xf32>
    %swap3A_444 = arith.constant 4 : index
    %swap3A_445 = arith.constant 0 : index
    %swap3A_446 = arith.constant 0 : index
    %swap3A_447 = vector.load %arg21[%swap3A_444, %swap3A_445, %swap3A_446] : memref<5x196x512xf32, #tpu.memory_space<vmem>>, vector<1x196x512xf32>
    %swap3A_448 = vector.shape_cast %swap3A_447 : vector<1x196x512xf32> to vector<196x512xf32>
    %swap3A_449 = vector.shape_cast %dot_general3A_443 : vector<196x512xf32> to vector<1x196x512xf32>
    tpu.vector_store %arg21[%swap3A_444, %swap3A_445, %swap3A_446], %swap3A_449 {strides = array<i32>} : memref<5x196x512xf32, #tpu.memory_space<vmem>>, vector<1x196x512xf32>,
    %get3A_450 = arith.constant 0 : index
    %get3A_451 = arith.constant 0 : index
    %get3A_452 = arith.constant 0 : index
    %get3A_453 = vector.load %arg6[%get3A_450, %get3A_451, %get3A_452] : memref<1x512x512xf32, #tpu.memory_space<vmem>>, vector<1x512x512xf32>
    %get3A_454 = vector.shape_cast %get3A_453 : vector<1x512x512xf32> to vector<512x512xf32>
    %dot_general3A_455 = arith.constant dense<0.000000e+00> : vector<196x512xf32>
    %dot_general3A_456 = tpu.matmul %add3A_423, %get3A_454, %dot_general3A_455 {dimension_numbers = #tpu.dot_dimension_numbers<[1], [0], [0], [1], [0, 0, 1, 1], [], []>, transpose_lhs_hint = false} : vector<196x512xf32>, vector<512x512xf32>, vector<196x512xf32> -> vector<196x512xf32>
    %swap3A_457 = arith.constant 4 : index
    %swap3A_458 = arith.constant 0 : index
    %swap3A_459 = arith.constant 0 : index
    %swap3A_460 = vector.load %arg22[%swap3A_457, %swap3A_458, %swap3A_459] : memref<5x196x512xf32, #tpu.memory_space<vmem>>, vector<1x196x512xf32>
    %swap3A_461 = vector.shape_cast %swap3A_460 : vector<1x196x512xf32> to vector<196x512xf32>
    %swap3A_462 = vector.shape_cast %dot_general3A_456 : vector<196x512xf32> to vector<1x196x512xf32>
    tpu.vector_store %arg22[%swap3A_457, %swap3A_458, %swap3A_459], %swap3A_462 {strides = array<i32>} : memref<5x196x512xf32, #tpu.memory_space<vmem>>, vector<1x196x512xf32>,
    %get3A_463 = arith.constant 0 : index
    %get3A_464 = arith.constant 0 : index
    %get3A_465 = vector.load %arg15[%get3A_463, %get3A_464] : memref<1x8xf32, #tpu.memory_space<vmem>>, vector<1x8xf32>
    %get3A_466 = arith.constant 0 : index
    %get3A_467 = arith.constant 0 : index
    %get3A_468 = arith.constant 0 : index
    %get3A_469 = vector.load %arg20[%get3A_466, %get3A_467, %get3A_468] : memref<5x196x512xf32, #tpu.memory_space<vmem>>, vector<1x196x512xf32>
    %get3A_470 = vector.shape_cast %get3A_469 : vector<1x196x512xf32> to vector<196x512xf32>
    %get3A_471 = arith.constant 0 : index
    %get3A_472 = arith.constant 0 : index
    %get3A_473 = arith.constant 0 : index
    %get3A_474 = vector.load %arg21[%get3A_471, %get3A_472, %get3A_473] : memref<5x196x512xf32, #tpu.memory_space<vmem>>, vector<1x196x512xf32>
    %get3A_475 = vector.shape_cast %get3A_474 : vector<1x196x512xf32> to vector<196x512xf32>
    %mul3A_476 = arith.mulf %get3A_470, %get3A_475 : vector<196x512xf32>
    %get3A_477 = arith.constant 0 : index
    %get3A_478 = arith.constant 0 : index
    %get3A_479 = vector.load %arg13[%get3A_477, %get3A_478] : memref<512x8xf32, #tpu.memory_space<vmem>>, vector<512x8xf32>
    %dot_general3A_480 = arith.constant dense<0.000000e+00> : vector<196x8xf32>
    %dot_general3A_481 = tpu.matmul %mul3A_476, %get3A_479, %dot_general3A_480 {dimension_numbers = #tpu.dot_dimension_numbers<[1], [0], [0], [1], [0, 0, 1, 1], [], []>, precision = #tpu.contract_precision<fp32>, transpose_lhs_hint = false} : vector<196x512xf32>, vector<512x8xf32>, vector<196x8xf32> -> vector<196x8xf32>
    %mul3A_482 = arith.constant 1.250000e-01 : f32
    %mul3A_483 = vector.broadcast %mul3A_482 : f32 to vector<196x8xf32>
    %mul3A_484 = arith.mulf %dot_general3A_481, %mul3A_483 : vector<196x8xf32>
    %mul3A_485 = arith.constant 0.000000e+00 : f32
    %mul3A_486 = vector.broadcast %mul3A_485 : f32 to vector<1x8xf32>
    %mul3A_487 = arith.mulf %mul3A_486, %get3A_465 : vector<1x8xf32>
    %sub3A_488 = vector.broadcast %mul3A_487 : vector<1x8xf32> to vector<196x8xf32>
    %sub3A_489 = arith.subf %mul3A_484, %sub3A_488 : vector<196x8xf32>
    %sub3A_490 = arith.subf %sub3A_489, %sub3A_489 : vector<196x8xf32>
    %exp3A = math.exp %sub3A_490 : vector<196x8xf32>
    %broadcast_in_dim3A_491 = arith.constant 0.000000e+00 : f32
    %broadcast_in_dim3A_492 = vector.broadcast %broadcast_in_dim3A_491 : f32 to vector<196x512xf32>
    %div3A_493 = arith.divf %exp3A, %exp3A : vector<196x8xf32>
    %get3A_494 = arith.constant 0 : index
    %get3A_495 = arith.constant 0 : index
    %get3A_496 = vector.load %arg14[%get3A_494, %get3A_495] : memref<8x512xf32, #tpu.memory_space<vmem>>, vector<8x512xf32>
    %dot_general3A_497 = arith.constant dense<0.000000e+00> : vector<196x512xf32>
    %dot_general3A_498 = tpu.matmul %div3A_493, %get3A_496, %dot_general3A_497 {dimension_numbers = #tpu.dot_dimension_numbers<[1], [0], [0], [1], [0, 0, 1, 1], [], []>, precision = #tpu.contract_precision<fp32>, transpose_lhs_hint = false} : vector<196x8xf32>, vector<8x512xf32>, vector<196x512xf32> -> vector<196x512xf32>
    %get3A_499 = arith.constant 0 : index
    %get3A_500 = arith.constant 0 : index
    %get3A_501 = arith.constant 0 : index
    %get3A_502 = vector.load %arg22[%get3A_499, %get3A_500, %get3A_501] : memref<5x196x512xf32, #tpu.memory_space<vmem>>, vector<1x196x512xf32>
    %get3A_503 = vector.shape_cast %get3A_502 : vector<1x196x512xf32> to vector<196x512xf32>
    %mul3A_504 = arith.mulf %dot_general3A_498, %get3A_503 : vector<196x512xf32>
    %add3A_505 = arith.addf %broadcast_in_dim3A_492, %mul3A_504 : vector<196x512xf32>
    %swap3A_506 = arith.constant 0 : index
    %swap3A_507 = arith.constant 0 : index
    %swap3A_508 = arith.constant 0 : index
    %swap3A_509 = vector.load %arg23[%swap3A_506, %swap3A_507, %swap3A_508] : memref<5x196x512xf32, #tpu.memory_space<vmem>>, vector<1x196x512xf32>
    %swap3A_510 = vector.shape_cast %swap3A_509 : vector<1x196x512xf32> to vector<196x512xf32>
    %swap3A_511 = vector.shape_cast %add3A_505 : vector<196x512xf32> to vector<1x196x512xf32>
    tpu.vector_store %arg23[%swap3A_506, %swap3A_507, %swap3A_508], %swap3A_511 {strides = array<i32>} : memref<5x196x512xf32, #tpu.memory_space<vmem>>, vector<1x196x512xf32>,
    %get3A_512 = arith.constant 1 : index
    %get3A_513 = arith.constant 0 : index
    %get3A_514 = arith.constant 0 : index
    %get3A_515 = vector.load %arg20[%get3A_512, %get3A_513, %get3A_514] : memref<5x196x512xf32, #tpu.memory_space<vmem>>, vector<1x196x512xf32>
    %get3A_516 = vector.shape_cast %get3A_515 : vector<1x196x512xf32> to vector<196x512xf32>
    %get3A_517 = arith.constant 0 : index
    %get3A_518 = arith.constant 0 : index
    %get3A_519 = arith.constant 0 : index
    %get3A_520 = vector.load %arg21[%get3A_517, %get3A_518, %get3A_519] : memref<5x196x512xf32, #tpu.memory_space<vmem>>, vector<1x196x512xf32>
    %get3A_521 = vector.shape_cast %get3A_520 : vector<1x196x512xf32> to vector<196x512xf32>
    %mul3A_522 = arith.mulf %get3A_516, %get3A_521 : vector<196x512xf32>
    %get3A_523 = arith.constant 0 : index
    %get3A_524 = arith.constant 0 : index
    %get3A_525 = vector.load %arg13[%get3A_523, %get3A_524] : memref<512x8xf32, #tpu.memory_space<vmem>>, vector<512x8xf32>
    %dot_general3A_526 = arith.constant dense<0.000000e+00> : vector<196x8xf32>
    %dot_general3A_527 = tpu.matmul %mul3A_522, %get3A_525, %dot_general3A_526 {dimension_numbers = #tpu.dot_dimension_numbers<[1], [0], [0], [1], [0, 0, 1, 1], [], []>, precision = #tpu.contract_precision<fp32>, transpose_lhs_hint = false} : vector<196x512xf32>, vector<512x8xf32>, vector<196x8xf32> -> vector<196x8xf32>
    %mul3A_528 = arith.constant 1.250000e-01 : f32
    %mul3A_529 = vector.broadcast %mul3A_528 : f32 to vector<196x8xf32>
    %mul3A_530 = arith.mulf %dot_general3A_527, %mul3A_529 : vector<196x8xf32>
    %mul3A_531 = arith.constant 1.000000e+00 : f32
    %mul3A_532 = vector.broadcast %mul3A_531 : f32 to vector<1x8xf32>
    %mul3A_533 = arith.mulf %mul3A_532, %get3A_465 : vector<1x8xf32>
    %sub3A_534 = vector.broadcast %mul3A_533 : vector<1x8xf32> to vector<196x8xf32>
    %sub3A_535 = arith.subf %mul3A_530, %sub3A_534 : vector<196x8xf32>
    %get3A_536 = arith.constant 1 : index
    %get3A_537 = arith.constant 0 : index
    %get3A_538 = arith.constant 0 : index
    %get3A_539 = vector.load %arg20[%get3A_536, %get3A_537, %get3A_538] : memref<5x196x512xf32, #tpu.memory_space<vmem>>, vector<1x196x512xf32>
    %get3A_540 = vector.shape_cast %get3A_539 : vector<1x196x512xf32> to vector<196x512xf32>
    %get3A_541 = arith.constant 1 : index
    %get3A_542 = arith.constant 0 : index
    %get3A_543 = arith.constant 0 : index
    %get3A_544 = vector.load %arg21[%get3A_541, %get3A_542, %get3A_543] : memref<5x196x512xf32, #tpu.memory_space<vmem>>, vector<1x196x512xf32>
    %get3A_545 = vector.shape_cast %get3A_544 : vector<1x196x512xf32> to vector<196x512xf32>
    %mul3A_546 = arith.mulf %get3A_540, %get3A_545 : vector<196x512xf32>
    %get3A_547 = arith.constant 0 : index
    %get3A_548 = arith.constant 0 : index
    %get3A_549 = vector.load %arg13[%get3A_547, %get3A_548] : memref<512x8xf32, #tpu.memory_space<vmem>>, vector<512x8xf32>
    %dot_general3A_550 = arith.constant dense<0.000000e+00> : vector<196x8xf32>
    %dot_general3A_551 = tpu.matmul %mul3A_546, %get3A_549, %dot_general3A_550 {dimension_numbers = #tpu.dot_dimension_numbers<[1], [0], [0], [1], [0, 0, 1, 1], [], []>, precision = #tpu.contract_precision<fp32>, transpose_lhs_hint = false} : vector<196x512xf32>, vector<512x8xf32>, vector<196x8xf32> -> vector<196x8xf32>
    %mul3A_552 = arith.constant 1.250000e-01 : f32
    %mul3A_553 = vector.broadcast %mul3A_552 : f32 to vector<196x8xf32>
    %mul3A_554 = arith.mulf %dot_general3A_551, %mul3A_553 : vector<196x8xf32>
    %mul3A_555 = arith.constant 0.000000e+00 : f32
    %mul3A_556 = vector.broadcast %mul3A_555 : f32 to vector<1x8xf32>
    %mul3A_557 = arith.mulf %mul3A_556, %get3A_465 : vector<1x8xf32>
    %sub3A_558 = vector.broadcast %mul3A_557 : vector<1x8xf32> to vector<196x8xf32>
    %sub3A_559 = arith.subf %mul3A_554, %sub3A_558 : vector<196x8xf32>
    %max3A = arith.maximumf %sub3A_535, %sub3A_559 : vector<196x8xf32>
    %sub3A_560 = arith.subf %sub3A_535, %max3A : vector<196x8xf32>
    %exp3A_561 = math.exp %sub3A_560 : vector<196x8xf32>
    %sub3A_562 = arith.subf %sub3A_559, %max3A : vector<196x8xf32>
    %exp3A_563 = math.exp %sub3A_562 : vector<196x8xf32>
    %add3A_564 = arith.addf %exp3A_561, %exp3A_563 : vector<196x8xf32>
    %broadcast_in_dim3A_565 = arith.constant 0.000000e+00 : f32
    %broadcast_in_dim3A_566 = vector.broadcast %broadcast_in_dim3A_565 : f32 to vector<196x512xf32>
    %div3A_567 = arith.divf %exp3A_561, %add3A_564 : vector<196x8xf32>
    %get3A_568 = arith.constant 0 : index
    %get3A_569 = arith.constant 0 : index
    %get3A_570 = vector.load %arg14[%get3A_568, %get3A_569] : memref<8x512xf32, #tpu.memory_space<vmem>>, vector<8x512xf32>
    %dot_general3A_571 = arith.constant dense<0.000000e+00> : vector<196x512xf32>
    %dot_general3A_572 = tpu.matmul %div3A_567, %get3A_570, %dot_general3A_571 {dimension_numbers = #tpu.dot_dimension_numbers<[1], [0], [0], [1], [0, 0, 1, 1], [], []>, precision = #tpu.contract_precision<fp32>, transpose_lhs_hint = false} : vector<196x8xf32>, vector<8x512xf32>, vector<196x512xf32> -> vector<196x512xf32>
    %get3A_573 = arith.constant 0 : index
    %get3A_574 = arith.constant 0 : index
    %get3A_575 = arith.constant 0 : index
    %get3A_576 = vector.load %arg22[%get3A_573, %get3A_574, %get3A_575] : memref<5x196x512xf32, #tpu.memory_space<vmem>>, vector<1x196x512xf32>
    %get3A_577 = vector.shape_cast %get3A_576 : vector<1x196x512xf32> to vector<196x512xf32>
    %mul3A_578 = arith.mulf %dot_general3A_572, %get3A_577 : vector<196x512xf32>
    %add3A_579 = arith.addf %broadcast_in_dim3A_566, %mul3A_578 : vector<196x512xf32>
    %div3A_580 = arith.divf %exp3A_563, %add3A_564 : vector<196x8xf32>
    %get3A_581 = arith.constant 0 : index
    %get3A_582 = arith.constant 0 : index
    %get3A_583 = vector.load %arg14[%get3A_581, %get3A_582] : memref<8x512xf32, #tpu.memory_space<vmem>>, vector<8x512xf32>
    %dot_general3A_584 = arith.constant dense<0.000000e+00> : vector<196x512xf32>
    %dot_general3A_585 = tpu.matmul %div3A_580, %get3A_583, %dot_general3A_584 {dimension_numbers = #tpu.dot_dimension_numbers<[1], [0], [0], [1], [0, 0, 1, 1], [], []>, precision = #tpu.contract_precision<fp32>, transpose_lhs_hint = false} : vector<196x8xf32>, vector<8x512xf32>, vector<196x512xf32> -> vector<196x512xf32>
    %get3A_586 = arith.constant 1 : index
    %get3A_587 = arith.constant 0 : index
    %get3A_588 = arith.constant 0 : index
    %get3A_589 = vector.load %arg22[%get3A_586, %get3A_587, %get3A_588] : memref<5x196x512xf32, #tpu.memory_space<vmem>>, vector<1x196x512xf32>
    %get3A_590 = vector.shape_cast %get3A_589 : vector<1x196x512xf32> to vector<196x512xf32>
    %mul3A_591 = arith.mulf %dot_general3A_585, %get3A_590 : vector<196x512xf32>
    %add3A_592 = arith.addf %add3A_579, %mul3A_591 : vector<196x512xf32>
    %swap3A_593 = arith.constant 1 : index
    %swap3A_594 = arith.constant 0 : index
    %swap3A_595 = arith.constant 0 : index
    %swap3A_596 = vector.load %arg23[%swap3A_593, %swap3A_594, %swap3A_595] : memref<5x196x512xf32, #tpu.memory_space<vmem>>, vector<1x196x512xf32>
    %swap3A_597 = vector.shape_cast %swap3A_596 : vector<1x196x512xf32> to vector<196x512xf32>
    %swap3A_598 = vector.shape_cast %add3A_592 : vector<196x512xf32> to vector<1x196x512xf32>
    tpu.vector_store %arg23[%swap3A_593, %swap3A_594, %swap3A_595], %swap3A_598 {strides = array<i32>} : memref<5x196x512xf32, #tpu.memory_space<vmem>>, vector<1x196x512xf32>,
    %get3A_599 = arith.constant 2 : index
    %get3A_600 = arith.constant 0 : index
    %get3A_601 = arith.constant 0 : index
    %get3A_602 = vector.load %arg20[%get3A_599, %get3A_600, %get3A_601] : memref<5x196x512xf32, #tpu.memory_space<vmem>>, vector<1x196x512xf32>
    %get3A_603 = vector.shape_cast %get3A_602 : vector<1x196x512xf32> to vector<196x512xf32>
    %get3A_604 = arith.constant 0 : index
    %get3A_605 = arith.constant 0 : index
    %get3A_606 = arith.constant 0 : index
    %get3A_607 = vector.load %arg21[%get3A_604, %get3A_605, %get3A_606] : memref<5x196x512xf32, #tpu.memory_space<vmem>>, vector<1x196x512xf32>
    %get3A_608 = vector.shape_cast %get3A_607 : vector<1x196x512xf32> to vector<196x512xf32>
    %mul3A_609 = arith.mulf %get3A_603, %get3A_608 : vector<196x512xf32>
    %get3A_610 = arith.constant 0 : index
    %get3A_611 = arith.constant 0 : index
    %get3A_612 = vector.load %arg13[%get3A_610, %get3A_611] : memref<512x8xf32, #tpu.memory_space<vmem>>, vector<512x8xf32>
    %dot_general3A_613 = arith.constant dense<0.000000e+00> : vector<196x8xf32>
    %dot_general3A_614 = tpu.matmul %mul3A_609, %get3A_612, %dot_general3A_613 {dimension_numbers = #tpu.dot_dimension_numbers<[1], [0], [0], [1], [0, 0, 1, 1], [], []>, precision = #tpu.contract_precision<fp32>, transpose_lhs_hint = false} : vector<196x512xf32>, vector<512x8xf32>, vector<196x8xf32> -> vector<196x8xf32>
    %mul3A_615 = arith.constant 1.250000e-01 : f32
    %mul3A_616 = vector.broadcast %mul3A_615 : f32 to vector<196x8xf32>
    %mul3A_617 = arith.mulf %dot_general3A_614, %mul3A_616 : vector<196x8xf32>
    %mul3A_618 = arith.constant 2.000000e+00 : f32
    %mul3A_619 = vector.broadcast %mul3A_618 : f32 to vector<1x8xf32>
    %mul3A_620 = arith.mulf %mul3A_619, %get3A_465 : vector<1x8xf32>
    %sub3A_621 = vector.broadcast %mul3A_620 : vector<1x8xf32> to vector<196x8xf32>
    %sub3A_622 = arith.subf %mul3A_617, %sub3A_621 : vector<196x8xf32>
    %get3A_623 = arith.constant 2 : index
    %get3A_624 = arith.constant 0 : index
    %get3A_625 = arith.constant 0 : index
    %get3A_626 = vector.load %arg20[%get3A_623, %get3A_624, %get3A_625] : memref<5x196x512xf32, #tpu.memory_space<vmem>>, vector<1x196x512xf32>
    %get3A_627 = vector.shape_cast %get3A_626 : vector<1x196x512xf32> to vector<196x512xf32>
    %get3A_628 = arith.constant 1 : index
    %get3A_629 = arith.constant 0 : index
    %get3A_630 = arith.constant 0 : index
    %get3A_631 = vector.load %arg21[%get3A_628, %get3A_629, %get3A_630] : memref<5x196x512xf32, #tpu.memory_space<vmem>>, vector<1x196x512xf32>
    %get3A_632 = vector.shape_cast %get3A_631 : vector<1x196x512xf32> to vector<196x512xf32>
    %mul3A_633 = arith.mulf %get3A_627, %get3A_632 : vector<196x512xf32>
    %get3A_634 = arith.constant 0 : index
    %get3A_635 = arith.constant 0 : index
    %get3A_636 = vector.load %arg13[%get3A_634, %get3A_635] : memref<512x8xf32, #tpu.memory_space<vmem>>, vector<512x8xf32>
    %dot_general3A_637 = arith.constant dense<0.000000e+00> : vector<196x8xf32>
    %dot_general3A_638 = tpu.matmul %mul3A_633, %get3A_636, %dot_general3A_637 {dimension_numbers = #tpu.dot_dimension_numbers<[1], [0], [0], [1], [0, 0, 1, 1], [], []>, precision = #tpu.contract_precision<fp32>, transpose_lhs_hint = false} : vector<196x512xf32>, vector<512x8xf32>, vector<196x8xf32> -> vector<196x8xf32>
    %mul3A_639 = arith.constant 1.250000e-01 : f32
    %mul3A_640 = vector.broadcast %mul3A_639 : f32 to vector<196x8xf32>
    %mul3A_641 = arith.mulf %dot_general3A_638, %mul3A_640 : vector<196x8xf32>
    %mul3A_642 = arith.constant 1.000000e+00 : f32
    %mul3A_643 = vector.broadcast %mul3A_642 : f32 to vector<1x8xf32>
    %mul3A_644 = arith.mulf %mul3A_643, %get3A_465 : vector<1x8xf32>
    %sub3A_645 = vector.broadcast %mul3A_644 : vector<1x8xf32> to vector<196x8xf32>
    %sub3A_646 = arith.subf %mul3A_641, %sub3A_645 : vector<196x8xf32>
    %get3A_647 = arith.constant 2 : index
    %get3A_648 = arith.constant 0 : index
    %get3A_649 = arith.constant 0 : index
    %get3A_650 = vector.load %arg20[%get3A_647, %get3A_648, %get3A_649] : memref<5x196x512xf32, #tpu.memory_space<vmem>>, vector<1x196x512xf32>
    %get3A_651 = vector.shape_cast %get3A_650 : vector<1x196x512xf32> to vector<196x512xf32>
    %get3A_652 = arith.constant 2 : index
    %get3A_653 = arith.constant 0 : index
    %get3A_654 = arith.constant 0 : index
    %get3A_655 = vector.load %arg21[%get3A_652, %get3A_653, %get3A_654] : memref<5x196x512xf32, #tpu.memory_space<vmem>>, vector<1x196x512xf32>
    %get3A_656 = vector.shape_cast %get3A_655 : vector<1x196x512xf32> to vector<196x512xf32>
    %mul3A_657 = arith.mulf %get3A_651, %get3A_656 : vector<196x512xf32>
    %get3A_658 = arith.constant 0 : index
    %get3A_659 = arith.constant 0 : index
    %get3A_660 = vector.load %arg13[%get3A_658, %get3A_659] : memref<512x8xf32, #tpu.memory_space<vmem>>, vector<512x8xf32>
    %dot_general3A_661 = arith.constant dense<0.000000e+00> : vector<196x8xf32>
    %dot_general3A_662 = tpu.matmul %mul3A_657, %get3A_660, %dot_general3A_661 {dimension_numbers = #tpu.dot_dimension_numbers<[1], [0], [0], [1], [0, 0, 1, 1], [], []>, precision = #tpu.contract_precision<fp32>, transpose_lhs_hint = false} : vector<196x512xf32>, vector<512x8xf32>, vector<196x8xf32> -> vector<196x8xf32>
    %mul3A_663 = arith.constant 1.250000e-01 : f32
    %mul3A_664 = vector.broadcast %mul3A_663 : f32 to vector<196x8xf32>
    %mul3A_665 = arith.mulf %dot_general3A_662, %mul3A_664 : vector<196x8xf32>
    %mul3A_666 = arith.constant 0.000000e+00 : f32
    %mul3A_667 = vector.broadcast %mul3A_666 : f32 to vector<1x8xf32>
    %mul3A_668 = arith.mulf %mul3A_667, %get3A_465 : vector<1x8xf32>
    %sub3A_669 = vector.broadcast %mul3A_668 : vector<1x8xf32> to vector<196x8xf32>
    %sub3A_670 = arith.subf %mul3A_665, %sub3A_669 : vector<196x8xf32>
    %max3A_671 = arith.maximumf %sub3A_622, %sub3A_646 : vector<196x8xf32>
    %max3A_672 = arith.maximumf %max3A_671, %sub3A_670 : vector<196x8xf32>
    %sub3A_673 = arith.subf %sub3A_622, %max3A_672 : vector<196x8xf32>
    %exp3A_674 = math.exp %sub3A_673 : vector<196x8xf32>
    %sub3A_675 = arith.subf %sub3A_646, %max3A_672 : vector<196x8xf32>
    %exp3A_676 = math.exp %sub3A_675 : vector<196x8xf32>
    %sub3A_677 = arith.subf %sub3A_670, %max3A_672 : vector<196x8xf32>
    %exp3A_678 = math.exp %sub3A_677 : vector<196x8xf32>
    %add3A_679 = arith.addf %exp3A_674, %exp3A_676 : vector<196x8xf32>
    %add3A_680 = arith.addf %add3A_679, %exp3A_678 : vector<196x8xf32>
    %broadcast_in_dim3A_681 = arith.constant 0.000000e+00 : f32
    %broadcast_in_dim3A_682 = vector.broadcast %broadcast_in_dim3A_681 : f32 to vector<196x512xf32>
    %div3A_683 = arith.divf %exp3A_674, %add3A_680 : vector<196x8xf32>
    %get3A_684 = arith.constant 0 : index
    %get3A_685 = arith.constant 0 : index
    %get3A_686 = vector.load %arg14[%get3A_684, %get3A_685] : memref<8x512xf32, #tpu.memory_space<vmem>>, vector<8x512xf32>
    %dot_general3A_687 = arith.constant dense<0.000000e+00> : vector<196x512xf32>
    %dot_general3A_688 = tpu.matmul %div3A_683, %get3A_686, %dot_general3A_687 {dimension_numbers = #tpu.dot_dimension_numbers<[1], [0], [0], [1], [0, 0, 1, 1], [], []>, precision = #tpu.contract_precision<fp32>, transpose_lhs_hint = false} : vector<196x8xf32>, vector<8x512xf32>, vector<196x512xf32> -> vector<196x512xf32>
    %get3A_689 = arith.constant 0 : index
    %get3A_690 = arith.constant 0 : index
    %get3A_691 = arith.constant 0 : index
    %get3A_692 = vector.load %arg22[%get3A_689, %get3A_690, %get3A_691] : memref<5x196x512xf32, #tpu.memory_space<vmem>>, vector<1x196x512xf32>
    %get3A_693 = vector.shape_cast %get3A_692 : vector<1x196x512xf32> to vector<196x512xf32>
    %mul3A_694 = arith.mulf %dot_general3A_688, %get3A_693 : vector<196x512xf32>
    %add3A_695 = arith.addf %broadcast_in_dim3A_682, %mul3A_694 : vector<196x512xf32>
    %div3A_696 = arith.divf %exp3A_676, %add3A_680 : vector<196x8xf32>
    %get3A_697 = arith.constant 0 : index
    %get3A_698 = arith.constant 0 : index
    %get3A_699 = vector.load %arg14[%get3A_697, %get3A_698] : memref<8x512xf32, #tpu.memory_space<vmem>>, vector<8x512xf32>
    %dot_general3A_700 = arith.constant dense<0.000000e+00> : vector<196x512xf32>
    %dot_general3A_701 = tpu.matmul %div3A_696, %get3A_699, %dot_general3A_700 {dimension_numbers = #tpu.dot_dimension_numbers<[1], [0], [0], [1], [0, 0, 1, 1], [], []>, precision = #tpu.contract_precision<fp32>, transpose_lhs_hint = false} : vector<196x8xf32>, vector<8x512xf32>, vector<196x512xf32> -> vector<196x512xf32>
    %get3A_702 = arith.constant 1 : index
    %get3A_703 = arith.constant 0 : index
    %get3A_704 = arith.constant 0 : index
    %get3A_705 = vector.load %arg22[%get3A_702, %get3A_703, %get3A_704] : memref<5x196x512xf32, #tpu.memory_space<vmem>>, vector<1x196x512xf32>
    %get3A_706 = vector.shape_cast %get3A_705 : vector<1x196x512xf32> to vector<196x512xf32>
    %mul3A_707 = arith.mulf %dot_general3A_701, %get3A_706 : vector<196x512xf32>
    %add3A_708 = arith.addf %add3A_695, %mul3A_707 : vector<196x512xf32>
    %div3A_709 = arith.divf %exp3A_678, %add3A_680 : vector<196x8xf32>
    %get3A_710 = arith.constant 0 : index
    %get3A_711 = arith.constant 0 : index
    %get3A_712 = vector.load %arg14[%get3A_710, %get3A_711] : memref<8x512xf32, #tpu.memory_space<vmem>>, vector<8x512xf32>
    %dot_general3A_713 = arith.constant dense<0.000000e+00> : vector<196x512xf32>
    %dot_general3A_714 = tpu.matmul %div3A_709, %get3A_712, %dot_general3A_713 {dimension_numbers = #tpu.dot_dimension_numbers<[1], [0], [0], [1], [0, 0, 1, 1], [], []>, precision = #tpu.contract_precision<fp32>, transpose_lhs_hint = false} : vector<196x8xf32>, vector<8x512xf32>, vector<196x512xf32> -> vector<196x512xf32>
    %get3A_715 = arith.constant 2 : index
    %get3A_716 = arith.constant 0 : index
    %get3A_717 = arith.constant 0 : index
    %get3A_718 = vector.load %arg22[%get3A_715, %get3A_716, %get3A_717] : memref<5x196x512xf32, #tpu.memory_space<vmem>>, vector<1x196x512xf32>
    %get3A_719 = vector.shape_cast %get3A_718 : vector<1x196x512xf32> to vector<196x512xf32>
    %mul3A_720 = arith.mulf %dot_general3A_714, %get3A_719 : vector<196x512xf32>
    %add3A_721 = arith.addf %add3A_708, %mul3A_720 : vector<196x512xf32>
    %swap3A_722 = arith.constant 2 : index
    %swap3A_723 = arith.constant 0 : index
    %swap3A_724 = arith.constant 0 : index
    %swap3A_725 = vector.load %arg23[%swap3A_722, %swap3A_723, %swap3A_724] : memref<5x196x512xf32, #tpu.memory_space<vmem>>, vector<1x196x512xf32>
    %swap3A_726 = vector.shape_cast %swap3A_725 : vector<1x196x512xf32> to vector<196x512xf32>
    %swap3A_727 = vector.shape_cast %add3A_721 : vector<196x512xf32> to vector<1x196x512xf32>
    tpu.vector_store %arg23[%swap3A_722, %swap3A_723, %swap3A_724], %swap3A_727 {strides = array<i32>} : memref<5x196x512xf32, #tpu.memory_space<vmem>>, vector<1x196x512xf32>,
    %get3A_728 = arith.constant 3 : index
    %get3A_729 = arith.constant 0 : index
    %get3A_730 = arith.constant 0 : index
    %get3A_731 = vector.load %arg20[%get3A_728, %get3A_729, %get3A_730] : memref<5x196x512xf32, #tpu.memory_space<vmem>>, vector<1x196x512xf32>
    %get3A_732 = vector.shape_cast %get3A_731 : vector<1x196x512xf32> to vector<196x512xf32>
    %get3A_733 = arith.constant 0 : index
    %get3A_734 = arith.constant 0 : index
    %get3A_735 = arith.constant 0 : index
    %get3A_736 = vector.load %arg21[%get3A_733, %get3A_734, %get3A_735] : memref<5x196x512xf32, #tpu.memory_space<vmem>>, vector<1x196x512xf32>
    %get3A_737 = vector.shape_cast %get3A_736 : vector<1x196x512xf32> to vector<196x512xf32>
    %mul3A_738 = arith.mulf %get3A_732, %get3A_737 : vector<196x512xf32>
    %get3A_739 = arith.constant 0 : index
    %get3A_740 = arith.constant 0 : index
    %get3A_741 = vector.load %arg13[%get3A_739, %get3A_740] : memref<512x8xf32, #tpu.memory_space<vmem>>, vector<512x8xf32>
    %dot_general3A_742 = arith.constant dense<0.000000e+00> : vector<196x8xf32>
    %dot_general3A_743 = tpu.matmul %mul3A_738, %get3A_741, %dot_general3A_742 {dimension_numbers = #tpu.dot_dimension_numbers<[1], [0], [0], [1], [0, 0, 1, 1], [], []>, precision = #tpu.contract_precision<fp32>, transpose_lhs_hint = false} : vector<196x512xf32>, vector<512x8xf32>, vector<196x8xf32> -> vector<196x8xf32>
    %mul3A_744 = arith.constant 1.250000e-01 : f32
    %mul3A_745 = vector.broadcast %mul3A_744 : f32 to vector<196x8xf32>
    %mul3A_746 = arith.mulf %dot_general3A_743, %mul3A_745 : vector<196x8xf32>
    %mul3A_747 = arith.constant 3.000000e+00 : f32
    %mul3A_748 = vector.broadcast %mul3A_747 : f32 to vector<1x8xf32>
    %mul3A_749 = arith.mulf %mul3A_748, %get3A_465 : vector<1x8xf32>
    %sub3A_750 = vector.broadcast %mul3A_749 : vector<1x8xf32> to vector<196x8xf32>
    %sub3A_751 = arith.subf %mul3A_746, %sub3A_750 : vector<196x8xf32>
    %get3A_752 = arith.constant 3 : index
    %get3A_753 = arith.constant 0 : index
    %get3A_754 = arith.constant 0 : index
    %get3A_755 = vector.load %arg20[%get3A_752, %get3A_753, %get3A_754] : memref<5x196x512xf32, #tpu.memory_space<vmem>>, vector<1x196x512xf32>
    %get3A_756 = vector.shape_cast %get3A_755 : vector<1x196x512xf32> to vector<196x512xf32>
    %get3A_757 = arith.constant 1 : index
    %get3A_758 = arith.constant 0 : index
    %get3A_759 = arith.constant 0 : index
    %get3A_760 = vector.load %arg21[%get3A_757, %get3A_758, %get3A_759] : memref<5x196x512xf32, #tpu.memory_space<vmem>>, vector<1x196x512xf32>
    %get3A_761 = vector.shape_cast %get3A_760 : vector<1x196x512xf32> to vector<196x512xf32>
    %mul3A_762 = arith.mulf %get3A_756, %get3A_761 : vector<196x512xf32>
    %get3A_763 = arith.constant 0 : index
    %get3A_764 = arith.constant 0 : index
    %get3A_765 = vector.load %arg13[%get3A_763, %get3A_764] : memref<512x8xf32, #tpu.memory_space<vmem>>, vector<512x8xf32>
    %dot_general3A_766 = arith.constant dense<0.000000e+00> : vector<196x8xf32>
    %dot_general3A_767 = tpu.matmul %mul3A_762, %get3A_765, %dot_general3A_766 {dimension_numbers = #tpu.dot_dimension_numbers<[1], [0], [0], [1], [0, 0, 1, 1], [], []>, precision = #tpu.contract_precision<fp32>, transpose_lhs_hint = false} : vector<196x512xf32>, vector<512x8xf32>, vector<196x8xf32> -> vector<196x8xf32>
    %mul3A_768 = arith.constant 1.250000e-01 : f32
    %mul3A_769 = vector.broadcast %mul3A_768 : f32 to vector<196x8xf32>
    %mul3A_770 = arith.mulf %dot_general3A_767, %mul3A_769 : vector<196x8xf32>
    %mul3A_771 = arith.constant 2.000000e+00 : f32
    %mul3A_772 = vector.broadcast %mul3A_771 : f32 to vector<1x8xf32>
    %mul3A_773 = arith.mulf %mul3A_772, %get3A_465 : vector<1x8xf32>
    %sub3A_774 = vector.broadcast %mul3A_773 : vector<1x8xf32> to vector<196x8xf32>
    %sub3A_775 = arith.subf %mul3A_770, %sub3A_774 : vector<196x8xf32>
    %get3A_776 = arith.constant 3 : index
    %get3A_777 = arith.constant 0 : index
    %get3A_778 = arith.constant 0 : index
    %get3A_779 = vector.load %arg20[%get3A_776, %get3A_777, %get3A_778] : memref<5x196x512xf32, #tpu.memory_space<vmem>>, vector<1x196x512xf32>
    %get3A_780 = vector.shape_cast %get3A_779 : vector<1x196x512xf32> to vector<196x512xf32>
    %get3A_781 = arith.constant 2 : index
    %get3A_782 = arith.constant 0 : index
    %get3A_783 = arith.constant 0 : index
    %get3A_784 = vector.load %arg21[%get3A_781, %get3A_782, %get3A_783] : memref<5x196x512xf32, #tpu.memory_space<vmem>>, vector<1x196x512xf32>
    %get3A_785 = vector.shape_cast %get3A_784 : vector<1x196x512xf32> to vector<196x512xf32>
    %mul3A_786 = arith.mulf %get3A_780, %get3A_785 : vector<196x512xf32>
    %get3A_787 = arith.constant 0 : index
    %get3A_788 = arith.constant 0 : index
    %get3A_789 = vector.load %arg13[%get3A_787, %get3A_788] : memref<512x8xf32, #tpu.memory_space<vmem>>, vector<512x8xf32>
    %dot_general3A_790 = arith.constant dense<0.000000e+00> : vector<196x8xf32>
    %dot_general3A_791 = tpu.matmul %mul3A_786, %get3A_789, %dot_general3A_790 {dimension_numbers = #tpu.dot_dimension_numbers<[1], [0], [0], [1], [0, 0, 1, 1], [], []>, precision = #tpu.contract_precision<fp32>, transpose_lhs_hint = false} : vector<196x512xf32>, vector<512x8xf32>, vector<196x8xf32> -> vector<196x8xf32>
    %mul3A_792 = arith.constant 1.250000e-01 : f32
    %mul3A_793 = vector.broadcast %mul3A_792 : f32 to vector<196x8xf32>
    %mul3A_794 = arith.mulf %dot_general3A_791, %mul3A_793 : vector<196x8xf32>
    %mul3A_795 = arith.constant 1.000000e+00 : f32
    %mul3A_796 = vector.broadcast %mul3A_795 : f32 to vector<1x8xf32>
    %mul3A_797 = arith.mulf %mul3A_796, %get3A_465 : vector<1x8xf32>
    %sub3A_798 = vector.broadcast %mul3A_797 : vector<1x8xf32> to vector<196x8xf32>
    %sub3A_799 = arith.subf %mul3A_794, %sub3A_798 : vector<196x8xf32>
    %get3A_800 = arith.constant 3 : index
    %get3A_801 = arith.constant 0 : index
    %get3A_802 = arith.constant 0 : index
    %get3A_803 = vector.load %arg20[%get3A_800, %get3A_801, %get3A_802] : memref<5x196x512xf32, #tpu.memory_space<vmem>>, vector<1x196x512xf32>
    %get3A_804 = vector.shape_cast %get3A_803 : vector<1x196x512xf32> to vector<196x512xf32>
    %get3A_805 = arith.constant 3 : index
    %get3A_806 = arith.constant 0 : index
    %get3A_807 = arith.constant 0 : index
    %get3A_808 = vector.load %arg21[%get3A_805, %get3A_806, %get3A_807] : memref<5x196x512xf32, #tpu.memory_space<vmem>>, vector<1x196x512xf32>
    %get3A_809 = vector.shape_cast %get3A_808 : vector<1x196x512xf32> to vector<196x512xf32>
    %mul3A_810 = arith.mulf %get3A_804, %get3A_809 : vector<196x512xf32>
    %get3A_811 = arith.constant 0 : index
    %get3A_812 = arith.constant 0 : index
    %get3A_813 = vector.load %arg13[%get3A_811, %get3A_812] : memref<512x8xf32, #tpu.memory_space<vmem>>, vector<512x8xf32>
    %dot_general3A_814 = arith.constant dense<0.000000e+00> : vector<196x8xf32>
    %dot_general3A_815 = tpu.matmul %mul3A_810, %get3A_813, %dot_general3A_814 {dimension_numbers = #tpu.dot_dimension_numbers<[1], [0], [0], [1], [0, 0, 1, 1], [], []>, precision = #tpu.contract_precision<fp32>, transpose_lhs_hint = false} : vector<196x512xf32>, vector<512x8xf32>, vector<196x8xf32> -> vector<196x8xf32>
    %mul3A_816 = arith.constant 1.250000e-01 : f32
    %mul3A_817 = vector.broadcast %mul3A_816 : f32 to vector<196x8xf32>
    %mul3A_818 = arith.mulf %dot_general3A_815, %mul3A_817 : vector<196x8xf32>
    %mul3A_819 = arith.constant 0.000000e+00 : f32
    %mul3A_820 = vector.broadcast %mul3A_819 : f32 to vector<1x8xf32>
    %mul3A_821 = arith.mulf %mul3A_820, %get3A_465 : vector<1x8xf32>
    %sub3A_822 = vector.broadcast %mul3A_821 : vector<1x8xf32> to vector<196x8xf32>
    %sub3A_823 = arith.subf %mul3A_818, %sub3A_822 : vector<196x8xf32>
    %max3A_824 = arith.maximumf %sub3A_751, %sub3A_775 : vector<196x8xf32>
    %max3A_825 = arith.maximumf %max3A_824, %sub3A_799 : vector<196x8xf32>
    %max3A_826 = arith.maximumf %max3A_825, %sub3A_823 : vector<196x8xf32>
    %sub3A_827 = arith.subf %sub3A_751, %max3A_826 : vector<196x8xf32>
    %exp3A_828 = math.exp %sub3A_827 : vector<196x8xf32>
    %sub3A_829 = arith.subf %sub3A_775, %max3A_826 : vector<196x8xf32>
    %exp3A_830 = math.exp %sub3A_829 : vector<196x8xf32>
    %sub3A_831 = arith.subf %sub3A_799, %max3A_826 : vector<196x8xf32>
    %exp3A_832 = math.exp %sub3A_831 : vector<196x8xf32>
    %sub3A_833 = arith.subf %sub3A_823, %max3A_826 : vector<196x8xf32>
    %exp3A_834 = math.exp %sub3A_833 : vector<196x8xf32>
    %add3A_835 = arith.addf %exp3A_828, %exp3A_830 : vector<196x8xf32>
    %add3A_836 = arith.addf %add3A_835, %exp3A_832 : vector<196x8xf32>
    %add3A_837 = arith.addf %add3A_836, %exp3A_834 : vector<196x8xf32>
    %broadcast_in_dim3A_838 = arith.constant 0.000000e+00 : f32
    %broadcast_in_dim3A_839 = vector.broadcast %broadcast_in_dim3A_838 : f32 to vector<196x512xf32>
    %div3A_840 = arith.divf %exp3A_828, %add3A_837 : vector<196x8xf32>
    %get3A_841 = arith.constant 0 : index
    %get3A_842 = arith.constant 0 : index
    %get3A_843 = vector.load %arg14[%get3A_841, %get3A_842] : memref<8x512xf32, #tpu.memory_space<vmem>>, vector<8x512xf32>
    %dot_general3A_844 = arith.constant dense<0.000000e+00> : vector<196x512xf32>
    %dot_general3A_845 = tpu.matmul %div3A_840, %get3A_843, %dot_general3A_844 {dimension_numbers = #tpu.dot_dimension_numbers<[1], [0], [0], [1], [0, 0, 1, 1], [], []>, precision = #tpu.contract_precision<fp32>, transpose_lhs_hint = false} : vector<196x8xf32>, vector<8x512xf32>, vector<196x512xf32> -> vector<196x512xf32>
    %get3A_846 = arith.constant 0 : index
    %get3A_847 = arith.constant 0 : index
    %get3A_848 = arith.constant 0 : index
    %get3A_849 = vector.load %arg22[%get3A_846, %get3A_847, %get3A_848] : memref<5x196x512xf32, #tpu.memory_space<vmem>>, vector<1x196x512xf32>
    %get3A_850 = vector.shape_cast %get3A_849 : vector<1x196x512xf32> to vector<196x512xf32>
    %mul3A_851 = arith.mulf %dot_general3A_845, %get3A_850 : vector<196x512xf32>
    %add3A_852 = arith.addf %broadcast_in_dim3A_839, %mul3A_851 : vector<196x512xf32>
    %div3A_853 = arith.divf %exp3A_830, %add3A_837 : vector<196x8xf32>
    %get3A_854 = arith.constant 0 : index
    %get3A_855 = arith.constant 0 : index
    %get3A_856 = vector.load %arg14[%get3A_854, %get3A_855] : memref<8x512xf32, #tpu.memory_space<vmem>>, vector<8x512xf32>
    %dot_general3A_857 = arith.constant dense<0.000000e+00> : vector<196x512xf32>
    %dot_general3A_858 = tpu.matmul %div3A_853, %get3A_856, %dot_general3A_857 {dimension_numbers = #tpu.dot_dimension_numbers<[1], [0], [0], [1], [0, 0, 1, 1], [], []>, precision = #tpu.contract_precision<fp32>, transpose_lhs_hint = false} : vector<196x8xf32>, vector<8x512xf32>, vector<196x512xf32> -> vector<196x512xf32>
    %get3A_859 = arith.constant 1 : index
    %get3A_860 = arith.constant 0 : index
    %get3A_861 = arith.constant 0 : index
    %get3A_862 = vector.load %arg22[%get3A_859, %get3A_860, %get3A_861] : memref<5x196x512xf32, #tpu.memory_space<vmem>>, vector<1x196x512xf32>
    %get3A_863 = vector.shape_cast %get3A_862 : vector<1x196x512xf32> to vector<196x512xf32>
    %mul3A_864 = arith.mulf %dot_general3A_858, %get3A_863 : vector<196x512xf32>
    %add3A_865 = arith.addf %add3A_852, %mul3A_864 : vector<196x512xf32>
    %div3A_866 = arith.divf %exp3A_832, %add3A_837 : vector<196x8xf32>
    %get3A_867 = arith.constant 0 : index
    %get3A_868 = arith.constant 0 : index
    %get3A_869 = vector.load %arg14[%get3A_867, %get3A_868] : memref<8x512xf32, #tpu.memory_space<vmem>>, vector<8x512xf32>
    %dot_general3A_870 = arith.constant dense<0.000000e+00> : vector<196x512xf32>
    %dot_general3A_871 = tpu.matmul %div3A_866, %get3A_869, %dot_general3A_870 {dimension_numbers = #tpu.dot_dimension_numbers<[1], [0], [0], [1], [0, 0, 1, 1], [], []>, precision = #tpu.contract_precision<fp32>, transpose_lhs_hint = false} : vector<196x8xf32>, vector<8x512xf32>, vector<196x512xf32> -> vector<196x512xf32>
    %get3A_872 = arith.constant 2 : index
    %get3A_873 = arith.constant 0 : index
    %get3A_874 = arith.constant 0 : index
    %get3A_875 = vector.load %arg22[%get3A_872, %get3A_873, %get3A_874] : memref<5x196x512xf32, #tpu.memory_space<vmem>>, vector<1x196x512xf32>
    %get3A_876 = vector.shape_cast %get3A_875 : vector<1x196x512xf32> to vector<196x512xf32>
    %mul3A_877 = arith.mulf %dot_general3A_871, %get3A_876 : vector<196x512xf32>
    %add3A_878 = arith.addf %add3A_865, %mul3A_877 : vector<196x512xf32>
    %div3A_879 = arith.divf %exp3A_834, %add3A_837 : vector<196x8xf32>
    %get3A_880 = arith.constant 0 : index
    %get3A_881 = arith.constant 0 : index
    %get3A_882 = vector.load %arg14[%get3A_880, %get3A_881] : memref<8x512xf32, #tpu.memory_space<vmem>>, vector<8x512xf32>
    %dot_general3A_883 = arith.constant dense<0.000000e+00> : vector<196x512xf32>
    %dot_general3A_884 = tpu.matmul %div3A_879, %get3A_882, %dot_general3A_883 {dimension_numbers = #tpu.dot_dimension_numbers<[1], [0], [0], [1], [0, 0, 1, 1], [], []>, precision = #tpu.contract_precision<fp32>, transpose_lhs_hint = false} : vector<196x8xf32>, vector<8x512xf32>, vector<196x512xf32> -> vector<196x512xf32>
    %get3A_885 = arith.constant 3 : index
    %get3A_886 = arith.constant 0 : index
    %get3A_887 = arith.constant 0 : index
    %get3A_888 = vector.load %arg22[%get3A_885, %get3A_886, %get3A_887] : memref<5x196x512xf32, #tpu.memory_space<vmem>>, vector<1x196x512xf32>
    %get3A_889 = vector.shape_cast %get3A_888 : vector<1x196x512xf32> to vector<196x512xf32>
    %mul3A_890 = arith.mulf %dot_general3A_884, %get3A_889 : vector<196x512xf32>
    %add3A_891 = arith.addf %add3A_878, %mul3A_890 : vector<196x512xf32>
    %swap3A_892 = arith.constant 3 : index
    %swap3A_893 = arith.constant 0 : index
    %swap3A_894 = arith.constant 0 : index
    %swap3A_895 = vector.load %arg23[%swap3A_892, %swap3A_893, %swap3A_894] : memref<5x196x512xf32, #tpu.memory_space<vmem>>, vector<1x196x512xf32>
    %swap3A_896 = vector.shape_cast %swap3A_895 : vector<1x196x512xf32> to vector<196x512xf32>
    %swap3A_897 = vector.shape_cast %add3A_891 : vector<196x512xf32> to vector<1x196x512xf32>
    tpu.vector_store %arg23[%swap3A_892, %swap3A_893, %swap3A_894], %swap3A_897 {strides = array<i32>} : memref<5x196x512xf32, #tpu.memory_space<vmem>>, vector<1x196x512xf32>,
    %get3A_898 = arith.constant 4 : index
    %get3A_899 = arith.constant 0 : index
    %get3A_900 = arith.constant 0 : index
    %get3A_901 = vector.load %arg20[%get3A_898, %get3A_899, %get3A_900] : memref<5x196x512xf32, #tpu.memory_space<vmem>>, vector<1x196x512xf32>
    %get3A_902 = vector.shape_cast %get3A_901 : vector<1x196x512xf32> to vector<196x512xf32>
    %get3A_903 = arith.constant 0 : index
    %get3A_904 = arith.constant 0 : index
    %get3A_905 = arith.constant 0 : index
    %get3A_906 = vector.load %arg21[%get3A_903, %get3A_904, %get3A_905] : memref<5x196x512xf32, #tpu.memory_space<vmem>>, vector<1x196x512xf32>
    %get3A_907 = vector.shape_cast %get3A_906 : vector<1x196x512xf32> to vector<196x512xf32>
    %mul3A_908 = arith.mulf %get3A_902, %get3A_907 : vector<196x512xf32>
    %get3A_909 = arith.constant 0 : index
    %get3A_910 = arith.constant 0 : index
    %get3A_911 = vector.load %arg13[%get3A_909, %get3A_910] : memref<512x8xf32, #tpu.memory_space<vmem>>, vector<512x8xf32>
    %dot_general3A_912 = arith.constant dense<0.000000e+00> : vector<196x8xf32>
    %dot_general3A_913 = tpu.matmul %mul3A_908, %get3A_911, %dot_general3A_912 {dimension_numbers = #tpu.dot_dimension_numbers<[1], [0], [0], [1], [0, 0, 1, 1], [], []>, precision = #tpu.contract_precision<fp32>, transpose_lhs_hint = false} : vector<196x512xf32>, vector<512x8xf32>, vector<196x8xf32> -> vector<196x8xf32>
    %mul3A_914 = arith.constant 1.250000e-01 : f32
    %mul3A_915 = vector.broadcast %mul3A_914 : f32 to vector<196x8xf32>
    %mul3A_916 = arith.mulf %dot_general3A_913, %mul3A_915 : vector<196x8xf32>
    %mul3A_917 = arith.constant 4.000000e+00 : f32
    %mul3A_918 = vector.broadcast %mul3A_917 : f32 to vector<1x8xf32>
    %mul3A_919 = arith.mulf %mul3A_918, %get3A_465 : vector<1x8xf32>
    %sub3A_920 = vector.broadcast %mul3A_919 : vector<1x8xf32> to vector<196x8xf32>
    %sub3A_921 = arith.subf %mul3A_916, %sub3A_920 : vector<196x8xf32>
    %get3A_922 = arith.constant 4 : index
    %get3A_923 = arith.constant 0 : index
    %get3A_924 = arith.constant 0 : index
    %get3A_925 = vector.load %arg20[%get3A_922, %get3A_923, %get3A_924] : memref<5x196x512xf32, #tpu.memory_space<vmem>>, vector<1x196x512xf32>
    %get3A_926 = vector.shape_cast %get3A_925 : vector<1x196x512xf32> to vector<196x512xf32>
    %get3A_927 = arith.constant 1 : index
    %get3A_928 = arith.constant 0 : index
    %get3A_929 = arith.constant 0 : index
    %get3A_930 = vector.load %arg21[%get3A_927, %get3A_928, %get3A_929] : memref<5x196x512xf32, #tpu.memory_space<vmem>>, vector<1x196x512xf32>
    %get3A_931 = vector.shape_cast %get3A_930 : vector<1x196x512xf32> to vector<196x512xf32>
    %mul3A_932 = arith.mulf %get3A_926, %get3A_931 : vector<196x512xf32>
    %get3A_933 = arith.constant 0 : index
    %get3A_934 = arith.constant 0 : index
    %get3A_935 = vector.load %arg13[%get3A_933, %get3A_934] : memref<512x8xf32, #tpu.memory_space<vmem>>, vector<512x8xf32>
    %dot_general3A_936 = arith.constant dense<0.000000e+00> : vector<196x8xf32>
    %dot_general3A_937 = tpu.matmul %mul3A_932, %get3A_935, %dot_general3A_936 {dimension_numbers = #tpu.dot_dimension_numbers<[1], [0], [0], [1], [0, 0, 1, 1], [], []>, precision = #tpu.contract_precision<fp32>, transpose_lhs_hint = false} : vector<196x512xf32>, vector<512x8xf32>, vector<196x8xf32> -> vector<196x8xf32>
    %mul3A_938 = arith.constant 1.250000e-01 : f32
    %mul3A_939 = vector.broadcast %mul3A_938 : f32 to vector<196x8xf32>
    %mul3A_940 = arith.mulf %dot_general3A_937, %mul3A_939 : vector<196x8xf32>
    %mul3A_941 = arith.constant 3.000000e+00 : f32
    %mul3A_942 = vector.broadcast %mul3A_941 : f32 to vector<1x8xf32>
    %mul3A_943 = arith.mulf %mul3A_942, %get3A_465 : vector<1x8xf32>
    %sub3A_944 = vector.broadcast %mul3A_943 : vector<1x8xf32> to vector<196x8xf32>
    %sub3A_945 = arith.subf %mul3A_940, %sub3A_944 : vector<196x8xf32>
    %get3A_946 = arith.constant 4 : index
    %get3A_947 = arith.constant 0 : index
    %get3A_948 = arith.constant 0 : index
    %get3A_949 = vector.load %arg20[%get3A_946, %get3A_947, %get3A_948] : memref<5x196x512xf32, #tpu.memory_space<vmem>>, vector<1x196x512xf32>
    %get3A_950 = vector.shape_cast %get3A_949 : vector<1x196x512xf32> to vector<196x512xf32>
    %get3A_951 = arith.constant 2 : index
    %get3A_952 = arith.constant 0 : index
    %get3A_953 = arith.constant 0 : index
    %get3A_954 = vector.load %arg21[%get3A_951, %get3A_952, %get3A_953] : memref<5x196x512xf32, #tpu.memory_space<vmem>>, vector<1x196x512xf32>
    %get3A_955 = vector.shape_cast %get3A_954 : vector<1x196x512xf32> to vector<196x512xf32>
    %mul3A_956 = arith.mulf %get3A_950, %get3A_955 : vector<196x512xf32>
    %get3A_957 = arith.constant 0 : index
    %get3A_958 = arith.constant 0 : index
    %get3A_959 = vector.load %arg13[%get3A_957, %get3A_958] : memref<512x8xf32, #tpu.memory_space<vmem>>, vector<512x8xf32>
    %dot_general3A_960 = arith.constant dense<0.000000e+00> : vector<196x8xf32>
    %dot_general3A_961 = tpu.matmul %mul3A_956, %get3A_959, %dot_general3A_960 {dimension_numbers = #tpu.dot_dimension_numbers<[1], [0], [0], [1], [0, 0, 1, 1], [], []>, precision = #tpu.contract_precision<fp32>, transpose_lhs_hint = false} : vector<196x512xf32>, vector<512x8xf32>, vector<196x8xf32> -> vector<196x8xf32>
    %mul3A_962 = arith.constant 1.250000e-01 : f32
    %mul3A_963 = vector.broadcast %mul3A_962 : f32 to vector<196x8xf32>
    %mul3A_964 = arith.mulf %dot_general3A_961, %mul3A_963 : vector<196x8xf32>
    %mul3A_965 = arith.constant 2.000000e+00 : f32
    %mul3A_966 = vector.broadcast %mul3A_965 : f32 to vector<1x8xf32>
    %mul3A_967 = arith.mulf %mul3A_966, %get3A_465 : vector<1x8xf32>
    %sub3A_968 = vector.broadcast %mul3A_967 : vector<1x8xf32> to vector<196x8xf32>
    %sub3A_969 = arith.subf %mul3A_964, %sub3A_968 : vector<196x8xf32>
    %get3A_970 = arith.constant 4 : index
    %get3A_971 = arith.constant 0 : index
    %get3A_972 = arith.constant 0 : index
    %get3A_973 = vector.load %arg20[%get3A_970, %get3A_971, %get3A_972] : memref<5x196x512xf32, #tpu.memory_space<vmem>>, vector<1x196x512xf32>
    %get3A_974 = vector.shape_cast %get3A_973 : vector<1x196x512xf32> to vector<196x512xf32>
    %get3A_975 = arith.constant 3 : index
    %get3A_976 = arith.constant 0 : index
    %get3A_977 = arith.constant 0 : index
    %get3A_978 = vector.load %arg21[%get3A_975, %get3A_976, %get3A_977] : memref<5x196x512xf32, #tpu.memory_space<vmem>>, vector<1x196x512xf32>
    %get3A_979 = vector.shape_cast %get3A_978 : vector<1x196x512xf32> to vector<196x512xf32>
    %mul3A_980 = arith.mulf %get3A_974, %get3A_979 : vector<196x512xf32>
    %get3A_981 = arith.constant 0 : index
    %get3A_982 = arith.constant 0 : index
    %get3A_983 = vector.load %arg13[%get3A_981, %get3A_982] : memref<512x8xf32, #tpu.memory_space<vmem>>, vector<512x8xf32>
    %dot_general3A_984 = arith.constant dense<0.000000e+00> : vector<196x8xf32>
    %dot_general3A_985 = tpu.matmul %mul3A_980, %get3A_983, %dot_general3A_984 {dimension_numbers = #tpu.dot_dimension_numbers<[1], [0], [0], [1], [0, 0, 1, 1], [], []>, precision = #tpu.contract_precision<fp32>, transpose_lhs_hint = false} : vector<196x512xf32>, vector<512x8xf32>, vector<196x8xf32> -> vector<196x8xf32>
    %mul3A_986 = arith.constant 1.250000e-01 : f32
    %mul3A_987 = vector.broadcast %mul3A_986 : f32 to vector<196x8xf32>
    %mul3A_988 = arith.mulf %dot_general3A_985, %mul3A_987 : vector<196x8xf32>
    %mul3A_989 = arith.constant 1.000000e+00 : f32
    %mul3A_990 = vector.broadcast %mul3A_989 : f32 to vector<1x8xf32>
    %mul3A_991 = arith.mulf %mul3A_990, %get3A_465 : vector<1x8xf32>
    %sub3A_992 = vector.broadcast %mul3A_991 : vector<1x8xf32> to vector<196x8xf32>
    %sub3A_993 = arith.subf %mul3A_988, %sub3A_992 : vector<196x8xf32>
    %get3A_994 = arith.constant 4 : index
    %get3A_995 = arith.constant 0 : index
    %get3A_996 = arith.constant 0 : index
    %get3A_997 = vector.load %arg20[%get3A_994, %get3A_995, %get3A_996] : memref<5x196x512xf32, #tpu.memory_space<vmem>>, vector<1x196x512xf32>
    %get3A_998 = vector.shape_cast %get3A_997 : vector<1x196x512xf32> to vector<196x512xf32>
    %get3A_999 = arith.constant 4 : index
    %get3A_1000 = arith.constant 0 : index
    %get3A_1001 = arith.constant 0 : index
    %get3A_1002 = vector.load %arg21[%get3A_999, %get3A_1000, %get3A_1001] : memref<5x196x512xf32, #tpu.memory_space<vmem>>, vector<1x196x512xf32>
    %get3A_1003 = vector.shape_cast %get3A_1002 : vector<1x196x512xf32> to vector<196x512xf32>
    %mul3A_1004 = arith.mulf %get3A_998, %get3A_1003 : vector<196x512xf32>
    %get3A_1005 = arith.constant 0 : index
    %get3A_1006 = arith.constant 0 : index
    %get3A_1007 = vector.load %arg13[%get3A_1005, %get3A_1006] : memref<512x8xf32, #tpu.memory_space<vmem>>, vector<512x8xf32>
    %dot_general3A_1008 = arith.constant dense<0.000000e+00> : vector<196x8xf32>
    %dot_general3A_1009 = tpu.matmul %mul3A_1004, %get3A_1007, %dot_general3A_1008 {dimension_numbers = #tpu.dot_dimension_numbers<[1], [0], [0], [1], [0, 0, 1, 1], [], []>, precision = #tpu.contract_precision<fp32>, transpose_lhs_hint = false} : vector<196x512xf32>, vector<512x8xf32>, vector<196x8xf32> -> vector<196x8xf32>
    %mul3A_1010 = arith.constant 1.250000e-01 : f32
    %mul3A_1011 = vector.broadcast %mul3A_1010 : f32 to vector<196x8xf32>
    %mul3A_1012 = arith.mulf %dot_general3A_1009, %mul3A_1011 : vector<196x8xf32>
    %mul3A_1013 = arith.constant 0.000000e+00 : f32
    %mul3A_1014 = vector.broadcast %mul3A_1013 : f32 to vector<1x8xf32>
    %mul3A_1015 = arith.mulf %mul3A_1014, %get3A_465 : vector<1x8xf32>
    %sub3A_1016 = vector.broadcast %mul3A_1015 : vector<1x8xf32> to vector<196x8xf32>
    %sub3A_1017 = arith.subf %mul3A_1012, %sub3A_1016 : vector<196x8xf32>
    %max3A_1018 = arith.maximumf %sub3A_921, %sub3A_945 : vector<196x8xf32>
    %max3A_1019 = arith.maximumf %max3A_1018, %sub3A_969 : vector<196x8xf32>
    %max3A_1020 = arith.maximumf %max3A_1019, %sub3A_993 : vector<196x8xf32>
    %max3A_1021 = arith.maximumf %max3A_1020, %sub3A_1017 : vector<196x8xf32>
    %sub3A_1022 = arith.subf %sub3A_921, %max3A_1021 : vector<196x8xf32>
    %exp3A_1023 = math.exp %sub3A_1022 : vector<196x8xf32>
    %sub3A_1024 = arith.subf %sub3A_945, %max3A_1021 : vector<196x8xf32>
    %exp3A_1025 = math.exp %sub3A_1024 : vector<196x8xf32>
    %sub3A_1026 = arith.subf %sub3A_969, %max3A_1021 : vector<196x8xf32>
    %exp3A_1027 = math.exp %sub3A_1026 : vector<196x8xf32>
    %sub3A_1028 = arith.subf %sub3A_993, %max3A_1021 : vector<196x8xf32>
    %exp3A_1029 = math.exp %sub3A_1028 : vector<196x8xf32>
    %sub3A_1030 = arith.subf %sub3A_1017, %max3A_1021 : vector<196x8xf32>
    %exp3A_1031 = math.exp %sub3A_1030 : vector<196x8xf32>
    %add3A_1032 = arith.addf %exp3A_1023, %exp3A_1025 : vector<196x8xf32>
    %add3A_1033 = arith.addf %add3A_1032, %exp3A_1027 : vector<196x8xf32>
    %add3A_1034 = arith.addf %add3A_1033, %exp3A_1029 : vector<196x8xf32>
    %add3A_1035 = arith.addf %add3A_1034, %exp3A_1031 : vector<196x8xf32>
    %broadcast_in_dim3A_1036 = arith.constant 0.000000e+00 : f32
    %broadcast_in_dim3A_1037 = vector.broadcast %broadcast_in_dim3A_1036 : f32 to vector<196x512xf32>
    %div3A_1038 = arith.divf %exp3A_1023, %add3A_1035 : vector<196x8xf32>
    %get3A_1039 = arith.constant 0 : index
    %get3A_1040 = arith.constant 0 : index
    %get3A_1041 = vector.load %arg14[%get3A_1039, %get3A_1040] : memref<8x512xf32, #tpu.memory_space<vmem>>, vector<8x512xf32>
    %dot_general3A_1042 = arith.constant dense<0.000000e+00> : vector<196x512xf32>
    %dot_general3A_1043 = tpu.matmul %div3A_1038, %get3A_1041, %dot_general3A_1042 {dimension_numbers = #tpu.dot_dimension_numbers<[1], [0], [0], [1], [0, 0, 1, 1], [], []>, precision = #tpu.contract_precision<fp32>, transpose_lhs_hint = false} : vector<196x8xf32>, vector<8x512xf32>, vector<196x512xf32> -> vector<196x512xf32>
    %get3A_1044 = arith.constant 0 : index
    %get3A_1045 = arith.constant 0 : index
    %get3A_1046 = arith.constant 0 : index
    %get3A_1047 = vector.load %arg22[%get3A_1044, %get3A_1045, %get3A_1046] : memref<5x196x512xf32, #tpu.memory_space<vmem>>, vector<1x196x512xf32>
    %get3A_1048 = vector.shape_cast %get3A_1047 : vector<1x196x512xf32> to vector<196x512xf32>
    %mul3A_1049 = arith.mulf %dot_general3A_1043, %get3A_1048 : vector<196x512xf32>
    %add3A_1050 = arith.addf %broadcast_in_dim3A_1037, %mul3A_1049 : vector<196x512xf32>
    %div3A_1051 = arith.divf %exp3A_1025, %add3A_1035 : vector<196x8xf32>
    %get3A_1052 = arith.constant 0 : index
    %get3A_1053 = arith.constant 0 : index
    %get3A_1054 = vector.load %arg14[%get3A_1052, %get3A_1053] : memref<8x512xf32, #tpu.memory_space<vmem>>, vector<8x512xf32>
    %dot_general3A_1055 = arith.constant dense<0.000000e+00> : vector<196x512xf32>
    %dot_general3A_1056 = tpu.matmul %div3A_1051, %get3A_1054, %dot_general3A_1055 {dimension_numbers = #tpu.dot_dimension_numbers<[1], [0], [0], [1], [0, 0, 1, 1], [], []>, precision = #tpu.contract_precision<fp32>, transpose_lhs_hint = false} : vector<196x8xf32>, vector<8x512xf32>, vector<196x512xf32> -> vector<196x512xf32>
    %get3A_1057 = arith.constant 1 : index
    %get3A_1058 = arith.constant 0 : index
    %get3A_1059 = arith.constant 0 : index
    %get3A_1060 = vector.load %arg22[%get3A_1057, %get3A_1058, %get3A_1059] : memref<5x196x512xf32, #tpu.memory_space<vmem>>, vector<1x196x512xf32>
    %get3A_1061 = vector.shape_cast %get3A_1060 : vector<1x196x512xf32> to vector<196x512xf32>
    %mul3A_1062 = arith.mulf %dot_general3A_1056, %get3A_1061 : vector<196x512xf32>
    %add3A_1063 = arith.addf %add3A_1050, %mul3A_1062 : vector<196x512xf32>
    %div3A_1064 = arith.divf %exp3A_1027, %add3A_1035 : vector<196x8xf32>
    %get3A_1065 = arith.constant 0 : index
    %get3A_1066 = arith.constant 0 : index
    %get3A_1067 = vector.load %arg14[%get3A_1065, %get3A_1066] : memref<8x512xf32, #tpu.memory_space<vmem>>, vector<8x512xf32>
    %dot_general3A_1068 = arith.constant dense<0.000000e+00> : vector<196x512xf32>
    %dot_general3A_1069 = tpu.matmul %div3A_1064, %get3A_1067, %dot_general3A_1068 {dimension_numbers = #tpu.dot_dimension_numbers<[1], [0], [0], [1], [0, 0, 1, 1], [], []>, precision = #tpu.contract_precision<fp32>, transpose_lhs_hint = false} : vector<196x8xf32>, vector<8x512xf32>, vector<196x512xf32> -> vector<196x512xf32>
    %get3A_1070 = arith.constant 2 : index
    %get3A_1071 = arith.constant 0 : index
    %get3A_1072 = arith.constant 0 : index
    %get3A_1073 = vector.load %arg22[%get3A_1070, %get3A_1071, %get3A_1072] : memref<5x196x512xf32, #tpu.memory_space<vmem>>, vector<1x196x512xf32>
    %get3A_1074 = vector.shape_cast %get3A_1073 : vector<1x196x512xf32> to vector<196x512xf32>
    %mul3A_1075 = arith.mulf %dot_general3A_1069, %get3A_1074 : vector<196x512xf32>
    %add3A_1076 = arith.addf %add3A_1063, %mul3A_1075 : vector<196x512xf32>
    %div3A_1077 = arith.divf %exp3A_1029, %add3A_1035 : vector<196x8xf32>
    %get3A_1078 = arith.constant 0 : index
    %get3A_1079 = arith.constant 0 : index
    %get3A_1080 = vector.load %arg14[%get3A_1078, %get3A_1079] : memref<8x512xf32, #tpu.memory_space<vmem>>, vector<8x512xf32>
    %dot_general3A_1081 = arith.constant dense<0.000000e+00> : vector<196x512xf32>
    %dot_general3A_1082 = tpu.matmul %div3A_1077, %get3A_1080, %dot_general3A_1081 {dimension_numbers = #tpu.dot_dimension_numbers<[1], [0], [0], [1], [0, 0, 1, 1], [], []>, precision = #tpu.contract_precision<fp32>, transpose_lhs_hint = false} : vector<196x8xf32>, vector<8x512xf32>, vector<196x512xf32> -> vector<196x512xf32>
    %get3A_1083 = arith.constant 3 : index
    %get3A_1084 = arith.constant 0 : index
    %get3A_1085 = arith.constant 0 : index
    %get3A_1086 = vector.load %arg22[%get3A_1083, %get3A_1084, %get3A_1085] : memref<5x196x512xf32, #tpu.memory_space<vmem>>, vector<1x196x512xf32>
    %get3A_1087 = vector.shape_cast %get3A_1086 : vector<1x196x512xf32> to vector<196x512xf32>
    %mul3A_1088 = arith.mulf %dot_general3A_1082, %get3A_1087 : vector<196x512xf32>
    %add3A_1089 = arith.addf %add3A_1076, %mul3A_1088 : vector<196x512xf32>
    %div3A_1090 = arith.divf %exp3A_1031, %add3A_1035 : vector<196x8xf32>
    %get3A_1091 = arith.constant 0 : index
    %get3A_1092 = arith.constant 0 : index
    %get3A_1093 = vector.load %arg14[%get3A_1091, %get3A_1092] : memref<8x512xf32, #tpu.memory_space<vmem>>, vector<8x512xf32>
    %dot_general3A_1094 = arith.constant dense<0.000000e+00> : vector<196x512xf32>
    %dot_general3A_1095 = tpu.matmul %div3A_1090, %get3A_1093, %dot_general3A_1094 {dimension_numbers = #tpu.dot_dimension_numbers<[1], [0], [0], [1], [0, 0, 1, 1], [], []>, precision = #tpu.contract_precision<fp32>, transpose_lhs_hint = false} : vector<196x8xf32>, vector<8x512xf32>, vector<196x512xf32> -> vector<196x512xf32>
    %get3A_1096 = arith.constant 4 : index
    %get3A_1097 = arith.constant 0 : index
    %get3A_1098 = arith.constant 0 : index
    %get3A_1099 = vector.load %arg22[%get3A_1096, %get3A_1097, %get3A_1098] : memref<5x196x512xf32, #tpu.memory_space<vmem>>, vector<1x196x512xf32>
    %get3A_1100 = vector.shape_cast %get3A_1099 : vector<1x196x512xf32> to vector<196x512xf32>
    %mul3A_1101 = arith.mulf %dot_general3A_1095, %get3A_1100 : vector<196x512xf32>
    %add3A_1102 = arith.addf %add3A_1089, %mul3A_1101 : vector<196x512xf32>
    %swap3A_1103 = arith.constant 4 : index
    %swap3A_1104 = arith.constant 0 : index
    %swap3A_1105 = arith.constant 0 : index
    %swap3A_1106 = vector.load %arg23[%swap3A_1103, %swap3A_1104, %swap3A_1105] : memref<5x196x512xf32, #tpu.memory_space<vmem>>, vector<1x196x512xf32>
    %swap3A_1107 = vector.shape_cast %swap3A_1106 : vector<1x196x512xf32> to vector<196x512xf32>
    %swap3A_1108 = vector.shape_cast %add3A_1102 : vector<196x512xf32> to vector<1x196x512xf32>
    tpu.vector_store %arg23[%swap3A_1103, %swap3A_1104, %swap3A_1105], %swap3A_1108 {strides = array<i32>} : memref<5x196x512xf32, #tpu.memory_space<vmem>>, vector<1x196x512xf32>,
    %get3A_1109 = arith.constant 0 : index
    %get3A_1110 = arith.constant 0 : index
    %get3A_1111 = arith.constant 0 : index
    %get3A_1112 = vector.load %arg19[%get3A_1109, %get3A_1110, %get3A_1111] : memref<5x196x512xf32, #tpu.memory_space<vmem>>, vector<1x196x512xf32>
    %get3A_1113 = vector.shape_cast %get3A_1112 : vector<1x196x512xf32> to vector<196x512xf32>
    %get3A_1114 = arith.constant 0 : index
    %get3A_1115 = arith.constant 0 : index
    %get3A_1116 = arith.constant 0 : index
    %get3A_1117 = vector.load %arg23[%get3A_1114, %get3A_1115, %get3A_1116] : memref<5x196x512xf32, #tpu.memory_space<vmem>>, vector<1x196x512xf32>
    %get3A_1118 = vector.shape_cast %get3A_1117 : vector<1x196x512xf32> to vector<196x512xf32>
    %get3A_1119 = arith.constant 0 : index
    %get3A_1120 = arith.constant 0 : index
    %get3A_1121 = arith.constant 0 : index
    %get3A_1122 = vector.load %arg7[%get3A_1119, %get3A_1120, %get3A_1121] : memref<1x512x512xf32, #tpu.memory_space<vmem>>, vector<1x512x512xf32>
    %get3A_1123 = vector.shape_cast %get3A_1122 : vector<1x512x512xf32> to vector<512x512xf32>
    %dot_general3A_1124 = arith.constant dense<0.000000e+00> : vector<196x512xf32>
    %dot_general3A_1125 = tpu.matmul %get3A_1118, %get3A_1123, %dot_general3A_1124 {dimension_numbers = #tpu.dot_dimension_numbers<[1], [0], [0], [1], [0, 0, 1, 1], [], []>, transpose_lhs_hint = false} : vector<196x512xf32>, vector<512x512xf32>, vector<196x512xf32> -> vector<196x512xf32>
    %add3A_1126 = arith.addf %get3A_1113, %dot_general3A_1125 : vector<196x512xf32>
    %get3A_1127 = arith.constant 0 : index
    %get3A_1128 = arith.constant 0 : index
    %get3A_1129 = arith.constant 0 : index
    %get3A_1130 = vector.load %arg8[%get3A_1127, %get3A_1128, %get3A_1129] : memref<1x1x512xf32, #tpu.memory_space<vmem>>, vector<1x1x512xf32>
    %get3A_1131 = vector.shape_cast %get3A_1130 : vector<1x1x512xf32> to vector<1x512xf32>
    %get3A_1132 = arith.constant 0 : index
    %get3A_1133 = arith.constant 0 : index
    %get3A_1134 = arith.constant 0 : index
    %get3A_1135 = vector.load %arg9[%get3A_1132, %get3A_1133, %get3A_1134] : memref<1x1x512xf32, #tpu.memory_space<vmem>>, vector<1x1x512xf32>
    %get3A_1136 = vector.shape_cast %get3A_1135 : vector<1x1x512xf32> to vector<1x512xf32>
    %reduce_sum3A_1137 = arith.constant dense<0.000000e+00> : vector<196xf32>
    %reduce_sum3A_1138 = vector.multi_reduction <add>, %add3A_1126, %reduce_sum3A_1137 [1] : vector<196x512xf32> to vector<196xf32>
    %broadcast_in_dim3A_1139 = vector.shape_cast %reduce_sum3A_1138 : vector<196xf32> to vector<196x1xf32>
    %div3A_1140 = arith.constant 5.120000e+02 : f32
    %div3A_1141 = vector.broadcast %div3A_1140 : f32 to vector<196x1xf32>
    %div3A_1142 = arith.divf %broadcast_in_dim3A_1139, %div3A_1141 : vector<196x1xf32>
    %jit3A_1143 = arith.constant 0 : i32
    %reduce_sum3A_1144 = arith.constant dense<0.000000e+00> : vector<196xf32>
    %reduce_sum3A_1145 = vector.multi_reduction <add>, %add3A_1126, %reduce_sum3A_1144 [1] : vector<196x512xf32> to vector<196xf32>
    %broadcast_in_dim3A_1146 = vector.shape_cast %reduce_sum3A_1145 : vector<196xf32> to vector<196x1xf32>
    %div3A_1147 = arith.constant 5.120000e+02 : f32
    %div3A_1148 = vector.broadcast %div3A_1147 : f32 to vector<196x1xf32>
    %div3A_1149 = arith.divf %broadcast_in_dim3A_1146, %div3A_1148 : vector<196x1xf32>
    %sub3A_1150 = vector.broadcast %div3A_1149 : vector<196x1xf32> to vector<196x512xf32>
    %sub3A_1151 = arith.subf %add3A_1126, %sub3A_1150 : vector<196x512xf32>
    %square3A_1152 = arith.mulf %sub3A_1151, %sub3A_1151 : vector<196x512xf32>
    %convert_element_type3A_1153 = arith.sitofp %jit3A_1143 : i32 to f32
    %sub3A_1154 = arith.constant 5.120000e+02 : f32
    %sub3A_1155 = arith.subf %sub3A_1154, %convert_element_type3A_1153 : f32
    %reduce_sum3A_1156 = arith.constant dense<0.000000e+00> : vector<196xf32>
    %reduce_sum3A_1157 = vector.multi_reduction <add>, %square3A_1152, %reduce_sum3A_1156 [1] : vector<196x512xf32> to vector<196xf32>
    %broadcast_in_dim3A_1158 = vector.shape_cast %reduce_sum3A_1157 : vector<196xf32> to vector<196x1xf32>
    %div3A_1159 = vector.broadcast %sub3A_1155 : f32 to vector<196x1xf32>
    %div3A_1160 = arith.divf %broadcast_in_dim3A_1158, %div3A_1159 : vector<196x1xf32>
    %gt3A_1161 = arith.constant 0.000000e+00 : f32
    %gt3A_1162 = arith.cmpf ogt, %sub3A_1155, %gt3A_1161 : f32
    %jit3A_1163 = arith.constant 0x7FC00000 : f32
    %broadcast_in_dim3A_1164 = vector.broadcast %jit3A_1163 : f32 to vector<196x1xf32>
    %select_n3A_1165 = arith.select %gt3A_1162, %div3A_1160, %broadcast_in_dim3A_1164 : vector<196x1xf32>
    %sub3A_1166 = vector.broadcast %div3A_1142 : vector<196x1xf32> to vector<196x512xf32>
    %sub3A_1167 = arith.subf %add3A_1126, %sub3A_1166 : vector<196x512xf32>
    %add3A_1168 = arith.constant 9.99999974E-6 : f32
    %add3A_1169 = vector.broadcast %add3A_1168 : f32 to vector<196x1xf32>
    %add3A_1170 = arith.addf %select_n3A_1165, %add3A_1169 : vector<196x1xf32>
    %sqrt3A_1171 = math.sqrt %add3A_1170 : vector<196x1xf32>
    %div3A_1172 = vector.broadcast %sqrt3A_1171 : vector<196x1xf32> to vector<196x512xf32>
    %div3A_1173 = arith.divf %sub3A_1167, %div3A_1172 : vector<196x512xf32>
    %mul3A_1174 = vector.broadcast %get3A_1131 : vector<1x512xf32> to vector<196x512xf32>
    %mul3A_1175 = arith.mulf %div3A_1173, %mul3A_1174 : vector<196x512xf32>
    %add3A_1176 = vector.broadcast %get3A_1136 : vector<1x512xf32> to vector<196x512xf32>
    %add3A_1177 = arith.addf %mul3A_1175, %add3A_1176 : vector<196x512xf32>
    %get3A_1178 = arith.constant 0 : index
    %get3A_1179 = arith.constant 0 : index
    %get3A_1180 = arith.constant 0 : index
    %get3A_1181 = vector.load %arg10[%get3A_1178, %get3A_1179, %get3A_1180] : memref<1x512x1408xf32, #tpu.memory_space<vmem>>, vector<1x512x1408xf32>
    %get3A_1182 = vector.shape_cast %get3A_1181 : vector<1x512x1408xf32> to vector<512x1408xf32>
    %dot_general3A_1183 = arith.constant dense<0.000000e+00> : vector<196x1408xf32>
    %dot_general3A_1184 = tpu.matmul %add3A_1177, %get3A_1182, %dot_general3A_1183 {dimension_numbers = #tpu.dot_dimension_numbers<[1], [0], [0], [1], [0, 0, 1, 1], [], []>, transpose_lhs_hint = false} : vector<196x512xf32>, vector<512x1408xf32>, vector<196x1408xf32> -> vector<196x1408xf32>
    %get3A_1185 = arith.constant 0 : index
    %get3A_1186 = arith.constant 0 : index
    %get3A_1187 = arith.constant 0 : index
    %get3A_1188 = vector.load %arg11[%get3A_1185, %get3A_1186, %get3A_1187] : memref<1x512x1408xf32, #tpu.memory_space<vmem>>, vector<1x512x1408xf32>
    %get3A_1189 = vector.shape_cast %get3A_1188 : vector<1x512x1408xf32> to vector<512x1408xf32>
    %dot_general3A_1190 = arith.constant dense<0.000000e+00> : vector<196x1408xf32>
    %dot_general3A_1191 = tpu.matmul %add3A_1177, %get3A_1189, %dot_general3A_1190 {dimension_numbers = #tpu.dot_dimension_numbers<[1], [0], [0], [1], [0, 0, 1, 1], [], []>, transpose_lhs_hint = false} : vector<196x512xf32>, vector<512x1408xf32>, vector<196x1408xf32> -> vector<196x1408xf32>
    %integer_pow3A = arith.mulf %dot_general3A_1191, %dot_general3A_1191 : vector<196x1408xf32>
    %integer_pow3A_1192 = arith.mulf %dot_general3A_1191, %integer_pow3A : vector<196x1408xf32>
    %mul3A_1193 = arith.constant 4.471500e-02 : f32
    %mul3A_1194 = vector.broadcast %mul3A_1193 : f32 to vector<196x1408xf32>
    %mul3A_1195 = arith.mulf %mul3A_1194, %integer_pow3A_1192 : vector<196x1408xf32>
    %add3A_1196 = arith.addf %dot_general3A_1191, %mul3A_1195 : vector<196x1408xf32>
    %mul3A_1197 = arith.constant 0.797884583 : f32
    %mul3A_1198 = vector.broadcast %mul3A_1197 : f32 to vector<196x1408xf32>
    %mul3A_1199 = arith.mulf %mul3A_1198, %add3A_1196 : vector<196x1408xf32>
    %tanh3A = math.tanh %mul3A_1199 : vector<196x1408xf32>
    %add3A_1200 = arith.constant 1.000000e+00 : f32
    %add3A_1201 = vector.broadcast %add3A_1200 : f32 to vector<196x1408xf32>
    %add3A_1202 = arith.addf %add3A_1201, %tanh3A : vector<196x1408xf32>
    %mul3A_1203 = arith.constant 5.000000e-01 : f32
    %mul3A_1204 = vector.broadcast %mul3A_1203 : f32 to vector<196x1408xf32>
    %mul3A_1205 = arith.mulf %mul3A_1204, %add3A_1202 : vector<196x1408xf32>
    %mul3A_1206 = arith.mulf %dot_general3A_1191, %mul3A_1205 : vector<196x1408xf32>
    %mul3A_1207 = arith.mulf %dot_general3A_1184, %mul3A_1206 : vector<196x1408xf32>
    %get3A_1208 = arith.constant 0 : index
    %get3A_1209 = arith.constant 0 : index
    %get3A_1210 = arith.constant 0 : index
    %get3A_1211 = vector.load %arg12[%get3A_1208, %get3A_1209, %get3A_1210] : memref<1x1408x512xf32, #tpu.memory_space<vmem>>, vector<1x1408x512xf32>
    %get3A_1212 = vector.shape_cast %get3A_1211 : vector<1x1408x512xf32> to vector<1408x512xf32>
    %dot_general3A_1213 = arith.constant dense<0.000000e+00> : vector<196x512xf32>
    %dot_general3A_1214 = tpu.matmul %mul3A_1207, %get3A_1212, %dot_general3A_1213 {dimension_numbers = #tpu.dot_dimension_numbers<[1], [0], [0], [1], [0, 0, 1, 1], [], []>, transpose_lhs_hint = false} : vector<196x1408xf32>, vector<1408x512xf32>, vector<196x512xf32> -> vector<196x512xf32>
    %add3A_1215 = arith.addf %add3A_1126, %dot_general3A_1214 : vector<196x512xf32>
    %swap3A_1216 = arith.constant 0 : index
    %swap3A_1217 = arith.constant 0 : index
    %swap3A_1218 = arith.constant 0 : index
    %swap3A_1219 = vector.load %arg19[%swap3A_1216, %swap3A_1217, %swap3A_1218] : memref<5x196x512xf32, #tpu.memory_space<vmem>>, vector<1x196x512xf32>
    %swap3A_1220 = vector.shape_cast %swap3A_1219 : vector<1x196x512xf32> to vector<196x512xf32>
    %swap3A_1221 = vector.shape_cast %add3A_1215 : vector<196x512xf32> to vector<1x196x512xf32>
    tpu.vector_store %arg19[%swap3A_1216, %swap3A_1217, %swap3A_1218], %swap3A_1221 {strides = array<i32>} : memref<5x196x512xf32, #tpu.memory_space<vmem>>, vector<1x196x512xf32>,
    %eq3A_1222 = arith.constant 3 : i32
    %eq3A_1223 = arith.cmpi eq, %arg0, %eq3A_1222 : i32
    %convert_element_type3A_1224 = arith.extui %eq3A_1223 : i1 to i32
    %cond3A_1225 = arith.constant 0 : i32
    %cond3A_1226 = arith.cmpi ne, %convert_element_type3A_1224, %cond3A_1225 : i32
    scf.if %cond3A_1226 {
      %get3A_1707 = arith.constant 0 : index
      %get3A_1708 = arith.constant 0 : index
      %get3A_1709 = arith.constant 0 : index
      %get3A_1710 = vector.load %arg19[%get3A_1707, %get3A_1708, %get3A_1709] : memref<5x196x512xf32, #tpu.memory_space<vmem>>, vector<1x196x512xf32>
      %get3A_1711 = vector.shape_cast %get3A_1710 : vector<1x196x512xf32> to vector<196x512xf32>
      %get3A_1712 = arith.constant 0 : index
      %get3A_1713 = arith.constant 0 : index
      %get3A_1714 = vector.load %arg16[%get3A_1712, %get3A_1713] : memref<1x512xf32, #tpu.memory_space<vmem>>, vector<1x512xf32>
      %get3A_1715 = arith.constant 0 : index
      %get3A_1716 = arith.constant 0 : index
      %get3A_1717 = vector.load %arg17[%get3A_1715, %get3A_1716] : memref<1x512xf32, #tpu.memory_space<vmem>>, vector<1x512xf32>
      %reduce_sum3A_1718 = arith.constant dense<0.000000e+00> : vector<196xf32>
      %reduce_sum3A_1719 = vector.multi_reduction <add>, %get3A_1711, %reduce_sum3A_1718 [1] : vector<196x512xf32> to vector<196xf32>
      %broadcast_in_dim3A_1720 = vector.shape_cast %reduce_sum3A_1719 : vector<196xf32> to vector<196x1xf32>
      %div3A_1721 = arith.constant 5.120000e+02 : f32
      %div3A_1722 = vector.broadcast %div3A_1721 : f32 to vector<196x1xf32>
      %div3A_1723 = arith.divf %broadcast_in_dim3A_1720, %div3A_1722 : vector<196x1xf32>
      %jit3A_1724 = arith.constant 0 : i32
      %reduce_sum3A_1725 = arith.constant dense<0.000000e+00> : vector<196xf32>
      %reduce_sum3A_1726 = vector.multi_reduction <add>, %get3A_1711, %reduce_sum3A_1725 [1] : vector<196x512xf32> to vector<196xf32>
      %broadcast_in_dim3A_1727 = vector.shape_cast %reduce_sum3A_1726 : vector<196xf32> to vector<196x1xf32>
      %div3A_1728 = arith.constant 5.120000e+02 : f32
      %div3A_1729 = vector.broadcast %div3A_1728 : f32 to vector<196x1xf32>
      %div3A_1730 = arith.divf %broadcast_in_dim3A_1727, %div3A_1729 : vector<196x1xf32>
      %sub3A_1731 = vector.broadcast %div3A_1730 : vector<196x1xf32> to vector<196x512xf32>
      %sub3A_1732 = arith.subf %get3A_1711, %sub3A_1731 : vector<196x512xf32>
      %square3A_1733 = arith.mulf %sub3A_1732, %sub3A_1732 : vector<196x512xf32>
      %convert_element_type3A_1734 = arith.sitofp %jit3A_1724 : i32 to f32
      %sub3A_1735 = arith.constant 5.120000e+02 : f32
      %sub3A_1736 = arith.subf %sub3A_1735, %convert_element_type3A_1734 : f32
      %reduce_sum3A_1737 = arith.constant dense<0.000000e+00> : vector<196xf32>
      %reduce_sum3A_1738 = vector.multi_reduction <add>, %square3A_1733, %reduce_sum3A_1737 [1] : vector<196x512xf32> to vector<196xf32>
      %broadcast_in_dim3A_1739 = vector.shape_cast %reduce_sum3A_1738 : vector<196xf32> to vector<196x1xf32>
      %div3A_1740 = vector.broadcast %sub3A_1736 : f32 to vector<196x1xf32>
      %div3A_1741 = arith.divf %broadcast_in_dim3A_1739, %div3A_1740 : vector<196x1xf32>
      %gt3A_1742 = arith.constant 0.000000e+00 : f32
      %gt3A_1743 = arith.cmpf ogt, %sub3A_1736, %gt3A_1742 : f32
      %jit3A_1744 = arith.constant 0x7FC00000 : f32
      %broadcast_in_dim3A_1745 = vector.broadcast %jit3A_1744 : f32 to vector<196x1xf32>
      %select_n3A_1746 = arith.select %gt3A_1743, %div3A_1741, %broadcast_in_dim3A_1745 : vector<196x1xf32>
      %sub3A_1747 = vector.broadcast %div3A_1723 : vector<196x1xf32> to vector<196x512xf32>
      %sub3A_1748 = arith.subf %get3A_1711, %sub3A_1747 : vector<196x512xf32>
      %add3A_1749 = arith.constant 9.99999974E-6 : f32
      %add3A_1750 = vector.broadcast %add3A_1749 : f32 to vector<196x1xf32>
      %add3A_1751 = arith.addf %select_n3A_1746, %add3A_1750 : vector<196x1xf32>
      %sqrt3A_1752 = math.sqrt %add3A_1751 : vector<196x1xf32>
      %div3A_1753 = vector.broadcast %sqrt3A_1752 : vector<196x1xf32> to vector<196x512xf32>
      %div3A_1754 = arith.divf %sub3A_1748, %div3A_1753 : vector<196x512xf32>
      %mul3A_1755 = vector.broadcast %get3A_1714 : vector<1x512xf32> to vector<196x512xf32>
      %mul3A_1756 = arith.mulf %div3A_1754, %mul3A_1755 : vector<196x512xf32>
      %add3A_1757 = vector.broadcast %get3A_1717 : vector<1x512xf32> to vector<196x512xf32>
      %add3A_1758 = arith.addf %mul3A_1756, %add3A_1757 : vector<196x512xf32>
      %swap3A_1759 = arith.constant 0 : index
      %swap3A_1760 = arith.constant 0 : index
      %swap3A_1761 = arith.constant 0 : index
      %swap3A_1762 = vector.load %arg18[%swap3A_1759, %swap3A_1760, %swap3A_1761] : memref<5x196x512xf32, #tpu.memory_space<vmem>>, vector<1x196x512xf32>
      %swap3A_1763 = vector.shape_cast %swap3A_1762 : vector<1x196x512xf32> to vector<196x512xf32>
      %swap3A_1764 = vector.shape_cast %add3A_1758 : vector<196x512xf32> to vector<1x196x512xf32>
      tpu.vector_store %arg18[%swap3A_1759, %swap3A_1760, %swap3A_1761], %swap3A_1764 {strides = array<i32>} : memref<5x196x512xf32, #tpu.memory_space<vmem>>, vector<1x196x512xf32>,
    } else {
    }
    %get3A_1227 = arith.constant 1 : index
    %get3A_1228 = arith.constant 0 : index
    %get3A_1229 = arith.constant 0 : index
    %get3A_1230 = vector.load %arg19[%get3A_1227, %get3A_1228, %get3A_1229] : memref<5x196x512xf32, #tpu.memory_space<vmem>>, vector<1x196x512xf32>
    %get3A_1231 = vector.shape_cast %get3A_1230 : vector<1x196x512xf32> to vector<196x512xf32>
    %get3A_1232 = arith.constant 1 : index
    %get3A_1233 = arith.constant 0 : index
    %get3A_1234 = arith.constant 0 : index
    %get3A_1235 = vector.load %arg23[%get3A_1232, %get3A_1233, %get3A_1234] : memref<5x196x512xf32, #tpu.memory_space<vmem>>, vector<1x196x512xf32>
    %get3A_1236 = vector.shape_cast %get3A_1235 : vector<1x196x512xf32> to vector<196x512xf32>
    %get3A_1237 = arith.constant 0 : index
    %get3A_1238 = arith.constant 0 : index
    %get3A_1239 = arith.constant 0 : index
    %get3A_1240 = vector.load %arg7[%get3A_1237, %get3A_1238, %get3A_1239] : memref<1x512x512xf32, #tpu.memory_space<vmem>>, vector<1x512x512xf32>
    %get3A_1241 = vector.shape_cast %get3A_1240 : vector<1x512x512xf32> to vector<512x512xf32>
    %dot_general3A_1242 = arith.constant dense<0.000000e+00> : vector<196x512xf32>
    %dot_general3A_1243 = tpu.matmul %get3A_1236, %get3A_1241, %dot_general3A_1242 {dimension_numbers = #tpu.dot_dimension_numbers<[1], [0], [0], [1], [0, 0, 1, 1], [], []>, transpose_lhs_hint = false} : vector<196x512xf32>, vector<512x512xf32>, vector<196x512xf32> -> vector<196x512xf32>
    %add3A_1244 = arith.addf %get3A_1231, %dot_general3A_1243 : vector<196x512xf32>
    %get3A_1245 = arith.constant 0 : index
    %get3A_1246 = arith.constant 0 : index
    %get3A_1247 = arith.constant 0 : index
    %get3A_1248 = vector.load %arg8[%get3A_1245, %get3A_1246, %get3A_1247] : memref<1x1x512xf32, #tpu.memory_space<vmem>>, vector<1x1x512xf32>
    %get3A_1249 = vector.shape_cast %get3A_1248 : vector<1x1x512xf32> to vector<1x512xf32>
    %get3A_1250 = arith.constant 0 : index
    %get3A_1251 = arith.constant 0 : index
    %get3A_1252 = arith.constant 0 : index
    %get3A_1253 = vector.load %arg9[%get3A_1250, %get3A_1251, %get3A_1252] : memref<1x1x512xf32, #tpu.memory_space<vmem>>, vector<1x1x512xf32>
    %get3A_1254 = vector.shape_cast %get3A_1253 : vector<1x1x512xf32> to vector<1x512xf32>
    %reduce_sum3A_1255 = arith.constant dense<0.000000e+00> : vector<196xf32>
    %reduce_sum3A_1256 = vector.multi_reduction <add>, %add3A_1244, %reduce_sum3A_1255 [1] : vector<196x512xf32> to vector<196xf32>
    %broadcast_in_dim3A_1257 = vector.shape_cast %reduce_sum3A_1256 : vector<196xf32> to vector<196x1xf32>
    %div3A_1258 = arith.constant 5.120000e+02 : f32
    %div3A_1259 = vector.broadcast %div3A_1258 : f32 to vector<196x1xf32>
    %div3A_1260 = arith.divf %broadcast_in_dim3A_1257, %div3A_1259 : vector<196x1xf32>
    %jit3A_1261 = arith.constant 0 : i32
    %reduce_sum3A_1262 = arith.constant dense<0.000000e+00> : vector<196xf32>
    %reduce_sum3A_1263 = vector.multi_reduction <add>, %add3A_1244, %reduce_sum3A_1262 [1] : vector<196x512xf32> to vector<196xf32>
    %broadcast_in_dim3A_1264 = vector.shape_cast %reduce_sum3A_1263 : vector<196xf32> to vector<196x1xf32>
    %div3A_1265 = arith.constant 5.120000e+02 : f32
    %div3A_1266 = vector.broadcast %div3A_1265 : f32 to vector<196x1xf32>
    %div3A_1267 = arith.divf %broadcast_in_dim3A_1264, %div3A_1266 : vector<196x1xf32>
    %sub3A_1268 = vector.broadcast %div3A_1267 : vector<196x1xf32> to vector<196x512xf32>
    %sub3A_1269 = arith.subf %add3A_1244, %sub3A_1268 : vector<196x512xf32>
    %square3A_1270 = arith.mulf %sub3A_1269, %sub3A_1269 : vector<196x512xf32>
    %convert_element_type3A_1271 = arith.sitofp %jit3A_1261 : i32 to f32
    %sub3A_1272 = arith.constant 5.120000e+02 : f32
    %sub3A_1273 = arith.subf %sub3A_1272, %convert_element_type3A_1271 : f32
    %reduce_sum3A_1274 = arith.constant dense<0.000000e+00> : vector<196xf32>
    %reduce_sum3A_1275 = vector.multi_reduction <add>, %square3A_1270, %reduce_sum3A_1274 [1] : vector<196x512xf32> to vector<196xf32>
    %broadcast_in_dim3A_1276 = vector.shape_cast %reduce_sum3A_1275 : vector<196xf32> to vector<196x1xf32>
    %div3A_1277 = vector.broadcast %sub3A_1273 : f32 to vector<196x1xf32>
    %div3A_1278 = arith.divf %broadcast_in_dim3A_1276, %div3A_1277 : vector<196x1xf32>
    %gt3A_1279 = arith.constant 0.000000e+00 : f32
    %gt3A_1280 = arith.cmpf ogt, %sub3A_1273, %gt3A_1279 : f32
    %jit3A_1281 = arith.constant 0x7FC00000 : f32
    %broadcast_in_dim3A_1282 = vector.broadcast %jit3A_1281 : f32 to vector<196x1xf32>
    %select_n3A_1283 = arith.select %gt3A_1280, %div3A_1278, %broadcast_in_dim3A_1282 : vector<196x1xf32>
    %sub3A_1284 = vector.broadcast %div3A_1260 : vector<196x1xf32> to vector<196x512xf32>
    %sub3A_1285 = arith.subf %add3A_1244, %sub3A_1284 : vector<196x512xf32>
    %add3A_1286 = arith.constant 9.99999974E-6 : f32
    %add3A_1287 = vector.broadcast %add3A_1286 : f32 to vector<196x1xf32>
    %add3A_1288 = arith.addf %select_n3A_1283, %add3A_1287 : vector<196x1xf32>
    %sqrt3A_1289 = math.sqrt %add3A_1288 : vector<196x1xf32>
    %div3A_1290 = vector.broadcast %sqrt3A_1289 : vector<196x1xf32> to vector<196x512xf32>
    %div3A_1291 = arith.divf %sub3A_1285, %div3A_1290 : vector<196x512xf32>
    %mul3A_1292 = vector.broadcast %get3A_1249 : vector<1x512xf32> to vector<196x512xf32>
    %mul3A_1293 = arith.mulf %div3A_1291, %mul3A_1292 : vector<196x512xf32>
    %add3A_1294 = vector.broadcast %get3A_1254 : vector<1x512xf32> to vector<196x512xf32>
    %add3A_1295 = arith.addf %mul3A_1293, %add3A_1294 : vector<196x512xf32>
    %get3A_1296 = arith.constant 0 : index
    %get3A_1297 = arith.constant 0 : index
    %get3A_1298 = arith.constant 0 : index
    %get3A_1299 = vector.load %arg10[%get3A_1296, %get3A_1297, %get3A_1298] : memref<1x512x1408xf32, #tpu.memory_space<vmem>>, vector<1x512x1408xf32>
    %get3A_1300 = vector.shape_cast %get3A_1299 : vector<1x512x1408xf32> to vector<512x1408xf32>
    %dot_general3A_1301 = arith.constant dense<0.000000e+00> : vector<196x1408xf32>
    %dot_general3A_1302 = tpu.matmul %add3A_1295, %get3A_1300, %dot_general3A_1301 {dimension_numbers = #tpu.dot_dimension_numbers<[1], [0], [0], [1], [0, 0, 1, 1], [], []>, transpose_lhs_hint = false} : vector<196x512xf32>, vector<512x1408xf32>, vector<196x1408xf32> -> vector<196x1408xf32>
    %get3A_1303 = arith.constant 0 : index
    %get3A_1304 = arith.constant 0 : index
    %get3A_1305 = arith.constant 0 : index
    %get3A_1306 = vector.load %arg11[%get3A_1303, %get3A_1304, %get3A_1305] : memref<1x512x1408xf32, #tpu.memory_space<vmem>>, vector<1x512x1408xf32>
    %get3A_1307 = vector.shape_cast %get3A_1306 : vector<1x512x1408xf32> to vector<512x1408xf32>
    %dot_general3A_1308 = arith.constant dense<0.000000e+00> : vector<196x1408xf32>
    %dot_general3A_1309 = tpu.matmul %add3A_1295, %get3A_1307, %dot_general3A_1308 {dimension_numbers = #tpu.dot_dimension_numbers<[1], [0], [0], [1], [0, 0, 1, 1], [], []>, transpose_lhs_hint = false} : vector<196x512xf32>, vector<512x1408xf32>, vector<196x1408xf32> -> vector<196x1408xf32>
    %integer_pow3A_1310 = arith.mulf %dot_general3A_1309, %dot_general3A_1309 : vector<196x1408xf32>
    %integer_pow3A_1311 = arith.mulf %dot_general3A_1309, %integer_pow3A_1310 : vector<196x1408xf32>
    %mul3A_1312 = arith.constant 4.471500e-02 : f32
    %mul3A_1313 = vector.broadcast %mul3A_1312 : f32 to vector<196x1408xf32>
    %mul3A_1314 = arith.mulf %mul3A_1313, %integer_pow3A_1311 : vector<196x1408xf32>
    %add3A_1315 = arith.addf %dot_general3A_1309, %mul3A_1314 : vector<196x1408xf32>
    %mul3A_1316 = arith.constant 0.797884583 : f32
    %mul3A_1317 = vector.broadcast %mul3A_1316 : f32 to vector<196x1408xf32>
    %mul3A_1318 = arith.mulf %mul3A_1317, %add3A_1315 : vector<196x1408xf32>
    %tanh3A_1319 = math.tanh %mul3A_1318 : vector<196x1408xf32>
    %add3A_1320 = arith.constant 1.000000e+00 : f32
    %add3A_1321 = vector.broadcast %add3A_1320 : f32 to vector<196x1408xf32>
    %add3A_1322 = arith.addf %add3A_1321, %tanh3A_1319 : vector<196x1408xf32>
    %mul3A_1323 = arith.constant 5.000000e-01 : f32
    %mul3A_1324 = vector.broadcast %mul3A_1323 : f32 to vector<196x1408xf32>
    %mul3A_1325 = arith.mulf %mul3A_1324, %add3A_1322 : vector<196x1408xf32>
    %mul3A_1326 = arith.mulf %dot_general3A_1309, %mul3A_1325 : vector<196x1408xf32>
    %mul3A_1327 = arith.mulf %dot_general3A_1302, %mul3A_1326 : vector<196x1408xf32>
    %get3A_1328 = arith.constant 0 : index
    %get3A_1329 = arith.constant 0 : index
    %get3A_1330 = arith.constant 0 : index
    %get3A_1331 = vector.load %arg12[%get3A_1328, %get3A_1329, %get3A_1330] : memref<1x1408x512xf32, #tpu.memory_space<vmem>>, vector<1x1408x512xf32>
    %get3A_1332 = vector.shape_cast %get3A_1331 : vector<1x1408x512xf32> to vector<1408x512xf32>
    %dot_general3A_1333 = arith.constant dense<0.000000e+00> : vector<196x512xf32>
    %dot_general3A_1334 = tpu.matmul %mul3A_1327, %get3A_1332, %dot_general3A_1333 {dimension_numbers = #tpu.dot_dimension_numbers<[1], [0], [0], [1], [0, 0, 1, 1], [], []>, transpose_lhs_hint = false} : vector<196x1408xf32>, vector<1408x512xf32>, vector<196x512xf32> -> vector<196x512xf32>
    %add3A_1335 = arith.addf %add3A_1244, %dot_general3A_1334 : vector<196x512xf32>
    %swap3A_1336 = arith.constant 1 : index
    %swap3A_1337 = arith.constant 0 : index
    %swap3A_1338 = arith.constant 0 : index
    %swap3A_1339 = vector.load %arg19[%swap3A_1336, %swap3A_1337, %swap3A_1338] : memref<5x196x512xf32, #tpu.memory_space<vmem>>, vector<1x196x512xf32>
    %swap3A_1340 = vector.shape_cast %swap3A_1339 : vector<1x196x512xf32> to vector<196x512xf32>
    %swap3A_1341 = vector.shape_cast %add3A_1335 : vector<196x512xf32> to vector<1x196x512xf32>
    tpu.vector_store %arg19[%swap3A_1336, %swap3A_1337, %swap3A_1338], %swap3A_1341 {strides = array<i32>} : memref<5x196x512xf32, #tpu.memory_space<vmem>>, vector<1x196x512xf32>,
    %eq3A_1342 = arith.constant 3 : i32
    %eq3A_1343 = arith.cmpi eq, %arg0, %eq3A_1342 : i32
    %convert_element_type3A_1344 = arith.extui %eq3A_1343 : i1 to i32
    %cond3A_1345 = arith.constant 0 : i32
    %cond3A_1346 = arith.cmpi ne, %convert_element_type3A_1344, %cond3A_1345 : i32
    scf.if %cond3A_1346 {
      %get3A_1707 = arith.constant 1 : index
      %get3A_1708 = arith.constant 0 : index
      %get3A_1709 = arith.constant 0 : index
      %get3A_1710 = vector.load %arg19[%get3A_1707, %get3A_1708, %get3A_1709] : memref<5x196x512xf32, #tpu.memory_space<vmem>>, vector<1x196x512xf32>
      %get3A_1711 = vector.shape_cast %get3A_1710 : vector<1x196x512xf32> to vector<196x512xf32>
      %get3A_1712 = arith.constant 0 : index
      %get3A_1713 = arith.constant 0 : index
      %get3A_1714 = vector.load %arg16[%get3A_1712, %get3A_1713] : memref<1x512xf32, #tpu.memory_space<vmem>>, vector<1x512xf32>
      %get3A_1715 = arith.constant 0 : index
      %get3A_1716 = arith.constant 0 : index
      %get3A_1717 = vector.load %arg17[%get3A_1715, %get3A_1716] : memref<1x512xf32, #tpu.memory_space<vmem>>, vector<1x512xf32>
      %reduce_sum3A_1718 = arith.constant dense<0.000000e+00> : vector<196xf32>
      %reduce_sum3A_1719 = vector.multi_reduction <add>, %get3A_1711, %reduce_sum3A_1718 [1] : vector<196x512xf32> to vector<196xf32>
      %broadcast_in_dim3A_1720 = vector.shape_cast %reduce_sum3A_1719 : vector<196xf32> to vector<196x1xf32>
      %div3A_1721 = arith.constant 5.120000e+02 : f32
      %div3A_1722 = vector.broadcast %div3A_1721 : f32 to vector<196x1xf32>
      %div3A_1723 = arith.divf %broadcast_in_dim3A_1720, %div3A_1722 : vector<196x1xf32>
      %jit3A_1724 = arith.constant 0 : i32
      %reduce_sum3A_1725 = arith.constant dense<0.000000e+00> : vector<196xf32>
      %reduce_sum3A_1726 = vector.multi_reduction <add>, %get3A_1711, %reduce_sum3A_1725 [1] : vector<196x512xf32> to vector<196xf32>
      %broadcast_in_dim3A_1727 = vector.shape_cast %reduce_sum3A_1726 : vector<196xf32> to vector<196x1xf32>
      %div3A_1728 = arith.constant 5.120000e+02 : f32
      %div3A_1729 = vector.broadcast %div3A_1728 : f32 to vector<196x1xf32>
      %div3A_1730 = arith.divf %broadcast_in_dim3A_1727, %div3A_1729 : vector<196x1xf32>
      %sub3A_1731 = vector.broadcast %div3A_1730 : vector<196x1xf32> to vector<196x512xf32>
      %sub3A_1732 = arith.subf %get3A_1711, %sub3A_1731 : vector<196x512xf32>
      %square3A_1733 = arith.mulf %sub3A_1732, %sub3A_1732 : vector<196x512xf32>
      %convert_element_type3A_1734 = arith.sitofp %jit3A_1724 : i32 to f32
      %sub3A_1735 = arith.constant 5.120000e+02 : f32
      %sub3A_1736 = arith.subf %sub3A_1735, %convert_element_type3A_1734 : f32
      %reduce_sum3A_1737 = arith.constant dense<0.000000e+00> : vector<196xf32>
      %reduce_sum3A_1738 = vector.multi_reduction <add>, %square3A_1733, %reduce_sum3A_1737 [1] : vector<196x512xf32> to vector<196xf32>
      %broadcast_in_dim3A_1739 = vector.shape_cast %reduce_sum3A_1738 : vector<196xf32> to vector<196x1xf32>
      %div3A_1740 = vector.broadcast %sub3A_1736 : f32 to vector<196x1xf32>
      %div3A_1741 = arith.divf %broadcast_in_dim3A_1739, %div3A_1740 : vector<196x1xf32>
      %gt3A_1742 = arith.constant 0.000000e+00 : f32
      %gt3A_1743 = arith.cmpf ogt, %sub3A_1736, %gt3A_1742 : f32
      %jit3A_1744 = arith.constant 0x7FC00000 : f32
      %broadcast_in_dim3A_1745 = vector.broadcast %jit3A_1744 : f32 to vector<196x1xf32>
      %select_n3A_1746 = arith.select %gt3A_1743, %div3A_1741, %broadcast_in_dim3A_1745 : vector<196x1xf32>
      %sub3A_1747 = vector.broadcast %div3A_1723 : vector<196x1xf32> to vector<196x512xf32>
      %sub3A_1748 = arith.subf %get3A_1711, %sub3A_1747 : vector<196x512xf32>
      %add3A_1749 = arith.constant 9.99999974E-6 : f32
      %add3A_1750 = vector.broadcast %add3A_1749 : f32 to vector<196x1xf32>
      %add3A_1751 = arith.addf %select_n3A_1746, %add3A_1750 : vector<196x1xf32>
      %sqrt3A_1752 = math.sqrt %add3A_1751 : vector<196x1xf32>
      %div3A_1753 = vector.broadcast %sqrt3A_1752 : vector<196x1xf32> to vector<196x512xf32>
      %div3A_1754 = arith.divf %sub3A_1748, %div3A_1753 : vector<196x512xf32>
      %mul3A_1755 = vector.broadcast %get3A_1714 : vector<1x512xf32> to vector<196x512xf32>
      %mul3A_1756 = arith.mulf %div3A_1754, %mul3A_1755 : vector<196x512xf32>
      %add3A_1757 = vector.broadcast %get3A_1717 : vector<1x512xf32> to vector<196x512xf32>
      %add3A_1758 = arith.addf %mul3A_1756, %add3A_1757 : vector<196x512xf32>
      %swap3A_1759 = arith.constant 1 : index
      %swap3A_1760 = arith.constant 0 : index
      %swap3A_1761 = arith.constant 0 : index
      %swap3A_1762 = vector.load %arg18[%swap3A_1759, %swap3A_1760, %swap3A_1761] : memref<5x196x512xf32, #tpu.memory_space<vmem>>, vector<1x196x512xf32>
      %swap3A_1763 = vector.shape_cast %swap3A_1762 : vector<1x196x512xf32> to vector<196x512xf32>
      %swap3A_1764 = vector.shape_cast %add3A_1758 : vector<196x512xf32> to vector<1x196x512xf32>
      tpu.vector_store %arg18[%swap3A_1759, %swap3A_1760, %swap3A_1761], %swap3A_1764 {strides = array<i32>} : memref<5x196x512xf32, #tpu.memory_space<vmem>>, vector<1x196x512xf32>,
    } else {
    }
    %get3A_1347 = arith.constant 2 : index
    %get3A_1348 = arith.constant 0 : index
    %get3A_1349 = arith.constant 0 : index
    %get3A_1350 = vector.load %arg19[%get3A_1347, %get3A_1348, %get3A_1349] : memref<5x196x512xf32, #tpu.memory_space<vmem>>, vector<1x196x512xf32>
    %get3A_1351 = vector.shape_cast %get3A_1350 : vector<1x196x512xf32> to vector<196x512xf32>
    %get3A_1352 = arith.constant 2 : index
    %get3A_1353 = arith.constant 0 : index
    %get3A_1354 = arith.constant 0 : index
    %get3A_1355 = vector.load %arg23[%get3A_1352, %get3A_1353, %get3A_1354] : memref<5x196x512xf32, #tpu.memory_space<vmem>>, vector<1x196x512xf32>
    %get3A_1356 = vector.shape_cast %get3A_1355 : vector<1x196x512xf32> to vector<196x512xf32>
    %get3A_1357 = arith.constant 0 : index
    %get3A_1358 = arith.constant 0 : index
    %get3A_1359 = arith.constant 0 : index
    %get3A_1360 = vector.load %arg7[%get3A_1357, %get3A_1358, %get3A_1359] : memref<1x512x512xf32, #tpu.memory_space<vmem>>, vector<1x512x512xf32>
    %get3A_1361 = vector.shape_cast %get3A_1360 : vector<1x512x512xf32> to vector<512x512xf32>
    %dot_general3A_1362 = arith.constant dense<0.000000e+00> : vector<196x512xf32>
    %dot_general3A_1363 = tpu.matmul %get3A_1356, %get3A_1361, %dot_general3A_1362 {dimension_numbers = #tpu.dot_dimension_numbers<[1], [0], [0], [1], [0, 0, 1, 1], [], []>, transpose_lhs_hint = false} : vector<196x512xf32>, vector<512x512xf32>, vector<196x512xf32> -> vector<196x512xf32>
    %add3A_1364 = arith.addf %get3A_1351, %dot_general3A_1363 : vector<196x512xf32>
    %get3A_1365 = arith.constant 0 : index
    %get3A_1366 = arith.constant 0 : index
    %get3A_1367 = arith.constant 0 : index
    %get3A_1368 = vector.load %arg8[%get3A_1365, %get3A_1366, %get3A_1367] : memref<1x1x512xf32, #tpu.memory_space<vmem>>, vector<1x1x512xf32>
    %get3A_1369 = vector.shape_cast %get3A_1368 : vector<1x1x512xf32> to vector<1x512xf32>
    %get3A_1370 = arith.constant 0 : index
    %get3A_1371 = arith.constant 0 : index
    %get3A_1372 = arith.constant 0 : index
    %get3A_1373 = vector.load %arg9[%get3A_1370, %get3A_1371, %get3A_1372] : memref<1x1x512xf32, #tpu.memory_space<vmem>>, vector<1x1x512xf32>
    %get3A_1374 = vector.shape_cast %get3A_1373 : vector<1x1x512xf32> to vector<1x512xf32>
    %reduce_sum3A_1375 = arith.constant dense<0.000000e+00> : vector<196xf32>
    %reduce_sum3A_1376 = vector.multi_reduction <add>, %add3A_1364, %reduce_sum3A_1375 [1] : vector<196x512xf32> to vector<196xf32>
    %broadcast_in_dim3A_1377 = vector.shape_cast %reduce_sum3A_1376 : vector<196xf32> to vector<196x1xf32>
    %div3A_1378 = arith.constant 5.120000e+02 : f32
    %div3A_1379 = vector.broadcast %div3A_1378 : f32 to vector<196x1xf32>
    %div3A_1380 = arith.divf %broadcast_in_dim3A_1377, %div3A_1379 : vector<196x1xf32>
    %jit3A_1381 = arith.constant 0 : i32
    %reduce_sum3A_1382 = arith.constant dense<0.000000e+00> : vector<196xf32>
    %reduce_sum3A_1383 = vector.multi_reduction <add>, %add3A_1364, %reduce_sum3A_1382 [1] : vector<196x512xf32> to vector<196xf32>
    %broadcast_in_dim3A_1384 = vector.shape_cast %reduce_sum3A_1383 : vector<196xf32> to vector<196x1xf32>
    %div3A_1385 = arith.constant 5.120000e+02 : f32
    %div3A_1386 = vector.broadcast %div3A_1385 : f32 to vector<196x1xf32>
    %div3A_1387 = arith.divf %broadcast_in_dim3A_1384, %div3A_1386 : vector<196x1xf32>
    %sub3A_1388 = vector.broadcast %div3A_1387 : vector<196x1xf32> to vector<196x512xf32>
    %sub3A_1389 = arith.subf %add3A_1364, %sub3A_1388 : vector<196x512xf32>
    %square3A_1390 = arith.mulf %sub3A_1389, %sub3A_1389 : vector<196x512xf32>
    %convert_element_type3A_1391 = arith.sitofp %jit3A_1381 : i32 to f32
    %sub3A_1392 = arith.constant 5.120000e+02 : f32
    %sub3A_1393 = arith.subf %sub3A_1392, %convert_element_type3A_1391 : f32
    %reduce_sum3A_1394 = arith.constant dense<0.000000e+00> : vector<196xf32>
    %reduce_sum3A_1395 = vector.multi_reduction <add>, %square3A_1390, %reduce_sum3A_1394 [1] : vector<196x512xf32> to vector<196xf32>
    %broadcast_in_dim3A_1396 = vector.shape_cast %reduce_sum3A_1395 : vector<196xf32> to vector<196x1xf32>
    %div3A_1397 = vector.broadcast %sub3A_1393 : f32 to vector<196x1xf32>
    %div3A_1398 = arith.divf %broadcast_in_dim3A_1396, %div3A_1397 : vector<196x1xf32>
    %gt3A_1399 = arith.constant 0.000000e+00 : f32
    %gt3A_1400 = arith.cmpf ogt, %sub3A_1393, %gt3A_1399 : f32
    %jit3A_1401 = arith.constant 0x7FC00000 : f32
    %broadcast_in_dim3A_1402 = vector.broadcast %jit3A_1401 : f32 to vector<196x1xf32>
    %select_n3A_1403 = arith.select %gt3A_1400, %div3A_1398, %broadcast_in_dim3A_1402 : vector<196x1xf32>
    %sub3A_1404 = vector.broadcast %div3A_1380 : vector<196x1xf32> to vector<196x512xf32>
    %sub3A_1405 = arith.subf %add3A_1364, %sub3A_1404 : vector<196x512xf32>
    %add3A_1406 = arith.constant 9.99999974E-6 : f32
    %add3A_1407 = vector.broadcast %add3A_1406 : f32 to vector<196x1xf32>
    %add3A_1408 = arith.addf %select_n3A_1403, %add3A_1407 : vector<196x1xf32>
    %sqrt3A_1409 = math.sqrt %add3A_1408 : vector<196x1xf32>
    %div3A_1410 = vector.broadcast %sqrt3A_1409 : vector<196x1xf32> to vector<196x512xf32>
    %div3A_1411 = arith.divf %sub3A_1405, %div3A_1410 : vector<196x512xf32>
    %mul3A_1412 = vector.broadcast %get3A_1369 : vector<1x512xf32> to vector<196x512xf32>
    %mul3A_1413 = arith.mulf %div3A_1411, %mul3A_1412 : vector<196x512xf32>
    %add3A_1414 = vector.broadcast %get3A_1374 : vector<1x512xf32> to vector<196x512xf32>
    %add3A_1415 = arith.addf %mul3A_1413, %add3A_1414 : vector<196x512xf32>
    %get3A_1416 = arith.constant 0 : index
    %get3A_1417 = arith.constant 0 : index
    %get3A_1418 = arith.constant 0 : index
    %get3A_1419 = vector.load %arg10[%get3A_1416, %get3A_1417, %get3A_1418] : memref<1x512x1408xf32, #tpu.memory_space<vmem>>, vector<1x512x1408xf32>
    %get3A_1420 = vector.shape_cast %get3A_1419 : vector<1x512x1408xf32> to vector<512x1408xf32>
    %dot_general3A_1421 = arith.constant dense<0.000000e+00> : vector<196x1408xf32>
    %dot_general3A_1422 = tpu.matmul %add3A_1415, %get3A_1420, %dot_general3A_1421 {dimension_numbers = #tpu.dot_dimension_numbers<[1], [0], [0], [1], [0, 0, 1, 1], [], []>, transpose_lhs_hint = false} : vector<196x512xf32>, vector<512x1408xf32>, vector<196x1408xf32> -> vector<196x1408xf32>
    %get3A_1423 = arith.constant 0 : index
    %get3A_1424 = arith.constant 0 : index
    %get3A_1425 = arith.constant 0 : index
    %get3A_1426 = vector.load %arg11[%get3A_1423, %get3A_1424, %get3A_1425] : memref<1x512x1408xf32, #tpu.memory_space<vmem>>, vector<1x512x1408xf32>
    %get3A_1427 = vector.shape_cast %get3A_1426 : vector<1x512x1408xf32> to vector<512x1408xf32>
    %dot_general3A_1428 = arith.constant dense<0.000000e+00> : vector<196x1408xf32>
    %dot_general3A_1429 = tpu.matmul %add3A_1415, %get3A_1427, %dot_general3A_1428 {dimension_numbers = #tpu.dot_dimension_numbers<[1], [0], [0], [1], [0, 0, 1, 1], [], []>, transpose_lhs_hint = false} : vector<196x512xf32>, vector<512x1408xf32>, vector<196x1408xf32> -> vector<196x1408xf32>
    %integer_pow3A_1430 = arith.mulf %dot_general3A_1429, %dot_general3A_1429 : vector<196x1408xf32>
    %integer_pow3A_1431 = arith.mulf %dot_general3A_1429, %integer_pow3A_1430 : vector<196x1408xf32>
    %mul3A_1432 = arith.constant 4.471500e-02 : f32
    %mul3A_1433 = vector.broadcast %mul3A_1432 : f32 to vector<196x1408xf32>
    %mul3A_1434 = arith.mulf %mul3A_1433, %integer_pow3A_1431 : vector<196x1408xf32>
    %add3A_1435 = arith.addf %dot_general3A_1429, %mul3A_1434 : vector<196x1408xf32>
    %mul3A_1436 = arith.constant 0.797884583 : f32
    %mul3A_1437 = vector.broadcast %mul3A_1436 : f32 to vector<196x1408xf32>
    %mul3A_1438 = arith.mulf %mul3A_1437, %add3A_1435 : vector<196x1408xf32>
    %tanh3A_1439 = math.tanh %mul3A_1438 : vector<196x1408xf32>
    %add3A_1440 = arith.constant 1.000000e+00 : f32
    %add3A_1441 = vector.broadcast %add3A_1440 : f32 to vector<196x1408xf32>
    %add3A_1442 = arith.addf %add3A_1441, %tanh3A_1439 : vector<196x1408xf32>
    %mul3A_1443 = arith.constant 5.000000e-01 : f32
    %mul3A_1444 = vector.broadcast %mul3A_1443 : f32 to vector<196x1408xf32>
    %mul3A_1445 = arith.mulf %mul3A_1444, %add3A_1442 : vector<196x1408xf32>
    %mul3A_1446 = arith.mulf %dot_general3A_1429, %mul3A_1445 : vector<196x1408xf32>
    %mul3A_1447 = arith.mulf %dot_general3A_1422, %mul3A_1446 : vector<196x1408xf32>
    %get3A_1448 = arith.constant 0 : index
    %get3A_1449 = arith.constant 0 : index
    %get3A_1450 = arith.constant 0 : index
    %get3A_1451 = vector.load %arg12[%get3A_1448, %get3A_1449, %get3A_1450] : memref<1x1408x512xf32, #tpu.memory_space<vmem>>, vector<1x1408x512xf32>
    %get3A_1452 = vector.shape_cast %get3A_1451 : vector<1x1408x512xf32> to vector<1408x512xf32>
    %dot_general3A_1453 = arith.constant dense<0.000000e+00> : vector<196x512xf32>
    %dot_general3A_1454 = tpu.matmul %mul3A_1447, %get3A_1452, %dot_general3A_1453 {dimension_numbers = #tpu.dot_dimension_numbers<[1], [0], [0], [1], [0, 0, 1, 1], [], []>, transpose_lhs_hint = false} : vector<196x1408xf32>, vector<1408x512xf32>, vector<196x512xf32> -> vector<196x512xf32>
    %add3A_1455 = arith.addf %add3A_1364, %dot_general3A_1454 : vector<196x512xf32>
    %swap3A_1456 = arith.constant 2 : index
    %swap3A_1457 = arith.constant 0 : index
    %swap3A_1458 = arith.constant 0 : index
    %swap3A_1459 = vector.load %arg19[%swap3A_1456, %swap3A_1457, %swap3A_1458] : memref<5x196x512xf32, #tpu.memory_space<vmem>>, vector<1x196x512xf32>
    %swap3A_1460 = vector.shape_cast %swap3A_1459 : vector<1x196x512xf32> to vector<196x512xf32>
    %swap3A_1461 = vector.shape_cast %add3A_1455 : vector<196x512xf32> to vector<1x196x512xf32>
    tpu.vector_store %arg19[%swap3A_1456, %swap3A_1457, %swap3A_1458], %swap3A_1461 {strides = array<i32>} : memref<5x196x512xf32, #tpu.memory_space<vmem>>, vector<1x196x512xf32>,
    %eq3A_1462 = arith.constant 3 : i32
    %eq3A_1463 = arith.cmpi eq, %arg0, %eq3A_1462 : i32
    %convert_element_type3A_1464 = arith.extui %eq3A_1463 : i1 to i32
    %cond3A_1465 = arith.constant 0 : i32
    %cond3A_1466 = arith.cmpi ne, %convert_element_type3A_1464, %cond3A_1465 : i32
    scf.if %cond3A_1466 {
      %get3A_1707 = arith.constant 2 : index
      %get3A_1708 = arith.constant 0 : index
      %get3A_1709 = arith.constant 0 : index
      %get3A_1710 = vector.load %arg19[%get3A_1707, %get3A_1708, %get3A_1709] : memref<5x196x512xf32, #tpu.memory_space<vmem>>, vector<1x196x512xf32>
      %get3A_1711 = vector.shape_cast %get3A_1710 : vector<1x196x512xf32> to vector<196x512xf32>
      %get3A_1712 = arith.constant 0 : index
      %get3A_1713 = arith.constant 0 : index
      %get3A_1714 = vector.load %arg16[%get3A_1712, %get3A_1713] : memref<1x512xf32, #tpu.memory_space<vmem>>, vector<1x512xf32>
      %get3A_1715 = arith.constant 0 : index
      %get3A_1716 = arith.constant 0 : index
      %get3A_1717 = vector.load %arg17[%get3A_1715, %get3A_1716] : memref<1x512xf32, #tpu.memory_space<vmem>>, vector<1x512xf32>
      %reduce_sum3A_1718 = arith.constant dense<0.000000e+00> : vector<196xf32>
      %reduce_sum3A_1719 = vector.multi_reduction <add>, %get3A_1711, %reduce_sum3A_1718 [1] : vector<196x512xf32> to vector<196xf32>
      %broadcast_in_dim3A_1720 = vector.shape_cast %reduce_sum3A_1719 : vector<196xf32> to vector<196x1xf32>
      %div3A_1721 = arith.constant 5.120000e+02 : f32
      %div3A_1722 = vector.broadcast %div3A_1721 : f32 to vector<196x1xf32>
      %div3A_1723 = arith.divf %broadcast_in_dim3A_1720, %div3A_1722 : vector<196x1xf32>
      %jit3A_1724 = arith.constant 0 : i32
      %reduce_sum3A_1725 = arith.constant dense<0.000000e+00> : vector<196xf32>
      %reduce_sum3A_1726 = vector.multi_reduction <add>, %get3A_1711, %reduce_sum3A_1725 [1] : vector<196x512xf32> to vector<196xf32>
      %broadcast_in_dim3A_1727 = vector.shape_cast %reduce_sum3A_1726 : vector<196xf32> to vector<196x1xf32>
      %div3A_1728 = arith.constant 5.120000e+02 : f32
      %div3A_1729 = vector.broadcast %div3A_1728 : f32 to vector<196x1xf32>
      %div3A_1730 = arith.divf %broadcast_in_dim3A_1727, %div3A_1729 : vector<196x1xf32>
      %sub3A_1731 = vector.broadcast %div3A_1730 : vector<196x1xf32> to vector<196x512xf32>
      %sub3A_1732 = arith.subf %get3A_1711, %sub3A_1731 : vector<196x512xf32>
      %square3A_1733 = arith.mulf %sub3A_1732, %sub3A_1732 : vector<196x512xf32>
      %convert_element_type3A_1734 = arith.sitofp %jit3A_1724 : i32 to f32
      %sub3A_1735 = arith.constant 5.120000e+02 : f32
      %sub3A_1736 = arith.subf %sub3A_1735, %convert_element_type3A_1734 : f32
      %reduce_sum3A_1737 = arith.constant dense<0.000000e+00> : vector<196xf32>
      %reduce_sum3A_1738 = vector.multi_reduction <add>, %square3A_1733, %reduce_sum3A_1737 [1] : vector<196x512xf32> to vector<196xf32>
      %broadcast_in_dim3A_1739 = vector.shape_cast %reduce_sum3A_1738 : vector<196xf32> to vector<196x1xf32>
      %div3A_1740 = vector.broadcast %sub3A_1736 : f32 to vector<196x1xf32>
      %div3A_1741 = arith.divf %broadcast_in_dim3A_1739, %div3A_1740 : vector<196x1xf32>
      %gt3A_1742 = arith.constant 0.000000e+00 : f32
      %gt3A_1743 = arith.cmpf ogt, %sub3A_1736, %gt3A_1742 : f32
      %jit3A_1744 = arith.constant 0x7FC00000 : f32
      %broadcast_in_dim3A_1745 = vector.broadcast %jit3A_1744 : f32 to vector<196x1xf32>
      %select_n3A_1746 = arith.select %gt3A_1743, %div3A_1741, %broadcast_in_dim3A_1745 : vector<196x1xf32>
      %sub3A_1747 = vector.broadcast %div3A_1723 : vector<196x1xf32> to vector<196x512xf32>
      %sub3A_1748 = arith.subf %get3A_1711, %sub3A_1747 : vector<196x512xf32>
      %add3A_1749 = arith.constant 9.99999974E-6 : f32
      %add3A_1750 = vector.broadcast %add3A_1749 : f32 to vector<196x1xf32>
      %add3A_1751 = arith.addf %select_n3A_1746, %add3A_1750 : vector<196x1xf32>
      %sqrt3A_1752 = math.sqrt %add3A_1751 : vector<196x1xf32>
      %div3A_1753 = vector.broadcast %sqrt3A_1752 : vector<196x1xf32> to vector<196x512xf32>
      %div3A_1754 = arith.divf %sub3A_1748, %div3A_1753 : vector<196x512xf32>
      %mul3A_1755 = vector.broadcast %get3A_1714 : vector<1x512xf32> to vector<196x512xf32>
      %mul3A_1756 = arith.mulf %div3A_1754, %mul3A_1755 : vector<196x512xf32>
      %add3A_1757 = vector.broadcast %get3A_1717 : vector<1x512xf32> to vector<196x512xf32>
      %add3A_1758 = arith.addf %mul3A_1756, %add3A_1757 : vector<196x512xf32>
      %swap3A_1759 = arith.constant 2 : index
      %swap3A_1760 = arith.constant 0 : index
      %swap3A_1761 = arith.constant 0 : index
      %swap3A_1762 = vector.load %arg18[%swap3A_1759, %swap3A_1760, %swap3A_1761] : memref<5x196x512xf32, #tpu.memory_space<vmem>>, vector<1x196x512xf32>
      %swap3A_1763 = vector.shape_cast %swap3A_1762 : vector<1x196x512xf32> to vector<196x512xf32>
      %swap3A_1764 = vector.shape_cast %add3A_1758 : vector<196x512xf32> to vector<1x196x512xf32>
      tpu.vector_store %arg18[%swap3A_1759, %swap3A_1760, %swap3A_1761], %swap3A_1764 {strides = array<i32>} : memref<5x196x512xf32, #tpu.memory_space<vmem>>, vector<1x196x512xf32>,
    } else {
    }
    %get3A_1467 = arith.constant 3 : index
    %get3A_1468 = arith.constant 0 : index
    %get3A_1469 = arith.constant 0 : index
    %get3A_1470 = vector.load %arg19[%get3A_1467, %get3A_1468, %get3A_1469] : memref<5x196x512xf32, #tpu.memory_space<vmem>>, vector<1x196x512xf32>
    %get3A_1471 = vector.shape_cast %get3A_1470 : vector<1x196x512xf32> to vector<196x512xf32>
    %get3A_1472 = arith.constant 3 : index
    %get3A_1473 = arith.constant 0 : index
    %get3A_1474 = arith.constant 0 : index
    %get3A_1475 = vector.load %arg23[%get3A_1472, %get3A_1473, %get3A_1474] : memref<5x196x512xf32, #tpu.memory_space<vmem>>, vector<1x196x512xf32>
    %get3A_1476 = vector.shape_cast %get3A_1475 : vector<1x196x512xf32> to vector<196x512xf32>
    %get3A_1477 = arith.constant 0 : index
    %get3A_1478 = arith.constant 0 : index
    %get3A_1479 = arith.constant 0 : index
    %get3A_1480 = vector.load %arg7[%get3A_1477, %get3A_1478, %get3A_1479] : memref<1x512x512xf32, #tpu.memory_space<vmem>>, vector<1x512x512xf32>
    %get3A_1481 = vector.shape_cast %get3A_1480 : vector<1x512x512xf32> to vector<512x512xf32>
    %dot_general3A_1482 = arith.constant dense<0.000000e+00> : vector<196x512xf32>
    %dot_general3A_1483 = tpu.matmul %get3A_1476, %get3A_1481, %dot_general3A_1482 {dimension_numbers = #tpu.dot_dimension_numbers<[1], [0], [0], [1], [0, 0, 1, 1], [], []>, transpose_lhs_hint = false} : vector<196x512xf32>, vector<512x512xf32>, vector<196x512xf32> -> vector<196x512xf32>
    %add3A_1484 = arith.addf %get3A_1471, %dot_general3A_1483 : vector<196x512xf32>
    %get3A_1485 = arith.constant 0 : index
    %get3A_1486 = arith.constant 0 : index
    %get3A_1487 = arith.constant 0 : index
    %get3A_1488 = vector.load %arg8[%get3A_1485, %get3A_1486, %get3A_1487] : memref<1x1x512xf32, #tpu.memory_space<vmem>>, vector<1x1x512xf32>
    %get3A_1489 = vector.shape_cast %get3A_1488 : vector<1x1x512xf32> to vector<1x512xf32>
    %get3A_1490 = arith.constant 0 : index
    %get3A_1491 = arith.constant 0 : index
    %get3A_1492 = arith.constant 0 : index
    %get3A_1493 = vector.load %arg9[%get3A_1490, %get3A_1491, %get3A_1492] : memref<1x1x512xf32, #tpu.memory_space<vmem>>, vector<1x1x512xf32>
    %get3A_1494 = vector.shape_cast %get3A_1493 : vector<1x1x512xf32> to vector<1x512xf32>
    %reduce_sum3A_1495 = arith.constant dense<0.000000e+00> : vector<196xf32>
    %reduce_sum3A_1496 = vector.multi_reduction <add>, %add3A_1484, %reduce_sum3A_1495 [1] : vector<196x512xf32> to vector<196xf32>
    %broadcast_in_dim3A_1497 = vector.shape_cast %reduce_sum3A_1496 : vector<196xf32> to vector<196x1xf32>
    %div3A_1498 = arith.constant 5.120000e+02 : f32
    %div3A_1499 = vector.broadcast %div3A_1498 : f32 to vector<196x1xf32>
    %div3A_1500 = arith.divf %broadcast_in_dim3A_1497, %div3A_1499 : vector<196x1xf32>
    %jit3A_1501 = arith.constant 0 : i32
    %reduce_sum3A_1502 = arith.constant dense<0.000000e+00> : vector<196xf32>
    %reduce_sum3A_1503 = vector.multi_reduction <add>, %add3A_1484, %reduce_sum3A_1502 [1] : vector<196x512xf32> to vector<196xf32>
    %broadcast_in_dim3A_1504 = vector.shape_cast %reduce_sum3A_1503 : vector<196xf32> to vector<196x1xf32>
    %div3A_1505 = arith.constant 5.120000e+02 : f32
    %div3A_1506 = vector.broadcast %div3A_1505 : f32 to vector<196x1xf32>
    %div3A_1507 = arith.divf %broadcast_in_dim3A_1504, %div3A_1506 : vector<196x1xf32>
    %sub3A_1508 = vector.broadcast %div3A_1507 : vector<196x1xf32> to vector<196x512xf32>
    %sub3A_1509 = arith.subf %add3A_1484, %sub3A_1508 : vector<196x512xf32>
    %square3A_1510 = arith.mulf %sub3A_1509, %sub3A_1509 : vector<196x512xf32>
    %convert_element_type3A_1511 = arith.sitofp %jit3A_1501 : i32 to f32
    %sub3A_1512 = arith.constant 5.120000e+02 : f32
    %sub3A_1513 = arith.subf %sub3A_1512, %convert_element_type3A_1511 : f32
    %reduce_sum3A_1514 = arith.constant dense<0.000000e+00> : vector<196xf32>
    %reduce_sum3A_1515 = vector.multi_reduction <add>, %square3A_1510, %reduce_sum3A_1514 [1] : vector<196x512xf32> to vector<196xf32>
    %broadcast_in_dim3A_1516 = vector.shape_cast %reduce_sum3A_1515 : vector<196xf32> to vector<196x1xf32>
    %div3A_1517 = vector.broadcast %sub3A_1513 : f32 to vector<196x1xf32>
    %div3A_1518 = arith.divf %broadcast_in_dim3A_1516, %div3A_1517 : vector<196x1xf32>
    %gt3A_1519 = arith.constant 0.000000e+00 : f32
    %gt3A_1520 = arith.cmpf ogt, %sub3A_1513, %gt3A_1519 : f32
    %jit3A_1521 = arith.constant 0x7FC00000 : f32
    %broadcast_in_dim3A_1522 = vector.broadcast %jit3A_1521 : f32 to vector<196x1xf32>
    %select_n3A_1523 = arith.select %gt3A_1520, %div3A_1518, %broadcast_in_dim3A_1522 : vector<196x1xf32>
    %sub3A_1524 = vector.broadcast %div3A_1500 : vector<196x1xf32> to vector<196x512xf32>
    %sub3A_1525 = arith.subf %add3A_1484, %sub3A_1524 : vector<196x512xf32>
    %add3A_1526 = arith.constant 9.99999974E-6 : f32
    %add3A_1527 = vector.broadcast %add3A_1526 : f32 to vector<196x1xf32>
    %add3A_1528 = arith.addf %select_n3A_1523, %add3A_1527 : vector<196x1xf32>
    %sqrt3A_1529 = math.sqrt %add3A_1528 : vector<196x1xf32>
    %div3A_1530 = vector.broadcast %sqrt3A_1529 : vector<196x1xf32> to vector<196x512xf32>
    %div3A_1531 = arith.divf %sub3A_1525, %div3A_1530 : vector<196x512xf32>
    %mul3A_1532 = vector.broadcast %get3A_1489 : vector<1x512xf32> to vector<196x512xf32>
    %mul3A_1533 = arith.mulf %div3A_1531, %mul3A_1532 : vector<196x512xf32>
    %add3A_1534 = vector.broadcast %get3A_1494 : vector<1x512xf32> to vector<196x512xf32>
    %add3A_1535 = arith.addf %mul3A_1533, %add3A_1534 : vector<196x512xf32>
    %get3A_1536 = arith.constant 0 : index
    %get3A_1537 = arith.constant 0 : index
    %get3A_1538 = arith.constant 0 : index
    %get3A_1539 = vector.load %arg10[%get3A_1536, %get3A_1537, %get3A_1538] : memref<1x512x1408xf32, #tpu.memory_space<vmem>>, vector<1x512x1408xf32>
    %get3A_1540 = vector.shape_cast %get3A_1539 : vector<1x512x1408xf32> to vector<512x1408xf32>
    %dot_general3A_1541 = arith.constant dense<0.000000e+00> : vector<196x1408xf32>
    %dot_general3A_1542 = tpu.matmul %add3A_1535, %get3A_1540, %dot_general3A_1541 {dimension_numbers = #tpu.dot_dimension_numbers<[1], [0], [0], [1], [0, 0, 1, 1], [], []>, transpose_lhs_hint = false} : vector<196x512xf32>, vector<512x1408xf32>, vector<196x1408xf32> -> vector<196x1408xf32>
    %get3A_1543 = arith.constant 0 : index
    %get3A_1544 = arith.constant 0 : index
    %get3A_1545 = arith.constant 0 : index
    %get3A_1546 = vector.load %arg11[%get3A_1543, %get3A_1544, %get3A_1545] : memref<1x512x1408xf32, #tpu.memory_space<vmem>>, vector<1x512x1408xf32>
    %get3A_1547 = vector.shape_cast %get3A_1546 : vector<1x512x1408xf32> to vector<512x1408xf32>
    %dot_general3A_1548 = arith.constant dense<0.000000e+00> : vector<196x1408xf32>
    %dot_general3A_1549 = tpu.matmul %add3A_1535, %get3A_1547, %dot_general3A_1548 {dimension_numbers = #tpu.dot_dimension_numbers<[1], [0], [0], [1], [0, 0, 1, 1], [], []>, transpose_lhs_hint = false} : vector<196x512xf32>, vector<512x1408xf32>, vector<196x1408xf32> -> vector<196x1408xf32>
    %integer_pow3A_1550 = arith.mulf %dot_general3A_1549, %dot_general3A_1549 : vector<196x1408xf32>
    %integer_pow3A_1551 = arith.mulf %dot_general3A_1549, %integer_pow3A_1550 : vector<196x1408xf32>
    %mul3A_1552 = arith.constant 4.471500e-02 : f32
    %mul3A_1553 = vector.broadcast %mul3A_1552 : f32 to vector<196x1408xf32>
    %mul3A_1554 = arith.mulf %mul3A_1553, %integer_pow3A_1551 : vector<196x1408xf32>
    %add3A_1555 = arith.addf %dot_general3A_1549, %mul3A_1554 : vector<196x1408xf32>
    %mul3A_1556 = arith.constant 0.797884583 : f32
    %mul3A_1557 = vector.broadcast %mul3A_1556 : f32 to vector<196x1408xf32>
    %mul3A_1558 = arith.mulf %mul3A_1557, %add3A_1555 : vector<196x1408xf32>
    %tanh3A_1559 = math.tanh %mul3A_1558 : vector<196x1408xf32>
    %add3A_1560 = arith.constant 1.000000e+00 : f32
    %add3A_1561 = vector.broadcast %add3A_1560 : f32 to vector<196x1408xf32>
    %add3A_1562 = arith.addf %add3A_1561, %tanh3A_1559 : vector<196x1408xf32>
    %mul3A_1563 = arith.constant 5.000000e-01 : f32
    %mul3A_1564 = vector.broadcast %mul3A_1563 : f32 to vector<196x1408xf32>
    %mul3A_1565 = arith.mulf %mul3A_1564, %add3A_1562 : vector<196x1408xf32>
    %mul3A_1566 = arith.mulf %dot_general3A_1549, %mul3A_1565 : vector<196x1408xf32>
    %mul3A_1567 = arith.mulf %dot_general3A_1542, %mul3A_1566 : vector<196x1408xf32>
    %get3A_1568 = arith.constant 0 : index
    %get3A_1569 = arith.constant 0 : index
    %get3A_1570 = arith.constant 0 : index
    %get3A_1571 = vector.load %arg12[%get3A_1568, %get3A_1569, %get3A_1570] : memref<1x1408x512xf32, #tpu.memory_space<vmem>>, vector<1x1408x512xf32>
    %get3A_1572 = vector.shape_cast %get3A_1571 : vector<1x1408x512xf32> to vector<1408x512xf32>
    %dot_general3A_1573 = arith.constant dense<0.000000e+00> : vector<196x512xf32>
    %dot_general3A_1574 = tpu.matmul %mul3A_1567, %get3A_1572, %dot_general3A_1573 {dimension_numbers = #tpu.dot_dimension_numbers<[1], [0], [0], [1], [0, 0, 1, 1], [], []>, transpose_lhs_hint = false} : vector<196x1408xf32>, vector<1408x512xf32>, vector<196x512xf32> -> vector<196x512xf32>
    %add3A_1575 = arith.addf %add3A_1484, %dot_general3A_1574 : vector<196x512xf32>
    %swap3A_1576 = arith.constant 3 : index
    %swap3A_1577 = arith.constant 0 : index
    %swap3A_1578 = arith.constant 0 : index
    %swap3A_1579 = vector.load %arg19[%swap3A_1576, %swap3A_1577, %swap3A_1578] : memref<5x196x512xf32, #tpu.memory_space<vmem>>, vector<1x196x512xf32>
    %swap3A_1580 = vector.shape_cast %swap3A_1579 : vector<1x196x512xf32> to vector<196x512xf32>
    %swap3A_1581 = vector.shape_cast %add3A_1575 : vector<196x512xf32> to vector<1x196x512xf32>
    tpu.vector_store %arg19[%swap3A_1576, %swap3A_1577, %swap3A_1578], %swap3A_1581 {strides = array<i32>} : memref<5x196x512xf32, #tpu.memory_space<vmem>>, vector<1x196x512xf32>,
    %eq3A_1582 = arith.constant 3 : i32
    %eq3A_1583 = arith.cmpi eq, %arg0, %eq3A_1582 : i32
    %convert_element_type3A_1584 = arith.extui %eq3A_1583 : i1 to i32
    %cond3A_1585 = arith.constant 0 : i32
    %cond3A_1586 = arith.cmpi ne, %convert_element_type3A_1584, %cond3A_1585 : i32
    scf.if %cond3A_1586 {
      %get3A_1707 = arith.constant 3 : index
      %get3A_1708 = arith.constant 0 : index
      %get3A_1709 = arith.constant 0 : index
      %get3A_1710 = vector.load %arg19[%get3A_1707, %get3A_1708, %get3A_1709] : memref<5x196x512xf32, #tpu.memory_space<vmem>>, vector<1x196x512xf32>
      %get3A_1711 = vector.shape_cast %get3A_1710 : vector<1x196x512xf32> to vector<196x512xf32>
      %get3A_1712 = arith.constant 0 : index
      %get3A_1713 = arith.constant 0 : index
      %get3A_1714 = vector.load %arg16[%get3A_1712, %get3A_1713] : memref<1x512xf32, #tpu.memory_space<vmem>>, vector<1x512xf32>
      %get3A_1715 = arith.constant 0 : index
      %get3A_1716 = arith.constant 0 : index
      %get3A_1717 = vector.load %arg17[%get3A_1715, %get3A_1716] : memref<1x512xf32, #tpu.memory_space<vmem>>, vector<1x512xf32>
      %reduce_sum3A_1718 = arith.constant dense<0.000000e+00> : vector<196xf32>
      %reduce_sum3A_1719 = vector.multi_reduction <add>, %get3A_1711, %reduce_sum3A_1718 [1] : vector<196x512xf32> to vector<196xf32>
      %broadcast_in_dim3A_1720 = vector.shape_cast %reduce_sum3A_1719 : vector<196xf32> to vector<196x1xf32>
      %div3A_1721 = arith.constant 5.120000e+02 : f32
      %div3A_1722 = vector.broadcast %div3A_1721 : f32 to vector<196x1xf32>
      %div3A_1723 = arith.divf %broadcast_in_dim3A_1720, %div3A_1722 : vector<196x1xf32>
      %jit3A_1724 = arith.constant 0 : i32
      %reduce_sum3A_1725 = arith.constant dense<0.000000e+00> : vector<196xf32>
      %reduce_sum3A_1726 = vector.multi_reduction <add>, %get3A_1711, %reduce_sum3A_1725 [1] : vector<196x512xf32> to vector<196xf32>
      %broadcast_in_dim3A_1727 = vector.shape_cast %reduce_sum3A_1726 : vector<196xf32> to vector<196x1xf32>
      %div3A_1728 = arith.constant 5.120000e+02 : f32
      %div3A_1729 = vector.broadcast %div3A_1728 : f32 to vector<196x1xf32>
      %div3A_1730 = arith.divf %broadcast_in_dim3A_1727, %div3A_1729 : vector<196x1xf32>
      %sub3A_1731 = vector.broadcast %div3A_1730 : vector<196x1xf32> to vector<196x512xf32>
      %sub3A_1732 = arith.subf %get3A_1711, %sub3A_1731 : vector<196x512xf32>
      %square3A_1733 = arith.mulf %sub3A_1732, %sub3A_1732 : vector<196x512xf32>
      %convert_element_type3A_1734 = arith.sitofp %jit3A_1724 : i32 to f32
      %sub3A_1735 = arith.constant 5.120000e+02 : f32
      %sub3A_1736 = arith.subf %sub3A_1735, %convert_element_type3A_1734 : f32
      %reduce_sum3A_1737 = arith.constant dense<0.000000e+00> : vector<196xf32>
      %reduce_sum3A_1738 = vector.multi_reduction <add>, %square3A_1733, %reduce_sum3A_1737 [1] : vector<196x512xf32> to vector<196xf32>
      %broadcast_in_dim3A_1739 = vector.shape_cast %reduce_sum3A_1738 : vector<196xf32> to vector<196x1xf32>
      %div3A_1740 = vector.broadcast %sub3A_1736 : f32 to vector<196x1xf32>
      %div3A_1741 = arith.divf %broadcast_in_dim3A_1739, %div3A_1740 : vector<196x1xf32>
      %gt3A_1742 = arith.constant 0.000000e+00 : f32
      %gt3A_1743 = arith.cmpf ogt, %sub3A_1736, %gt3A_1742 : f32
      %jit3A_1744 = arith.constant 0x7FC00000 : f32
      %broadcast_in_dim3A_1745 = vector.broadcast %jit3A_1744 : f32 to vector<196x1xf32>
      %select_n3A_1746 = arith.select %gt3A_1743, %div3A_1741, %broadcast_in_dim3A_1745 : vector<196x1xf32>
      %sub3A_1747 = vector.broadcast %div3A_1723 : vector<196x1xf32> to vector<196x512xf32>
      %sub3A_1748 = arith.subf %get3A_1711, %sub3A_1747 : vector<196x512xf32>
      %add3A_1749 = arith.constant 9.99999974E-6 : f32
      %add3A_1750 = vector.broadcast %add3A_1749 : f32 to vector<196x1xf32>
      %add3A_1751 = arith.addf %select_n3A_1746, %add3A_1750 : vector<196x1xf32>
      %sqrt3A_1752 = math.sqrt %add3A_1751 : vector<196x1xf32>
      %div3A_1753 = vector.broadcast %sqrt3A_1752 : vector<196x1xf32> to vector<196x512xf32>
      %div3A_1754 = arith.divf %sub3A_1748, %div3A_1753 : vector<196x512xf32>
      %mul3A_1755 = vector.broadcast %get3A_1714 : vector<1x512xf32> to vector<196x512xf32>
      %mul3A_1756 = arith.mulf %div3A_1754, %mul3A_1755 : vector<196x512xf32>
      %add3A_1757 = vector.broadcast %get3A_1717 : vector<1x512xf32> to vector<196x512xf32>
      %add3A_1758 = arith.addf %mul3A_1756, %add3A_1757 : vector<196x512xf32>
      %swap3A_1759 = arith.constant 3 : index
      %swap3A_1760 = arith.constant 0 : index
      %swap3A_1761 = arith.constant 0 : index
      %swap3A_1762 = vector.load %arg18[%swap3A_1759, %swap3A_1760, %swap3A_1761] : memref<5x196x512xf32, #tpu.memory_space<vmem>>, vector<1x196x512xf32>
      %swap3A_1763 = vector.shape_cast %swap3A_1762 : vector<1x196x512xf32> to vector<196x512xf32>
      %swap3A_1764 = vector.shape_cast %add3A_1758 : vector<196x512xf32> to vector<1x196x512xf32>
      tpu.vector_store %arg18[%swap3A_1759, %swap3A_1760, %swap3A_1761], %swap3A_1764 {strides = array<i32>} : memref<5x196x512xf32, #tpu.memory_space<vmem>>, vector<1x196x512xf32>,
    } else {
    }
    %get3A_1587 = arith.constant 4 : index
    %get3A_1588 = arith.constant 0 : index
    %get3A_1589 = arith.constant 0 : index
    %get3A_1590 = vector.load %arg19[%get3A_1587, %get3A_1588, %get3A_1589] : memref<5x196x512xf32, #tpu.memory_space<vmem>>, vector<1x196x512xf32>
    %get3A_1591 = vector.shape_cast %get3A_1590 : vector<1x196x512xf32> to vector<196x512xf32>
    %get3A_1592 = arith.constant 4 : index
    %get3A_1593 = arith.constant 0 : index
    %get3A_1594 = arith.constant 0 : index
    %get3A_1595 = vector.load %arg23[%get3A_1592, %get3A_1593, %get3A_1594] : memref<5x196x512xf32, #tpu.memory_space<vmem>>, vector<1x196x512xf32>
    %get3A_1596 = vector.shape_cast %get3A_1595 : vector<1x196x512xf32> to vector<196x512xf32>
    %get3A_1597 = arith.constant 0 : index
    %get3A_1598 = arith.constant 0 : index
    %get3A_1599 = arith.constant 0 : index
    %get3A_1600 = vector.load %arg7[%get3A_1597, %get3A_1598, %get3A_1599] : memref<1x512x512xf32, #tpu.memory_space<vmem>>, vector<1x512x512xf32>
    %get3A_1601 = vector.shape_cast %get3A_1600 : vector<1x512x512xf32> to vector<512x512xf32>
    %dot_general3A_1602 = arith.constant dense<0.000000e+00> : vector<196x512xf32>
    %dot_general3A_1603 = tpu.matmul %get3A_1596, %get3A_1601, %dot_general3A_1602 {dimension_numbers = #tpu.dot_dimension_numbers<[1], [0], [0], [1], [0, 0, 1, 1], [], []>, transpose_lhs_hint = false} : vector<196x512xf32>, vector<512x512xf32>, vector<196x512xf32> -> vector<196x512xf32>
    %add3A_1604 = arith.addf %get3A_1591, %dot_general3A_1603 : vector<196x512xf32>
    %get3A_1605 = arith.constant 0 : index
    %get3A_1606 = arith.constant 0 : index
    %get3A_1607 = arith.constant 0 : index
    %get3A_1608 = vector.load %arg8[%get3A_1605, %get3A_1606, %get3A_1607] : memref<1x1x512xf32, #tpu.memory_space<vmem>>, vector<1x1x512xf32>
    %get3A_1609 = vector.shape_cast %get3A_1608 : vector<1x1x512xf32> to vector<1x512xf32>
    %get3A_1610 = arith.constant 0 : index
    %get3A_1611 = arith.constant 0 : index
    %get3A_1612 = arith.constant 0 : index
    %get3A_1613 = vector.load %arg9[%get3A_1610, %get3A_1611, %get3A_1612] : memref<1x1x512xf32, #tpu.memory_space<vmem>>, vector<1x1x512xf32>
    %get3A_1614 = vector.shape_cast %get3A_1613 : vector<1x1x512xf32> to vector<1x512xf32>
    %reduce_sum3A_1615 = arith.constant dense<0.000000e+00> : vector<196xf32>
    %reduce_sum3A_1616 = vector.multi_reduction <add>, %add3A_1604, %reduce_sum3A_1615 [1] : vector<196x512xf32> to vector<196xf32>
    %broadcast_in_dim3A_1617 = vector.shape_cast %reduce_sum3A_1616 : vector<196xf32> to vector<196x1xf32>
    %div3A_1618 = arith.constant 5.120000e+02 : f32
    %div3A_1619 = vector.broadcast %div3A_1618 : f32 to vector<196x1xf32>
    %div3A_1620 = arith.divf %broadcast_in_dim3A_1617, %div3A_1619 : vector<196x1xf32>
    %jit3A_1621 = arith.constant 0 : i32
    %reduce_sum3A_1622 = arith.constant dense<0.000000e+00> : vector<196xf32>
    %reduce_sum3A_1623 = vector.multi_reduction <add>, %add3A_1604, %reduce_sum3A_1622 [1] : vector<196x512xf32> to vector<196xf32>
    %broadcast_in_dim3A_1624 = vector.shape_cast %reduce_sum3A_1623 : vector<196xf32> to vector<196x1xf32>
    %div3A_1625 = arith.constant 5.120000e+02 : f32
    %div3A_1626 = vector.broadcast %div3A_1625 : f32 to vector<196x1xf32>
    %div3A_1627 = arith.divf %broadcast_in_dim3A_1624, %div3A_1626 : vector<196x1xf32>
    %sub3A_1628 = vector.broadcast %div3A_1627 : vector<196x1xf32> to vector<196x512xf32>
    %sub3A_1629 = arith.subf %add3A_1604, %sub3A_1628 : vector<196x512xf32>
    %square3A_1630 = arith.mulf %sub3A_1629, %sub3A_1629 : vector<196x512xf32>
    %convert_element_type3A_1631 = arith.sitofp %jit3A_1621 : i32 to f32
    %sub3A_1632 = arith.constant 5.120000e+02 : f32
    %sub3A_1633 = arith.subf %sub3A_1632, %convert_element_type3A_1631 : f32
    %reduce_sum3A_1634 = arith.constant dense<0.000000e+00> : vector<196xf32>
    %reduce_sum3A_1635 = vector.multi_reduction <add>, %square3A_1630, %reduce_sum3A_1634 [1] : vector<196x512xf32> to vector<196xf32>
    %broadcast_in_dim3A_1636 = vector.shape_cast %reduce_sum3A_1635 : vector<196xf32> to vector<196x1xf32>
    %div3A_1637 = vector.broadcast %sub3A_1633 : f32 to vector<196x1xf32>
    %div3A_1638 = arith.divf %broadcast_in_dim3A_1636, %div3A_1637 : vector<196x1xf32>
    %gt3A_1639 = arith.constant 0.000000e+00 : f32
    %gt3A_1640 = arith.cmpf ogt, %sub3A_1633, %gt3A_1639 : f32
    %jit3A_1641 = arith.constant 0x7FC00000 : f32
    %broadcast_in_dim3A_1642 = vector.broadcast %jit3A_1641 : f32 to vector<196x1xf32>
    %select_n3A_1643 = arith.select %gt3A_1640, %div3A_1638, %broadcast_in_dim3A_1642 : vector<196x1xf32>
    %sub3A_1644 = vector.broadcast %div3A_1620 : vector<196x1xf32> to vector<196x512xf32>
    %sub3A_1645 = arith.subf %add3A_1604, %sub3A_1644 : vector<196x512xf32>
    %add3A_1646 = arith.constant 9.99999974E-6 : f32
    %add3A_1647 = vector.broadcast %add3A_1646 : f32 to vector<196x1xf32>
    %add3A_1648 = arith.addf %select_n3A_1643, %add3A_1647 : vector<196x1xf32>
    %sqrt3A_1649 = math.sqrt %add3A_1648 : vector<196x1xf32>
    %div3A_1650 = vector.broadcast %sqrt3A_1649 : vector<196x1xf32> to vector<196x512xf32>
    %div3A_1651 = arith.divf %sub3A_1645, %div3A_1650 : vector<196x512xf32>
    %mul3A_1652 = vector.broadcast %get3A_1609 : vector<1x512xf32> to vector<196x512xf32>
    %mul3A_1653 = arith.mulf %div3A_1651, %mul3A_1652 : vector<196x512xf32>
    %add3A_1654 = vector.broadcast %get3A_1614 : vector<1x512xf32> to vector<196x512xf32>
    %add3A_1655 = arith.addf %mul3A_1653, %add3A_1654 : vector<196x512xf32>
    %get3A_1656 = arith.constant 0 : index
    %get3A_1657 = arith.constant 0 : index
    %get3A_1658 = arith.constant 0 : index
    %get3A_1659 = vector.load %arg10[%get3A_1656, %get3A_1657, %get3A_1658] : memref<1x512x1408xf32, #tpu.memory_space<vmem>>, vector<1x512x1408xf32>
    %get3A_1660 = vector.shape_cast %get3A_1659 : vector<1x512x1408xf32> to vector<512x1408xf32>
    %dot_general3A_1661 = arith.constant dense<0.000000e+00> : vector<196x1408xf32>
    %dot_general3A_1662 = tpu.matmul %add3A_1655, %get3A_1660, %dot_general3A_1661 {dimension_numbers = #tpu.dot_dimension_numbers<[1], [0], [0], [1], [0, 0, 1, 1], [], []>, transpose_lhs_hint = false} : vector<196x512xf32>, vector<512x1408xf32>, vector<196x1408xf32> -> vector<196x1408xf32>
    %get3A_1663 = arith.constant 0 : index
    %get3A_1664 = arith.constant 0 : index
    %get3A_1665 = arith.constant 0 : index
    %get3A_1666 = vector.load %arg11[%get3A_1663, %get3A_1664, %get3A_1665] : memref<1x512x1408xf32, #tpu.memory_space<vmem>>, vector<1x512x1408xf32>
    %get3A_1667 = vector.shape_cast %get3A_1666 : vector<1x512x1408xf32> to vector<512x1408xf32>
    %dot_general3A_1668 = arith.constant dense<0.000000e+00> : vector<196x1408xf32>
    %dot_general3A_1669 = tpu.matmul %add3A_1655, %get3A_1667, %dot_general3A_1668 {dimension_numbers = #tpu.dot_dimension_numbers<[1], [0], [0], [1], [0, 0, 1, 1], [], []>, transpose_lhs_hint = false} : vector<196x512xf32>, vector<512x1408xf32>, vector<196x1408xf32> -> vector<196x1408xf32>
    %integer_pow3A_1670 = arith.mulf %dot_general3A_1669, %dot_general3A_1669 : vector<196x1408xf32>
    %integer_pow3A_1671 = arith.mulf %dot_general3A_1669, %integer_pow3A_1670 : vector<196x1408xf32>
    %mul3A_1672 = arith.constant 4.471500e-02 : f32
    %mul3A_1673 = vector.broadcast %mul3A_1672 : f32 to vector<196x1408xf32>
    %mul3A_1674 = arith.mulf %mul3A_1673, %integer_pow3A_1671 : vector<196x1408xf32>
    %add3A_1675 = arith.addf %dot_general3A_1669, %mul3A_1674 : vector<196x1408xf32>
    %mul3A_1676 = arith.constant 0.797884583 : f32
    %mul3A_1677 = vector.broadcast %mul3A_1676 : f32 to vector<196x1408xf32>
    %mul3A_1678 = arith.mulf %mul3A_1677, %add3A_1675 : vector<196x1408xf32>
    %tanh3A_1679 = math.tanh %mul3A_1678 : vector<196x1408xf32>
    %add3A_1680 = arith.constant 1.000000e+00 : f32
    %add3A_1681 = vector.broadcast %add3A_1680 : f32 to vector<196x1408xf32>
    %add3A_1682 = arith.addf %add3A_1681, %tanh3A_1679 : vector<196x1408xf32>
    %mul3A_1683 = arith.constant 5.000000e-01 : f32
    %mul3A_1684 = vector.broadcast %mul3A_1683 : f32 to vector<196x1408xf32>
    %mul3A_1685 = arith.mulf %mul3A_1684, %add3A_1682 : vector<196x1408xf32>
    %mul3A_1686 = arith.mulf %dot_general3A_1669, %mul3A_1685 : vector<196x1408xf32>
    %mul3A_1687 = arith.mulf %dot_general3A_1662, %mul3A_1686 : vector<196x1408xf32>
    %get3A_1688 = arith.constant 0 : index
    %get3A_1689 = arith.constant 0 : index
    %get3A_1690 = arith.constant 0 : index
    %get3A_1691 = vector.load %arg12[%get3A_1688, %get3A_1689, %get3A_1690] : memref<1x1408x512xf32, #tpu.memory_space<vmem>>, vector<1x1408x512xf32>
    %get3A_1692 = vector.shape_cast %get3A_1691 : vector<1x1408x512xf32> to vector<1408x512xf32>
    %dot_general3A_1693 = arith.constant dense<0.000000e+00> : vector<196x512xf32>
    %dot_general3A_1694 = tpu.matmul %mul3A_1687, %get3A_1692, %dot_general3A_1693 {dimension_numbers = #tpu.dot_dimension_numbers<[1], [0], [0], [1], [0, 0, 1, 1], [], []>, transpose_lhs_hint = false} : vector<196x1408xf32>, vector<1408x512xf32>, vector<196x512xf32> -> vector<196x512xf32>
    %add3A_1695 = arith.addf %add3A_1604, %dot_general3A_1694 : vector<196x512xf32>
    %swap3A_1696 = arith.constant 4 : index
    %swap3A_1697 = arith.constant 0 : index
    %swap3A_1698 = arith.constant 0 : index
    %swap3A_1699 = vector.load %arg19[%swap3A_1696, %swap3A_1697, %swap3A_1698] : memref<5x196x512xf32, #tpu.memory_space<vmem>>, vector<1x196x512xf32>
    %swap3A_1700 = vector.shape_cast %swap3A_1699 : vector<1x196x512xf32> to vector<196x512xf32>
    %swap3A_1701 = vector.shape_cast %add3A_1695 : vector<196x512xf32> to vector<1x196x512xf32>
    tpu.vector_store %arg19[%swap3A_1696, %swap3A_1697, %swap3A_1698], %swap3A_1701 {strides = array<i32>} : memref<5x196x512xf32, #tpu.memory_space<vmem>>, vector<1x196x512xf32>,
    %eq3A_1702 = arith.constant 3 : i32
    %eq3A_1703 = arith.cmpi eq, %arg0, %eq3A_1702 : i32
    %convert_element_type3A_1704 = arith.extui %eq3A_1703 : i1 to i32
    %cond3A_1705 = arith.constant 0 : i32
    %cond3A_1706 = arith.cmpi ne, %convert_element_type3A_1704, %cond3A_1705 : i32
    scf.if %cond3A_1706 {
      %get3A_1707 = arith.constant 4 : index
      %get3A_1708 = arith.constant 0 : index
      %get3A_1709 = arith.constant 0 : index
      %get3A_1710 = vector.load %arg19[%get3A_1707, %get3A_1708, %get3A_1709] : memref<5x196x512xf32, #tpu.memory_space<vmem>>, vector<1x196x512xf32>
      %get3A_1711 = vector.shape_cast %get3A_1710 : vector<1x196x512xf32> to vector<196x512xf32>
      %get3A_1712 = arith.constant 0 : index
      %get3A_1713 = arith.constant 0 : index
      %get3A_1714 = vector.load %arg16[%get3A_1712, %get3A_1713] : memref<1x512xf32, #tpu.memory_space<vmem>>, vector<1x512xf32>
      %get3A_1715 = arith.constant 0 : index
      %get3A_1716 = arith.constant 0 : index
      %get3A_1717 = vector.load %arg17[%get3A_1715, %get3A_1716] : memref<1x512xf32, #tpu.memory_space<vmem>>, vector<1x512xf32>
      %reduce_sum3A_1718 = arith.constant dense<0.000000e+00> : vector<196xf32>
      %reduce_sum3A_1719 = vector.multi_reduction <add>, %get3A_1711, %reduce_sum3A_1718 [1] : vector<196x512xf32> to vector<196xf32>
      %broadcast_in_dim3A_1720 = vector.shape_cast %reduce_sum3A_1719 : vector<196xf32> to vector<196x1xf32>
      %div3A_1721 = arith.constant 5.120000e+02 : f32
      %div3A_1722 = vector.broadcast %div3A_1721 : f32 to vector<196x1xf32>
      %div3A_1723 = arith.divf %broadcast_in_dim3A_1720, %div3A_1722 : vector<196x1xf32>
      %jit3A_1724 = arith.constant 0 : i32
      %reduce_sum3A_1725 = arith.constant dense<0.000000e+00> : vector<196xf32>
      %reduce_sum3A_1726 = vector.multi_reduction <add>, %get3A_1711, %reduce_sum3A_1725 [1] : vector<196x512xf32> to vector<196xf32>
      %broadcast_in_dim3A_1727 = vector.shape_cast %reduce_sum3A_1726 : vector<196xf32> to vector<196x1xf32>
      %div3A_1728 = arith.constant 5.120000e+02 : f32
      %div3A_1729 = vector.broadcast %div3A_1728 : f32 to vector<196x1xf32>
      %div3A_1730 = arith.divf %broadcast_in_dim3A_1727, %div3A_1729 : vector<196x1xf32>
      %sub3A_1731 = vector.broadcast %div3A_1730 : vector<196x1xf32> to vector<196x512xf32>
      %sub3A_1732 = arith.subf %get3A_1711, %sub3A_1731 : vector<196x512xf32>
      %square3A_1733 = arith.mulf %sub3A_1732, %sub3A_1732 : vector<196x512xf32>
      %convert_element_type3A_1734 = arith.sitofp %jit3A_1724 : i32 to f32
      %sub3A_1735 = arith.constant 5.120000e+02 : f32
      %sub3A_1736 = arith.subf %sub3A_1735, %convert_element_type3A_1734 : f32
      %reduce_sum3A_1737 = arith.constant dense<0.000000e+00> : vector<196xf32>
      %reduce_sum3A_1738 = vector.multi_reduction <add>, %square3A_1733, %reduce_sum3A_1737 [1] : vector<196x512xf32> to vector<196xf32>
      %broadcast_in_dim3A_1739 = vector.shape_cast %reduce_sum3A_1738 : vector<196xf32> to vector<196x1xf32>
      %div3A_1740 = vector.broadcast %sub3A_1736 : f32 to vector<196x1xf32>
      %div3A_1741 = arith.divf %broadcast_in_dim3A_1739, %div3A_1740 : vector<196x1xf32>
      %gt3A_1742 = arith.constant 0.000000e+00 : f32
      %gt3A_1743 = arith.cmpf ogt, %sub3A_1736, %gt3A_1742 : f32
      %jit3A_1744 = arith.constant 0x7FC00000 : f32
      %broadcast_in_dim3A_1745 = vector.broadcast %jit3A_1744 : f32 to vector<196x1xf32>
      %select_n3A_1746 = arith.select %gt3A_1743, %div3A_1741, %broadcast_in_dim3A_1745 : vector<196x1xf32>
      %sub3A_1747 = vector.broadcast %div3A_1723 : vector<196x1xf32> to vector<196x512xf32>
      %sub3A_1748 = arith.subf %get3A_1711, %sub3A_1747 : vector<196x512xf32>
      %add3A_1749 = arith.constant 9.99999974E-6 : f32
      %add3A_1750 = vector.broadcast %add3A_1749 : f32 to vector<196x1xf32>
      %add3A_1751 = arith.addf %select_n3A_1746, %add3A_1750 : vector<196x1xf32>
      %sqrt3A_1752 = math.sqrt %add3A_1751 : vector<196x1xf32>
      %div3A_1753 = vector.broadcast %sqrt3A_1752 : vector<196x1xf32> to vector<196x512xf32>
      %div3A_1754 = arith.divf %sub3A_1748, %div3A_1753 : vector<196x512xf32>
      %mul3A_1755 = vector.broadcast %get3A_1714 : vector<1x512xf32> to vector<196x512xf32>
      %mul3A_1756 = arith.mulf %div3A_1754, %mul3A_1755 : vector<196x512xf32>
      %add3A_1757 = vector.broadcast %get3A_1717 : vector<1x512xf32> to vector<196x512xf32>
      %add3A_1758 = arith.addf %mul3A_1756, %add3A_1757 : vector<196x512xf32>
      %swap3A_1759 = arith.constant 4 : index
      %swap3A_1760 = arith.constant 0 : index
      %swap3A_1761 = arith.constant 0 : index
      %swap3A_1762 = vector.load %arg18[%swap3A_1759, %swap3A_1760, %swap3A_1761] : memref<5x196x512xf32, #tpu.memory_space<vmem>>, vector<1x196x512xf32>
      %swap3A_1763 = vector.shape_cast %swap3A_1762 : vector<1x196x512xf32> to vector<196x512xf32>
      %swap3A_1764 = vector.shape_cast %add3A_1758 : vector<196x512xf32> to vector<1x196x512xf32>
      tpu.vector_store %arg18[%swap3A_1759, %swap3A_1760, %swap3A_1761], %swap3A_1764 {strides = array<i32>} : memref<5x196x512xf32, #tpu.memory_space<vmem>>, vector<1x196x512xf32>,
    } else {
    }
    return
  }
  func.func @transform_0(%arg0: i32) -> (i32, i32, i32) {
    %c0_i32 = arith.constant 0 : i32
    %c0_i32_0 = arith.constant 0 : i32
    %c0_i32_1 = arith.constant 0 : i32
    %c0_i32_2 = arith.constant 0 : i32
    return %c0_i32, %c0_i32_0, %c0_i32_1 : i32, i32, i32
  }
  func.func @transform_1(%arg0: i32) -> (i32, i32, i32) {
    %c0_i32 = arith.constant 0 : i32
    %c0_i32_0 = arith.constant 0 : i32
    %c0_i32_1 = arith.constant 0 : i32
    return %arg0, %c0_i32, %c0_i32_0 : i32, i32, i32
  }
  func.func @transform_2(%arg0: i32) -> (i32, i32, i32) {
    %c0_i32 = arith.constant 0 : i32
    %c0_i32_0 = arith.constant 0 : i32
    %c0_i32_1 = arith.constant 0 : i32
    return %arg0, %c0_i32, %c0_i32_0 : i32, i32, i32
  }
  func.func @transform_3(%arg0: i32) -> (i32, i32, i32) {
    %c0_i32 = arith.constant 0 : i32
    %c0_i32_0 = arith.constant 0 : i32
    %c0_i32_1 = arith.constant 0 : i32
    return %arg0, %c0_i32, %c0_i32_0 : i32, i32, i32
  }
  func.func @transform_4(%arg0: i32) -> (i32, i32, i32) {
    %c0_i32 = arith.constant 0 : i32
    %c0_i32_0 = arith.constant 0 : i32
    %c0_i32_1 = arith.constant 0 : i32
    return %arg0, %c0_i32, %c0_i32_0 : i32, i32, i32
  }
  func.func @transform_5(%arg0: i32) -> (i32, i32, i32) {
    %c0_i32 = arith.constant 0 : i32
    %c0_i32_0 = arith.constant 0 : i32
    %c0_i32_1 = arith.constant 0 : i32
    return %arg0, %c0_i32, %c0_i32_0 : i32, i32, i32
  }
  func.func @transform_6(%arg0: i32) -> (i32, i32, i32) {
    %c0_i32 = arith.constant 0 : i32
    %c0_i32_0 = arith.constant 0 : i32
    %c0_i32_1 = arith.constant 0 : i32
    return %arg0, %c0_i32, %c0_i32_0 : i32, i32, i32
  }
  func.func @transform_7(%arg0: i32) -> (i32, i32, i32) {
    %c0_i32 = arith.constant 0 : i32
    %c0_i32_0 = arith.constant 0 : i32
    %c0_i32_1 = arith.constant 0 : i32
    return %arg0, %c0_i32, %c0_i32_0 : i32, i32, i32
  }
  func.func @transform_8(%arg0: i32) -> (i32, i32, i32) {
    %c0_i32 = arith.constant 0 : i32
    %c0_i32_0 = arith.constant 0 : i32
    %c0_i32_1 = arith.constant 0 : i32
    return %arg0, %c0_i32, %c0_i32_0 : i32, i32, i32
  }
  func.func @transform_9(%arg0: i32) -> (i32, i32, i32) {
    %c0_i32 = arith.constant 0 : i32
    %c0_i32_0 = arith.constant 0 : i32
    %c0_i32_1 = arith.constant 0 : i32
    return %arg0, %c0_i32, %c0_i32_0 : i32, i32, i32
  }
  func.func @transform_10(%arg0: i32) -> (i32, i32, i32) {
    %c0_i32 = arith.constant 0 : i32
    %c0_i32_0 = arith.constant 0 : i32
    %c0_i32_1 = arith.constant 0 : i32
    return %arg0, %c0_i32, %c0_i32_0 : i32, i32, i32
  }
  func.func @transform_11(%arg0: i32) -> (i32, i32, i32) {
    %c0_i32 = arith.constant 0 : i32
    %c0_i32_0 = arith.constant 0 : i32
    %c0_i32_1 = arith.constant 0 : i32
    return %arg0, %c0_i32, %c0_i32_0 : i32, i32, i32
  }
  func.func @transform_12(%arg0: i32) -> (i32, i32) {
    %c0_i32 = arith.constant 0 : i32
    %c0_i32_0 = arith.constant 0 : i32
    %c0_i32_1 = arith.constant 0 : i32
    return %c0_i32, %c0_i32_0 : i32, i32
  }
  func.func @transform_13(%arg0: i32) -> (i32, i32) {
    %c0_i32 = arith.constant 0 : i32
    %c0_i32_0 = arith.constant 0 : i32
    %c0_i32_1 = arith.constant 0 : i32
    return %c0_i32, %c0_i32_0 : i32, i32
  }
  func.func @transform_14(%arg0: i32) -> (i32, i32) {
    %c0_i32 = arith.constant 0 : i32
    %c0_i32_0 = arith.constant 0 : i32
    %c0_i32_1 = arith.constant 0 : i32
    return %c0_i32, %c0_i32_0 : i32, i32
  }
  func.func @transform_15(%arg0: i32) -> (i32, i32) {
    %c0_i32 = arith.constant 0 : i32
    %c0_i32_0 = arith.constant 0 : i32
    %c0_i32_1 = arith.constant 0 : i32
    return %c0_i32, %c0_i32_0 : i32, i32
  }
  func.func @transform_16(%arg0: i32) -> (i32, i32) {
    %c0_i32 = arith.constant 0 : i32
    %c0_i32_0 = arith.constant 0 : i32
    %c0_i32_1 = arith.constant 0 : i32
    return %c0_i32, %c0_i32_0 : i32, i32
  }
  func.func @transform_17(%arg0: i32) -> (i32, i32, i32) {
    %c0_i32 = arith.constant 0 : i32
    %c0_i32_0 = arith.constant 0 : i32
    %c0_i32_1 = arith.constant 0 : i32
    %c0_i32_2 = arith.constant 0 : i32
    return %c0_i32, %c0_i32_0, %c0_i32_1 : i32, i32, i32
  }
}

module attributes {stable_mosaic.version = 14 : i64} {
  func.func @_vq_body(%arg0: i32, %arg1: memref<980x512xf32, #tpu.memory_space<vmem>>, %arg2: memref<1024x512xf32, #tpu.memory_space<vmem>>, %arg3: memref<1x1x1024xf32, #tpu.memory_space<vmem>>, %arg4: memref<980x128xi32, #tpu.memory_space<vmem>>, %arg5: memref<980x128xf32, #tpu.memory_space<vmem>>, %arg6: memref<980x128xi32, #tpu.memory_space<vmem>>) attributes {dimension_semantics = [#tpu.dimension_semantics<arbitrary>], iteration_bounds = array<i64: 8>, scalar_prefetch = 0 : i64, scratch_operands = 2 : i64, tpu.core_type = #tpu.core_type<tc>, window_params = [{pipeline_mode = #tpu.pipeline_mode<synchronous>, transform_indices = @transform_0, window_bounds = array<i64: 980, 512>}, {transform_indices = @transform_1, window_bounds = array<i64: 1024, 512>}, {transform_indices = @transform_2, window_bounds = array<i64: 1, 1, 1024>}, {pipeline_mode = #tpu.pipeline_mode<synchronous>, transform_indices = @transform_3, window_bounds = array<i64: 980, 128>}]} {
    %eq3A = arith.constant 0 : i32
    %eq3A_0 = arith.cmpi eq, %arg0, %eq3A : i32
    %convert_element_type3A = arith.extui %eq3A_0 : i1 to i32
    %cond3A = arith.constant 0 : i32
    %cond3A_1 = arith.cmpi ne, %convert_element_type3A, %cond3A : i32
    scf.if %cond3A_1 {
      %broadcast_in_dim3A_46 = arith.constant 1.000000e+30 : f32
      %broadcast_in_dim3A_47 = vector.broadcast %broadcast_in_dim3A_46 : f32 to vector<980x128xf32>
      %swap3A_48 = arith.constant 0 : index
      %swap3A_49 = arith.constant 0 : index
      %swap3A_50 = vector.load %arg5[%swap3A_48, %swap3A_49] : memref<980x128xf32, #tpu.memory_space<vmem>>, vector<980x128xf32>
      tpu.vector_store %arg5[%swap3A_48, %swap3A_49], %broadcast_in_dim3A_47 {strides = array<i32>} : memref<980x128xf32, #tpu.memory_space<vmem>>, vector<980x128xf32>,
      %broadcast_in_dim3A_51 = arith.constant 0 : i32
      %broadcast_in_dim3A_52 = vector.broadcast %broadcast_in_dim3A_51 : i32 to vector<980x128xi32>
      %swap3A_53 = arith.constant 0 : index
      %swap3A_54 = arith.constant 0 : index
      %swap3A_55 = vector.load %arg6[%swap3A_53, %swap3A_54] : memref<980x128xi32, #tpu.memory_space<vmem>>, vector<980x128xi32>
      tpu.vector_store %arg6[%swap3A_53, %swap3A_54], %broadcast_in_dim3A_52 {strides = array<i32>} : memref<980x128xi32, #tpu.memory_space<vmem>>, vector<980x128xi32>,
    } else {
    }
    %get3A = arith.constant 0 : index
    %get3A_2 = arith.constant 0 : index
    %get3A_3 = arith.constant 0 : index
    %get3A_4 = vector.load %arg3[%get3A, %get3A_2, %get3A_3] : memref<1x1x1024xf32, #tpu.memory_space<vmem>>, vector<1x1x1024xf32>
    %get3A_5 = vector.shape_cast %get3A_4 : vector<1x1x1024xf32> to vector<1x1024xf32>
    %get3A_6 = arith.constant 0 : index
    %get3A_7 = arith.constant 0 : index
    %get3A_8 = vector.load %arg1[%get3A_6, %get3A_7] : memref<980x512xf32, #tpu.memory_space<vmem>>, vector<980x512xf32>
    %get3A_9 = arith.constant 0 : index
    %get3A_10 = arith.constant 0 : index
    %get3A_11 = vector.load %arg2[%get3A_9, %get3A_10] : memref<1024x512xf32, #tpu.memory_space<vmem>>, vector<1024x512xf32>
    %dot_general3A = arith.constant dense<0.000000e+00> : vector<980x1024xf32>
    %dot_general3A_12 = tpu.matmul %get3A_8, %get3A_11, %dot_general3A {dimension_numbers = #tpu.dot_dimension_numbers<[1], [1], [0], [0], [0, 0, 1, 0], [], []>, transpose_lhs_hint = false} : vector<980x512xf32>, vector<1024x512xf32>, vector<980x1024xf32> -> vector<980x1024xf32>
    %mul3A = arith.constant 2.000000e+00 : f32
    %mul3A_13 = vector.broadcast %mul3A : f32 to vector<980x1024xf32>
    %mul3A_14 = arith.mulf %mul3A_13, %dot_general3A_12 : vector<980x1024xf32>
    %sub3A = vector.broadcast %get3A_5 : vector<1x1024xf32> to vector<980x1024xf32>
    %sub3A_15 = arith.subf %sub3A, %mul3A_14 : vector<980x1024xf32>
    %reduce_min3A = arith.constant dense<0x7F800000> : vector<980xf32>
    %reduce_min3A_16 = vector.multi_reduction <minimumf>, %sub3A_15, %reduce_min3A [1] : vector<980x1024xf32> to vector<980xf32>
    %broadcast_in_dim3A = vector.shape_cast %reduce_min3A_16 : vector<980xf32> to vector<980x1xf32>
    %iota3A = tpu.iota {dimensions = array<i32: 1>} : vector<980x1024xi32>
    %mul3A_17 = arith.constant 1024 : i32
    %mul3A_18 = arith.muli %arg0, %mul3A_17 : i32
    %add3A = vector.broadcast %mul3A_18 : i32 to vector<980x1024xi32>
    %add3A_19 = arith.addi %iota3A, %add3A : vector<980x1024xi32>
    %le3A = vector.broadcast %broadcast_in_dim3A : vector<980x1xf32> to vector<980x1024xf32>
    %le3A_20 = arith.cmpf ole, %sub3A_15, %le3A : vector<980x1024xf32>
    %jit3A = arith.constant 1073741824 : i32
    %broadcast_in_dim3A_21 = vector.broadcast %jit3A : i32 to vector<980x1024xi32>
    %select_n3A = arith.select %le3A_20, %add3A_19, %broadcast_in_dim3A_21 : vector<980x1024xi1>, vector<980x1024xi32>
    %reduce_min3A_22 = arith.constant dense<2147483647> : vector<980xi32>
    %reduce_min3A_23 = vector.multi_reduction <minsi>, %select_n3A, %reduce_min3A_22 [1] : vector<980x1024xi32> to vector<980xi32>
    %broadcast_in_dim3A_24 = vector.shape_cast %reduce_min3A_23 : vector<980xi32> to vector<980x1xi32>
    %get3A_25 = arith.constant 0 : index
    %get3A_26 = arith.constant 0 : index
    %get3A_27 = vector.load %arg5[%get3A_25, %get3A_26] : memref<980x128xf32, #tpu.memory_space<vmem>>, vector<980x1xf32>
    %lt3A = arith.cmpf olt, %broadcast_in_dim3A, %get3A_27 : vector<980x1xf32>
    %get3A_28 = arith.constant 0 : index
    %get3A_29 = arith.constant 0 : index
    %get3A_30 = vector.load %arg5[%get3A_28, %get3A_29] : memref<980x128xf32, #tpu.memory_space<vmem>>, vector<980x1xf32>
    %select_n3A_31 = arith.select %lt3A, %broadcast_in_dim3A, %get3A_30 : vector<980x1xi1>, vector<980x1xf32>
    %swap3A = arith.constant 0 : index
    %swap3A_32 = arith.constant 0 : index
    %swap3A_33 = vector.load %arg5[%swap3A, %swap3A_32] : memref<980x128xf32, #tpu.memory_space<vmem>>, vector<980x1xf32>
    tpu.vector_store %arg5[%swap3A, %swap3A_32], %select_n3A_31 {strides = array<i32>} : memref<980x128xf32, #tpu.memory_space<vmem>>, vector<980x1xf32>,
    %get3A_34 = arith.constant 0 : index
    %get3A_35 = arith.constant 0 : index
    %get3A_36 = vector.load %arg6[%get3A_34, %get3A_35] : memref<980x128xi32, #tpu.memory_space<vmem>>, vector<980x1xi32>
    %select_n3A_37 = arith.select %lt3A, %broadcast_in_dim3A_24, %get3A_36 : vector<980x1xi1>, vector<980x1xi32>
    %swap3A_38 = arith.constant 0 : index
    %swap3A_39 = arith.constant 0 : index
    %swap3A_40 = vector.load %arg6[%swap3A_38, %swap3A_39] : memref<980x128xi32, #tpu.memory_space<vmem>>, vector<980x1xi32>
    tpu.vector_store %arg6[%swap3A_38, %swap3A_39], %select_n3A_37 {strides = array<i32>} : memref<980x128xi32, #tpu.memory_space<vmem>>, vector<980x1xi32>,
    %eq3A_41 = arith.constant 7 : i32
    %eq3A_42 = arith.cmpi eq, %arg0, %eq3A_41 : i32
    %convert_element_type3A_43 = arith.extui %eq3A_42 : i1 to i32
    %cond3A_44 = arith.constant 0 : i32
    %cond3A_45 = arith.cmpi ne, %convert_element_type3A_43, %cond3A_44 : i32
    scf.if %cond3A_45 {
      %get3A_46 = arith.constant 0 : index
      %get3A_47 = arith.constant 0 : index
      %get3A_48 = vector.load %arg6[%get3A_46, %get3A_47] : memref<980x128xi32, #tpu.memory_space<vmem>>, vector<980x128xi32>
      %swap3A_49 = arith.constant 0 : index
      %swap3A_50 = arith.constant 0 : index
      %swap3A_51 = vector.load %arg4[%swap3A_49, %swap3A_50] : memref<980x128xi32, #tpu.memory_space<vmem>>, vector<980x128xi32>
      tpu.vector_store %arg4[%swap3A_49, %swap3A_50], %get3A_48 {strides = array<i32>} : memref<980x128xi32, #tpu.memory_space<vmem>>, vector<980x128xi32>,
    } else {
    }
    return
  }
  func.func @transform_0(%arg0: i32) -> (i32, i32) {
    %c0_i32 = arith.constant 0 : i32
    %c0_i32_0 = arith.constant 0 : i32
    %c0_i32_1 = arith.constant 0 : i32
    return %c0_i32, %c0_i32_0 : i32, i32
  }
  func.func @transform_1(%arg0: i32) -> (i32, i32) {
    %c0_i32 = arith.constant 0 : i32
    %c0_i32_0 = arith.constant 0 : i32
    return %arg0, %c0_i32 : i32, i32
  }
  func.func @transform_2(%arg0: i32) -> (i32, i32, i32) {
    %c0_i32 = arith.constant 0 : i32
    %c0_i32_0 = arith.constant 0 : i32
    %c0_i32_1 = arith.constant 0 : i32
    return %arg0, %c0_i32, %c0_i32_0 : i32, i32, i32
  }
  func.func @transform_3(%arg0: i32) -> (i32, i32) {
    %c0_i32 = arith.constant 0 : i32
    %c0_i32_0 = arith.constant 0 : i32
    %c0_i32_1 = arith.constant 0 : i32
    return %c0_i32, %c0_i32_0 : i32, i32
  }
}

module attributes {stable_mosaic.version = 14 : i64} {
  func.func @_linear_body(%arg0: memref<784x512xf32, #tpu.memory_space<vmem>>, %arg1: memref<512x1536xf32, #tpu.memory_space<vmem>>, %arg2: memref<1x1536xf32, #tpu.memory_space<vmem>>, %arg3: memref<784x1536xf32, #tpu.memory_space<vmem>>) attributes {dimension_semantics = [], scalar_prefetch = 0 : i64, scratch_operands = 0 : i64, tpu.core_type = #tpu.core_type<tc>} {
    %get3A = arith.constant 0 : index
    %get3A_0 = arith.constant 0 : index
    %get3A_1 = vector.load %arg0[%get3A, %get3A_0] : memref<784x512xf32, #tpu.memory_space<vmem>>, vector<784x512xf32>
    %get3A_2 = arith.constant 0 : index
    %get3A_3 = arith.constant 0 : index
    %get3A_4 = vector.load %arg1[%get3A_2, %get3A_3] : memref<512x1536xf32, #tpu.memory_space<vmem>>, vector<512x1536xf32>
    %dot_general3A = arith.constant dense<0.000000e+00> : vector<784x1536xf32>
    %dot_general3A_5 = tpu.matmul %get3A_1, %get3A_4, %dot_general3A {dimension_numbers = #tpu.dot_dimension_numbers<[1], [0], [0], [1], [0, 0, 1, 1], [], []>, transpose_lhs_hint = false} : vector<784x512xf32>, vector<512x1536xf32>, vector<784x1536xf32> -> vector<784x1536xf32>
    %get3A_6 = arith.constant 0 : index
    %get3A_7 = arith.constant 0 : index
    %get3A_8 = vector.load %arg2[%get3A_6, %get3A_7] : memref<1x1536xf32, #tpu.memory_space<vmem>>, vector<1x1536xf32>
    %add3A = vector.broadcast %get3A_8 : vector<1x1536xf32> to vector<784x1536xf32>
    %add3A_9 = arith.addf %dot_general3A_5, %add3A : vector<784x1536xf32>
    %swap3A = arith.constant 0 : index
    %swap3A_10 = arith.constant 0 : index
    %swap3A_11 = vector.load %arg3[%swap3A, %swap3A_10] : memref<784x1536xf32, #tpu.memory_space<vmem>>, vector<784x1536xf32>
    tpu.vector_store %arg3[%swap3A, %swap3A_10], %add3A_9 {strides = array<i32>} : memref<784x1536xf32, #tpu.memory_space<vmem>>, vector<784x1536xf32>,
    return
  }
}

module attributes {stable_mosaic.version = 14 : i64} {
  func.func @_linear_body(%arg0: memref<196x512xf32, #tpu.memory_space<vmem>>, %arg1: memref<512x768xf32, #tpu.memory_space<vmem>>, %arg2: memref<1x768xf32, #tpu.memory_space<vmem>>, %arg3: memref<196x768xf32, #tpu.memory_space<vmem>>) attributes {dimension_semantics = [], scalar_prefetch = 0 : i64, scratch_operands = 0 : i64, tpu.core_type = #tpu.core_type<tc>} {
    %get3A = arith.constant 0 : index
    %get3A_0 = arith.constant 0 : index
    %get3A_1 = vector.load %arg0[%get3A, %get3A_0] : memref<196x512xf32, #tpu.memory_space<vmem>>, vector<196x512xf32>
    %get3A_2 = arith.constant 0 : index
    %get3A_3 = arith.constant 0 : index
    %get3A_4 = vector.load %arg1[%get3A_2, %get3A_3] : memref<512x768xf32, #tpu.memory_space<vmem>>, vector<512x768xf32>
    %dot_general3A = arith.constant dense<0.000000e+00> : vector<196x768xf32>
    %dot_general3A_5 = tpu.matmul %get3A_1, %get3A_4, %dot_general3A {dimension_numbers = #tpu.dot_dimension_numbers<[1], [0], [0], [1], [0, 0, 1, 1], [], []>, transpose_lhs_hint = false} : vector<196x512xf32>, vector<512x768xf32>, vector<196x768xf32> -> vector<196x768xf32>
    %get3A_6 = arith.constant 0 : index
    %get3A_7 = arith.constant 0 : index
    %get3A_8 = vector.load %arg2[%get3A_6, %get3A_7] : memref<1x768xf32, #tpu.memory_space<vmem>>, vector<1x768xf32>
    %add3A = vector.broadcast %get3A_8 : vector<1x768xf32> to vector<196x768xf32>
    %add3A_9 = arith.addf %dot_general3A_5, %add3A : vector<196x768xf32>
    %swap3A = arith.constant 0 : index
    %swap3A_10 = arith.constant 0 : index
    %swap3A_11 = vector.load %arg3[%swap3A, %swap3A_10] : memref<196x768xf32, #tpu.memory_space<vmem>>, vector<196x768xf32>
    tpu.vector_store %arg3[%swap3A, %swap3A_10], %add3A_9 {strides = array<i32>} : memref<196x768xf32, #tpu.memory_space<vmem>>, vector<196x768xf32>,
    return
  }
}

</mosaic_0001>

<sc_bundles>
// kernel: kernel.12.cloned.1.call-start
scs
__scs_entry_jumppad:
0x0: {  	(pc) =	sbr.rel $0x88, $3  }
0x1: {  	(tag) =	ssettag $0x0;
	lr =	simm.s32 $0x1  }
0x2: {  	[smem:$0x3EF1] =	sst lr;
	_ =	strace $0xD0000000  }
0x3: {  	_ = 	snop  }
0x4: {  	_ = 	snop  }
0x5: {  	_ = 	snop  }
0x6: {  	_ = 	snop  }
0x7: {  	_ = 	snop  }
__scs_overlays_trampoline_lowered:
0x8: {  	[smem:$0x3F00] =	sst s0  }
0x9: {  	[smem:$0x3F01] =	sst s1  }
0xa: {  	[smem:$0x3F02] =	sst s2  }
0xb: {  	[smem:$0x3F03] =	sst s3  }
0xc: {  	[smem:$0x3F04] =	sst s4  }
0xd: {  	[smem:$0x3F05] =	sst s5  }
0xe: {  	[smem:$0x3F06] =	sst s6  }
0xf: {  	[smem:$0x3F07] =	sst s7  }
0x10: {  	[smem:$0x3F08] =	sst s8  }
0x11: {  	[smem:$0x3F09] =	sst s9;
	s0 =	simm.s32 @!p0 $0x0  }
0x12: {  	s1 =	sld [smem:$0x3EEF];
	s0 =	simm.s32 @p0 $0x1  }
0x13: {  	[smem:$0x3F0A] =	sst s0;
	s0 =	simm.s32 @!p1 $0x0  }
0x14: {  	s2 =	sld [smem:$0x3EEE];
	s0 =	simm.s32 @p1 $0x1  }
0x15: {  	[smem:$0x3F0B] =	sst s0;
	s0 =	simm.s32 @!p2 $0x0  }
0x16: {  	s3 =	sld [smem:$0x3FDB];
	s0 =	simm.s32 @p2 $0x1  }
0x17: {  	s4 =	simm.s32 $0x1BF5;
	[smem:$0x3F0D] =	sst s0  }
0x18: {  	s0 =	sld [smem:$0x3EF0];
	_ =	swait.ge [sflag:s4], $0x0  }
0x19: {  	s7 =	sld [smem:$0x3EF1]  }
0x1a: {  	s8 =	sadd.s32 $0xFFFFE003, lr  }
0x1b: {  	s9 =	sadd.s32 $0xFFFFFEF7, lr;
	s5 =	simm.s32 $0xFFFFFFFF;
	p2 =	slt.u32 s8, $0xFFFFF086  }
0x1c: {  	p1 =	slt.u32 s9, $0xF7A;
	s5 =	simm.s32 @!p2 $0x0  }
0x1d: {  	s5 =	simm.s32 @p1 $0x1;
	p0 =	seq.s32 s7, s2  }
0x1e: {  	s7 =	smul.u32 @!p0 $0xF7A, s2;
	p2 =	seq.s32 @!p0 s5, $0x0  }
0x1f: {  	s9 =	smul.u32 $0xF7A, s1;
	s8 =	simm.s32 @!p0 $0x1BF5;
	p2 =	por !p2, p0  }
0x20: {  	[sflag:s8] =	ssyncset.s32 @!p0 $0xFFFFF086;
	s6 =	sadd.s32 @!p0 s3, s7;
	s7 =	simm.s32 @!p0 $0x108  }
0x21: {  	s3 =	sadd.s32 s3, s9;
	s6 =	sadd.s32 @!p0 $0x88, s6;
	s7 =	simm.s32 @p2 $0x1082  }
0x22: {  	[simem:s7], [sflag:s8] =	dma.local @!p0 [hbm:s6], $0xF7A  }
0x23: {  	s9 =	sor.u32 $0xD0000000, s2;
	s6 =	simm.s32 $0x108;
	_ =	swait.ge @!p0 [sflag:s8], $0x0  }
0x24: {  	s3 =	sadd.s32 $0x88, s3;
	s6 =	simm.s32 @!p1 $0x1082;
	[sflag:s4] =	ssyncset.s32 $0xFFFFF086  }
0x25: {  	[simem:s6], [sflag:s4] =	dma.local [hbm:s3], $0xF7A  }
0x26: {  	[smem:$0x3EF1] =	sst s1;
	(tag) =	ssettag s2;
	_ =	strace s9  }
0x27: {  	s1 =	sld [smem:$0x3F01]  }
0x28: {  	s2 =	sld [smem:$0x3F02]  }
0x29: {  	s4 =	sld [smem:$0x3F04]  }
0x2a: {  	p0 =	seq.s32 s5, $0x0;
	s5 =	sld [smem:$0x3F05]  }
0x2b: {  	s6 =	sld [smem:$0x3F06]  }
0x2c: {  	s7 =	sld [smem:$0x3F07]  }
0x2d: {  	s3 =	simm.s32 $0x108;
	s8 =	sld [smem:$0x3F08]  }
0x2e: {  	s3 =	simm.s32 @!p0 $0x1082;
	s9 =	sld [smem:$0x3F09]  }
0x2f: {  	lr =	sadd.s32 s0, s3;
	s0 =	sld [smem:$0x3F00]  }
0x30: {  	s3 =	sld [smem:$0x3F03]  }
0x31: {  	[smem:$0x3F0C] =	sst s10  }
0x32: {  	s10 =	sld [smem:$0x3F0A];
	_ =	sdelay $0x3  }
0x33: {  	p0 =	seq.s32 s10, $0x1;
	s10 =	sld [smem:$0x3F0C];
	_ =	sdelay $0x3  }
0x34: {  	[smem:$0x3F0C] =	sst s10  }
0x35: {  	s10 =	sld [smem:$0x3F0B];
	_ =	sdelay $0x3  }
0x36: {  	p1 =	seq.s32 s10, $0x1;
	s10 =	sld [smem:$0x3F0C];
	_ =	sdelay $0x3  }
0x37: {  	[smem:$0x3F0C] =	sst s10  }
0x38: {  	s10 =	sld [smem:$0x3F0D]  }
0x39: {  	_ = 	snop;
	(pc) =	sbr.ind lr, $3  }
0x3a: {  	_ = 	snop  }
0x3b: {  	_ = 	snop  }
0x3c: {  	p2 =	seq.s32 s10, $0x1;
	s10 =	sld [smem:$0x3F0C]  }
0x3d: {  	_ =	shalt  }
0x3e: {  	_ =	shalt  }
0x3f: {  	_ =	shalt  }
0x40: {  	_ =	shalt  }
0x41: {  	_ =	shalt  }
0x42: {  	_ =	shalt  }
0x43: {  	_ =	shalt  }
0x44: {  	_ =	shalt  }
0x45: {  	_ =	shalt  }
0x46: {  	_ =	shalt  }
0x47: {  	_ =	shalt  }
0x48: {  	_ =	shalt  }
0x49: {  	_ =	shalt  }
0x4a: {  	_ =	shalt  }
0x4b: {  	_ =	shalt  }
0x4c: {  	_ =	shalt  }
0x4d: {  	_ =	shalt  }
0x4e: {  	_ =	shalt  }
0x4f: {  	_ =	shalt  }
0x50: {  	_ =	shalt  }
0x51: {  	_ =	shalt  }
0x52: {  	_ =	shalt  }
0x53: {  	_ =	shalt  }
0x54: {  	_ =	shalt  }
0x55: {  	_ =	shalt  }
0x56: {  	_ =	shalt  }
0x57: {  	_ =	shalt  }
0x58: {  	_ =	shalt  }
0x59: {  	_ =	shalt  }
0x5a: {  	_ =	shalt  }
0x5b: {  	_ =	shalt  }
0x5c: {  	_ =	shalt  }
0x5d: {  	_ =	shalt  }
0x5e: {  	_ =	shalt  }
0x5f: {  	_ =	shalt  }
0x60: {  	_ =	shalt  }
0x61: {  	_ =	shalt  }
0x62: {  	_ =	shalt  }
0x63: {  	_ =	shalt  }
0x64: {  	_ =	shalt  }
0x65: {  	_ =	shalt  }
0x66: {  	_ =	shalt  }
0x67: {  	_ =	shalt  }
0x68: {  	_ =	shalt  }
0x69: {  	_ =	shalt  }
0x6a: {  	_ =	shalt  }
0x6b: {  	_ =	shalt  }
0x6c: {  	_ =	shalt  }
0x6d: {  	_ =	shalt  }
0x6e: {  	_ =	shalt  }
0x6f: {  	_ =	shalt  }
0x70: {  	_ =	shalt  }
0x71: {  	_ =	shalt  }
0x72: {  	_ =	shalt  }
0x73: {  	_ =	shalt  }
0x74: {  	_ =	shalt  }
0x75: {  	_ =	shalt  }
0x76: {  	_ =	shalt  }
0x77: {  	_ =	shalt  }
0x78: {  	_ =	shalt  }
0x79: {  	_ =	shalt  }
0x7a: {  	_ =	shalt  }
0x7b: {  	_ =	shalt  }
0x7c: {  	_ =	shalt  }
0x7d: {  	_ =	shalt  }
0x7e: {  	_ =	shalt  }
0x7f: {  	_ =	shalt  }
0x80: {  	_ =	shalt  }
0x81: {  	_ =	shalt  }
0x82: {  	_ =	shalt  }
0x83: {  	_ =	shalt  }
0x84: {  	_ =	shalt  }
0x85: {  	_ =	shalt  }
0x86: {  	_ =	shalt  }
0x87: {  	_ =	shalt  }
.Lfunc_end0:
.L_simem_size_0:
called_computation_lowered:
.L_overlay_start_0:
0x88: {  	s2 =	sld [smem:$0x3FD9]  }
0x89: {  	s3 =	sld [smem:$0x3FFE];
	_ =	sdelay $0x1  }
0x8a: {  	s1 =	srdreg.scid  }
0x8b: {  	s0 =	sand.u32 $0x1, s1  }
0x8c: {  	s17 =	sshll.u32 s0, $0xA;
	s2 =	sadd.s32 s3, s2  }
0x8d: {  	s2 =	sadd.s32 s2, s17  }
0x8e: {  	[smem:$0x3F18] =	sst s2  }
0x8f: {  	_ = 	snop  }
0x90: {  	s2 =	sld [smem:$0x3FC8];
	(tm) =	ssettm $0x1  }
0x91: {  	s18 =	sld [smem:$0x3FFB];
	_ =	sdelay $0x3  }
0x92: {  	_ =	strace s18  }
0x93: {  	s3 =	sld [smem:$0x3FFC];
	_ =	sdelay $0x3  }
0x94: {  	_ =	strace s3  }
0x95: {  	s3 =	sld [smem:$0x3FFD];
	_ =	sdelay $0x3  }
0x96: {  	_ =	strace s3  }
0x97: {  	_ =	strace $0x8FFFFFFF  }
0x98: {  	s19 =	sld [smem:$0x3FDB];
	_ =	sdelay $0x1  }
0x99: {  	s4 =	simm.s32 $_scs_section_size  }
0x9a: {  	s5 =	simm.s32 $_size__tile_overlayer_lowered;
	s6 =	simm.s32 $_tile_overlayer_lowered  }
0x9b: {  	s22 =	simm.s32 $0x1BFF;
	s21 =	sshll.u32 s6, $0x1;
	s3 =	sadd.s32 s4, s19  }
0x9c: {  	s7 =	simm.s32 $0x0;
	s20 =	sshll.u32 s5, $0x1;
	s5 =	sadd.s32 s21, s3  }
0x9d: {  	[timem:s7], [sflag:s22] =	dma.local [hbm:s5], s20  }
0x9e: {  	_ =	swait.ge [sflag:s22], s20  }
0x9f: {  	s4 =	ssub.s32 $0x0, s20;
	[sflag:s22] =	ssyncset.done $0x0  }
0xa0: {  	[sflag:s22] =	ssyncadd.s32 s4;
	_ =	sdelay $0x1  }
0xa1: {  	s23 =	simm.s32 $0x1B8B  }
0xa2: {  	_ =	swait.ge [sflag:s23], $0x1  }
0xa3: {  	[sflag:s23] =	ssyncset.done $0x0  }
0xa4: {  	s25 =	simm.s32 $0x1B8E;
	s24 =	sld [smem:$0x3FFE];
	[sflag:s23] =	ssyncadd.s32 $0xFFFFFFFF  }
0xa5: {  	s26 =	simm.s32 $execute0_lowered;
	[smem:$0x3FD2] =	sst s25  }
0xa6: {  	s5 =	sshll.u32 s26, $0x1;
	_ =	strace $0x80000046;
	[dreg:$0x1] =	wrdreg $0xFFFFFFFF  }
0xa7: {  	s28 =	simm.s32 $_size_execute0_lowered;
	s3 =	sadd.s32 s3, s5;
	[dreg:$0x0] =	wrdreg $0x0  }
0xa8: {  	s5 =	sshll.u32 s28, $0x1;
	[dreg:$0x2] =	wrdreg s3  }
0xa9: {  	[dreg:$0x3] =	wrdreg s5  }
0xaa: {  	[dreg:$0x4] =	wrdreg $0xC0  }
0xab: {  	_ =	task [dreg:s7], $0x5FFFF  }
0xac: {  	[dreg:$0x1] =	wrdreg $0xFFFFFFFF  }
0xad: {  	[dreg:$0x0] =	wrdreg $0x60  }
0xae: {  	[dreg:$0x2] =	wrdreg s2  }
0xaf: {  	[dreg:$0x3] =	wrdreg s24  }
0xb0: {  	[dreg:$0x4] =	wrdreg $0x9  }
0xb1: {  	_ =	task.clear_ibuf [dreg:s7], $0x5FFFF;
	_ =	strace $0x90000046  }
0xb2: {  	s29 =	simm.s32 $0x9;
	_ =	strace $0x80000048  }
0xb3: {  	_ =	swait.ge [sflag:s29], $0x1  }
0xb4: {  	[sflag:s29] =	ssyncadd.s32 $0xFFFFFFFF  }
0xb5: {  	_ =	strace $0x90000048  }
0xb6: {  	_ =	sfence  }
0xb7: {  	s30 =	sld [smem:$0x0];
	_ =	sdelay $0x2  }
0xb8: {  	s31 =	sshll.u32 s1, $0xD;
	s1 =	sshrl.u32 s1, $0x2  }
0xb9: {  	s3 =	sand.u32 $0x4000, s31;
	s1 =	sadd.s32 s1, s30  }
0xba: {  	s0 =	sor.u32 s3, s0;
	s1 =	sshll.u32 s1, $0x11  }
0xbb: {  	s0 =	sor.u32 s1, s0  }
0xbc: {  	s0 =	sadd.s32 $0x8F2B, s0  }
0xbd: {  	[sflag:s0] =	ssyncadd.remote.s32 $0x1  }
0xbe: {  	_ =	sfence.sel $0xFFFF  }
0xbf: {  	[dreg:$0x0] =	wrdreg $0xFFFFFFFF;
	(pc) =	sbr.abs _section_cstart, $3  }
0xc0: {  	[dreg:$0x1] =	wrdreg $0xFFFFFFFF  }
0xc1: {  	_ =	task.clear_ibuf [dreg:s7], $0x2FFFF;
	_ =	strace $0x9FFFFFFF  }
0xc2: {  	(tm) =	ssettm $0x7FFFFFFF  }
0xc3: {  	_ =	shalt  }
tec
execute0_lowered:
.L_overlay_start_1:
0x0: {  	(tag) =	ssettag $0x1  }
0x1: {  	s1 =	rddreg [dreg:$0x0]  }
0x2: {  	s4 =	rddreg [dreg:$0x1]  }
0x3: {  	s0 =	rddreg [dreg:$0x2]  }
0x4: {  	s5 =	srdreg.scid;
	s3 =	simm.s32 $0x0;
	s2 =	stileid.u32  }
0x5: {  	s9 =	simm.s32 $0x80;
	s10 =	simm.s32 $0x880;
	s11 =	simm.s32 $0x1080  }
0x6: {  	s12 =	simm.s32 $0x1880;
	s13 =	simm.s32 $0x2080;
	s14 =	simm.s32 $0x2880  }
0x7: {  	s15 =	simm.s32 $0x3080;
	s16 =	simm.s32 $0x3880;
	s5 =	sand.u32 $0x1, s5  }
0x8: {  	s17 =	simm.s32 $0x1;
	s6 =	sshll.u32 s2, $0x6;
	s7 =	sshll.u32 s5, $0x5  }
0x9: {  	[smem:$0x7FF] =	sst s3;
	s5 =	ssub.s32 $0x2, s5;
	s6 =	sor.u32 s7, s6  }
0xa: {  	_ =	strace $0x80000047;
	s31 =	sshrl.u32 s5, $0x1;
	s7 =	sshrl.u32 s6, $0x3  }
0xb: {  	v2 =	vlaneseq.u32;
	s6 =	sshll.u32 s6, $0x6;
	s8 =	ssub.s32 s5, s31;
	s7 =	sadd.s32 s7, s4  }
0xc: {  	vm0 =	vmmov $0xffff;
	v1 =	vshrl.u32 v2, $0x3;
	s5 =	sadd.s32 $0x100, s1;
	s6 =	sadd.s32 s6, s4;
	s4 =	sadd.s32 $0x2BC00, s7  }
0xd: {  	v0 =	vand.u32 $0x7, v2;
	v2 =	vor.u32 $0x8, v2;
	v1 =	vmul.u32 $0x8, v1;
	s6 =	sadd.s32 $0x2BE00, s6;
	s7 =	smax.u32 s8, $0x1;
	s8 =	simm.s32 $0x2  }
.LBB2_1:
0xe: {  	[tilespmem:s3], [sflag:$0x2] =	stream.linear.gather [hbm4b:s4+s3], $0x20, $0x38;
	[tilespmem:$0x4080] =	vst v63  }
0xf: {  	_ =	swait.ge [sflag:s8], $0x20  }
0x10: {  	[sflag:s8] =	ssyncset.done $0x0  }
0x11: {  	[sflag:s8] =	ssyncadd.s32 $0xFFFFFFE0  }
0x12: {  	v3 =	vld [tilespmem:$0x0];
	_ =	sdelay $0x4  }
0x13: {  	v4 =	vshll.u32 v3, $0x2  }
0x14: {  	v3 =	vand.u32 $0x7, v3;
	v4 =	vand.u32 $0xFFFFFFE0, v4  }
0x15: {  	v3 =	vor.u32 v3, v4  }
0x16: {  	v4 =	vperm.xlane v3, v0;
	_ =	sdelay $0x1  }
0x17: {  	v4 =	vadd.s32 v1, v4;
	_ =	sdelay $0x1  }
0x18: {  	v3 =	vperm.xlane v3, v2;
	_ =	sdelay $0x1  }
0x19: {  	v3 =	vadd.s32 v1, v3  }
0x1a: {  	[tilespmem:s9], [sflag:$0x1] =	stream.indirect_vreg.gather [hbm4b:s1+s3], $0x80, v4, vm0, $0xb8;
	[tilespmem:$0x4080] =	vst v63  }
0x1b: {  	_ = 	snop  }
0x1c: {  	[tilespmem:s10], [sflag:$0x1] =	stream.indirect_vreg.gather [hbm4b:s5+s3], $0x80, v4, vm0, $0xb8;
	[tilespmem:$0x4080] =	vst v63  }
0x1d: {  	_ = 	snop  }
0x1e: {  	[tilespmem:s11], [sflag:$0x1] =	stream.indirect_vreg.gather [hbm4b:s1+s3], $0x80, v3, vm0, $0xb8;
	[tilespmem:$0x4080] =	vst v63  }
0x1f: {  	_ = 	snop  }
0x20: {  	[tilespmem:s12], [sflag:$0x1] =	stream.indirect_vreg.gather [hbm4b:s5+s3], $0x80, v3, vm0, $0xb8;
	[tilespmem:$0x4080] =	vst v63  }
0x21: {  	v3 =	vld [tilespmem:$0x10];
	_ =	sdelay $0x4  }
0x22: {  	v63 =	vshll.u32 v3, $0x2  }
0x23: {  	v3 =	vand.u32 $0x7, v3;
	v4 =	vand.u32 $0xFFFFFFE0, v63  }
0x24: {  	v3 =	vor.u32 v3, v4  }
0x25: {  	v4 =	vperm.xlane v3, v0;
	_ =	sdelay $0x1  }
0x26: {  	v4 =	vadd.s32 v1, v4;
	_ =	sdelay $0x1  }
0x27: {  	v3 =	vperm.xlane v3, v2;
	_ =	sdelay $0x1  }
0x28: {  	v3 =	vadd.s32 v1, v3  }
0x29: {  	[tilespmem:s13], [sflag:$0x1] =	stream.indirect_vreg.gather [hbm4b:s1+s3], $0x80, v4, vm0, $0xb8;
	[tilespmem:$0x4080] =	vst v63  }
0x2a: {  	_ = 	snop  }
0x2b: {  	[tilespmem:s14], [sflag:$0x1] =	stream.indirect_vreg.gather [hbm4b:s5+s3], $0x80, v4, vm0, $0xb8;
	[tilespmem:$0x4080] =	vst v63  }
0x2c: {  	_ = 	snop  }
0x2d: {  	[tilespmem:s15], [sflag:$0x1] =	stream.indirect_vreg.gather [hbm4b:s1+s3], $0x80, v3, vm0, $0xb8;
	[tilespmem:$0x4080] =	vst v63  }
0x2e: {  	_ = 	snop  }
0x2f: {  	[tilespmem:s16], [sflag:$0x1] =	stream.indirect_vreg.gather [hbm4b:s5+s3], $0x80, v3, vm0, $0xb8;
	[tilespmem:$0x4080] =	vst v63  }
0x30: {  	_ =	swait.ge [sflag:s17], $0x4000  }
0x31: {  	p0 =	sne.s32 s7, $0x1;
	[sflag:s17] =	ssyncset.done $0x0  }
.Ltmp0:
0x32: {  	[sflag:s17] =	ssyncadd.s32 $0xFFFFC000;
	(pc) =	sbr.rel @p0 .LBB2_1-.Ltmp0, $4  }
0x33: {  	[hbm4b:s6+s3] =	stream.linear.scatter [tilespmem:s9], [sflag:$0x2], $0x4000, $0x38;
	[tilespmem:$0x4080] =	vst v63  }
0x34: {  	_ =	swait.ge [sflag:s8], $0x4000  }
0x35: {  	[sflag:s8] =	ssyncset.done $0x0  }
0x36: {  	s7 =	sadd.s32 $0xFFFFFFFF, s7;
	[sflag:s8] =	ssyncadd.s32 $0xFFFFC000  }
0x37: {  	_ =	sfence.sel $0x180000  }
0x38: {  	[bflag:$0x0] =	sbarrier.arrive $0xFFFF  }
0x39: {  	p0 =	sne.s32 s2, $0x0;
	_ =	strace $0x90000047  }
0x3a: {  	s0 =	sadd.s32 @!p0 $0x100000, s0;
	[bflag:$0x2] =	sbarrier.arrive $0xFFFF  }
0x3b: {  	[sflag:s0] =	ssyncadd.tile.s32 @!p0 $0x1;
	_ =	shalt  }
.Lfunc_end2:
_tile_overlayer_lowered:
.L_overlay_start_2:
0x3c: {  	(tag) =	ssettag $0x2  }
0x3d: {  	s0 =	rddreg [dreg:$0x0];
	s2 =	stileid.u32  }
0x3e: {  	s1 =	rddreg [dreg:$0x1];
	p0 =	sne.s32 s2, $0x0  }
0x3f: {  	s3 =	rddreg [dreg:$0x2];
	[bflag:$0x3] =	sbarrier.arrive $0xFFFF;
	s2 =	simm.s32 @!p0 $0x1C02  }
0x40: {  	[timem:s3], [sflag:s2] =	dma.local @!p0 [hbm:s0], s1  }
0x41: {  	s0 =	simm.s32 @!p0 $0x2  }
0x42: {  	_ =	swait.ge @!p0 [sflag:s0], s1  }
0x43: {  	s1 =	ssub.s32 @!p0 $0x0, s1;
	[sflag:s0] =	ssyncset.done @!p0 $0x0  }
0x44: {  	[sflag:s0] =	ssyncadd.s32 @!p0 s1  }
0x45: {  	[bflag:$0x3] =	sbarrier.arrive $0xFFFF  }
0x46: {  	_ =	shalt  }

</sc_bundles>
